<compile_context>
chip_gen: v7x
topology: tpu7x:2x2x1
jax: 0.10.2.dev20260603
libtpu: 0.0.44.dev20260713+nightly
codegen_flags: <defaults>
</compile_context>

<pallas_src>
import functools

import jax
import jax.numpy as jnp
from jax import lax
from jax.experimental import pallas as pl
from jax.experimental.pallas import tpu as pltpu
from jax.experimental.pallas import tpu_sc as plsc

C = 128
N = 10000
K = 32
OUT = 128
GROUPS = 4

NC = 2
NS = 16
NW = NC * NS
CPT = C // NW
WPT = CPT // 2
NB = 400
NBLK = N // NB
GPB = NB // 16


@functools.cache
def _build_sc_aggregate():
    mesh = plsc.VectorSubcoreMesh(
        core_axis_name="c", subcore_axis_name="s",
        num_cores=NC, num_subcores=NS)
    return pl.kernel(
        _sc_aggregate_body,
        out_type=jax.ShapeDtypeStruct((C, N), jnp.float32),
        mesh=mesh,
        compiler_params=pltpu.CompilerParams(
            use_tc_tiling_on_sc=False, needs_layout_passes=False),
        scratch_types=[
            pltpu.VMEM((WPT, N), jnp.int32),
            pltpu.VMEM((CPT, N), jnp.float32),
            pltpu.VMEM((2, K, NB), jnp.int32),
            pltpu.VMEM((2, K, NB), jnp.int32),
            pltpu.SemaphoreType.DMA,
            pltpu.SemaphoreType.DMA,
        ],
    )


def _sc_aggregate_body(x_hbm, ep_hbm, m_hbm, x_v, m_v, e_v0, e_v1, sem0, sem1):
    wid = lax.axis_index("s") * NC + lax.axis_index("c")
    c0 = wid * CPT
    pltpu.async_copy(ep_hbm.at[:, :, pl.ds(0, NB)], e_v0, sem0)
    pltpu.sync_copy(x_hbm.at[pl.ds(wid * WPT, WPT), :], x_v)

    wsplat = [jnp.full((16,), w, jnp.int32) for w in range(WPT)]

    def gather_bf16(widx, nidx):
        word = plsc.load_gather(x_v, [wsplat[widx], nidx])
        return plsc.bitcast(word, jnp.bfloat16)

    def compute_block(blk, e_v):
        @plsc.parallel_loop(0, GPB, unroll=4)
        def g_body(g):
            base = blk * NB + g * 16
            lbase = g * 16

            def edge_vectors(k):
                return (e_v[0, k, pl.ds(lbase, 16)],
                        e_v[1, k, pl.ds(lbase, 16)])

            vj0, vi0 = edge_vectors(0)
            accs = []
            for w in range(WPT):
                accs.append(gather_bf16(w, vj0) - gather_bf16(w, vi0))
            for k in range(1, K):
                vj, vi = edge_vectors(k)
                for w in range(WPT):
                    accs[w] = jnp.maximum(
                        accs[w], gather_bf16(w, vj) - gather_bf16(w, vi))
            for w in range(WPT):
                a_even, a_odd = plsc.unpack(
                    accs[w], format=plsc.PackFormat.INTERLEAVED)
                m_v[2 * w, pl.ds(base, 16)] = a_even
                m_v[2 * w + 1, pl.ds(base, 16)] = a_odd

    def blk_body(blk, _):
        nxt = blk + 1

        @pl.when(blk % 2 == 0)
        def _even():
            @pl.when(nxt < NBLK)
            def _():
                pltpu.async_copy(
                    ep_hbm.at[:, :, pl.ds(nxt * NB, NB)], e_v1, sem1)
            pltpu.make_async_copy(
                ep_hbm.at[:, :, pl.ds(blk * NB, NB)], e_v0, sem0).wait()
            compute_block(blk, e_v0)

        @pl.when(blk % 2 == 1)
        def _odd():
            @pl.when(nxt < NBLK)
            def _():
                pltpu.async_copy(
                    ep_hbm.at[:, :, pl.ds(nxt * NB, NB)], e_v0, sem0)
            pltpu.make_async_copy(
                ep_hbm.at[:, :, pl.ds(blk * NB, NB)], e_v1, sem1).wait()
            compute_block(blk, e_v1)

        return 0

    lax.fori_loop(0, NBLK, blk_body, 0)
    pltpu.sync_copy(m_v, m_hbm.at[pl.ds(c0, CPT), :])


def _conv_body(x_ref, m_ref, wx_ref, wm_ref, b_ref, o_ref):
    acc = jnp.dot(wx_ref[...], x_ref[...], preferred_element_type=jnp.float32)
    acc = acc + jnp.dot(wm_ref[...], m_ref[...], preferred_element_type=jnp.float32)
    o_ref[...] = jnp.maximum(acc + b_ref[...], 0.0)


def _grouped_weights(W):
    CG = C // GROUPS
    onehot = (jnp.arange(OUT)[:, None] // (OUT // GROUPS)
              == jnp.arange(GROUPS)[None, :]).astype(W.dtype)
    Wx = (W[:, 0::2][:, None, :] * onehot[:, :, None]).reshape(OUT, C)
    Wm = (W[:, 1::2][:, None, :] * onehot[:, :, None]).reshape(OUT, C)
    del CG
    return Wx, Wm


def kernel(x, edge_index, W, b):
    xT = x.reshape(C, N)
    ep = jnp.transpose(edge_index, (0, 1, 3, 2)).reshape(2, K, N)

    xb = xT.astype(jnp.bfloat16)
    xpack = lax.bitcast_convert_type(
        jnp.stack([xb[0::2], xb[1::2]], axis=-1), jnp.int32)

    m = _build_sc_aggregate()(xpack, ep)

    Wx, Wm = _grouped_weights(W)
    out = pl.pallas_call(
        _conv_body,
        out_shape=jax.ShapeDtypeStruct((1, OUT, N), jnp.float32),
        out_specs=pl.BlockSpec((None, OUT, N), lambda: (0, 0, 0)),
    )(xT, m, Wx, Wm, b.reshape(OUT, 1))
    return out.reshape(1, OUT, N, 1)

# --- scband reference (transcript-rebuilt; emitter-appended) ---
"""Pipeline reference for scband-graph-conv2d-33947421508468 (READ-ONLY COPY).

The authoritative reference and input builder live on the scoring server;
editing this copy changes nothing except your own understanding.
"""

import jax, jax.numpy as jnp
import numpy as np

B, C, N, K = 1, 128, 10000, 32
OUT, GROUPS = 128, 4


def setup_inputs(seed: int = 0) -> dict:
    key = jax.random.key(seed)
    k1, k2, k3, k4 = jax.random.split(key, 4)
    x = jax.random.normal(k1, (B, C, N, 1), dtype=jnp.float32)
    edge_index = jax.random.randint(k2, (2, B, N, K), 0, N, dtype=jnp.int32)
    # Conv2d(2C, OUT, kernel_size=1, groups=4) weight: [OUT, 2C/GROUPS] (1x1 kernel squeezed)
    fan_in = (2 * C) // GROUPS
    W = jax.random.normal(k3, (OUT, fan_in), dtype=jnp.float32) * (1.0 / np.sqrt(fan_in))
    b = jax.random.normal(k4, (OUT,), dtype=jnp.float32) * 0.01
    return {"x": x, "edge_index": edge_index, "W": W, "b": b}


def batched_index_select(x, idx):
    # x: [B, C, N, 1], idx: [B, N, K] -> [B, C, N, K]
    B_, C_, N_ = x.shape[0], x.shape[1], x.shape[2]
    K_ = idx.shape[-1]
    idx_base = jnp.arange(B_, dtype=idx.dtype).reshape(-1, 1, 1) * N_
    idx_flat = (idx + idx_base).reshape(-1)
    xt = jnp.transpose(x, (0, 2, 1, 3)).reshape(B_ * N_, C_)
    feat = xt[idx_flat]  # gather: [B*N*K, C]
    feat = feat.reshape(B_, N_, K_, C_)
    return jnp.transpose(feat, (0, 3, 1, 2))


def reference(x, edge_index, W, b):
    B_, C_, N_ = x.shape[0], x.shape[1], x.shape[2]
    x_i = batched_index_select(x, edge_index[1])
    x_j = batched_index_select(x, edge_index[0])
    x_j = jnp.max(x_j - x_i, axis=-1, keepdims=True)  # [B, C, N, 1]
    # torch.cat([x.unsqueeze(2), x_j.unsqueeze(2)], dim=2).reshape(B, 2C, N, 1)
    xc = jnp.concatenate([x[:, :, None, :, :], x_j[:, :, None, :, :]], axis=2)
    xc = xc.reshape(B_, 2 * C_, N_, 1)
    # grouped 1x1 conv + bias + relu (BasicConv([2C, OUT], 'relu', None, True, groups=4))
    xg = xc.reshape(B_, GROUPS, (2 * C_) // GROUPS, N_)
    Wg = W.reshape(GROUPS, OUT // GROUPS, (2 * C_) // GROUPS)
    out = jnp.einsum('bgin,goi->bgon', xg, Wg).reshape(B_, OUT, N_, 1)
    out = out + b.reshape(1, OUT, 1, 1)
    return jax.nn.relu(out)

if __name__ == "__main__":
    import jax
    _d = setup_inputs()
    print(jax.jit(kernel)(*tuple(_d.values())))

</pallas_src>

<mosaic_0001>
#map = affine_map<(d0, d1) -> (0, 0)>
#map1 = affine_map<(d0, d1) -> (0, 0, 0)>
module attributes {stable_mosaic.version = 14 : i64} {
  func.func @_sc_aggregate_body(%arg0: i32, %arg1: i32, %arg2: memref<64x10000xi32, #tpu.memory_space<hbm>>, %arg3: memref<2x32x10000xi32, #tpu.memory_space<hbm>>, %arg4: memref<128x10000xf32, #tpu.memory_space<hbm>>, %arg5: memref<2x10000xi32, #tpu.memory_space<vmem>>, %arg6: memref<4x10000xf32, #tpu.memory_space<vmem>>, %arg7: memref<2x32x400xi32, #tpu.memory_space<vmem>>, %arg8: memref<2x32x400xi32, #tpu.memory_space<vmem>>, %arg9: memref<!tpu.dma_semaphore, #tpu.memory_space<semaphore_mem>>, %arg10: memref<!tpu.dma_semaphore, #tpu.memory_space<semaphore_mem>>) attributes {dimension_semantics = [#tpu.dimension_semantics<core_parallel>, #tpu.dimension_semantics<subcore_parallel>], iteration_bounds = array<i64: 2, 16>, scalar_prefetch = 0 : i64, scratch_operands = 6 : i64, tpu.core_type = #tpu.core_type<sc_vector_subcore>, window_params = [{transform_indices = #map}, {transform_indices = #map1}, {transform_indices = #map}]} {
    %mul3A = arith.constant 2 : i32
    %mul3A_0 = arith.muli %arg1, %mul3A : i32
    %add3A = arith.addi %mul3A_0, %arg0 : i32
    %mul3A_1 = arith.constant 4 : i32
    %mul3A_2 = arith.muli %add3A, %mul3A_1 : i32
    %dma_start3A = arith.constant 0 : i32
    %dma_start3A_3 = arith.constant 0 : i32
    %dma_start3A_4 = arith.constant 0 : i32
    %dma_start3A_5 = tpu.memref_slice %arg3[%dma_start3A, %dma_start3A_3, %dma_start3A_4] : memref<2x32x10000xi32, #tpu.memory_space<hbm>> -> memref<2x32x400xi32, #tpu.memory_space<hbm>>
    %dma_start3A_6 = arith.constant 0 : i32
    %dma_start3A_7 = arith.constant 0 : i32
    %dma_start3A_8 = arith.constant 0 : i32
    %dma_start3A_9 = tpu.memref_slice %arg3[%dma_start3A_6, %dma_start3A_7, %dma_start3A_8] : memref<2x32x10000xi32, #tpu.memory_space<hbm>> -> memref<2x32x400xi32, #tpu.memory_space<hbm>>
    tpu.enqueue_dma source(%dma_start3A_9 : memref<2x32x400xi32, #tpu.memory_space<hbm>>) target(%arg7 : memref<2x32x400xi32, #tpu.memory_space<vmem>>) target_semaphore(%arg9 : memref<!tpu.dma_semaphore, #tpu.memory_space<semaphore_mem>>)
    %mul3A_10 = arith.constant 2 : i32
    %mul3A_11 = arith.muli %add3A, %mul3A_10 : i32
    "tpu.region"() ({
      %run_scoped3A = tpu.sem_alloc : memref<!tpu.dma_semaphore, #tpu.memory_space<semaphore_mem>>
      %dma_start3A_21 = arith.constant 0 : i32
      %dma_start3A_22 = tpu.memref_slice %arg2[%mul3A_11, %dma_start3A_21] : memref<64x10000xi32, #tpu.memory_space<hbm>> -> memref<2x10000xi32, #tpu.memory_space<hbm>>
      %dma_start3A_23 = arith.constant 0 : i32
      %dma_start3A_24 = tpu.memref_slice %arg2[%mul3A_11, %dma_start3A_23] : memref<64x10000xi32, #tpu.memory_space<hbm>> -> memref<2x10000xi32, #tpu.memory_space<hbm>>
      tpu.enqueue_dma source(%dma_start3A_24 : memref<2x10000xi32, #tpu.memory_space<hbm>>) target(%arg5 : memref<2x10000xi32, #tpu.memory_space<vmem>>) target_semaphore(%run_scoped3A : memref<!tpu.dma_semaphore, #tpu.memory_space<semaphore_mem>>)
      %dma_wait3A = arith.constant 0 : i32
      %dma_wait3A_25 = tpu.memref_slice %arg2[%mul3A_11, %dma_wait3A] : memref<64x10000xi32, #tpu.memory_space<hbm>> -> memref<2x10000xi32, #tpu.memory_space<hbm>>
      %dma_wait3A_26 = arith.constant 0 : i32
      %dma_wait3A_27 = tpu.memref_slice %arg2[%mul3A_11, %dma_wait3A_26] : memref<64x10000xi32, #tpu.memory_space<hbm>> -> memref<2x10000xi32, #tpu.memory_space<hbm>>
      tpu.wait_dma2 semaphore(%run_scoped3A : memref<!tpu.dma_semaphore, #tpu.memory_space<semaphore_mem>>) src(%dma_wait3A_27 : memref<2x10000xi32, #tpu.memory_space<hbm>>) dst(%arg5 : memref<2x10000xi32, #tpu.memory_space<vmem>>)
      tpu.yield
    }) : () -> ()
    %broadcast_in_dim3A = arith.constant 0 : i32
    %broadcast_in_dim3A_12 = vector.broadcast %broadcast_in_dim3A : i32 to vector<16xi32>
    %broadcast_in_dim3A_13 = arith.constant 1 : i32
    %broadcast_in_dim3A_14 = vector.broadcast %broadcast_in_dim3A_13 : i32 to vector<16xi32>
    %scan3A = arith.constant 0 : i32
    %scan3A_15 = arith.constant 0 : i32
    %scan3A_16 = arith.constant 25 : i32
    %scan3A_17 = arith.addi %scan3A_15, %scan3A_16 : i32
    %scan3A_18 = arith.constant 1 : i32
    %scan3A_19 = scf.for %scan3A_21 = %scan3A_15 to %scan3A_17 step %scan3A_18 iter_args(%scan3A_22 = %scan3A) -> (i32)  : i32 {
      %add3A_23 = arith.constant 1 : i32
      %add3A_24 = arith.addi %scan3A_21, %add3A_23 : i32
      %jit3A = arith.constant 2 : i32
      %eq3A = arith.constant 0 : i32
      %eq3A_25 = arith.cmpi eq, %jit3A, %eq3A : i32
      %jit3A_26 = arith.constant 1 : i32
      %select_n3A = arith.select %eq3A_25, %jit3A_26, %jit3A : i32
      %rem3A = arith.remsi %scan3A_21, %select_n3A : i32
      %ne3A = arith.constant 0 : i32
      %ne3A_27 = arith.cmpi ne, %rem3A, %ne3A : i32
      %lt3A = arith.constant 0 : i32
      %lt3A_28 = arith.cmpi slt, %rem3A, %lt3A : i32
      %lt3A_29 = arith.constant 0 : i32
      %lt3A_30 = arith.cmpi slt, %select_n3A, %lt3A_29 : i32
      %ne3A_31 = arith.xori %lt3A_28, %lt3A_30 : i1
      %and3A = arith.andi %ne3A_31, %ne3A_27 : i1
      %add3A_32 = arith.addi %rem3A, %select_n3A : i32
      %select_n3A_33 = arith.select %and3A, %add3A_32, %rem3A : i32
      %eq3A_34 = arith.constant 0 : i32
      %eq3A_35 = arith.cmpi eq, %select_n3A_33, %eq3A_34 : i32
      %convert_element_type3A = arith.extui %eq3A_35 : i1 to i32
      %cond3A = arith.constant 0 : i32
      %cond3A_36 = arith.cmpi ne, %convert_element_type3A, %cond3A : i32
      scf.if %cond3A_36 {
        %lt3A_59 = arith.constant 25 : i32
        %lt3A_60 = arith.cmpi slt, %add3A_24, %lt3A_59 : i32
        %convert_element_type3A_61 = arith.extui %lt3A_60 : i1 to i32
        %cond3A_62 = arith.constant 0 : i32
        %cond3A_63 = arith.cmpi ne, %convert_element_type3A_61, %cond3A_62 : i32
        scf.if %cond3A_63 {
          %mul3A_73 = arith.constant 400 : i32
          %mul3A_74 = arith.muli %add3A_24, %mul3A_73 : i32
          %dma_start3A_75 = arith.constant 0 : i32
          %dma_start3A_76 = arith.constant 0 : i32
          %dma_start3A_77 = tpu.memref_slice %arg3[%dma_start3A_75, %dma_start3A_76, %mul3A_74] : memref<2x32x10000xi32, #tpu.memory_space<hbm>> -> memref<2x32x400xi32, #tpu.memory_space<hbm>>
          %dma_start3A_78 = arith.constant 0 : i32
          %dma_start3A_79 = arith.constant 0 : i32
          %dma_start3A_80 = tpu.memref_slice %arg3[%dma_start3A_78, %dma_start3A_79, %mul3A_74] : memref<2x32x10000xi32, #tpu.memory_space<hbm>> -> memref<2x32x400xi32, #tpu.memory_space<hbm>>
          tpu.enqueue_dma source(%dma_start3A_80 : memref<2x32x400xi32, #tpu.memory_space<hbm>>) target(%arg8 : memref<2x32x400xi32, #tpu.memory_space<vmem>>) target_semaphore(%arg10 : memref<!tpu.dma_semaphore, #tpu.memory_space<semaphore_mem>>)
        } else {
        }
        %mul3A_64 = arith.constant 400 : i32
        %mul3A_65 = arith.muli %scan3A_21, %mul3A_64 : i32
        %dma_wait3A = arith.constant 0 : i32
        %dma_wait3A_66 = arith.constant 0 : i32
        %dma_wait3A_67 = tpu.memref_slice %arg3[%dma_wait3A, %dma_wait3A_66, %mul3A_65] : memref<2x32x10000xi32, #tpu.memory_space<hbm>> -> memref<2x32x400xi32, #tpu.memory_space<hbm>>
        %dma_wait3A_68 = arith.constant 0 : i32
        %dma_wait3A_69 = arith.constant 0 : i32
        %dma_wait3A_70 = tpu.memref_slice %arg3[%dma_wait3A_68, %dma_wait3A_69, %mul3A_65] : memref<2x32x10000xi32, #tpu.memory_space<hbm>> -> memref<2x32x400xi32, #tpu.memory_space<hbm>>
        tpu.wait_dma2 semaphore(%arg9 : memref<!tpu.dma_semaphore, #tpu.memory_space<semaphore_mem>>) src(%dma_wait3A_70 : memref<2x32x400xi32, #tpu.memory_space<hbm>>) dst(%arg7 : memref<2x32x400xi32, #tpu.memory_space<vmem>>)
        %parallel_loop3A = arith.constant 0 : i32
        %parallel_loop3A_71 = arith.constant 25 : i32
        %parallel_loop3A_72 = arith.constant 1 : i32
        scf.for %parallel_loop3A_73 = %parallel_loop3A to %parallel_loop3A_71 step %parallel_loop3A_72  : i32 {
          %parallel_loop3A_74 = arith.constant 400 : i32
          %parallel_loop3A_75 = arith.muli %scan3A_21, %parallel_loop3A_74 : i32
          %parallel_loop3A_76 = arith.constant 16 : i32
          %parallel_loop3A_77 = arith.muli %parallel_loop3A_73, %parallel_loop3A_76 : i32
          %parallel_loop3A_78 = arith.addi %parallel_loop3A_75, %parallel_loop3A_77 : i32
          %parallel_loop3A_79 = arith.constant 16 : i32
          %parallel_loop3A_80 = arith.muli %parallel_loop3A_73, %parallel_loop3A_79 : i32
          %parallel_loop3A_81 = arith.constant 0 : i32
          %parallel_loop3A_82 = arith.constant 0 : i32
          %parallel_loop3A_83 = arith.index_cast %parallel_loop3A_81 : i32 to index
          %parallel_loop3A_84 = arith.index_cast %parallel_loop3A_82 : i32 to index
          %parallel_loop3A_85 = arith.index_cast %parallel_loop3A_80 : i32 to index
          %parallel_loop3A_86 = tpu.vector_load %arg7[%parallel_loop3A_83, %parallel_loop3A_84, %parallel_loop3A_85] {strides = array<i32>} : memref<2x32x400xi32, #tpu.memory_space<vmem>>, vector<16xi32>,
          %parallel_loop3A_87 = arith.constant 1 : i32
          %parallel_loop3A_88 = arith.constant 0 : i32
          %parallel_loop3A_89 = arith.index_cast %parallel_loop3A_87 : i32 to index
          %parallel_loop3A_90 = arith.index_cast %parallel_loop3A_88 : i32 to index
          %parallel_loop3A_91 = arith.index_cast %parallel_loop3A_80 : i32 to index
          %parallel_loop3A_92 = tpu.vector_load %arg7[%parallel_loop3A_89, %parallel_loop3A_90, %parallel_loop3A_91] {strides = array<i32>} : memref<2x32x400xi32, #tpu.memory_space<vmem>>, vector<16xi32>,
          %parallel_loop3A_93 = tpu.vector_load_idx %arg5[%broadcast_in_dim3A_12, %parallel_loop3A_86] : memref<2x10000xi32, #tpu.memory_space<vmem>>[vector<16xi32>, vector<16xi32>], vector<16xi32>,
          %parallel_loop3A_94 = vector.bitcast %parallel_loop3A_93 : vector<16xi32> to vector<32xbf16>
          %parallel_loop3A_95 = tpu.vector_load_idx %arg5[%broadcast_in_dim3A_12, %parallel_loop3A_92] : memref<2x10000xi32, #tpu.memory_space<vmem>>[vector<16xi32>, vector<16xi32>], vector<16xi32>,
          %parallel_loop3A_96 = vector.bitcast %parallel_loop3A_95 : vector<16xi32> to vector<32xbf16>
          %parallel_loop3A_97 = arith.subf %parallel_loop3A_94, %parallel_loop3A_96 : vector<32xbf16>
          %parallel_loop3A_98 = tpu.vector_load_idx %arg5[%broadcast_in_dim3A_14, %parallel_loop3A_86] : memref<2x10000xi32, #tpu.memory_space<vmem>>[vector<16xi32>, vector<16xi32>], vector<16xi32>,
          %parallel_loop3A_99 = vector.bitcast %parallel_loop3A_98 : vector<16xi32> to vector<32xbf16>
          %parallel_loop3A_100 = tpu.vector_load_idx %arg5[%broadcast_in_dim3A_14, %parallel_loop3A_92] : memref<2x10000xi32, #tpu.memory_space<vmem>>[vector<16xi32>, vector<16xi32>], vector<16xi32>,
          %parallel_loop3A_101 = vector.bitcast %parallel_loop3A_100 : vector<16xi32> to vector<32xbf16>
          %parallel_loop3A_102 = arith.subf %parallel_loop3A_99, %parallel_loop3A_101 : vector<32xbf16>
          %parallel_loop3A_103 = arith.constant 0 : i32
          %parallel_loop3A_104 = arith.constant 1 : i32
          %parallel_loop3A_105 = arith.index_cast %parallel_loop3A_103 : i32 to index
          %parallel_loop3A_106 = arith.index_cast %parallel_loop3A_104 : i32 to index
          %parallel_loop3A_107 = arith.index_cast %parallel_loop3A_80 : i32 to index
          %parallel_loop3A_108 = tpu.vector_load %arg7[%parallel_loop3A_105, %parallel_loop3A_106, %parallel_loop3A_107] {strides = array<i32>} : memref<2x32x400xi32, #tpu.memory_space<vmem>>, vector<16xi32>,
          %parallel_loop3A_109 = arith.constant 1 : i32
          %parallel_loop3A_110 = arith.constant 1 : i32
          %parallel_loop3A_111 = arith.index_cast %parallel_loop3A_109 : i32 to index
          %parallel_loop3A_112 = arith.index_cast %parallel_loop3A_110 : i32 to index
          %parallel_loop3A_113 = arith.index_cast %parallel_loop3A_80 : i32 to index
          %parallel_loop3A_114 = tpu.vector_load %arg7[%parallel_loop3A_111, %parallel_loop3A_112, %parallel_loop3A_113] {strides = array<i32>} : memref<2x32x400xi32, #tpu.memory_space<vmem>>, vector<16xi32>,
          %parallel_loop3A_115 = tpu.vector_load_idx %arg5[%broadcast_in_dim3A_12, %parallel_loop3A_108] : memref<2x10000xi32, #tpu.memory_space<vmem>>[vector<16xi32>, vector<16xi32>], vector<16xi32>,
          %parallel_loop3A_116 = vector.bitcast %parallel_loop3A_115 : vector<16xi32> to vector<32xbf16>
          %parallel_loop3A_117 = tpu.vector_load_idx %arg5[%broadcast_in_dim3A_12, %parallel_loop3A_114] : memref<2x10000xi32, #tpu.memory_space<vmem>>[vector<16xi32>, vector<16xi32>], vector<16xi32>,
          %parallel_loop3A_118 = vector.bitcast %parallel_loop3A_117 : vector<16xi32> to vector<32xbf16>
          %parallel_loop3A_119 = arith.subf %parallel_loop3A_116, %parallel_loop3A_118 : vector<32xbf16>
          %parallel_loop3A_120 = arith.maximumf %parallel_loop3A_97, %parallel_loop3A_119 : vector<32xbf16>
          %parallel_loop3A_121 = tpu.vector_load_idx %arg5[%broadcast_in_dim3A_14, %parallel_loop3A_108] : memref<2x10000xi32, #tpu.memory_space<vmem>>[vector<16xi32>, vector<16xi32>], vector<16xi32>,
          %parallel_loop3A_122 = vector.bitcast %parallel_loop3A_121 : vector<16xi32> to vector<32xbf16>
          %parallel_loop3A_123 = tpu.vector_load_idx %arg5[%broadcast_in_dim3A_14, %parallel_loop3A_114] : memref<2x10000xi32, #tpu.memory_space<vmem>>[vector<16xi32>, vector<16xi32>], vector<16xi32>,
          %parallel_loop3A_124 = vector.bitcast %parallel_loop3A_123 : vector<16xi32> to vector<32xbf16>
          %parallel_loop3A_125 = arith.subf %parallel_loop3A_122, %parallel_loop3A_124 : vector<32xbf16>
          %parallel_loop3A_126 = arith.maximumf %parallel_loop3A_102, %parallel_loop3A_125 : vector<32xbf16>
          %parallel_loop3A_127 = arith.constant 0 : i32
          %parallel_loop3A_128 = arith.constant 2 : i32
          %parallel_loop3A_129 = arith.index_cast %parallel_loop3A_127 : i32 to index
          %parallel_loop3A_130 = arith.index_cast %parallel_loop3A_128 : i32 to index
          %parallel_loop3A_131 = arith.index_cast %parallel_loop3A_80 : i32 to index
          %parallel_loop3A_132 = tpu.vector_load %arg7[%parallel_loop3A_129, %parallel_loop3A_130, %parallel_loop3A_131] {strides = array<i32>} : memref<2x32x400xi32, #tpu.memory_space<vmem>>, vector<16xi32>,
          %parallel_loop3A_133 = arith.constant 1 : i32
          %parallel_loop3A_134 = arith.constant 2 : i32
          %parallel_loop3A_135 = arith.index_cast %parallel_loop3A_133 : i32 to index
          %parallel_loop3A_136 = arith.index_cast %parallel_loop3A_134 : i32 to index
          %parallel_loop3A_137 = arith.index_cast %parallel_loop3A_80 : i32 to index
          %parallel_loop3A_138 = tpu.vector_load %arg7[%parallel_loop3A_135, %parallel_loop3A_136, %parallel_loop3A_137] {strides = array<i32>} : memref<2x32x400xi32, #tpu.memory_space<vmem>>, vector<16xi32>,
          %parallel_loop3A_139 = tpu.vector_load_idx %arg5[%broadcast_in_dim3A_12, %parallel_loop3A_132] : memref<2x10000xi32, #tpu.memory_space<vmem>>[vector<16xi32>, vector<16xi32>], vector<16xi32>,
          %parallel_loop3A_140 = vector.bitcast %parallel_loop3A_139 : vector<16xi32> to vector<32xbf16>
          %parallel_loop3A_141 = tpu.vector_load_idx %arg5[%broadcast_in_dim3A_12, %parallel_loop3A_138] : memref<2x10000xi32, #tpu.memory_space<vmem>>[vector<16xi32>, vector<16xi32>], vector<16xi32>,
          %parallel_loop3A_142 = vector.bitcast %parallel_loop3A_141 : vector<16xi32> to vector<32xbf16>
          %parallel_loop3A_143 = arith.subf %parallel_loop3A_140, %parallel_loop3A_142 : vector<32xbf16>
          %parallel_loop3A_144 = arith.maximumf %parallel_loop3A_120, %parallel_loop3A_143 : vector<32xbf16>
          %parallel_loop3A_145 = tpu.vector_load_idx %arg5[%broadcast_in_dim3A_14, %parallel_loop3A_132] : memref<2x10000xi32, #tpu.memory_space<vmem>>[vector<16xi32>, vector<16xi32>], vector<16xi32>,
          %parallel_loop3A_146 = vector.bitcast %parallel_loop3A_145 : vector<16xi32> to vector<32xbf16>
          %parallel_loop3A_147 = tpu.vector_load_idx %arg5[%broadcast_in_dim3A_14, %parallel_loop3A_138] : memref<2x10000xi32, #tpu.memory_space<vmem>>[vector<16xi32>, vector<16xi32>], vector<16xi32>,
          %parallel_loop3A_148 = vector.bitcast %parallel_loop3A_147 : vector<16xi32> to vector<32xbf16>
          %parallel_loop3A_149 = arith.subf %parallel_loop3A_146, %parallel_loop3A_148 : vector<32xbf16>
          %parallel_loop3A_150 = arith.maximumf %parallel_loop3A_126, %parallel_loop3A_149 : vector<32xbf16>
          %parallel_loop3A_151 = arith.constant 0 : i32
          %parallel_loop3A_152 = arith.constant 3 : i32
          %parallel_loop3A_153 = arith.index_cast %parallel_loop3A_151 : i32 to index
          %parallel_loop3A_154 = arith.index_cast %parallel_loop3A_152 : i32 to index
          %parallel_loop3A_155 = arith.index_cast %parallel_loop3A_80 : i32 to index
          %parallel_loop3A_156 = tpu.vector_load %arg7[%parallel_loop3A_153, %parallel_loop3A_154, %parallel_loop3A_155] {strides = array<i32>} : memref<2x32x400xi32, #tpu.memory_space<vmem>>, vector<16xi32>,
          %parallel_loop3A_157 = arith.constant 1 : i32
          %parallel_loop3A_158 = arith.constant 3 : i32
          %parallel_loop3A_159 = arith.index_cast %parallel_loop3A_157 : i32 to index
          %parallel_loop3A_160 = arith.index_cast %parallel_loop3A_158 : i32 to index
          %parallel_loop3A_161 = arith.index_cast %parallel_loop3A_80 : i32 to index
          %parallel_loop3A_162 = tpu.vector_load %arg7[%parallel_loop3A_159, %parallel_loop3A_160, %parallel_loop3A_161] {strides = array<i32>} : memref<2x32x400xi32, #tpu.memory_space<vmem>>, vector<16xi32>,
          %parallel_loop3A_163 = tpu.vector_load_idx %arg5[%broadcast_in_dim3A_12, %parallel_loop3A_156] : memref<2x10000xi32, #tpu.memory_space<vmem>>[vector<16xi32>, vector<16xi32>], vector<16xi32>,
          %parallel_loop3A_164 = vector.bitcast %parallel_loop3A_163 : vector<16xi32> to vector<32xbf16>
          %parallel_loop3A_165 = tpu.vector_load_idx %arg5[%broadcast_in_dim3A_12, %parallel_loop3A_162] : memref<2x10000xi32, #tpu.memory_space<vmem>>[vector<16xi32>, vector<16xi32>], vector<16xi32>,
          %parallel_loop3A_166 = vector.bitcast %parallel_loop3A_165 : vector<16xi32> to vector<32xbf16>
          %parallel_loop3A_167 = arith.subf %parallel_loop3A_164, %parallel_loop3A_166 : vector<32xbf16>
          %parallel_loop3A_168 = arith.maximumf %parallel_loop3A_144, %parallel_loop3A_167 : vector<32xbf16>
          %parallel_loop3A_169 = tpu.vector_load_idx %arg5[%broadcast_in_dim3A_14, %parallel_loop3A_156] : memref<2x10000xi32, #tpu.memory_space<vmem>>[vector<16xi32>, vector<16xi32>], vector<16xi32>,
          %parallel_loop3A_170 = vector.bitcast %parallel_loop3A_169 : vector<16xi32> to vector<32xbf16>
          %parallel_loop3A_171 = tpu.vector_load_idx %arg5[%broadcast_in_dim3A_14, %parallel_loop3A_162] : memref<2x10000xi32, #tpu.memory_space<vmem>>[vector<16xi32>, vector<16xi32>], vector<16xi32>,
          %parallel_loop3A_172 = vector.bitcast %parallel_loop3A_171 : vector<16xi32> to vector<32xbf16>
          %parallel_loop3A_173 = arith.subf %parallel_loop3A_170, %parallel_loop3A_172 : vector<32xbf16>
          %parallel_loop3A_174 = arith.maximumf %parallel_loop3A_150, %parallel_loop3A_173 : vector<32xbf16>
          %parallel_loop3A_175 = arith.constant 0 : i32
          %parallel_loop3A_176 = arith.constant 4 : i32
          %parallel_loop3A_177 = arith.index_cast %parallel_loop3A_175 : i32 to index
          %parallel_loop3A_178 = arith.index_cast %parallel_loop3A_176 : i32 to index
          %parallel_loop3A_179 = arith.index_cast %parallel_loop3A_80 : i32 to index
          %parallel_loop3A_180 = tpu.vector_load %arg7[%parallel_loop3A_177, %parallel_loop3A_178, %parallel_loop3A_179] {strides = array<i32>} : memref<2x32x400xi32, #tpu.memory_space<vmem>>, vector<16xi32>,
          %parallel_loop3A_181 = arith.constant 1 : i32
          %parallel_loop3A_182 = arith.constant 4 : i32
          %parallel_loop3A_183 = arith.index_cast %parallel_loop3A_181 : i32 to index
          %parallel_loop3A_184 = arith.index_cast %parallel_loop3A_182 : i32 to index
          %parallel_loop3A_185 = arith.index_cast %parallel_loop3A_80 : i32 to index
          %parallel_loop3A_186 = tpu.vector_load %arg7[%parallel_loop3A_183, %parallel_loop3A_184, %parallel_loop3A_185] {strides = array<i32>} : memref<2x32x400xi32, #tpu.memory_space<vmem>>, vector<16xi32>,
          %parallel_loop3A_187 = tpu.vector_load_idx %arg5[%broadcast_in_dim3A_12, %parallel_loop3A_180] : memref<2x10000xi32, #tpu.memory_space<vmem>>[vector<16xi32>, vector<16xi32>], vector<16xi32>,
          %parallel_loop3A_188 = vector.bitcast %parallel_loop3A_187 : vector<16xi32> to vector<32xbf16>
          %parallel_loop3A_189 = tpu.vector_load_idx %arg5[%broadcast_in_dim3A_12, %parallel_loop3A_186] : memref<2x10000xi32, #tpu.memory_space<vmem>>[vector<16xi32>, vector<16xi32>], vector<16xi32>,
          %parallel_loop3A_190 = vector.bitcast %parallel_loop3A_189 : vector<16xi32> to vector<32xbf16>
          %parallel_loop3A_191 = arith.subf %parallel_loop3A_188, %parallel_loop3A_190 : vector<32xbf16>
          %parallel_loop3A_192 = arith.maximumf %parallel_loop3A_168, %parallel_loop3A_191 : vector<32xbf16>
          %parallel_loop3A_193 = tpu.vector_load_idx %arg5[%broadcast_in_dim3A_14, %parallel_loop3A_180] : memref<2x10000xi32, #tpu.memory_space<vmem>>[vector<16xi32>, vector<16xi32>], vector<16xi32>,
          %parallel_loop3A_194 = vector.bitcast %parallel_loop3A_193 : vector<16xi32> to vector<32xbf16>
          %parallel_loop3A_195 = tpu.vector_load_idx %arg5[%broadcast_in_dim3A_14, %parallel_loop3A_186] : memref<2x10000xi32, #tpu.memory_space<vmem>>[vector<16xi32>, vector<16xi32>], vector<16xi32>,
          %parallel_loop3A_196 = vector.bitcast %parallel_loop3A_195 : vector<16xi32> to vector<32xbf16>
          %parallel_loop3A_197 = arith.subf %parallel_loop3A_194, %parallel_loop3A_196 : vector<32xbf16>
          %parallel_loop3A_198 = arith.maximumf %parallel_loop3A_174, %parallel_loop3A_197 : vector<32xbf16>
          %parallel_loop3A_199 = arith.constant 0 : i32
          %parallel_loop3A_200 = arith.constant 5 : i32
          %parallel_loop3A_201 = arith.index_cast %parallel_loop3A_199 : i32 to index
          %parallel_loop3A_202 = arith.index_cast %parallel_loop3A_200 : i32 to index
          %parallel_loop3A_203 = arith.index_cast %parallel_loop3A_80 : i32 to index
          %parallel_loop3A_204 = tpu.vector_load %arg7[%parallel_loop3A_201, %parallel_loop3A_202, %parallel_loop3A_203] {strides = array<i32>} : memref<2x32x400xi32, #tpu.memory_space<vmem>>, vector<16xi32>,
          %parallel_loop3A_205 = arith.constant 1 : i32
          %parallel_loop3A_206 = arith.constant 5 : i32
          %parallel_loop3A_207 = arith.index_cast %parallel_loop3A_205 : i32 to index
          %parallel_loop3A_208 = arith.index_cast %parallel_loop3A_206 : i32 to index
          %parallel_loop3A_209 = arith.index_cast %parallel_loop3A_80 : i32 to index
          %parallel_loop3A_210 = tpu.vector_load %arg7[%parallel_loop3A_207, %parallel_loop3A_208, %parallel_loop3A_209] {strides = array<i32>} : memref<2x32x400xi32, #tpu.memory_space<vmem>>, vector<16xi32>,
          %parallel_loop3A_211 = tpu.vector_load_idx %arg5[%broadcast_in_dim3A_12, %parallel_loop3A_204] : memref<2x10000xi32, #tpu.memory_space<vmem>>[vector<16xi32>, vector<16xi32>], vector<16xi32>,
          %parallel_loop3A_212 = vector.bitcast %parallel_loop3A_211 : vector<16xi32> to vector<32xbf16>
          %parallel_loop3A_213 = tpu.vector_load_idx %arg5[%broadcast_in_dim3A_12, %parallel_loop3A_210] : memref<2x10000xi32, #tpu.memory_space<vmem>>[vector<16xi32>, vector<16xi32>], vector<16xi32>,
          %parallel_loop3A_214 = vector.bitcast %parallel_loop3A_213 : vector<16xi32> to vector<32xbf16>
          %parallel_loop3A_215 = arith.subf %parallel_loop3A_212, %parallel_loop3A_214 : vector<32xbf16>
          %parallel_loop3A_216 = arith.maximumf %parallel_loop3A_192, %parallel_loop3A_215 : vector<32xbf16>
          %parallel_loop3A_217 = tpu.vector_load_idx %arg5[%broadcast_in_dim3A_14, %parallel_loop3A_204] : memref<2x10000xi32, #tpu.memory_space<vmem>>[vector<16xi32>, vector<16xi32>], vector<16xi32>,
          %parallel_loop3A_218 = vector.bitcast %parallel_loop3A_217 : vector<16xi32> to vector<32xbf16>
          %parallel_loop3A_219 = tpu.vector_load_idx %arg5[%broadcast_in_dim3A_14, %parallel_loop3A_210] : memref<2x10000xi32, #tpu.memory_space<vmem>>[vector<16xi32>, vector<16xi32>], vector<16xi32>,
          %parallel_loop3A_220 = vector.bitcast %parallel_loop3A_219 : vector<16xi32> to vector<32xbf16>
          %parallel_loop3A_221 = arith.subf %parallel_loop3A_218, %parallel_loop3A_220 : vector<32xbf16>
          %parallel_loop3A_222 = arith.maximumf %parallel_loop3A_198, %parallel_loop3A_221 : vector<32xbf16>
          %parallel_loop3A_223 = arith.constant 0 : i32
          %parallel_loop3A_224 = arith.constant 6 : i32
          %parallel_loop3A_225 = arith.index_cast %parallel_loop3A_223 : i32 to index
          %parallel_loop3A_226 = arith.index_cast %parallel_loop3A_224 : i32 to index
          %parallel_loop3A_227 = arith.index_cast %parallel_loop3A_80 : i32 to index
          %parallel_loop3A_228 = tpu.vector_load %arg7[%parallel_loop3A_225, %parallel_loop3A_226, %parallel_loop3A_227] {strides = array<i32>} : memref<2x32x400xi32, #tpu.memory_space<vmem>>, vector<16xi32>,
          %parallel_loop3A_229 = arith.constant 1 : i32
          %parallel_loop3A_230 = arith.constant 6 : i32
          %parallel_loop3A_231 = arith.index_cast %parallel_loop3A_229 : i32 to index
          %parallel_loop3A_232 = arith.index_cast %parallel_loop3A_230 : i32 to index
          %parallel_loop3A_233 = arith.index_cast %parallel_loop3A_80 : i32 to index
          %parallel_loop3A_234 = tpu.vector_load %arg7[%parallel_loop3A_231, %parallel_loop3A_232, %parallel_loop3A_233] {strides = array<i32>} : memref<2x32x400xi32, #tpu.memory_space<vmem>>, vector<16xi32>,
          %parallel_loop3A_235 = tpu.vector_load_idx %arg5[%broadcast_in_dim3A_12, %parallel_loop3A_228] : memref<2x10000xi32, #tpu.memory_space<vmem>>[vector<16xi32>, vector<16xi32>], vector<16xi32>,
          %parallel_loop3A_236 = vector.bitcast %parallel_loop3A_235 : vector<16xi32> to vector<32xbf16>
          %parallel_loop3A_237 = tpu.vector_load_idx %arg5[%broadcast_in_dim3A_12, %parallel_loop3A_234] : memref<2x10000xi32, #tpu.memory_space<vmem>>[vector<16xi32>, vector<16xi32>], vector<16xi32>,
          %parallel_loop3A_238 = vector.bitcast %parallel_loop3A_237 : vector<16xi32> to vector<32xbf16>
          %parallel_loop3A_239 = arith.subf %parallel_loop3A_236, %parallel_loop3A_238 : vector<32xbf16>
          %parallel_loop3A_240 = arith.maximumf %parallel_loop3A_216, %parallel_loop3A_239 : vector<32xbf16>
          %parallel_loop3A_241 = tpu.vector_load_idx %arg5[%broadcast_in_dim3A_14, %parallel_loop3A_228] : memref<2x10000xi32, #tpu.memory_space<vmem>>[vector<16xi32>, vector<16xi32>], vector<16xi32>,
          %parallel_loop3A_242 = vector.bitcast %parallel_loop3A_241 : vector<16xi32> to vector<32xbf16>
          %parallel_loop3A_243 = tpu.vector_load_idx %arg5[%broadcast_in_dim3A_14, %parallel_loop3A_234] : memref<2x10000xi32, #tpu.memory_space<vmem>>[vector<16xi32>, vector<16xi32>], vector<16xi32>,
          %parallel_loop3A_244 = vector.bitcast %parallel_loop3A_243 : vector<16xi32> to vector<32xbf16>
          %parallel_loop3A_245 = arith.subf %parallel_loop3A_242, %parallel_loop3A_244 : vector<32xbf16>
          %parallel_loop3A_246 = arith.maximumf %parallel_loop3A_222, %parallel_loop3A_245 : vector<32xbf16>
          %parallel_loop3A_247 = arith.constant 0 : i32
          %parallel_loop3A_248 = arith.constant 7 : i32
          %parallel_loop3A_249 = arith.index_cast %parallel_loop3A_247 : i32 to index
          %parallel_loop3A_250 = arith.index_cast %parallel_loop3A_248 : i32 to index
          %parallel_loop3A_251 = arith.index_cast %parallel_loop3A_80 : i32 to index
          %parallel_loop3A_252 = tpu.vector_load %arg7[%parallel_loop3A_249, %parallel_loop3A_250, %parallel_loop3A_251] {strides = array<i32>} : memref<2x32x400xi32, #tpu.memory_space<vmem>>, vector<16xi32>,
          %parallel_loop3A_253 = arith.constant 1 : i32
          %parallel_loop3A_254 = arith.constant 7 : i32
          %parallel_loop3A_255 = arith.index_cast %parallel_loop3A_253 : i32 to index
          %parallel_loop3A_256 = arith.index_cast %parallel_loop3A_254 : i32 to index
          %parallel_loop3A_257 = arith.index_cast %parallel_loop3A_80 : i32 to index
          %parallel_loop3A_258 = tpu.vector_load %arg7[%parallel_loop3A_255, %parallel_loop3A_256, %parallel_loop3A_257] {strides = array<i32>} : memref<2x32x400xi32, #tpu.memory_space<vmem>>, vector<16xi32>,
          %parallel_loop3A_259 = tpu.vector_load_idx %arg5[%broadcast_in_dim3A_12, %parallel_loop3A_252] : memref<2x10000xi32, #tpu.memory_space<vmem>>[vector<16xi32>, vector<16xi32>], vector<16xi32>,
          %parallel_loop3A_260 = vector.bitcast %parallel_loop3A_259 : vector<16xi32> to vector<32xbf16>
          %parallel_loop3A_261 = tpu.vector_load_idx %arg5[%broadcast_in_dim3A_12, %parallel_loop3A_258] : memref<2x10000xi32, #tpu.memory_space<vmem>>[vector<16xi32>, vector<16xi32>], vector<16xi32>,
          %parallel_loop3A_262 = vector.bitcast %parallel_loop3A_261 : vector<16xi32> to vector<32xbf16>
          %parallel_loop3A_263 = arith.subf %parallel_loop3A_260, %parallel_loop3A_262 : vector<32xbf16>
          %parallel_loop3A_264 = arith.maximumf %parallel_loop3A_240, %parallel_loop3A_263 : vector<32xbf16>
          %parallel_loop3A_265 = tpu.vector_load_idx %arg5[%broadcast_in_dim3A_14, %parallel_loop3A_252] : memref<2x10000xi32, #tpu.memory_space<vmem>>[vector<16xi32>, vector<16xi32>], vector<16xi32>,
          %parallel_loop3A_266 = vector.bitcast %parallel_loop3A_265 : vector<16xi32> to vector<32xbf16>
          %parallel_loop3A_267 = tpu.vector_load_idx %arg5[%broadcast_in_dim3A_14, %parallel_loop3A_258] : memref<2x10000xi32, #tpu.memory_space<vmem>>[vector<16xi32>, vector<16xi32>], vector<16xi32>,
          %parallel_loop3A_268 = vector.bitcast %parallel_loop3A_267 : vector<16xi32> to vector<32xbf16>
          %parallel_loop3A_269 = arith.subf %parallel_loop3A_266, %parallel_loop3A_268 : vector<32xbf16>
          %parallel_loop3A_270 = arith.maximumf %parallel_loop3A_246, %parallel_loop3A_269 : vector<32xbf16>
          %parallel_loop3A_271 = arith.constant 0 : i32
          %parallel_loop3A_272 = arith.constant 8 : i32
          %parallel_loop3A_273 = arith.index_cast %parallel_loop3A_271 : i32 to index
          %parallel_loop3A_274 = arith.index_cast %parallel_loop3A_272 : i32 to index
          %parallel_loop3A_275 = arith.index_cast %parallel_loop3A_80 : i32 to index
          %parallel_loop3A_276 = tpu.vector_load %arg7[%parallel_loop3A_273, %parallel_loop3A_274, %parallel_loop3A_275] {strides = array<i32>} : memref<2x32x400xi32, #tpu.memory_space<vmem>>, vector<16xi32>,
          %parallel_loop3A_277 = arith.constant 1 : i32
          %parallel_loop3A_278 = arith.constant 8 : i32
          %parallel_loop3A_279 = arith.index_cast %parallel_loop3A_277 : i32 to index
          %parallel_loop3A_280 = arith.index_cast %parallel_loop3A_278 : i32 to index
          %parallel_loop3A_281 = arith.index_cast %parallel_loop3A_80 : i32 to index
          %parallel_loop3A_282 = tpu.vector_load %arg7[%parallel_loop3A_279, %parallel_loop3A_280, %parallel_loop3A_281] {strides = array<i32>} : memref<2x32x400xi32, #tpu.memory_space<vmem>>, vector<16xi32>,
          %parallel_loop3A_283 = tpu.vector_load_idx %arg5[%broadcast_in_dim3A_12, %parallel_loop3A_276] : memref<2x10000xi32, #tpu.memory_space<vmem>>[vector<16xi32>, vector<16xi32>], vector<16xi32>,
          %parallel_loop3A_284 = vector.bitcast %parallel_loop3A_283 : vector<16xi32> to vector<32xbf16>
          %parallel_loop3A_285 = tpu.vector_load_idx %arg5[%broadcast_in_dim3A_12, %parallel_loop3A_282] : memref<2x10000xi32, #tpu.memory_space<vmem>>[vector<16xi32>, vector<16xi32>], vector<16xi32>,
          %parallel_loop3A_286 = vector.bitcast %parallel_loop3A_285 : vector<16xi32> to vector<32xbf16>
          %parallel_loop3A_287 = arith.subf %parallel_loop3A_284, %parallel_loop3A_286 : vector<32xbf16>
          %parallel_loop3A_288 = arith.maximumf %parallel_loop3A_264, %parallel_loop3A_287 : vector<32xbf16>
          %parallel_loop3A_289 = tpu.vector_load_idx %arg5[%broadcast_in_dim3A_14, %parallel_loop3A_276] : memref<2x10000xi32, #tpu.memory_space<vmem>>[vector<16xi32>, vector<16xi32>], vector<16xi32>,
          %parallel_loop3A_290 = vector.bitcast %parallel_loop3A_289 : vector<16xi32> to vector<32xbf16>
          %parallel_loop3A_291 = tpu.vector_load_idx %arg5[%broadcast_in_dim3A_14, %parallel_loop3A_282] : memref<2x10000xi32, #tpu.memory_space<vmem>>[vector<16xi32>, vector<16xi32>], vector<16xi32>,
          %parallel_loop3A_292 = vector.bitcast %parallel_loop3A_291 : vector<16xi32> to vector<32xbf16>
          %parallel_loop3A_293 = arith.subf %parallel_loop3A_290, %parallel_loop3A_292 : vector<32xbf16>
          %parallel_loop3A_294 = arith.maximumf %parallel_loop3A_270, %parallel_loop3A_293 : vector<32xbf16>
          %parallel_loop3A_295 = arith.constant 0 : i32
          %parallel_loop3A_296 = arith.constant 9 : i32
          %parallel_loop3A_297 = arith.index_cast %parallel_loop3A_295 : i32 to index
          %parallel_loop3A_298 = arith.index_cast %parallel_loop3A_296 : i32 to index
          %parallel_loop3A_299 = arith.index_cast %parallel_loop3A_80 : i32 to index
          %parallel_loop3A_300 = tpu.vector_load %arg7[%parallel_loop3A_297, %parallel_loop3A_298, %parallel_loop3A_299] {strides = array<i32>} : memref<2x32x400xi32, #tpu.memory_space<vmem>>, vector<16xi32>,
          %parallel_loop3A_301 = arith.constant 1 : i32
          %parallel_loop3A_302 = arith.constant 9 : i32
          %parallel_loop3A_303 = arith.index_cast %parallel_loop3A_301 : i32 to index
          %parallel_loop3A_304 = arith.index_cast %parallel_loop3A_302 : i32 to index
          %parallel_loop3A_305 = arith.index_cast %parallel_loop3A_80 : i32 to index
          %parallel_loop3A_306 = tpu.vector_load %arg7[%parallel_loop3A_303, %parallel_loop3A_304, %parallel_loop3A_305] {strides = array<i32>} : memref<2x32x400xi32, #tpu.memory_space<vmem>>, vector<16xi32>,
          %parallel_loop3A_307 = tpu.vector_load_idx %arg5[%broadcast_in_dim3A_12, %parallel_loop3A_300] : memref<2x10000xi32, #tpu.memory_space<vmem>>[vector<16xi32>, vector<16xi32>], vector<16xi32>,
          %parallel_loop3A_308 = vector.bitcast %parallel_loop3A_307 : vector<16xi32> to vector<32xbf16>
          %parallel_loop3A_309 = tpu.vector_load_idx %arg5[%broadcast_in_dim3A_12, %parallel_loop3A_306] : memref<2x10000xi32, #tpu.memory_space<vmem>>[vector<16xi32>, vector<16xi32>], vector<16xi32>,
          %parallel_loop3A_310 = vector.bitcast %parallel_loop3A_309 : vector<16xi32> to vector<32xbf16>
          %parallel_loop3A_311 = arith.subf %parallel_loop3A_308, %parallel_loop3A_310 : vector<32xbf16>
          %parallel_loop3A_312 = arith.maximumf %parallel_loop3A_288, %parallel_loop3A_311 : vector<32xbf16>
          %parallel_loop3A_313 = tpu.vector_load_idx %arg5[%broadcast_in_dim3A_14, %parallel_loop3A_300] : memref<2x10000xi32, #tpu.memory_space<vmem>>[vector<16xi32>, vector<16xi32>], vector<16xi32>,
          %parallel_loop3A_314 = vector.bitcast %parallel_loop3A_313 : vector<16xi32> to vector<32xbf16>
          %parallel_loop3A_315 = tpu.vector_load_idx %arg5[%broadcast_in_dim3A_14, %parallel_loop3A_306] : memref<2x10000xi32, #tpu.memory_space<vmem>>[vector<16xi32>, vector<16xi32>], vector<16xi32>,
          %parallel_loop3A_316 = vector.bitcast %parallel_loop3A_315 : vector<16xi32> to vector<32xbf16>
          %parallel_loop3A_317 = arith.subf %parallel_loop3A_314, %parallel_loop3A_316 : vector<32xbf16>
          %parallel_loop3A_318 = arith.maximumf %parallel_loop3A_294, %parallel_loop3A_317 : vector<32xbf16>
          %parallel_loop3A_319 = arith.constant 0 : i32
          %parallel_loop3A_320 = arith.constant 10 : i32
          %parallel_loop3A_321 = arith.index_cast %parallel_loop3A_319 : i32 to index
          %parallel_loop3A_322 = arith.index_cast %parallel_loop3A_320 : i32 to index
          %parallel_loop3A_323 = arith.index_cast %parallel_loop3A_80 : i32 to index
          %parallel_loop3A_324 = tpu.vector_load %arg7[%parallel_loop3A_321, %parallel_loop3A_322, %parallel_loop3A_323] {strides = array<i32>} : memref<2x32x400xi32, #tpu.memory_space<vmem>>, vector<16xi32>,
          %parallel_loop3A_325 = arith.constant 1 : i32
          %parallel_loop3A_326 = arith.constant 10 : i32
          %parallel_loop3A_327 = arith.index_cast %parallel_loop3A_325 : i32 to index
          %parallel_loop3A_328 = arith.index_cast %parallel_loop3A_326 : i32 to index
          %parallel_loop3A_329 = arith.index_cast %parallel_loop3A_80 : i32 to index
          %parallel_loop3A_330 = tpu.vector_load %arg7[%parallel_loop3A_327, %parallel_loop3A_328, %parallel_loop3A_329] {strides = array<i32>} : memref<2x32x400xi32, #tpu.memory_space<vmem>>, vector<16xi32>,
          %parallel_loop3A_331 = tpu.vector_load_idx %arg5[%broadcast_in_dim3A_12, %parallel_loop3A_324] : memref<2x10000xi32, #tpu.memory_space<vmem>>[vector<16xi32>, vector<16xi32>], vector<16xi32>,
          %parallel_loop3A_332 = vector.bitcast %parallel_loop3A_331 : vector<16xi32> to vector<32xbf16>
          %parallel_loop3A_333 = tpu.vector_load_idx %arg5[%broadcast_in_dim3A_12, %parallel_loop3A_330] : memref<2x10000xi32, #tpu.memory_space<vmem>>[vector<16xi32>, vector<16xi32>], vector<16xi32>,
          %parallel_loop3A_334 = vector.bitcast %parallel_loop3A_333 : vector<16xi32> to vector<32xbf16>
          %parallel_loop3A_335 = arith.subf %parallel_loop3A_332, %parallel_loop3A_334 : vector<32xbf16>
          %parallel_loop3A_336 = arith.maximumf %parallel_loop3A_312, %parallel_loop3A_335 : vector<32xbf16>
          %parallel_loop3A_337 = tpu.vector_load_idx %arg5[%broadcast_in_dim3A_14, %parallel_loop3A_324] : memref<2x10000xi32, #tpu.memory_space<vmem>>[vector<16xi32>, vector<16xi32>], vector<16xi32>,
          %parallel_loop3A_338 = vector.bitcast %parallel_loop3A_337 : vector<16xi32> to vector<32xbf16>
          %parallel_loop3A_339 = tpu.vector_load_idx %arg5[%broadcast_in_dim3A_14, %parallel_loop3A_330] : memref<2x10000xi32, #tpu.memory_space<vmem>>[vector<16xi32>, vector<16xi32>], vector<16xi32>,
          %parallel_loop3A_340 = vector.bitcast %parallel_loop3A_339 : vector<16xi32> to vector<32xbf16>
          %parallel_loop3A_341 = arith.subf %parallel_loop3A_338, %parallel_loop3A_340 : vector<32xbf16>
          %parallel_loop3A_342 = arith.maximumf %parallel_loop3A_318, %parallel_loop3A_341 : vector<32xbf16>
          %parallel_loop3A_343 = arith.constant 0 : i32
          %parallel_loop3A_344 = arith.constant 11 : i32
          %parallel_loop3A_345 = arith.index_cast %parallel_loop3A_343 : i32 to index
          %parallel_loop3A_346 = arith.index_cast %parallel_loop3A_344 : i32 to index
          %parallel_loop3A_347 = arith.index_cast %parallel_loop3A_80 : i32 to index
          %parallel_loop3A_348 = tpu.vector_load %arg7[%parallel_loop3A_345, %parallel_loop3A_346, %parallel_loop3A_347] {strides = array<i32>} : memref<2x32x400xi32, #tpu.memory_space<vmem>>, vector<16xi32>,
          %parallel_loop3A_349 = arith.constant 1 : i32
          %parallel_loop3A_350 = arith.constant 11 : i32
          %parallel_loop3A_351 = arith.index_cast %parallel_loop3A_349 : i32 to index
          %parallel_loop3A_352 = arith.index_cast %parallel_loop3A_350 : i32 to index
          %parallel_loop3A_353 = arith.index_cast %parallel_loop3A_80 : i32 to index
          %parallel_loop3A_354 = tpu.vector_load %arg7[%parallel_loop3A_351, %parallel_loop3A_352, %parallel_loop3A_353] {strides = array<i32>} : memref<2x32x400xi32, #tpu.memory_space<vmem>>, vector<16xi32>,
          %parallel_loop3A_355 = tpu.vector_load_idx %arg5[%broadcast_in_dim3A_12, %parallel_loop3A_348] : memref<2x10000xi32, #tpu.memory_space<vmem>>[vector<16xi32>, vector<16xi32>], vector<16xi32>,
          %parallel_loop3A_356 = vector.bitcast %parallel_loop3A_355 : vector<16xi32> to vector<32xbf16>
          %parallel_loop3A_357 = tpu.vector_load_idx %arg5[%broadcast_in_dim3A_12, %parallel_loop3A_354] : memref<2x10000xi32, #tpu.memory_space<vmem>>[vector<16xi32>, vector<16xi32>], vector<16xi32>,
          %parallel_loop3A_358 = vector.bitcast %parallel_loop3A_357 : vector<16xi32> to vector<32xbf16>
          %parallel_loop3A_359 = arith.subf %parallel_loop3A_356, %parallel_loop3A_358 : vector<32xbf16>
          %parallel_loop3A_360 = arith.maximumf %parallel_loop3A_336, %parallel_loop3A_359 : vector<32xbf16>
          %parallel_loop3A_361 = tpu.vector_load_idx %arg5[%broadcast_in_dim3A_14, %parallel_loop3A_348] : memref<2x10000xi32, #tpu.memory_space<vmem>>[vector<16xi32>, vector<16xi32>], vector<16xi32>,
          %parallel_loop3A_362 = vector.bitcast %parallel_loop3A_361 : vector<16xi32> to vector<32xbf16>
          %parallel_loop3A_363 = tpu.vector_load_idx %arg5[%broadcast_in_dim3A_14, %parallel_loop3A_354] : memref<2x10000xi32, #tpu.memory_space<vmem>>[vector<16xi32>, vector<16xi32>], vector<16xi32>,
          %parallel_loop3A_364 = vector.bitcast %parallel_loop3A_363 : vector<16xi32> to vector<32xbf16>
          %parallel_loop3A_365 = arith.subf %parallel_loop3A_362, %parallel_loop3A_364 : vector<32xbf16>
          %parallel_loop3A_366 = arith.maximumf %parallel_loop3A_342, %parallel_loop3A_365 : vector<32xbf16>
          %parallel_loop3A_367 = arith.constant 0 : i32
          %parallel_loop3A_368 = arith.constant 12 : i32
          %parallel_loop3A_369 = arith.index_cast %parallel_loop3A_367 : i32 to index
          %parallel_loop3A_370 = arith.index_cast %parallel_loop3A_368 : i32 to index
          %parallel_loop3A_371 = arith.index_cast %parallel_loop3A_80 : i32 to index
          %parallel_loop3A_372 = tpu.vector_load %arg7[%parallel_loop3A_369, %parallel_loop3A_370, %parallel_loop3A_371] {strides = array<i32>} : memref<2x32x400xi32, #tpu.memory_space<vmem>>, vector<16xi32>,
          %parallel_loop3A_373 = arith.constant 1 : i32
          %parallel_loop3A_374 = arith.constant 12 : i32
          %parallel_loop3A_375 = arith.index_cast %parallel_loop3A_373 : i32 to index
          %parallel_loop3A_376 = arith.index_cast %parallel_loop3A_374 : i32 to index
          %parallel_loop3A_377 = arith.index_cast %parallel_loop3A_80 : i32 to index
          %parallel_loop3A_378 = tpu.vector_load %arg7[%parallel_loop3A_375, %parallel_loop3A_376, %parallel_loop3A_377] {strides = array<i32>} : memref<2x32x400xi32, #tpu.memory_space<vmem>>, vector<16xi32>,
          %parallel_loop3A_379 = tpu.vector_load_idx %arg5[%broadcast_in_dim3A_12, %parallel_loop3A_372] : memref<2x10000xi32, #tpu.memory_space<vmem>>[vector<16xi32>, vector<16xi32>], vector<16xi32>,
          %parallel_loop3A_380 = vector.bitcast %parallel_loop3A_379 : vector<16xi32> to vector<32xbf16>
          %parallel_loop3A_381 = tpu.vector_load_idx %arg5[%broadcast_in_dim3A_12, %parallel_loop3A_378] : memref<2x10000xi32, #tpu.memory_space<vmem>>[vector<16xi32>, vector<16xi32>], vector<16xi32>,
          %parallel_loop3A_382 = vector.bitcast %parallel_loop3A_381 : vector<16xi32> to vector<32xbf16>
          %parallel_loop3A_383 = arith.subf %parallel_loop3A_380, %parallel_loop3A_382 : vector<32xbf16>
          %parallel_loop3A_384 = arith.maximumf %parallel_loop3A_360, %parallel_loop3A_383 : vector<32xbf16>
          %parallel_loop3A_385 = tpu.vector_load_idx %arg5[%broadcast_in_dim3A_14, %parallel_loop3A_372] : memref<2x10000xi32, #tpu.memory_space<vmem>>[vector<16xi32>, vector<16xi32>], vector<16xi32>,
          %parallel_loop3A_386 = vector.bitcast %parallel_loop3A_385 : vector<16xi32> to vector<32xbf16>
          %parallel_loop3A_387 = tpu.vector_load_idx %arg5[%broadcast_in_dim3A_14, %parallel_loop3A_378] : memref<2x10000xi32, #tpu.memory_space<vmem>>[vector<16xi32>, vector<16xi32>], vector<16xi32>,
          %parallel_loop3A_388 = vector.bitcast %parallel_loop3A_387 : vector<16xi32> to vector<32xbf16>
          %parallel_loop3A_389 = arith.subf %parallel_loop3A_386, %parallel_loop3A_388 : vector<32xbf16>
          %parallel_loop3A_390 = arith.maximumf %parallel_loop3A_366, %parallel_loop3A_389 : vector<32xbf16>
          %parallel_loop3A_391 = arith.constant 0 : i32
          %parallel_loop3A_392 = arith.constant 13 : i32
          %parallel_loop3A_393 = arith.index_cast %parallel_loop3A_391 : i32 to index
          %parallel_loop3A_394 = arith.index_cast %parallel_loop3A_392 : i32 to index
          %parallel_loop3A_395 = arith.index_cast %parallel_loop3A_80 : i32 to index
          %parallel_loop3A_396 = tpu.vector_load %arg7[%parallel_loop3A_393, %parallel_loop3A_394, %parallel_loop3A_395] {strides = array<i32>} : memref<2x32x400xi32, #tpu.memory_space<vmem>>, vector<16xi32>,
          %parallel_loop3A_397 = arith.constant 1 : i32
          %parallel_loop3A_398 = arith.constant 13 : i32
          %parallel_loop3A_399 = arith.index_cast %parallel_loop3A_397 : i32 to index
          %parallel_loop3A_400 = arith.index_cast %parallel_loop3A_398 : i32 to index
          %parallel_loop3A_401 = arith.index_cast %parallel_loop3A_80 : i32 to index
          %parallel_loop3A_402 = tpu.vector_load %arg7[%parallel_loop3A_399, %parallel_loop3A_400, %parallel_loop3A_401] {strides = array<i32>} : memref<2x32x400xi32, #tpu.memory_space<vmem>>, vector<16xi32>,
          %parallel_loop3A_403 = tpu.vector_load_idx %arg5[%broadcast_in_dim3A_12, %parallel_loop3A_396] : memref<2x10000xi32, #tpu.memory_space<vmem>>[vector<16xi32>, vector<16xi32>], vector<16xi32>,
          %parallel_loop3A_404 = vector.bitcast %parallel_loop3A_403 : vector<16xi32> to vector<32xbf16>
          %parallel_loop3A_405 = tpu.vector_load_idx %arg5[%broadcast_in_dim3A_12, %parallel_loop3A_402] : memref<2x10000xi32, #tpu.memory_space<vmem>>[vector<16xi32>, vector<16xi32>], vector<16xi32>,
          %parallel_loop3A_406 = vector.bitcast %parallel_loop3A_405 : vector<16xi32> to vector<32xbf16>
          %parallel_loop3A_407 = arith.subf %parallel_loop3A_404, %parallel_loop3A_406 : vector<32xbf16>
          %parallel_loop3A_408 = arith.maximumf %parallel_loop3A_384, %parallel_loop3A_407 : vector<32xbf16>
          %parallel_loop3A_409 = tpu.vector_load_idx %arg5[%broadcast_in_dim3A_14, %parallel_loop3A_396] : memref<2x10000xi32, #tpu.memory_space<vmem>>[vector<16xi32>, vector<16xi32>], vector<16xi32>,
          %parallel_loop3A_410 = vector.bitcast %parallel_loop3A_409 : vector<16xi32> to vector<32xbf16>
          %parallel_loop3A_411 = tpu.vector_load_idx %arg5[%broadcast_in_dim3A_14, %parallel_loop3A_402] : memref<2x10000xi32, #tpu.memory_space<vmem>>[vector<16xi32>, vector<16xi32>], vector<16xi32>,
          %parallel_loop3A_412 = vector.bitcast %parallel_loop3A_411 : vector<16xi32> to vector<32xbf16>
          %parallel_loop3A_413 = arith.subf %parallel_loop3A_410, %parallel_loop3A_412 : vector<32xbf16>
          %parallel_loop3A_414 = arith.maximumf %parallel_loop3A_390, %parallel_loop3A_413 : vector<32xbf16>
          %parallel_loop3A_415 = arith.constant 0 : i32
          %parallel_loop3A_416 = arith.constant 14 : i32
          %parallel_loop3A_417 = arith.index_cast %parallel_loop3A_415 : i32 to index
          %parallel_loop3A_418 = arith.index_cast %parallel_loop3A_416 : i32 to index
          %parallel_loop3A_419 = arith.index_cast %parallel_loop3A_80 : i32 to index
          %parallel_loop3A_420 = tpu.vector_load %arg7[%parallel_loop3A_417, %parallel_loop3A_418, %parallel_loop3A_419] {strides = array<i32>} : memref<2x32x400xi32, #tpu.memory_space<vmem>>, vector<16xi32>,
          %parallel_loop3A_421 = arith.constant 1 : i32
          %parallel_loop3A_422 = arith.constant 14 : i32
          %parallel_loop3A_423 = arith.index_cast %parallel_loop3A_421 : i32 to index
          %parallel_loop3A_424 = arith.index_cast %parallel_loop3A_422 : i32 to index
          %parallel_loop3A_425 = arith.index_cast %parallel_loop3A_80 : i32 to index
          %parallel_loop3A_426 = tpu.vector_load %arg7[%parallel_loop3A_423, %parallel_loop3A_424, %parallel_loop3A_425] {strides = array<i32>} : memref<2x32x400xi32, #tpu.memory_space<vmem>>, vector<16xi32>,
          %parallel_loop3A_427 = tpu.vector_load_idx %arg5[%broadcast_in_dim3A_12, %parallel_loop3A_420] : memref<2x10000xi32, #tpu.memory_space<vmem>>[vector<16xi32>, vector<16xi32>], vector<16xi32>,
          %parallel_loop3A_428 = vector.bitcast %parallel_loop3A_427 : vector<16xi32> to vector<32xbf16>
          %parallel_loop3A_429 = tpu.vector_load_idx %arg5[%broadcast_in_dim3A_12, %parallel_loop3A_426] : memref<2x10000xi32, #tpu.memory_space<vmem>>[vector<16xi32>, vector<16xi32>], vector<16xi32>,
          %parallel_loop3A_430 = vector.bitcast %parallel_loop3A_429 : vector<16xi32> to vector<32xbf16>
          %parallel_loop3A_431 = arith.subf %parallel_loop3A_428, %parallel_loop3A_430 : vector<32xbf16>
          %parallel_loop3A_432 = arith.maximumf %parallel_loop3A_408, %parallel_loop3A_431 : vector<32xbf16>
          %parallel_loop3A_433 = tpu.vector_load_idx %arg5[%broadcast_in_dim3A_14, %parallel_loop3A_420] : memref<2x10000xi32, #tpu.memory_space<vmem>>[vector<16xi32>, vector<16xi32>], vector<16xi32>,
          %parallel_loop3A_434 = vector.bitcast %parallel_loop3A_433 : vector<16xi32> to vector<32xbf16>
          %parallel_loop3A_435 = tpu.vector_load_idx %arg5[%broadcast_in_dim3A_14, %parallel_loop3A_426] : memref<2x10000xi32, #tpu.memory_space<vmem>>[vector<16xi32>, vector<16xi32>], vector<16xi32>,
          %parallel_loop3A_436 = vector.bitcast %parallel_loop3A_435 : vector<16xi32> to vector<32xbf16>
          %parallel_loop3A_437 = arith.subf %parallel_loop3A_434, %parallel_loop3A_436 : vector<32xbf16>
          %parallel_loop3A_438 = arith.maximumf %parallel_loop3A_414, %parallel_loop3A_437 : vector<32xbf16>
          %parallel_loop3A_439 = arith.constant 0 : i32
          %parallel_loop3A_440 = arith.constant 15 : i32
          %parallel_loop3A_441 = arith.index_cast %parallel_loop3A_439 : i32 to index
          %parallel_loop3A_442 = arith.index_cast %parallel_loop3A_440 : i32 to index
          %parallel_loop3A_443 = arith.index_cast %parallel_loop3A_80 : i32 to index
          %parallel_loop3A_444 = tpu.vector_load %arg7[%parallel_loop3A_441, %parallel_loop3A_442, %parallel_loop3A_443] {strides = array<i32>} : memref<2x32x400xi32, #tpu.memory_space<vmem>>, vector<16xi32>,
          %parallel_loop3A_445 = arith.constant 1 : i32
          %parallel_loop3A_446 = arith.constant 15 : i32
          %parallel_loop3A_447 = arith.index_cast %parallel_loop3A_445 : i32 to index
          %parallel_loop3A_448 = arith.index_cast %parallel_loop3A_446 : i32 to index
          %parallel_loop3A_449 = arith.index_cast %parallel_loop3A_80 : i32 to index
          %parallel_loop3A_450 = tpu.vector_load %arg7[%parallel_loop3A_447, %parallel_loop3A_448, %parallel_loop3A_449] {strides = array<i32>} : memref<2x32x400xi32, #tpu.memory_space<vmem>>, vector<16xi32>,
          %parallel_loop3A_451 = tpu.vector_load_idx %arg5[%broadcast_in_dim3A_12, %parallel_loop3A_444] : memref<2x10000xi32, #tpu.memory_space<vmem>>[vector<16xi32>, vector<16xi32>], vector<16xi32>,
          %parallel_loop3A_452 = vector.bitcast %parallel_loop3A_451 : vector<16xi32> to vector<32xbf16>
          %parallel_loop3A_453 = tpu.vector_load_idx %arg5[%broadcast_in_dim3A_12, %parallel_loop3A_450] : memref<2x10000xi32, #tpu.memory_space<vmem>>[vector<16xi32>, vector<16xi32>], vector<16xi32>,
          %parallel_loop3A_454 = vector.bitcast %parallel_loop3A_453 : vector<16xi32> to vector<32xbf16>
          %parallel_loop3A_455 = arith.subf %parallel_loop3A_452, %parallel_loop3A_454 : vector<32xbf16>
          %parallel_loop3A_456 = arith.maximumf %parallel_loop3A_432, %parallel_loop3A_455 : vector<32xbf16>
          %parallel_loop3A_457 = tpu.vector_load_idx %arg5[%broadcast_in_dim3A_14, %parallel_loop3A_444] : memref<2x10000xi32, #tpu.memory_space<vmem>>[vector<16xi32>, vector<16xi32>], vector<16xi32>,
          %parallel_loop3A_458 = vector.bitcast %parallel_loop3A_457 : vector<16xi32> to vector<32xbf16>
          %parallel_loop3A_459 = tpu.vector_load_idx %arg5[%broadcast_in_dim3A_14, %parallel_loop3A_450] : memref<2x10000xi32, #tpu.memory_space<vmem>>[vector<16xi32>, vector<16xi32>], vector<16xi32>,
          %parallel_loop3A_460 = vector.bitcast %parallel_loop3A_459 : vector<16xi32> to vector<32xbf16>
          %parallel_loop3A_461 = arith.subf %parallel_loop3A_458, %parallel_loop3A_460 : vector<32xbf16>
          %parallel_loop3A_462 = arith.maximumf %parallel_loop3A_438, %parallel_loop3A_461 : vector<32xbf16>
          %parallel_loop3A_463 = arith.constant 0 : i32
          %parallel_loop3A_464 = arith.constant 16 : i32
          %parallel_loop3A_465 = arith.index_cast %parallel_loop3A_463 : i32 to index
          %parallel_loop3A_466 = arith.index_cast %parallel_loop3A_464 : i32 to index
          %parallel_loop3A_467 = arith.index_cast %parallel_loop3A_80 : i32 to index
          %parallel_loop3A_468 = tpu.vector_load %arg7[%parallel_loop3A_465, %parallel_loop3A_466, %parallel_loop3A_467] {strides = array<i32>} : memref<2x32x400xi32, #tpu.memory_space<vmem>>, vector<16xi32>,
          %parallel_loop3A_469 = arith.constant 1 : i32
          %parallel_loop3A_470 = arith.constant 16 : i32
          %parallel_loop3A_471 = arith.index_cast %parallel_loop3A_469 : i32 to index
          %parallel_loop3A_472 = arith.index_cast %parallel_loop3A_470 : i32 to index
          %parallel_loop3A_473 = arith.index_cast %parallel_loop3A_80 : i32 to index
          %parallel_loop3A_474 = tpu.vector_load %arg7[%parallel_loop3A_471, %parallel_loop3A_472, %parallel_loop3A_473] {strides = array<i32>} : memref<2x32x400xi32, #tpu.memory_space<vmem>>, vector<16xi32>,
          %parallel_loop3A_475 = tpu.vector_load_idx %arg5[%broadcast_in_dim3A_12, %parallel_loop3A_468] : memref<2x10000xi32, #tpu.memory_space<vmem>>[vector<16xi32>, vector<16xi32>], vector<16xi32>,
          %parallel_loop3A_476 = vector.bitcast %parallel_loop3A_475 : vector<16xi32> to vector<32xbf16>
          %parallel_loop3A_477 = tpu.vector_load_idx %arg5[%broadcast_in_dim3A_12, %parallel_loop3A_474] : memref<2x10000xi32, #tpu.memory_space<vmem>>[vector<16xi32>, vector<16xi32>], vector<16xi32>,
          %parallel_loop3A_478 = vector.bitcast %parallel_loop3A_477 : vector<16xi32> to vector<32xbf16>
          %parallel_loop3A_479 = arith.subf %parallel_loop3A_476, %parallel_loop3A_478 : vector<32xbf16>
          %parallel_loop3A_480 = arith.maximumf %parallel_loop3A_456, %parallel_loop3A_479 : vector<32xbf16>
          %parallel_loop3A_481 = tpu.vector_load_idx %arg5[%broadcast_in_dim3A_14, %parallel_loop3A_468] : memref<2x10000xi32, #tpu.memory_space<vmem>>[vector<16xi32>, vector<16xi32>], vector<16xi32>,
          %parallel_loop3A_482 = vector.bitcast %parallel_loop3A_481 : vector<16xi32> to vector<32xbf16>
          %parallel_loop3A_483 = tpu.vector_load_idx %arg5[%broadcast_in_dim3A_14, %parallel_loop3A_474] : memref<2x10000xi32, #tpu.memory_space<vmem>>[vector<16xi32>, vector<16xi32>], vector<16xi32>,
          %parallel_loop3A_484 = vector.bitcast %parallel_loop3A_483 : vector<16xi32> to vector<32xbf16>
          %parallel_loop3A_485 = arith.subf %parallel_loop3A_482, %parallel_loop3A_484 : vector<32xbf16>
          %parallel_loop3A_486 = arith.maximumf %parallel_loop3A_462, %parallel_loop3A_485 : vector<32xbf16>
          %parallel_loop3A_487 = arith.constant 0 : i32
          %parallel_loop3A_488 = arith.constant 17 : i32
          %parallel_loop3A_489 = arith.index_cast %parallel_loop3A_487 : i32 to index
          %parallel_loop3A_490 = arith.index_cast %parallel_loop3A_488 : i32 to index
          %parallel_loop3A_491 = arith.index_cast %parallel_loop3A_80 : i32 to index
          %parallel_loop3A_492 = tpu.vector_load %arg7[%parallel_loop3A_489, %parallel_loop3A_490, %parallel_loop3A_491] {strides = array<i32>} : memref<2x32x400xi32, #tpu.memory_space<vmem>>, vector<16xi32>,
          %parallel_loop3A_493 = arith.constant 1 : i32
          %parallel_loop3A_494 = arith.constant 17 : i32
          %parallel_loop3A_495 = arith.index_cast %parallel_loop3A_493 : i32 to index
          %parallel_loop3A_496 = arith.index_cast %parallel_loop3A_494 : i32 to index
          %parallel_loop3A_497 = arith.index_cast %parallel_loop3A_80 : i32 to index
          %parallel_loop3A_498 = tpu.vector_load %arg7[%parallel_loop3A_495, %parallel_loop3A_496, %parallel_loop3A_497] {strides = array<i32>} : memref<2x32x400xi32, #tpu.memory_space<vmem>>, vector<16xi32>,
          %parallel_loop3A_499 = tpu.vector_load_idx %arg5[%broadcast_in_dim3A_12, %parallel_loop3A_492] : memref<2x10000xi32, #tpu.memory_space<vmem>>[vector<16xi32>, vector<16xi32>], vector<16xi32>,
          %parallel_loop3A_500 = vector.bitcast %parallel_loop3A_499 : vector<16xi32> to vector<32xbf16>
          %parallel_loop3A_501 = tpu.vector_load_idx %arg5[%broadcast_in_dim3A_12, %parallel_loop3A_498] : memref<2x10000xi32, #tpu.memory_space<vmem>>[vector<16xi32>, vector<16xi32>], vector<16xi32>,
          %parallel_loop3A_502 = vector.bitcast %parallel_loop3A_501 : vector<16xi32> to vector<32xbf16>
          %parallel_loop3A_503 = arith.subf %parallel_loop3A_500, %parallel_loop3A_502 : vector<32xbf16>
          %parallel_loop3A_504 = arith.maximumf %parallel_loop3A_480, %parallel_loop3A_503 : vector<32xbf16>
          %parallel_loop3A_505 = tpu.vector_load_idx %arg5[%broadcast_in_dim3A_14, %parallel_loop3A_492] : memref<2x10000xi32, #tpu.memory_space<vmem>>[vector<16xi32>, vector<16xi32>], vector<16xi32>,
          %parallel_loop3A_506 = vector.bitcast %parallel_loop3A_505 : vector<16xi32> to vector<32xbf16>
          %parallel_loop3A_507 = tpu.vector_load_idx %arg5[%broadcast_in_dim3A_14, %parallel_loop3A_498] : memref<2x10000xi32, #tpu.memory_space<vmem>>[vector<16xi32>, vector<16xi32>], vector<16xi32>,
          %parallel_loop3A_508 = vector.bitcast %parallel_loop3A_507 : vector<16xi32> to vector<32xbf16>
          %parallel_loop3A_509 = arith.subf %parallel_loop3A_506, %parallel_loop3A_508 : vector<32xbf16>
          %parallel_loop3A_510 = arith.maximumf %parallel_loop3A_486, %parallel_loop3A_509 : vector<32xbf16>
          %parallel_loop3A_511 = arith.constant 0 : i32
          %parallel_loop3A_512 = arith.constant 18 : i32
          %parallel_loop3A_513 = arith.index_cast %parallel_loop3A_511 : i32 to index
          %parallel_loop3A_514 = arith.index_cast %parallel_loop3A_512 : i32 to index
          %parallel_loop3A_515 = arith.index_cast %parallel_loop3A_80 : i32 to index
          %parallel_loop3A_516 = tpu.vector_load %arg7[%parallel_loop3A_513, %parallel_loop3A_514, %parallel_loop3A_515] {strides = array<i32>} : memref<2x32x400xi32, #tpu.memory_space<vmem>>, vector<16xi32>,
          %parallel_loop3A_517 = arith.constant 1 : i32
          %parallel_loop3A_518 = arith.constant 18 : i32
          %parallel_loop3A_519 = arith.index_cast %parallel_loop3A_517 : i32 to index
          %parallel_loop3A_520 = arith.index_cast %parallel_loop3A_518 : i32 to index
          %parallel_loop3A_521 = arith.index_cast %parallel_loop3A_80 : i32 to index
          %parallel_loop3A_522 = tpu.vector_load %arg7[%parallel_loop3A_519, %parallel_loop3A_520, %parallel_loop3A_521] {strides = array<i32>} : memref<2x32x400xi32, #tpu.memory_space<vmem>>, vector<16xi32>,
          %parallel_loop3A_523 = tpu.vector_load_idx %arg5[%broadcast_in_dim3A_12, %parallel_loop3A_516] : memref<2x10000xi32, #tpu.memory_space<vmem>>[vector<16xi32>, vector<16xi32>], vector<16xi32>,
          %parallel_loop3A_524 = vector.bitcast %parallel_loop3A_523 : vector<16xi32> to vector<32xbf16>
          %parallel_loop3A_525 = tpu.vector_load_idx %arg5[%broadcast_in_dim3A_12, %parallel_loop3A_522] : memref<2x10000xi32, #tpu.memory_space<vmem>>[vector<16xi32>, vector<16xi32>], vector<16xi32>,
          %parallel_loop3A_526 = vector.bitcast %parallel_loop3A_525 : vector<16xi32> to vector<32xbf16>
          %parallel_loop3A_527 = arith.subf %parallel_loop3A_524, %parallel_loop3A_526 : vector<32xbf16>
          %parallel_loop3A_528 = arith.maximumf %parallel_loop3A_504, %parallel_loop3A_527 : vector<32xbf16>
          %parallel_loop3A_529 = tpu.vector_load_idx %arg5[%broadcast_in_dim3A_14, %parallel_loop3A_516] : memref<2x10000xi32, #tpu.memory_space<vmem>>[vector<16xi32>, vector<16xi32>], vector<16xi32>,
          %parallel_loop3A_530 = vector.bitcast %parallel_loop3A_529 : vector<16xi32> to vector<32xbf16>
          %parallel_loop3A_531 = tpu.vector_load_idx %arg5[%broadcast_in_dim3A_14, %parallel_loop3A_522] : memref<2x10000xi32, #tpu.memory_space<vmem>>[vector<16xi32>, vector<16xi32>], vector<16xi32>,
          %parallel_loop3A_532 = vector.bitcast %parallel_loop3A_531 : vector<16xi32> to vector<32xbf16>
          %parallel_loop3A_533 = arith.subf %parallel_loop3A_530, %parallel_loop3A_532 : vector<32xbf16>
          %parallel_loop3A_534 = arith.maximumf %parallel_loop3A_510, %parallel_loop3A_533 : vector<32xbf16>
          %parallel_loop3A_535 = arith.constant 0 : i32
          %parallel_loop3A_536 = arith.constant 19 : i32
          %parallel_loop3A_537 = arith.index_cast %parallel_loop3A_535 : i32 to index
          %parallel_loop3A_538 = arith.index_cast %parallel_loop3A_536 : i32 to index
          %parallel_loop3A_539 = arith.index_cast %parallel_loop3A_80 : i32 to index
          %parallel_loop3A_540 = tpu.vector_load %arg7[%parallel_loop3A_537, %parallel_loop3A_538, %parallel_loop3A_539] {strides = array<i32>} : memref<2x32x400xi32, #tpu.memory_space<vmem>>, vector<16xi32>,
          %parallel_loop3A_541 = arith.constant 1 : i32
          %parallel_loop3A_542 = arith.constant 19 : i32
          %parallel_loop3A_543 = arith.index_cast %parallel_loop3A_541 : i32 to index
          %parallel_loop3A_544 = arith.index_cast %parallel_loop3A_542 : i32 to index
          %parallel_loop3A_545 = arith.index_cast %parallel_loop3A_80 : i32 to index
          %parallel_loop3A_546 = tpu.vector_load %arg7[%parallel_loop3A_543, %parallel_loop3A_544, %parallel_loop3A_545] {strides = array<i32>} : memref<2x32x400xi32, #tpu.memory_space<vmem>>, vector<16xi32>,
          %parallel_loop3A_547 = tpu.vector_load_idx %arg5[%broadcast_in_dim3A_12, %parallel_loop3A_540] : memref<2x10000xi32, #tpu.memory_space<vmem>>[vector<16xi32>, vector<16xi32>], vector<16xi32>,
          %parallel_loop3A_548 = vector.bitcast %parallel_loop3A_547 : vector<16xi32> to vector<32xbf16>
          %parallel_loop3A_549 = tpu.vector_load_idx %arg5[%broadcast_in_dim3A_12, %parallel_loop3A_546] : memref<2x10000xi32, #tpu.memory_space<vmem>>[vector<16xi32>, vector<16xi32>], vector<16xi32>,
          %parallel_loop3A_550 = vector.bitcast %parallel_loop3A_549 : vector<16xi32> to vector<32xbf16>
          %parallel_loop3A_551 = arith.subf %parallel_loop3A_548, %parallel_loop3A_550 : vector<32xbf16>
          %parallel_loop3A_552 = arith.maximumf %parallel_loop3A_528, %parallel_loop3A_551 : vector<32xbf16>
          %parallel_loop3A_553 = tpu.vector_load_idx %arg5[%broadcast_in_dim3A_14, %parallel_loop3A_540] : memref<2x10000xi32, #tpu.memory_space<vmem>>[vector<16xi32>, vector<16xi32>], vector<16xi32>,
          %parallel_loop3A_554 = vector.bitcast %parallel_loop3A_553 : vector<16xi32> to vector<32xbf16>
          %parallel_loop3A_555 = tpu.vector_load_idx %arg5[%broadcast_in_dim3A_14, %parallel_loop3A_546] : memref<2x10000xi32, #tpu.memory_space<vmem>>[vector<16xi32>, vector<16xi32>], vector<16xi32>,
          %parallel_loop3A_556 = vector.bitcast %parallel_loop3A_555 : vector<16xi32> to vector<32xbf16>
          %parallel_loop3A_557 = arith.subf %parallel_loop3A_554, %parallel_loop3A_556 : vector<32xbf16>
          %parallel_loop3A_558 = arith.maximumf %parallel_loop3A_534, %parallel_loop3A_557 : vector<32xbf16>
          %parallel_loop3A_559 = arith.constant 0 : i32
          %parallel_loop3A_560 = arith.constant 20 : i32
          %parallel_loop3A_561 = arith.index_cast %parallel_loop3A_559 : i32 to index
          %parallel_loop3A_562 = arith.index_cast %parallel_loop3A_560 : i32 to index
          %parallel_loop3A_563 = arith.index_cast %parallel_loop3A_80 : i32 to index
          %parallel_loop3A_564 = tpu.vector_load %arg7[%parallel_loop3A_561, %parallel_loop3A_562, %parallel_loop3A_563] {strides = array<i32>} : memref<2x32x400xi32, #tpu.memory_space<vmem>>, vector<16xi32>,
          %parallel_loop3A_565 = arith.constant 1 : i32
          %parallel_loop3A_566 = arith.constant 20 : i32
          %parallel_loop3A_567 = arith.index_cast %parallel_loop3A_565 : i32 to index
          %parallel_loop3A_568 = arith.index_cast %parallel_loop3A_566 : i32 to index
          %parallel_loop3A_569 = arith.index_cast %parallel_loop3A_80 : i32 to index
          %parallel_loop3A_570 = tpu.vector_load %arg7[%parallel_loop3A_567, %parallel_loop3A_568, %parallel_loop3A_569] {strides = array<i32>} : memref<2x32x400xi32, #tpu.memory_space<vmem>>, vector<16xi32>,
          %parallel_loop3A_571 = tpu.vector_load_idx %arg5[%broadcast_in_dim3A_12, %parallel_loop3A_564] : memref<2x10000xi32, #tpu.memory_space<vmem>>[vector<16xi32>, vector<16xi32>], vector<16xi32>,
          %parallel_loop3A_572 = vector.bitcast %parallel_loop3A_571 : vector<16xi32> to vector<32xbf16>
          %parallel_loop3A_573 = tpu.vector_load_idx %arg5[%broadcast_in_dim3A_12, %parallel_loop3A_570] : memref<2x10000xi32, #tpu.memory_space<vmem>>[vector<16xi32>, vector<16xi32>], vector<16xi32>,
          %parallel_loop3A_574 = vector.bitcast %parallel_loop3A_573 : vector<16xi32> to vector<32xbf16>
          %parallel_loop3A_575 = arith.subf %parallel_loop3A_572, %parallel_loop3A_574 : vector<32xbf16>
          %parallel_loop3A_576 = arith.maximumf %parallel_loop3A_552, %parallel_loop3A_575 : vector<32xbf16>
          %parallel_loop3A_577 = tpu.vector_load_idx %arg5[%broadcast_in_dim3A_14, %parallel_loop3A_564] : memref<2x10000xi32, #tpu.memory_space<vmem>>[vector<16xi32>, vector<16xi32>], vector<16xi32>,
          %parallel_loop3A_578 = vector.bitcast %parallel_loop3A_577 : vector<16xi32> to vector<32xbf16>
          %parallel_loop3A_579 = tpu.vector_load_idx %arg5[%broadcast_in_dim3A_14, %parallel_loop3A_570] : memref<2x10000xi32, #tpu.memory_space<vmem>>[vector<16xi32>, vector<16xi32>], vector<16xi32>,
          %parallel_loop3A_580 = vector.bitcast %parallel_loop3A_579 : vector<16xi32> to vector<32xbf16>
          %parallel_loop3A_581 = arith.subf %parallel_loop3A_578, %parallel_loop3A_580 : vector<32xbf16>
          %parallel_loop3A_582 = arith.maximumf %parallel_loop3A_558, %parallel_loop3A_581 : vector<32xbf16>
          %parallel_loop3A_583 = arith.constant 0 : i32
          %parallel_loop3A_584 = arith.constant 21 : i32
          %parallel_loop3A_585 = arith.index_cast %parallel_loop3A_583 : i32 to index
          %parallel_loop3A_586 = arith.index_cast %parallel_loop3A_584 : i32 to index
          %parallel_loop3A_587 = arith.index_cast %parallel_loop3A_80 : i32 to index
          %parallel_loop3A_588 = tpu.vector_load %arg7[%parallel_loop3A_585, %parallel_loop3A_586, %parallel_loop3A_587] {strides = array<i32>} : memref<2x32x400xi32, #tpu.memory_space<vmem>>, vector<16xi32>,
          %parallel_loop3A_589 = arith.constant 1 : i32
          %parallel_loop3A_590 = arith.constant 21 : i32
          %parallel_loop3A_591 = arith.index_cast %parallel_loop3A_589 : i32 to index
          %parallel_loop3A_592 = arith.index_cast %parallel_loop3A_590 : i32 to index
          %parallel_loop3A_593 = arith.index_cast %parallel_loop3A_80 : i32 to index
          %parallel_loop3A_594 = tpu.vector_load %arg7[%parallel_loop3A_591, %parallel_loop3A_592, %parallel_loop3A_593] {strides = array<i32>} : memref<2x32x400xi32, #tpu.memory_space<vmem>>, vector<16xi32>,
          %parallel_loop3A_595 = tpu.vector_load_idx %arg5[%broadcast_in_dim3A_12, %parallel_loop3A_588] : memref<2x10000xi32, #tpu.memory_space<vmem>>[vector<16xi32>, vector<16xi32>], vector<16xi32>,
          %parallel_loop3A_596 = vector.bitcast %parallel_loop3A_595 : vector<16xi32> to vector<32xbf16>
          %parallel_loop3A_597 = tpu.vector_load_idx %arg5[%broadcast_in_dim3A_12, %parallel_loop3A_594] : memref<2x10000xi32, #tpu.memory_space<vmem>>[vector<16xi32>, vector<16xi32>], vector<16xi32>,
          %parallel_loop3A_598 = vector.bitcast %parallel_loop3A_597 : vector<16xi32> to vector<32xbf16>
          %parallel_loop3A_599 = arith.subf %parallel_loop3A_596, %parallel_loop3A_598 : vector<32xbf16>
          %parallel_loop3A_600 = arith.maximumf %parallel_loop3A_576, %parallel_loop3A_599 : vector<32xbf16>
          %parallel_loop3A_601 = tpu.vector_load_idx %arg5[%broadcast_in_dim3A_14, %parallel_loop3A_588] : memref<2x10000xi32, #tpu.memory_space<vmem>>[vector<16xi32>, vector<16xi32>], vector<16xi32>,
          %parallel_loop3A_602 = vector.bitcast %parallel_loop3A_601 : vector<16xi32> to vector<32xbf16>
          %parallel_loop3A_603 = tpu.vector_load_idx %arg5[%broadcast_in_dim3A_14, %parallel_loop3A_594] : memref<2x10000xi32, #tpu.memory_space<vmem>>[vector<16xi32>, vector<16xi32>], vector<16xi32>,
          %parallel_loop3A_604 = vector.bitcast %parallel_loop3A_603 : vector<16xi32> to vector<32xbf16>
          %parallel_loop3A_605 = arith.subf %parallel_loop3A_602, %parallel_loop3A_604 : vector<32xbf16>
          %parallel_loop3A_606 = arith.maximumf %parallel_loop3A_582, %parallel_loop3A_605 : vector<32xbf16>
          %parallel_loop3A_607 = arith.constant 0 : i32
          %parallel_loop3A_608 = arith.constant 22 : i32
          %parallel_loop3A_609 = arith.index_cast %parallel_loop3A_607 : i32 to index
          %parallel_loop3A_610 = arith.index_cast %parallel_loop3A_608 : i32 to index
          %parallel_loop3A_611 = arith.index_cast %parallel_loop3A_80 : i32 to index
          %parallel_loop3A_612 = tpu.vector_load %arg7[%parallel_loop3A_609, %parallel_loop3A_610, %parallel_loop3A_611] {strides = array<i32>} : memref<2x32x400xi32, #tpu.memory_space<vmem>>, vector<16xi32>,
          %parallel_loop3A_613 = arith.constant 1 : i32
          %parallel_loop3A_614 = arith.constant 22 : i32
          %parallel_loop3A_615 = arith.index_cast %parallel_loop3A_613 : i32 to index
          %parallel_loop3A_616 = arith.index_cast %parallel_loop3A_614 : i32 to index
          %parallel_loop3A_617 = arith.index_cast %parallel_loop3A_80 : i32 to index
          %parallel_loop3A_618 = tpu.vector_load %arg7[%parallel_loop3A_615, %parallel_loop3A_616, %parallel_loop3A_617] {strides = array<i32>} : memref<2x32x400xi32, #tpu.memory_space<vmem>>, vector<16xi32>,
          %parallel_loop3A_619 = tpu.vector_load_idx %arg5[%broadcast_in_dim3A_12, %parallel_loop3A_612] : memref<2x10000xi32, #tpu.memory_space<vmem>>[vector<16xi32>, vector<16xi32>], vector<16xi32>,
          %parallel_loop3A_620 = vector.bitcast %parallel_loop3A_619 : vector<16xi32> to vector<32xbf16>
          %parallel_loop3A_621 = tpu.vector_load_idx %arg5[%broadcast_in_dim3A_12, %parallel_loop3A_618] : memref<2x10000xi32, #tpu.memory_space<vmem>>[vector<16xi32>, vector<16xi32>], vector<16xi32>,
          %parallel_loop3A_622 = vector.bitcast %parallel_loop3A_621 : vector<16xi32> to vector<32xbf16>
          %parallel_loop3A_623 = arith.subf %parallel_loop3A_620, %parallel_loop3A_622 : vector<32xbf16>
          %parallel_loop3A_624 = arith.maximumf %parallel_loop3A_600, %parallel_loop3A_623 : vector<32xbf16>
          %parallel_loop3A_625 = tpu.vector_load_idx %arg5[%broadcast_in_dim3A_14, %parallel_loop3A_612] : memref<2x10000xi32, #tpu.memory_space<vmem>>[vector<16xi32>, vector<16xi32>], vector<16xi32>,
          %parallel_loop3A_626 = vector.bitcast %parallel_loop3A_625 : vector<16xi32> to vector<32xbf16>
          %parallel_loop3A_627 = tpu.vector_load_idx %arg5[%broadcast_in_dim3A_14, %parallel_loop3A_618] : memref<2x10000xi32, #tpu.memory_space<vmem>>[vector<16xi32>, vector<16xi32>], vector<16xi32>,
          %parallel_loop3A_628 = vector.bitcast %parallel_loop3A_627 : vector<16xi32> to vector<32xbf16>
          %parallel_loop3A_629 = arith.subf %parallel_loop3A_626, %parallel_loop3A_628 : vector<32xbf16>
          %parallel_loop3A_630 = arith.maximumf %parallel_loop3A_606, %parallel_loop3A_629 : vector<32xbf16>
          %parallel_loop3A_631 = arith.constant 0 : i32
          %parallel_loop3A_632 = arith.constant 23 : i32
          %parallel_loop3A_633 = arith.index_cast %parallel_loop3A_631 : i32 to index
          %parallel_loop3A_634 = arith.index_cast %parallel_loop3A_632 : i32 to index
          %parallel_loop3A_635 = arith.index_cast %parallel_loop3A_80 : i32 to index
          %parallel_loop3A_636 = tpu.vector_load %arg7[%parallel_loop3A_633, %parallel_loop3A_634, %parallel_loop3A_635] {strides = array<i32>} : memref<2x32x400xi32, #tpu.memory_space<vmem>>, vector<16xi32>,
          %parallel_loop3A_637 = arith.constant 1 : i32
          %parallel_loop3A_638 = arith.constant 23 : i32
          %parallel_loop3A_639 = arith.index_cast %parallel_loop3A_637 : i32 to index
          %parallel_loop3A_640 = arith.index_cast %parallel_loop3A_638 : i32 to index
          %parallel_loop3A_641 = arith.index_cast %parallel_loop3A_80 : i32 to index
          %parallel_loop3A_642 = tpu.vector_load %arg7[%parallel_loop3A_639, %parallel_loop3A_640, %parallel_loop3A_641] {strides = array<i32>} : memref<2x32x400xi32, #tpu.memory_space<vmem>>, vector<16xi32>,
          %parallel_loop3A_643 = tpu.vector_load_idx %arg5[%broadcast_in_dim3A_12, %parallel_loop3A_636] : memref<2x10000xi32, #tpu.memory_space<vmem>>[vector<16xi32>, vector<16xi32>], vector<16xi32>,
          %parallel_loop3A_644 = vector.bitcast %parallel_loop3A_643 : vector<16xi32> to vector<32xbf16>
          %parallel_loop3A_645 = tpu.vector_load_idx %arg5[%broadcast_in_dim3A_12, %parallel_loop3A_642] : memref<2x10000xi32, #tpu.memory_space<vmem>>[vector<16xi32>, vector<16xi32>], vector<16xi32>,
          %parallel_loop3A_646 = vector.bitcast %parallel_loop3A_645 : vector<16xi32> to vector<32xbf16>
          %parallel_loop3A_647 = arith.subf %parallel_loop3A_644, %parallel_loop3A_646 : vector<32xbf16>
          %parallel_loop3A_648 = arith.maximumf %parallel_loop3A_624, %parallel_loop3A_647 : vector<32xbf16>
          %parallel_loop3A_649 = tpu.vector_load_idx %arg5[%broadcast_in_dim3A_14, %parallel_loop3A_636] : memref<2x10000xi32, #tpu.memory_space<vmem>>[vector<16xi32>, vector<16xi32>], vector<16xi32>,
          %parallel_loop3A_650 = vector.bitcast %parallel_loop3A_649 : vector<16xi32> to vector<32xbf16>
          %parallel_loop3A_651 = tpu.vector_load_idx %arg5[%broadcast_in_dim3A_14, %parallel_loop3A_642] : memref<2x10000xi32, #tpu.memory_space<vmem>>[vector<16xi32>, vector<16xi32>], vector<16xi32>,
          %parallel_loop3A_652 = vector.bitcast %parallel_loop3A_651 : vector<16xi32> to vector<32xbf16>
          %parallel_loop3A_653 = arith.subf %parallel_loop3A_650, %parallel_loop3A_652 : vector<32xbf16>
          %parallel_loop3A_654 = arith.maximumf %parallel_loop3A_630, %parallel_loop3A_653 : vector<32xbf16>
          %parallel_loop3A_655 = arith.constant 0 : i32
          %parallel_loop3A_656 = arith.constant 24 : i32
          %parallel_loop3A_657 = arith.index_cast %parallel_loop3A_655 : i32 to index
          %parallel_loop3A_658 = arith.index_cast %parallel_loop3A_656 : i32 to index
          %parallel_loop3A_659 = arith.index_cast %parallel_loop3A_80 : i32 to index
          %parallel_loop3A_660 = tpu.vector_load %arg7[%parallel_loop3A_657, %parallel_loop3A_658, %parallel_loop3A_659] {strides = array<i32>} : memref<2x32x400xi32, #tpu.memory_space<vmem>>, vector<16xi32>,
          %parallel_loop3A_661 = arith.constant 1 : i32
          %parallel_loop3A_662 = arith.constant 24 : i32
          %parallel_loop3A_663 = arith.index_cast %parallel_loop3A_661 : i32 to index
          %parallel_loop3A_664 = arith.index_cast %parallel_loop3A_662 : i32 to index
          %parallel_loop3A_665 = arith.index_cast %parallel_loop3A_80 : i32 to index
          %parallel_loop3A_666 = tpu.vector_load %arg7[%parallel_loop3A_663, %parallel_loop3A_664, %parallel_loop3A_665] {strides = array<i32>} : memref<2x32x400xi32, #tpu.memory_space<vmem>>, vector<16xi32>,
          %parallel_loop3A_667 = tpu.vector_load_idx %arg5[%broadcast_in_dim3A_12, %parallel_loop3A_660] : memref<2x10000xi32, #tpu.memory_space<vmem>>[vector<16xi32>, vector<16xi32>], vector<16xi32>,
          %parallel_loop3A_668 = vector.bitcast %parallel_loop3A_667 : vector<16xi32> to vector<32xbf16>
          %parallel_loop3A_669 = tpu.vector_load_idx %arg5[%broadcast_in_dim3A_12, %parallel_loop3A_666] : memref<2x10000xi32, #tpu.memory_space<vmem>>[vector<16xi32>, vector<16xi32>], vector<16xi32>,
          %parallel_loop3A_670 = vector.bitcast %parallel_loop3A_669 : vector<16xi32> to vector<32xbf16>
          %parallel_loop3A_671 = arith.subf %parallel_loop3A_668, %parallel_loop3A_670 : vector<32xbf16>
          %parallel_loop3A_672 = arith.maximumf %parallel_loop3A_648, %parallel_loop3A_671 : vector<32xbf16>
          %parallel_loop3A_673 = tpu.vector_load_idx %arg5[%broadcast_in_dim3A_14, %parallel_loop3A_660] : memref<2x10000xi32, #tpu.memory_space<vmem>>[vector<16xi32>, vector<16xi32>], vector<16xi32>,
          %parallel_loop3A_674 = vector.bitcast %parallel_loop3A_673 : vector<16xi32> to vector<32xbf16>
          %parallel_loop3A_675 = tpu.vector_load_idx %arg5[%broadcast_in_dim3A_14, %parallel_loop3A_666] : memref<2x10000xi32, #tpu.memory_space<vmem>>[vector<16xi32>, vector<16xi32>], vector<16xi32>,
          %parallel_loop3A_676 = vector.bitcast %parallel_loop3A_675 : vector<16xi32> to vector<32xbf16>
          %parallel_loop3A_677 = arith.subf %parallel_loop3A_674, %parallel_loop3A_676 : vector<32xbf16>
          %parallel_loop3A_678 = arith.maximumf %parallel_loop3A_654, %parallel_loop3A_677 : vector<32xbf16>
          %parallel_loop3A_679 = arith.constant 0 : i32
          %parallel_loop3A_680 = arith.constant 25 : i32
          %parallel_loop3A_681 = arith.index_cast %parallel_loop3A_679 : i32 to index
          %parallel_loop3A_682 = arith.index_cast %parallel_loop3A_680 : i32 to index
          %parallel_loop3A_683 = arith.index_cast %parallel_loop3A_80 : i32 to index
          %parallel_loop3A_684 = tpu.vector_load %arg7[%parallel_loop3A_681, %parallel_loop3A_682, %parallel_loop3A_683] {strides = array<i32>} : memref<2x32x400xi32, #tpu.memory_space<vmem>>, vector<16xi32>,
          %parallel_loop3A_685 = arith.constant 1 : i32
          %parallel_loop3A_686 = arith.constant 25 : i32
          %parallel_loop3A_687 = arith.index_cast %parallel_loop3A_685 : i32 to index
          %parallel_loop3A_688 = arith.index_cast %parallel_loop3A_686 : i32 to index
          %parallel_loop3A_689 = arith.index_cast %parallel_loop3A_80 : i32 to index
          %parallel_loop3A_690 = tpu.vector_load %arg7[%parallel_loop3A_687, %parallel_loop3A_688, %parallel_loop3A_689] {strides = array<i32>} : memref<2x32x400xi32, #tpu.memory_space<vmem>>, vector<16xi32>,
          %parallel_loop3A_691 = tpu.vector_load_idx %arg5[%broadcast_in_dim3A_12, %parallel_loop3A_684] : memref<2x10000xi32, #tpu.memory_space<vmem>>[vector<16xi32>, vector<16xi32>], vector<16xi32>,
          %parallel_loop3A_692 = vector.bitcast %parallel_loop3A_691 : vector<16xi32> to vector<32xbf16>
          %parallel_loop3A_693 = tpu.vector_load_idx %arg5[%broadcast_in_dim3A_12, %parallel_loop3A_690] : memref<2x10000xi32, #tpu.memory_space<vmem>>[vector<16xi32>, vector<16xi32>], vector<16xi32>,
          %parallel_loop3A_694 = vector.bitcast %parallel_loop3A_693 : vector<16xi32> to vector<32xbf16>
          %parallel_loop3A_695 = arith.subf %parallel_loop3A_692, %parallel_loop3A_694 : vector<32xbf16>
          %parallel_loop3A_696 = arith.maximumf %parallel_loop3A_672, %parallel_loop3A_695 : vector<32xbf16>
          %parallel_loop3A_697 = tpu.vector_load_idx %arg5[%broadcast_in_dim3A_14, %parallel_loop3A_684] : memref<2x10000xi32, #tpu.memory_space<vmem>>[vector<16xi32>, vector<16xi32>], vector<16xi32>,
          %parallel_loop3A_698 = vector.bitcast %parallel_loop3A_697 : vector<16xi32> to vector<32xbf16>
          %parallel_loop3A_699 = tpu.vector_load_idx %arg5[%broadcast_in_dim3A_14, %parallel_loop3A_690] : memref<2x10000xi32, #tpu.memory_space<vmem>>[vector<16xi32>, vector<16xi32>], vector<16xi32>,
          %parallel_loop3A_700 = vector.bitcast %parallel_loop3A_699 : vector<16xi32> to vector<32xbf16>
          %parallel_loop3A_701 = arith.subf %parallel_loop3A_698, %parallel_loop3A_700 : vector<32xbf16>
          %parallel_loop3A_702 = arith.maximumf %parallel_loop3A_678, %parallel_loop3A_701 : vector<32xbf16>
          %parallel_loop3A_703 = arith.constant 0 : i32
          %parallel_loop3A_704 = arith.constant 26 : i32
          %parallel_loop3A_705 = arith.index_cast %parallel_loop3A_703 : i32 to index
          %parallel_loop3A_706 = arith.index_cast %parallel_loop3A_704 : i32 to index
          %parallel_loop3A_707 = arith.index_cast %parallel_loop3A_80 : i32 to index
          %parallel_loop3A_708 = tpu.vector_load %arg7[%parallel_loop3A_705, %parallel_loop3A_706, %parallel_loop3A_707] {strides = array<i32>} : memref<2x32x400xi32, #tpu.memory_space<vmem>>, vector<16xi32>,
          %parallel_loop3A_709 = arith.constant 1 : i32
          %parallel_loop3A_710 = arith.constant 26 : i32
          %parallel_loop3A_711 = arith.index_cast %parallel_loop3A_709 : i32 to index
          %parallel_loop3A_712 = arith.index_cast %parallel_loop3A_710 : i32 to index
          %parallel_loop3A_713 = arith.index_cast %parallel_loop3A_80 : i32 to index
          %parallel_loop3A_714 = tpu.vector_load %arg7[%parallel_loop3A_711, %parallel_loop3A_712, %parallel_loop3A_713] {strides = array<i32>} : memref<2x32x400xi32, #tpu.memory_space<vmem>>, vector<16xi32>,
          %parallel_loop3A_715 = tpu.vector_load_idx %arg5[%broadcast_in_dim3A_12, %parallel_loop3A_708] : memref<2x10000xi32, #tpu.memory_space<vmem>>[vector<16xi32>, vector<16xi32>], vector<16xi32>,
          %parallel_loop3A_716 = vector.bitcast %parallel_loop3A_715 : vector<16xi32> to vector<32xbf16>
          %parallel_loop3A_717 = tpu.vector_load_idx %arg5[%broadcast_in_dim3A_12, %parallel_loop3A_714] : memref<2x10000xi32, #tpu.memory_space<vmem>>[vector<16xi32>, vector<16xi32>], vector<16xi32>,
          %parallel_loop3A_718 = vector.bitcast %parallel_loop3A_717 : vector<16xi32> to vector<32xbf16>
          %parallel_loop3A_719 = arith.subf %parallel_loop3A_716, %parallel_loop3A_718 : vector<32xbf16>
          %parallel_loop3A_720 = arith.maximumf %parallel_loop3A_696, %parallel_loop3A_719 : vector<32xbf16>
          %parallel_loop3A_721 = tpu.vector_load_idx %arg5[%broadcast_in_dim3A_14, %parallel_loop3A_708] : memref<2x10000xi32, #tpu.memory_space<vmem>>[vector<16xi32>, vector<16xi32>], vector<16xi32>,
          %parallel_loop3A_722 = vector.bitcast %parallel_loop3A_721 : vector<16xi32> to vector<32xbf16>
          %parallel_loop3A_723 = tpu.vector_load_idx %arg5[%broadcast_in_dim3A_14, %parallel_loop3A_714] : memref<2x10000xi32, #tpu.memory_space<vmem>>[vector<16xi32>, vector<16xi32>], vector<16xi32>,
          %parallel_loop3A_724 = vector.bitcast %parallel_loop3A_723 : vector<16xi32> to vector<32xbf16>
          %parallel_loop3A_725 = arith.subf %parallel_loop3A_722, %parallel_loop3A_724 : vector<32xbf16>
          %parallel_loop3A_726 = arith.maximumf %parallel_loop3A_702, %parallel_loop3A_725 : vector<32xbf16>
          %parallel_loop3A_727 = arith.constant 0 : i32
          %parallel_loop3A_728 = arith.constant 27 : i32
          %parallel_loop3A_729 = arith.index_cast %parallel_loop3A_727 : i32 to index
          %parallel_loop3A_730 = arith.index_cast %parallel_loop3A_728 : i32 to index
          %parallel_loop3A_731 = arith.index_cast %parallel_loop3A_80 : i32 to index
          %parallel_loop3A_732 = tpu.vector_load %arg7[%parallel_loop3A_729, %parallel_loop3A_730, %parallel_loop3A_731] {strides = array<i32>} : memref<2x32x400xi32, #tpu.memory_space<vmem>>, vector<16xi32>,
          %parallel_loop3A_733 = arith.constant 1 : i32
          %parallel_loop3A_734 = arith.constant 27 : i32
          %parallel_loop3A_735 = arith.index_cast %parallel_loop3A_733 : i32 to index
          %parallel_loop3A_736 = arith.index_cast %parallel_loop3A_734 : i32 to index
          %parallel_loop3A_737 = arith.index_cast %parallel_loop3A_80 : i32 to index
          %parallel_loop3A_738 = tpu.vector_load %arg7[%parallel_loop3A_735, %parallel_loop3A_736, %parallel_loop3A_737] {strides = array<i32>} : memref<2x32x400xi32, #tpu.memory_space<vmem>>, vector<16xi32>,
          %parallel_loop3A_739 = tpu.vector_load_idx %arg5[%broadcast_in_dim3A_12, %parallel_loop3A_732] : memref<2x10000xi32, #tpu.memory_space<vmem>>[vector<16xi32>, vector<16xi32>], vector<16xi32>,
          %parallel_loop3A_740 = vector.bitcast %parallel_loop3A_739 : vector<16xi32> to vector<32xbf16>
          %parallel_loop3A_741 = tpu.vector_load_idx %arg5[%broadcast_in_dim3A_12, %parallel_loop3A_738] : memref<2x10000xi32, #tpu.memory_space<vmem>>[vector<16xi32>, vector<16xi32>], vector<16xi32>,
          %parallel_loop3A_742 = vector.bitcast %parallel_loop3A_741 : vector<16xi32> to vector<32xbf16>
          %parallel_loop3A_743 = arith.subf %parallel_loop3A_740, %parallel_loop3A_742 : vector<32xbf16>
          %parallel_loop3A_744 = arith.maximumf %parallel_loop3A_720, %parallel_loop3A_743 : vector<32xbf16>
          %parallel_loop3A_745 = tpu.vector_load_idx %arg5[%broadcast_in_dim3A_14, %parallel_loop3A_732] : memref<2x10000xi32, #tpu.memory_space<vmem>>[vector<16xi32>, vector<16xi32>], vector<16xi32>,
          %parallel_loop3A_746 = vector.bitcast %parallel_loop3A_745 : vector<16xi32> to vector<32xbf16>
          %parallel_loop3A_747 = tpu.vector_load_idx %arg5[%broadcast_in_dim3A_14, %parallel_loop3A_738] : memref<2x10000xi32, #tpu.memory_space<vmem>>[vector<16xi32>, vector<16xi32>], vector<16xi32>,
          %parallel_loop3A_748 = vector.bitcast %parallel_loop3A_747 : vector<16xi32> to vector<32xbf16>
          %parallel_loop3A_749 = arith.subf %parallel_loop3A_746, %parallel_loop3A_748 : vector<32xbf16>
          %parallel_loop3A_750 = arith.maximumf %parallel_loop3A_726, %parallel_loop3A_749 : vector<32xbf16>
          %parallel_loop3A_751 = arith.constant 0 : i32
          %parallel_loop3A_752 = arith.constant 28 : i32
          %parallel_loop3A_753 = arith.index_cast %parallel_loop3A_751 : i32 to index
          %parallel_loop3A_754 = arith.index_cast %parallel_loop3A_752 : i32 to index
          %parallel_loop3A_755 = arith.index_cast %parallel_loop3A_80 : i32 to index
          %parallel_loop3A_756 = tpu.vector_load %arg7[%parallel_loop3A_753, %parallel_loop3A_754, %parallel_loop3A_755] {strides = array<i32>} : memref<2x32x400xi32, #tpu.memory_space<vmem>>, vector<16xi32>,
          %parallel_loop3A_757 = arith.constant 1 : i32
          %parallel_loop3A_758 = arith.constant 28 : i32
          %parallel_loop3A_759 = arith.index_cast %parallel_loop3A_757 : i32 to index
          %parallel_loop3A_760 = arith.index_cast %parallel_loop3A_758 : i32 to index
          %parallel_loop3A_761 = arith.index_cast %parallel_loop3A_80 : i32 to index
          %parallel_loop3A_762 = tpu.vector_load %arg7[%parallel_loop3A_759, %parallel_loop3A_760, %parallel_loop3A_761] {strides = array<i32>} : memref<2x32x400xi32, #tpu.memory_space<vmem>>, vector<16xi32>,
          %parallel_loop3A_763 = tpu.vector_load_idx %arg5[%broadcast_in_dim3A_12, %parallel_loop3A_756] : memref<2x10000xi32, #tpu.memory_space<vmem>>[vector<16xi32>, vector<16xi32>], vector<16xi32>,
          %parallel_loop3A_764 = vector.bitcast %parallel_loop3A_763 : vector<16xi32> to vector<32xbf16>
          %parallel_loop3A_765 = tpu.vector_load_idx %arg5[%broadcast_in_dim3A_12, %parallel_loop3A_762] : memref<2x10000xi32, #tpu.memory_space<vmem>>[vector<16xi32>, vector<16xi32>], vector<16xi32>,
          %parallel_loop3A_766 = vector.bitcast %parallel_loop3A_765 : vector<16xi32> to vector<32xbf16>
          %parallel_loop3A_767 = arith.subf %parallel_loop3A_764, %parallel_loop3A_766 : vector<32xbf16>
          %parallel_loop3A_768 = arith.maximumf %parallel_loop3A_744, %parallel_loop3A_767 : vector<32xbf16>
          %parallel_loop3A_769 = tpu.vector_load_idx %arg5[%broadcast_in_dim3A_14, %parallel_loop3A_756] : memref<2x10000xi32, #tpu.memory_space<vmem>>[vector<16xi32>, vector<16xi32>], vector<16xi32>,
          %parallel_loop3A_770 = vector.bitcast %parallel_loop3A_769 : vector<16xi32> to vector<32xbf16>
          %parallel_loop3A_771 = tpu.vector_load_idx %arg5[%broadcast_in_dim3A_14, %parallel_loop3A_762] : memref<2x10000xi32, #tpu.memory_space<vmem>>[vector<16xi32>, vector<16xi32>], vector<16xi32>,
          %parallel_loop3A_772 = vector.bitcast %parallel_loop3A_771 : vector<16xi32> to vector<32xbf16>
          %parallel_loop3A_773 = arith.subf %parallel_loop3A_770, %parallel_loop3A_772 : vector<32xbf16>
          %parallel_loop3A_774 = arith.maximumf %parallel_loop3A_750, %parallel_loop3A_773 : vector<32xbf16>
          %parallel_loop3A_775 = arith.constant 0 : i32
          %parallel_loop3A_776 = arith.constant 29 : i32
          %parallel_loop3A_777 = arith.index_cast %parallel_loop3A_775 : i32 to index
          %parallel_loop3A_778 = arith.index_cast %parallel_loop3A_776 : i32 to index
          %parallel_loop3A_779 = arith.index_cast %parallel_loop3A_80 : i32 to index
          %parallel_loop3A_780 = tpu.vector_load %arg7[%parallel_loop3A_777, %parallel_loop3A_778, %parallel_loop3A_779] {strides = array<i32>} : memref<2x32x400xi32, #tpu.memory_space<vmem>>, vector<16xi32>,
          %parallel_loop3A_781 = arith.constant 1 : i32
          %parallel_loop3A_782 = arith.constant 29 : i32
          %parallel_loop3A_783 = arith.index_cast %parallel_loop3A_781 : i32 to index
          %parallel_loop3A_784 = arith.index_cast %parallel_loop3A_782 : i32 to index
          %parallel_loop3A_785 = arith.index_cast %parallel_loop3A_80 : i32 to index
          %parallel_loop3A_786 = tpu.vector_load %arg7[%parallel_loop3A_783, %parallel_loop3A_784, %parallel_loop3A_785] {strides = array<i32>} : memref<2x32x400xi32, #tpu.memory_space<vmem>>, vector<16xi32>,
          %parallel_loop3A_787 = tpu.vector_load_idx %arg5[%broadcast_in_dim3A_12, %parallel_loop3A_780] : memref<2x10000xi32, #tpu.memory_space<vmem>>[vector<16xi32>, vector<16xi32>], vector<16xi32>,
          %parallel_loop3A_788 = vector.bitcast %parallel_loop3A_787 : vector<16xi32> to vector<32xbf16>
          %parallel_loop3A_789 = tpu.vector_load_idx %arg5[%broadcast_in_dim3A_12, %parallel_loop3A_786] : memref<2x10000xi32, #tpu.memory_space<vmem>>[vector<16xi32>, vector<16xi32>], vector<16xi32>,
          %parallel_loop3A_790 = vector.bitcast %parallel_loop3A_789 : vector<16xi32> to vector<32xbf16>
          %parallel_loop3A_791 = arith.subf %parallel_loop3A_788, %parallel_loop3A_790 : vector<32xbf16>
          %parallel_loop3A_792 = arith.maximumf %parallel_loop3A_768, %parallel_loop3A_791 : vector<32xbf16>
          %parallel_loop3A_793 = tpu.vector_load_idx %arg5[%broadcast_in_dim3A_14, %parallel_loop3A_780] : memref<2x10000xi32, #tpu.memory_space<vmem>>[vector<16xi32>, vector<16xi32>], vector<16xi32>,
          %parallel_loop3A_794 = vector.bitcast %parallel_loop3A_793 : vector<16xi32> to vector<32xbf16>
          %parallel_loop3A_795 = tpu.vector_load_idx %arg5[%broadcast_in_dim3A_14, %parallel_loop3A_786] : memref<2x10000xi32, #tpu.memory_space<vmem>>[vector<16xi32>, vector<16xi32>], vector<16xi32>,
          %parallel_loop3A_796 = vector.bitcast %parallel_loop3A_795 : vector<16xi32> to vector<32xbf16>
          %parallel_loop3A_797 = arith.subf %parallel_loop3A_794, %parallel_loop3A_796 : vector<32xbf16>
          %parallel_loop3A_798 = arith.maximumf %parallel_loop3A_774, %parallel_loop3A_797 : vector<32xbf16>
          %parallel_loop3A_799 = arith.constant 0 : i32
          %parallel_loop3A_800 = arith.constant 30 : i32
          %parallel_loop3A_801 = arith.index_cast %parallel_loop3A_799 : i32 to index
          %parallel_loop3A_802 = arith.index_cast %parallel_loop3A_800 : i32 to index
          %parallel_loop3A_803 = arith.index_cast %parallel_loop3A_80 : i32 to index
          %parallel_loop3A_804 = tpu.vector_load %arg7[%parallel_loop3A_801, %parallel_loop3A_802, %parallel_loop3A_803] {strides = array<i32>} : memref<2x32x400xi32, #tpu.memory_space<vmem>>, vector<16xi32>,
          %parallel_loop3A_805 = arith.constant 1 : i32
          %parallel_loop3A_806 = arith.constant 30 : i32
          %parallel_loop3A_807 = arith.index_cast %parallel_loop3A_805 : i32 to index
          %parallel_loop3A_808 = arith.index_cast %parallel_loop3A_806 : i32 to index
          %parallel_loop3A_809 = arith.index_cast %parallel_loop3A_80 : i32 to index
          %parallel_loop3A_810 = tpu.vector_load %arg7[%parallel_loop3A_807, %parallel_loop3A_808, %parallel_loop3A_809] {strides = array<i32>} : memref<2x32x400xi32, #tpu.memory_space<vmem>>, vector<16xi32>,
          %parallel_loop3A_811 = tpu.vector_load_idx %arg5[%broadcast_in_dim3A_12, %parallel_loop3A_804] : memref<2x10000xi32, #tpu.memory_space<vmem>>[vector<16xi32>, vector<16xi32>], vector<16xi32>,
          %parallel_loop3A_812 = vector.bitcast %parallel_loop3A_811 : vector<16xi32> to vector<32xbf16>
          %parallel_loop3A_813 = tpu.vector_load_idx %arg5[%broadcast_in_dim3A_12, %parallel_loop3A_810] : memref<2x10000xi32, #tpu.memory_space<vmem>>[vector<16xi32>, vector<16xi32>], vector<16xi32>,
          %parallel_loop3A_814 = vector.bitcast %parallel_loop3A_813 : vector<16xi32> to vector<32xbf16>
          %parallel_loop3A_815 = arith.subf %parallel_loop3A_812, %parallel_loop3A_814 : vector<32xbf16>
          %parallel_loop3A_816 = arith.maximumf %parallel_loop3A_792, %parallel_loop3A_815 : vector<32xbf16>
          %parallel_loop3A_817 = tpu.vector_load_idx %arg5[%broadcast_in_dim3A_14, %parallel_loop3A_804] : memref<2x10000xi32, #tpu.memory_space<vmem>>[vector<16xi32>, vector<16xi32>], vector<16xi32>,
          %parallel_loop3A_818 = vector.bitcast %parallel_loop3A_817 : vector<16xi32> to vector<32xbf16>
          %parallel_loop3A_819 = tpu.vector_load_idx %arg5[%broadcast_in_dim3A_14, %parallel_loop3A_810] : memref<2x10000xi32, #tpu.memory_space<vmem>>[vector<16xi32>, vector<16xi32>], vector<16xi32>,
          %parallel_loop3A_820 = vector.bitcast %parallel_loop3A_819 : vector<16xi32> to vector<32xbf16>
          %parallel_loop3A_821 = arith.subf %parallel_loop3A_818, %parallel_loop3A_820 : vector<32xbf16>
          %parallel_loop3A_822 = arith.maximumf %parallel_loop3A_798, %parallel_loop3A_821 : vector<32xbf16>
          %parallel_loop3A_823 = arith.constant 0 : i32
          %parallel_loop3A_824 = arith.constant 31 : i32
          %parallel_loop3A_825 = arith.index_cast %parallel_loop3A_823 : i32 to index
          %parallel_loop3A_826 = arith.index_cast %parallel_loop3A_824 : i32 to index
          %parallel_loop3A_827 = arith.index_cast %parallel_loop3A_80 : i32 to index
          %parallel_loop3A_828 = tpu.vector_load %arg7[%parallel_loop3A_825, %parallel_loop3A_826, %parallel_loop3A_827] {strides = array<i32>} : memref<2x32x400xi32, #tpu.memory_space<vmem>>, vector<16xi32>,
          %parallel_loop3A_829 = arith.constant 1 : i32
          %parallel_loop3A_830 = arith.constant 31 : i32
          %parallel_loop3A_831 = arith.index_cast %parallel_loop3A_829 : i32 to index
          %parallel_loop3A_832 = arith.index_cast %parallel_loop3A_830 : i32 to index
          %parallel_loop3A_833 = arith.index_cast %parallel_loop3A_80 : i32 to index
          %parallel_loop3A_834 = tpu.vector_load %arg7[%parallel_loop3A_831, %parallel_loop3A_832, %parallel_loop3A_833] {strides = array<i32>} : memref<2x32x400xi32, #tpu.memory_space<vmem>>, vector<16xi32>,
          %parallel_loop3A_835 = tpu.vector_load_idx %arg5[%broadcast_in_dim3A_12, %parallel_loop3A_828] : memref<2x10000xi32, #tpu.memory_space<vmem>>[vector<16xi32>, vector<16xi32>], vector<16xi32>,
          %parallel_loop3A_836 = vector.bitcast %parallel_loop3A_835 : vector<16xi32> to vector<32xbf16>
          %parallel_loop3A_837 = tpu.vector_load_idx %arg5[%broadcast_in_dim3A_12, %parallel_loop3A_834] : memref<2x10000xi32, #tpu.memory_space<vmem>>[vector<16xi32>, vector<16xi32>], vector<16xi32>,
          %parallel_loop3A_838 = vector.bitcast %parallel_loop3A_837 : vector<16xi32> to vector<32xbf16>
          %parallel_loop3A_839 = arith.subf %parallel_loop3A_836, %parallel_loop3A_838 : vector<32xbf16>
          %parallel_loop3A_840 = arith.maximumf %parallel_loop3A_816, %parallel_loop3A_839 : vector<32xbf16>
          %parallel_loop3A_841 = tpu.vector_load_idx %arg5[%broadcast_in_dim3A_14, %parallel_loop3A_828] : memref<2x10000xi32, #tpu.memory_space<vmem>>[vector<16xi32>, vector<16xi32>], vector<16xi32>,
          %parallel_loop3A_842 = vector.bitcast %parallel_loop3A_841 : vector<16xi32> to vector<32xbf16>
          %parallel_loop3A_843 = tpu.vector_load_idx %arg5[%broadcast_in_dim3A_14, %parallel_loop3A_834] : memref<2x10000xi32, #tpu.memory_space<vmem>>[vector<16xi32>, vector<16xi32>], vector<16xi32>,
          %parallel_loop3A_844 = vector.bitcast %parallel_loop3A_843 : vector<16xi32> to vector<32xbf16>
          %parallel_loop3A_845 = arith.subf %parallel_loop3A_842, %parallel_loop3A_844 : vector<32xbf16>
          %parallel_loop3A_846 = arith.maximumf %parallel_loop3A_822, %parallel_loop3A_845 : vector<32xbf16>
          %parallel_loop3A_847 = tpu.unpack_subelements %parallel_loop3A_840, 0 {pack_format = #tpu.pack_format<interleaved>} : vector<32xbf16> -> vector<16xf32>
          %parallel_loop3A_848 = tpu.unpack_subelements %parallel_loop3A_840, 1 {pack_format = #tpu.pack_format<interleaved>} : vector<32xbf16> -> vector<16xf32>
          %parallel_loop3A_849 = arith.constant 0 : i32
          %parallel_loop3A_850 = arith.index_cast %parallel_loop3A_849 : i32 to index
          %parallel_loop3A_851 = arith.index_cast %parallel_loop3A_78 : i32 to index
          %parallel_loop3A_852 = tpu.vector_load %arg6[%parallel_loop3A_850, %parallel_loop3A_851] {strides = array<i32>} : memref<4x10000xf32, #tpu.memory_space<vmem>>, vector<16xf32>,
          tpu.vector_store %arg6[%parallel_loop3A_850, %parallel_loop3A_851], %parallel_loop3A_847 {strides = array<i32>} : memref<4x10000xf32, #tpu.memory_space<vmem>>, vector<16xf32>,
          %parallel_loop3A_853 = arith.constant 1 : i32
          %parallel_loop3A_854 = arith.index_cast %parallel_loop3A_853 : i32 to index
          %parallel_loop3A_855 = arith.index_cast %parallel_loop3A_78 : i32 to index
          %parallel_loop3A_856 = tpu.vector_load %arg6[%parallel_loop3A_854, %parallel_loop3A_855] {strides = array<i32>} : memref<4x10000xf32, #tpu.memory_space<vmem>>, vector<16xf32>,
          tpu.vector_store %arg6[%parallel_loop3A_854, %parallel_loop3A_855], %parallel_loop3A_848 {strides = array<i32>} : memref<4x10000xf32, #tpu.memory_space<vmem>>, vector<16xf32>,
          %parallel_loop3A_857 = tpu.unpack_subelements %parallel_loop3A_846, 0 {pack_format = #tpu.pack_format<interleaved>} : vector<32xbf16> -> vector<16xf32>
          %parallel_loop3A_858 = tpu.unpack_subelements %parallel_loop3A_846, 1 {pack_format = #tpu.pack_format<interleaved>} : vector<32xbf16> -> vector<16xf32>
          %parallel_loop3A_859 = arith.constant 2 : i32
          %parallel_loop3A_860 = arith.index_cast %parallel_loop3A_859 : i32 to index
          %parallel_loop3A_861 = arith.index_cast %parallel_loop3A_78 : i32 to index
          %parallel_loop3A_862 = tpu.vector_load %arg6[%parallel_loop3A_860, %parallel_loop3A_861] {strides = array<i32>} : memref<4x10000xf32, #tpu.memory_space<vmem>>, vector<16xf32>,
          tpu.vector_store %arg6[%parallel_loop3A_860, %parallel_loop3A_861], %parallel_loop3A_857 {strides = array<i32>} : memref<4x10000xf32, #tpu.memory_space<vmem>>, vector<16xf32>,
          %parallel_loop3A_863 = arith.constant 3 : i32
          %parallel_loop3A_864 = arith.index_cast %parallel_loop3A_863 : i32 to index
          %parallel_loop3A_865 = arith.index_cast %parallel_loop3A_78 : i32 to index
          %parallel_loop3A_866 = tpu.vector_load %arg6[%parallel_loop3A_864, %parallel_loop3A_865] {strides = array<i32>} : memref<4x10000xf32, #tpu.memory_space<vmem>>, vector<16xf32>,
          tpu.vector_store %arg6[%parallel_loop3A_864, %parallel_loop3A_865], %parallel_loop3A_858 {strides = array<i32>} : memref<4x10000xf32, #tpu.memory_space<vmem>>, vector<16xf32>,
        } {sc.loop_unroll_factor = 4 : i64, sc.parallel_access}
      } else {
      }
      %jit3A_37 = arith.constant 2 : i32
      %eq3A_38 = arith.constant 0 : i32
      %eq3A_39 = arith.cmpi eq, %jit3A_37, %eq3A_38 : i32
      %jit3A_40 = arith.constant 1 : i32
      %select_n3A_41 = arith.select %eq3A_39, %jit3A_40, %jit3A_37 : i32
      %rem3A_42 = arith.remsi %scan3A_21, %select_n3A_41 : i32
      %ne3A_43 = arith.constant 0 : i32
      %ne3A_44 = arith.cmpi ne, %rem3A_42, %ne3A_43 : i32
      %lt3A_45 = arith.constant 0 : i32
      %lt3A_46 = arith.cmpi slt, %rem3A_42, %lt3A_45 : i32
      %lt3A_47 = arith.constant 0 : i32
      %lt3A_48 = arith.cmpi slt, %select_n3A_41, %lt3A_47 : i32
      %ne3A_49 = arith.xori %lt3A_46, %lt3A_48 : i1
      %and3A_50 = arith.andi %ne3A_49, %ne3A_44 : i1
      %add3A_51 = arith.addi %rem3A_42, %select_n3A_41 : i32
      %select_n3A_52 = arith.select %and3A_50, %add3A_51, %rem3A_42 : i32
      %eq3A_53 = arith.constant 1 : i32
      %eq3A_54 = arith.cmpi eq, %select_n3A_52, %eq3A_53 : i32
      %convert_element_type3A_55 = arith.extui %eq3A_54 : i1 to i32
      %cond3A_56 = arith.constant 0 : i32
      %cond3A_57 = arith.cmpi ne, %convert_element_type3A_55, %cond3A_56 : i32
      scf.if %cond3A_57 {
        %lt3A_59 = arith.constant 25 : i32
        %lt3A_60 = arith.cmpi slt, %add3A_24, %lt3A_59 : i32
        %convert_element_type3A_61 = arith.extui %lt3A_60 : i1 to i32
        %cond3A_62 = arith.constant 0 : i32
        %cond3A_63 = arith.cmpi ne, %convert_element_type3A_61, %cond3A_62 : i32
        scf.if %cond3A_63 {
          %mul3A_73 = arith.constant 400 : i32
          %mul3A_74 = arith.muli %add3A_24, %mul3A_73 : i32
          %dma_start3A_75 = arith.constant 0 : i32
          %dma_start3A_76 = arith.constant 0 : i32
          %dma_start3A_77 = tpu.memref_slice %arg3[%dma_start3A_75, %dma_start3A_76, %mul3A_74] : memref<2x32x10000xi32, #tpu.memory_space<hbm>> -> memref<2x32x400xi32, #tpu.memory_space<hbm>>
          %dma_start3A_78 = arith.constant 0 : i32
          %dma_start3A_79 = arith.constant 0 : i32
          %dma_start3A_80 = tpu.memref_slice %arg3[%dma_start3A_78, %dma_start3A_79, %mul3A_74] : memref<2x32x10000xi32, #tpu.memory_space<hbm>> -> memref<2x32x400xi32, #tpu.memory_space<hbm>>
          tpu.enqueue_dma source(%dma_start3A_80 : memref<2x32x400xi32, #tpu.memory_space<hbm>>) target(%arg7 : memref<2x32x400xi32, #tpu.memory_space<vmem>>) target_semaphore(%arg9 : memref<!tpu.dma_semaphore, #tpu.memory_space<semaphore_mem>>)
        } else {
        }
        %mul3A_64 = arith.constant 400 : i32
        %mul3A_65 = arith.muli %scan3A_21, %mul3A_64 : i32
        %dma_wait3A = arith.constant 0 : i32
        %dma_wait3A_66 = arith.constant 0 : i32
        %dma_wait3A_67 = tpu.memref_slice %arg3[%dma_wait3A, %dma_wait3A_66, %mul3A_65] : memref<2x32x10000xi32, #tpu.memory_space<hbm>> -> memref<2x32x400xi32, #tpu.memory_space<hbm>>
        %dma_wait3A_68 = arith.constant 0 : i32
        %dma_wait3A_69 = arith.constant 0 : i32
        %dma_wait3A_70 = tpu.memref_slice %arg3[%dma_wait3A_68, %dma_wait3A_69, %mul3A_65] : memref<2x32x10000xi32, #tpu.memory_space<hbm>> -> memref<2x32x400xi32, #tpu.memory_space<hbm>>
        tpu.wait_dma2 semaphore(%arg10 : memref<!tpu.dma_semaphore, #tpu.memory_space<semaphore_mem>>) src(%dma_wait3A_70 : memref<2x32x400xi32, #tpu.memory_space<hbm>>) dst(%arg8 : memref<2x32x400xi32, #tpu.memory_space<vmem>>)
        %parallel_loop3A = arith.constant 0 : i32
        %parallel_loop3A_71 = arith.constant 25 : i32
        %parallel_loop3A_72 = arith.constant 1 : i32
        scf.for %parallel_loop3A_73 = %parallel_loop3A to %parallel_loop3A_71 step %parallel_loop3A_72  : i32 {
          %parallel_loop3A_74 = arith.constant 400 : i32
          %parallel_loop3A_75 = arith.muli %scan3A_21, %parallel_loop3A_74 : i32
          %parallel_loop3A_76 = arith.constant 16 : i32
          %parallel_loop3A_77 = arith.muli %parallel_loop3A_73, %parallel_loop3A_76 : i32
          %parallel_loop3A_78 = arith.addi %parallel_loop3A_75, %parallel_loop3A_77 : i32
          %parallel_loop3A_79 = arith.constant 16 : i32
          %parallel_loop3A_80 = arith.muli %parallel_loop3A_73, %parallel_loop3A_79 : i32
          %parallel_loop3A_81 = arith.constant 0 : i32
          %parallel_loop3A_82 = arith.constant 0 : i32
          %parallel_loop3A_83 = arith.index_cast %parallel_loop3A_81 : i32 to index
          %parallel_loop3A_84 = arith.index_cast %parallel_loop3A_82 : i32 to index
          %parallel_loop3A_85 = arith.index_cast %parallel_loop3A_80 : i32 to index
          %parallel_loop3A_86 = tpu.vector_load %arg8[%parallel_loop3A_83, %parallel_loop3A_84, %parallel_loop3A_85] {strides = array<i32>} : memref<2x32x400xi32, #tpu.memory_space<vmem>>, vector<16xi32>,
          %parallel_loop3A_87 = arith.constant 1 : i32
          %parallel_loop3A_88 = arith.constant 0 : i32
          %parallel_loop3A_89 = arith.index_cast %parallel_loop3A_87 : i32 to index
          %parallel_loop3A_90 = arith.index_cast %parallel_loop3A_88 : i32 to index
          %parallel_loop3A_91 = arith.index_cast %parallel_loop3A_80 : i32 to index
          %parallel_loop3A_92 = tpu.vector_load %arg8[%parallel_loop3A_89, %parallel_loop3A_90, %parallel_loop3A_91] {strides = array<i32>} : memref<2x32x400xi32, #tpu.memory_space<vmem>>, vector<16xi32>,
          %parallel_loop3A_93 = tpu.vector_load_idx %arg5[%broadcast_in_dim3A_12, %parallel_loop3A_86] : memref<2x10000xi32, #tpu.memory_space<vmem>>[vector<16xi32>, vector<16xi32>], vector<16xi32>,
          %parallel_loop3A_94 = vector.bitcast %parallel_loop3A_93 : vector<16xi32> to vector<32xbf16>
          %parallel_loop3A_95 = tpu.vector_load_idx %arg5[%broadcast_in_dim3A_12, %parallel_loop3A_92] : memref<2x10000xi32, #tpu.memory_space<vmem>>[vector<16xi32>, vector<16xi32>], vector<16xi32>,
          %parallel_loop3A_96 = vector.bitcast %parallel_loop3A_95 : vector<16xi32> to vector<32xbf16>
          %parallel_loop3A_97 = arith.subf %parallel_loop3A_94, %parallel_loop3A_96 : vector<32xbf16>
          %parallel_loop3A_98 = tpu.vector_load_idx %arg5[%broadcast_in_dim3A_14, %parallel_loop3A_86] : memref<2x10000xi32, #tpu.memory_space<vmem>>[vector<16xi32>, vector<16xi32>], vector<16xi32>,
          %parallel_loop3A_99 = vector.bitcast %parallel_loop3A_98 : vector<16xi32> to vector<32xbf16>
          %parallel_loop3A_100 = tpu.vector_load_idx %arg5[%broadcast_in_dim3A_14, %parallel_loop3A_92] : memref<2x10000xi32, #tpu.memory_space<vmem>>[vector<16xi32>, vector<16xi32>], vector<16xi32>,
          %parallel_loop3A_101 = vector.bitcast %parallel_loop3A_100 : vector<16xi32> to vector<32xbf16>
          %parallel_loop3A_102 = arith.subf %parallel_loop3A_99, %parallel_loop3A_101 : vector<32xbf16>
          %parallel_loop3A_103 = arith.constant 0 : i32
          %parallel_loop3A_104 = arith.constant 1 : i32
          %parallel_loop3A_105 = arith.index_cast %parallel_loop3A_103 : i32 to index
          %parallel_loop3A_106 = arith.index_cast %parallel_loop3A_104 : i32 to index
          %parallel_loop3A_107 = arith.index_cast %parallel_loop3A_80 : i32 to index
          %parallel_loop3A_108 = tpu.vector_load %arg8[%parallel_loop3A_105, %parallel_loop3A_106, %parallel_loop3A_107] {strides = array<i32>} : memref<2x32x400xi32, #tpu.memory_space<vmem>>, vector<16xi32>,
          %parallel_loop3A_109 = arith.constant 1 : i32
          %parallel_loop3A_110 = arith.constant 1 : i32
          %parallel_loop3A_111 = arith.index_cast %parallel_loop3A_109 : i32 to index
          %parallel_loop3A_112 = arith.index_cast %parallel_loop3A_110 : i32 to index
          %parallel_loop3A_113 = arith.index_cast %parallel_loop3A_80 : i32 to index
          %parallel_loop3A_114 = tpu.vector_load %arg8[%parallel_loop3A_111, %parallel_loop3A_112, %parallel_loop3A_113] {strides = array<i32>} : memref<2x32x400xi32, #tpu.memory_space<vmem>>, vector<16xi32>,
          %parallel_loop3A_115 = tpu.vector_load_idx %arg5[%broadcast_in_dim3A_12, %parallel_loop3A_108] : memref<2x10000xi32, #tpu.memory_space<vmem>>[vector<16xi32>, vector<16xi32>], vector<16xi32>,
          %parallel_loop3A_116 = vector.bitcast %parallel_loop3A_115 : vector<16xi32> to vector<32xbf16>
          %parallel_loop3A_117 = tpu.vector_load_idx %arg5[%broadcast_in_dim3A_12, %parallel_loop3A_114] : memref<2x10000xi32, #tpu.memory_space<vmem>>[vector<16xi32>, vector<16xi32>], vector<16xi32>,
          %parallel_loop3A_118 = vector.bitcast %parallel_loop3A_117 : vector<16xi32> to vector<32xbf16>
          %parallel_loop3A_119 = arith.subf %parallel_loop3A_116, %parallel_loop3A_118 : vector<32xbf16>
          %parallel_loop3A_120 = arith.maximumf %parallel_loop3A_97, %parallel_loop3A_119 : vector<32xbf16>
          %parallel_loop3A_121 = tpu.vector_load_idx %arg5[%broadcast_in_dim3A_14, %parallel_loop3A_108] : memref<2x10000xi32, #tpu.memory_space<vmem>>[vector<16xi32>, vector<16xi32>], vector<16xi32>,
          %parallel_loop3A_122 = vector.bitcast %parallel_loop3A_121 : vector<16xi32> to vector<32xbf16>
          %parallel_loop3A_123 = tpu.vector_load_idx %arg5[%broadcast_in_dim3A_14, %parallel_loop3A_114] : memref<2x10000xi32, #tpu.memory_space<vmem>>[vector<16xi32>, vector<16xi32>], vector<16xi32>,
          %parallel_loop3A_124 = vector.bitcast %parallel_loop3A_123 : vector<16xi32> to vector<32xbf16>
          %parallel_loop3A_125 = arith.subf %parallel_loop3A_122, %parallel_loop3A_124 : vector<32xbf16>
          %parallel_loop3A_126 = arith.maximumf %parallel_loop3A_102, %parallel_loop3A_125 : vector<32xbf16>
          %parallel_loop3A_127 = arith.constant 0 : i32
          %parallel_loop3A_128 = arith.constant 2 : i32
          %parallel_loop3A_129 = arith.index_cast %parallel_loop3A_127 : i32 to index
          %parallel_loop3A_130 = arith.index_cast %parallel_loop3A_128 : i32 to index
          %parallel_loop3A_131 = arith.index_cast %parallel_loop3A_80 : i32 to index
          %parallel_loop3A_132 = tpu.vector_load %arg8[%parallel_loop3A_129, %parallel_loop3A_130, %parallel_loop3A_131] {strides = array<i32>} : memref<2x32x400xi32, #tpu.memory_space<vmem>>, vector<16xi32>,
          %parallel_loop3A_133 = arith.constant 1 : i32
          %parallel_loop3A_134 = arith.constant 2 : i32
          %parallel_loop3A_135 = arith.index_cast %parallel_loop3A_133 : i32 to index
          %parallel_loop3A_136 = arith.index_cast %parallel_loop3A_134 : i32 to index
          %parallel_loop3A_137 = arith.index_cast %parallel_loop3A_80 : i32 to index
          %parallel_loop3A_138 = tpu.vector_load %arg8[%parallel_loop3A_135, %parallel_loop3A_136, %parallel_loop3A_137] {strides = array<i32>} : memref<2x32x400xi32, #tpu.memory_space<vmem>>, vector<16xi32>,
          %parallel_loop3A_139 = tpu.vector_load_idx %arg5[%broadcast_in_dim3A_12, %parallel_loop3A_132] : memref<2x10000xi32, #tpu.memory_space<vmem>>[vector<16xi32>, vector<16xi32>], vector<16xi32>,
          %parallel_loop3A_140 = vector.bitcast %parallel_loop3A_139 : vector<16xi32> to vector<32xbf16>
          %parallel_loop3A_141 = tpu.vector_load_idx %arg5[%broadcast_in_dim3A_12, %parallel_loop3A_138] : memref<2x10000xi32, #tpu.memory_space<vmem>>[vector<16xi32>, vector<16xi32>], vector<16xi32>,
          %parallel_loop3A_142 = vector.bitcast %parallel_loop3A_141 : vector<16xi32> to vector<32xbf16>
          %parallel_loop3A_143 = arith.subf %parallel_loop3A_140, %parallel_loop3A_142 : vector<32xbf16>
          %parallel_loop3A_144 = arith.maximumf %parallel_loop3A_120, %parallel_loop3A_143 : vector<32xbf16>
          %parallel_loop3A_145 = tpu.vector_load_idx %arg5[%broadcast_in_dim3A_14, %parallel_loop3A_132] : memref<2x10000xi32, #tpu.memory_space<vmem>>[vector<16xi32>, vector<16xi32>], vector<16xi32>,
          %parallel_loop3A_146 = vector.bitcast %parallel_loop3A_145 : vector<16xi32> to vector<32xbf16>
          %parallel_loop3A_147 = tpu.vector_load_idx %arg5[%broadcast_in_dim3A_14, %parallel_loop3A_138] : memref<2x10000xi32, #tpu.memory_space<vmem>>[vector<16xi32>, vector<16xi32>], vector<16xi32>,
          %parallel_loop3A_148 = vector.bitcast %parallel_loop3A_147 : vector<16xi32> to vector<32xbf16>
          %parallel_loop3A_149 = arith.subf %parallel_loop3A_146, %parallel_loop3A_148 : vector<32xbf16>
          %parallel_loop3A_150 = arith.maximumf %parallel_loop3A_126, %parallel_loop3A_149 : vector<32xbf16>
          %parallel_loop3A_151 = arith.constant 0 : i32
          %parallel_loop3A_152 = arith.constant 3 : i32
          %parallel_loop3A_153 = arith.index_cast %parallel_loop3A_151 : i32 to index
          %parallel_loop3A_154 = arith.index_cast %parallel_loop3A_152 : i32 to index
          %parallel_loop3A_155 = arith.index_cast %parallel_loop3A_80 : i32 to index
          %parallel_loop3A_156 = tpu.vector_load %arg8[%parallel_loop3A_153, %parallel_loop3A_154, %parallel_loop3A_155] {strides = array<i32>} : memref<2x32x400xi32, #tpu.memory_space<vmem>>, vector<16xi32>,
          %parallel_loop3A_157 = arith.constant 1 : i32
          %parallel_loop3A_158 = arith.constant 3 : i32
          %parallel_loop3A_159 = arith.index_cast %parallel_loop3A_157 : i32 to index
          %parallel_loop3A_160 = arith.index_cast %parallel_loop3A_158 : i32 to index
          %parallel_loop3A_161 = arith.index_cast %parallel_loop3A_80 : i32 to index
          %parallel_loop3A_162 = tpu.vector_load %arg8[%parallel_loop3A_159, %parallel_loop3A_160, %parallel_loop3A_161] {strides = array<i32>} : memref<2x32x400xi32, #tpu.memory_space<vmem>>, vector<16xi32>,
          %parallel_loop3A_163 = tpu.vector_load_idx %arg5[%broadcast_in_dim3A_12, %parallel_loop3A_156] : memref<2x10000xi32, #tpu.memory_space<vmem>>[vector<16xi32>, vector<16xi32>], vector<16xi32>,
          %parallel_loop3A_164 = vector.bitcast %parallel_loop3A_163 : vector<16xi32> to vector<32xbf16>
          %parallel_loop3A_165 = tpu.vector_load_idx %arg5[%broadcast_in_dim3A_12, %parallel_loop3A_162] : memref<2x10000xi32, #tpu.memory_space<vmem>>[vector<16xi32>, vector<16xi32>], vector<16xi32>,
          %parallel_loop3A_166 = vector.bitcast %parallel_loop3A_165 : vector<16xi32> to vector<32xbf16>
          %parallel_loop3A_167 = arith.subf %parallel_loop3A_164, %parallel_loop3A_166 : vector<32xbf16>
          %parallel_loop3A_168 = arith.maximumf %parallel_loop3A_144, %parallel_loop3A_167 : vector<32xbf16>
          %parallel_loop3A_169 = tpu.vector_load_idx %arg5[%broadcast_in_dim3A_14, %parallel_loop3A_156] : memref<2x10000xi32, #tpu.memory_space<vmem>>[vector<16xi32>, vector<16xi32>], vector<16xi32>,
          %parallel_loop3A_170 = vector.bitcast %parallel_loop3A_169 : vector<16xi32> to vector<32xbf16>
          %parallel_loop3A_171 = tpu.vector_load_idx %arg5[%broadcast_in_dim3A_14, %parallel_loop3A_162] : memref<2x10000xi32, #tpu.memory_space<vmem>>[vector<16xi32>, vector<16xi32>], vector<16xi32>,
          %parallel_loop3A_172 = vector.bitcast %parallel_loop3A_171 : vector<16xi32> to vector<32xbf16>
          %parallel_loop3A_173 = arith.subf %parallel_loop3A_170, %parallel_loop3A_172 : vector<32xbf16>
          %parallel_loop3A_174 = arith.maximumf %parallel_loop3A_150, %parallel_loop3A_173 : vector<32xbf16>
          %parallel_loop3A_175 = arith.constant 0 : i32
          %parallel_loop3A_176 = arith.constant 4 : i32
          %parallel_loop3A_177 = arith.index_cast %parallel_loop3A_175 : i32 to index
          %parallel_loop3A_178 = arith.index_cast %parallel_loop3A_176 : i32 to index
          %parallel_loop3A_179 = arith.index_cast %parallel_loop3A_80 : i32 to index
          %parallel_loop3A_180 = tpu.vector_load %arg8[%parallel_loop3A_177, %parallel_loop3A_178, %parallel_loop3A_179] {strides = array<i32>} : memref<2x32x400xi32, #tpu.memory_space<vmem>>, vector<16xi32>,
          %parallel_loop3A_181 = arith.constant 1 : i32
          %parallel_loop3A_182 = arith.constant 4 : i32
          %parallel_loop3A_183 = arith.index_cast %parallel_loop3A_181 : i32 to index
          %parallel_loop3A_184 = arith.index_cast %parallel_loop3A_182 : i32 to index
          %parallel_loop3A_185 = arith.index_cast %parallel_loop3A_80 : i32 to index
          %parallel_loop3A_186 = tpu.vector_load %arg8[%parallel_loop3A_183, %parallel_loop3A_184, %parallel_loop3A_185] {strides = array<i32>} : memref<2x32x400xi32, #tpu.memory_space<vmem>>, vector<16xi32>,
          %parallel_loop3A_187 = tpu.vector_load_idx %arg5[%broadcast_in_dim3A_12, %parallel_loop3A_180] : memref<2x10000xi32, #tpu.memory_space<vmem>>[vector<16xi32>, vector<16xi32>], vector<16xi32>,
          %parallel_loop3A_188 = vector.bitcast %parallel_loop3A_187 : vector<16xi32> to vector<32xbf16>
          %parallel_loop3A_189 = tpu.vector_load_idx %arg5[%broadcast_in_dim3A_12, %parallel_loop3A_186] : memref<2x10000xi32, #tpu.memory_space<vmem>>[vector<16xi32>, vector<16xi32>], vector<16xi32>,
          %parallel_loop3A_190 = vector.bitcast %parallel_loop3A_189 : vector<16xi32> to vector<32xbf16>
          %parallel_loop3A_191 = arith.subf %parallel_loop3A_188, %parallel_loop3A_190 : vector<32xbf16>
          %parallel_loop3A_192 = arith.maximumf %parallel_loop3A_168, %parallel_loop3A_191 : vector<32xbf16>
          %parallel_loop3A_193 = tpu.vector_load_idx %arg5[%broadcast_in_dim3A_14, %parallel_loop3A_180] : memref<2x10000xi32, #tpu.memory_space<vmem>>[vector<16xi32>, vector<16xi32>], vector<16xi32>,
          %parallel_loop3A_194 = vector.bitcast %parallel_loop3A_193 : vector<16xi32> to vector<32xbf16>
          %parallel_loop3A_195 = tpu.vector_load_idx %arg5[%broadcast_in_dim3A_14, %parallel_loop3A_186] : memref<2x10000xi32, #tpu.memory_space<vmem>>[vector<16xi32>, vector<16xi32>], vector<16xi32>,
          %parallel_loop3A_196 = vector.bitcast %parallel_loop3A_195 : vector<16xi32> to vector<32xbf16>
          %parallel_loop3A_197 = arith.subf %parallel_loop3A_194, %parallel_loop3A_196 : vector<32xbf16>
          %parallel_loop3A_198 = arith.maximumf %parallel_loop3A_174, %parallel_loop3A_197 : vector<32xbf16>
          %parallel_loop3A_199 = arith.constant 0 : i32
          %parallel_loop3A_200 = arith.constant 5 : i32
          %parallel_loop3A_201 = arith.index_cast %parallel_loop3A_199 : i32 to index
          %parallel_loop3A_202 = arith.index_cast %parallel_loop3A_200 : i32 to index
          %parallel_loop3A_203 = arith.index_cast %parallel_loop3A_80 : i32 to index
          %parallel_loop3A_204 = tpu.vector_load %arg8[%parallel_loop3A_201, %parallel_loop3A_202, %parallel_loop3A_203] {strides = array<i32>} : memref<2x32x400xi32, #tpu.memory_space<vmem>>, vector<16xi32>,
          %parallel_loop3A_205 = arith.constant 1 : i32
          %parallel_loop3A_206 = arith.constant 5 : i32
          %parallel_loop3A_207 = arith.index_cast %parallel_loop3A_205 : i32 to index
          %parallel_loop3A_208 = arith.index_cast %parallel_loop3A_206 : i32 to index
          %parallel_loop3A_209 = arith.index_cast %parallel_loop3A_80 : i32 to index
          %parallel_loop3A_210 = tpu.vector_load %arg8[%parallel_loop3A_207, %parallel_loop3A_208, %parallel_loop3A_209] {strides = array<i32>} : memref<2x32x400xi32, #tpu.memory_space<vmem>>, vector<16xi32>,
          %parallel_loop3A_211 = tpu.vector_load_idx %arg5[%broadcast_in_dim3A_12, %parallel_loop3A_204] : memref<2x10000xi32, #tpu.memory_space<vmem>>[vector<16xi32>, vector<16xi32>], vector<16xi32>,
          %parallel_loop3A_212 = vector.bitcast %parallel_loop3A_211 : vector<16xi32> to vector<32xbf16>
          %parallel_loop3A_213 = tpu.vector_load_idx %arg5[%broadcast_in_dim3A_12, %parallel_loop3A_210] : memref<2x10000xi32, #tpu.memory_space<vmem>>[vector<16xi32>, vector<16xi32>], vector<16xi32>,
          %parallel_loop3A_214 = vector.bitcast %parallel_loop3A_213 : vector<16xi32> to vector<32xbf16>
          %parallel_loop3A_215 = arith.subf %parallel_loop3A_212, %parallel_loop3A_214 : vector<32xbf16>
          %parallel_loop3A_216 = arith.maximumf %parallel_loop3A_192, %parallel_loop3A_215 : vector<32xbf16>
          %parallel_loop3A_217 = tpu.vector_load_idx %arg5[%broadcast_in_dim3A_14, %parallel_loop3A_204] : memref<2x10000xi32, #tpu.memory_space<vmem>>[vector<16xi32>, vector<16xi32>], vector<16xi32>,
          %parallel_loop3A_218 = vector.bitcast %parallel_loop3A_217 : vector<16xi32> to vector<32xbf16>
          %parallel_loop3A_219 = tpu.vector_load_idx %arg5[%broadcast_in_dim3A_14, %parallel_loop3A_210] : memref<2x10000xi32, #tpu.memory_space<vmem>>[vector<16xi32>, vector<16xi32>], vector<16xi32>,
          %parallel_loop3A_220 = vector.bitcast %parallel_loop3A_219 : vector<16xi32> to vector<32xbf16>
          %parallel_loop3A_221 = arith.subf %parallel_loop3A_218, %parallel_loop3A_220 : vector<32xbf16>
          %parallel_loop3A_222 = arith.maximumf %parallel_loop3A_198, %parallel_loop3A_221 : vector<32xbf16>
          %parallel_loop3A_223 = arith.constant 0 : i32
          %parallel_loop3A_224 = arith.constant 6 : i32
          %parallel_loop3A_225 = arith.index_cast %parallel_loop3A_223 : i32 to index
          %parallel_loop3A_226 = arith.index_cast %parallel_loop3A_224 : i32 to index
          %parallel_loop3A_227 = arith.index_cast %parallel_loop3A_80 : i32 to index
          %parallel_loop3A_228 = tpu.vector_load %arg8[%parallel_loop3A_225, %parallel_loop3A_226, %parallel_loop3A_227] {strides = array<i32>} : memref<2x32x400xi32, #tpu.memory_space<vmem>>, vector<16xi32>,
          %parallel_loop3A_229 = arith.constant 1 : i32
          %parallel_loop3A_230 = arith.constant 6 : i32
          %parallel_loop3A_231 = arith.index_cast %parallel_loop3A_229 : i32 to index
          %parallel_loop3A_232 = arith.index_cast %parallel_loop3A_230 : i32 to index
          %parallel_loop3A_233 = arith.index_cast %parallel_loop3A_80 : i32 to index
          %parallel_loop3A_234 = tpu.vector_load %arg8[%parallel_loop3A_231, %parallel_loop3A_232, %parallel_loop3A_233] {strides = array<i32>} : memref<2x32x400xi32, #tpu.memory_space<vmem>>, vector<16xi32>,
          %parallel_loop3A_235 = tpu.vector_load_idx %arg5[%broadcast_in_dim3A_12, %parallel_loop3A_228] : memref<2x10000xi32, #tpu.memory_space<vmem>>[vector<16xi32>, vector<16xi32>], vector<16xi32>,
          %parallel_loop3A_236 = vector.bitcast %parallel_loop3A_235 : vector<16xi32> to vector<32xbf16>
          %parallel_loop3A_237 = tpu.vector_load_idx %arg5[%broadcast_in_dim3A_12, %parallel_loop3A_234] : memref<2x10000xi32, #tpu.memory_space<vmem>>[vector<16xi32>, vector<16xi32>], vector<16xi32>,
          %parallel_loop3A_238 = vector.bitcast %parallel_loop3A_237 : vector<16xi32> to vector<32xbf16>
          %parallel_loop3A_239 = arith.subf %parallel_loop3A_236, %parallel_loop3A_238 : vector<32xbf16>
          %parallel_loop3A_240 = arith.maximumf %parallel_loop3A_216, %parallel_loop3A_239 : vector<32xbf16>
          %parallel_loop3A_241 = tpu.vector_load_idx %arg5[%broadcast_in_dim3A_14, %parallel_loop3A_228] : memref<2x10000xi32, #tpu.memory_space<vmem>>[vector<16xi32>, vector<16xi32>], vector<16xi32>,
          %parallel_loop3A_242 = vector.bitcast %parallel_loop3A_241 : vector<16xi32> to vector<32xbf16>
          %parallel_loop3A_243 = tpu.vector_load_idx %arg5[%broadcast_in_dim3A_14, %parallel_loop3A_234] : memref<2x10000xi32, #tpu.memory_space<vmem>>[vector<16xi32>, vector<16xi32>], vector<16xi32>,
          %parallel_loop3A_244 = vector.bitcast %parallel_loop3A_243 : vector<16xi32> to vector<32xbf16>
          %parallel_loop3A_245 = arith.subf %parallel_loop3A_242, %parallel_loop3A_244 : vector<32xbf16>
          %parallel_loop3A_246 = arith.maximumf %parallel_loop3A_222, %parallel_loop3A_245 : vector<32xbf16>
          %parallel_loop3A_247 = arith.constant 0 : i32
          %parallel_loop3A_248 = arith.constant 7 : i32
          %parallel_loop3A_249 = arith.index_cast %parallel_loop3A_247 : i32 to index
          %parallel_loop3A_250 = arith.index_cast %parallel_loop3A_248 : i32 to index
          %parallel_loop3A_251 = arith.index_cast %parallel_loop3A_80 : i32 to index
          %parallel_loop3A_252 = tpu.vector_load %arg8[%parallel_loop3A_249, %parallel_loop3A_250, %parallel_loop3A_251] {strides = array<i32>} : memref<2x32x400xi32, #tpu.memory_space<vmem>>, vector<16xi32>,
          %parallel_loop3A_253 = arith.constant 1 : i32
          %parallel_loop3A_254 = arith.constant 7 : i32
          %parallel_loop3A_255 = arith.index_cast %parallel_loop3A_253 : i32 to index
          %parallel_loop3A_256 = arith.index_cast %parallel_loop3A_254 : i32 to index
          %parallel_loop3A_257 = arith.index_cast %parallel_loop3A_80 : i32 to index
          %parallel_loop3A_258 = tpu.vector_load %arg8[%parallel_loop3A_255, %parallel_loop3A_256, %parallel_loop3A_257] {strides = array<i32>} : memref<2x32x400xi32, #tpu.memory_space<vmem>>, vector<16xi32>,
          %parallel_loop3A_259 = tpu.vector_load_idx %arg5[%broadcast_in_dim3A_12, %parallel_loop3A_252] : memref<2x10000xi32, #tpu.memory_space<vmem>>[vector<16xi32>, vector<16xi32>], vector<16xi32>,
          %parallel_loop3A_260 = vector.bitcast %parallel_loop3A_259 : vector<16xi32> to vector<32xbf16>
          %parallel_loop3A_261 = tpu.vector_load_idx %arg5[%broadcast_in_dim3A_12, %parallel_loop3A_258] : memref<2x10000xi32, #tpu.memory_space<vmem>>[vector<16xi32>, vector<16xi32>], vector<16xi32>,
          %parallel_loop3A_262 = vector.bitcast %parallel_loop3A_261 : vector<16xi32> to vector<32xbf16>
          %parallel_loop3A_263 = arith.subf %parallel_loop3A_260, %parallel_loop3A_262 : vector<32xbf16>
          %parallel_loop3A_264 = arith.maximumf %parallel_loop3A_240, %parallel_loop3A_263 : vector<32xbf16>
          %parallel_loop3A_265 = tpu.vector_load_idx %arg5[%broadcast_in_dim3A_14, %parallel_loop3A_252] : memref<2x10000xi32, #tpu.memory_space<vmem>>[vector<16xi32>, vector<16xi32>], vector<16xi32>,
          %parallel_loop3A_266 = vector.bitcast %parallel_loop3A_265 : vector<16xi32> to vector<32xbf16>
          %parallel_loop3A_267 = tpu.vector_load_idx %arg5[%broadcast_in_dim3A_14, %parallel_loop3A_258] : memref<2x10000xi32, #tpu.memory_space<vmem>>[vector<16xi32>, vector<16xi32>], vector<16xi32>,
          %parallel_loop3A_268 = vector.bitcast %parallel_loop3A_267 : vector<16xi32> to vector<32xbf16>
          %parallel_loop3A_269 = arith.subf %parallel_loop3A_266, %parallel_loop3A_268 : vector<32xbf16>
          %parallel_loop3A_270 = arith.maximumf %parallel_loop3A_246, %parallel_loop3A_269 : vector<32xbf16>
          %parallel_loop3A_271 = arith.constant 0 : i32
          %parallel_loop3A_272 = arith.constant 8 : i32
          %parallel_loop3A_273 = arith.index_cast %parallel_loop3A_271 : i32 to index
          %parallel_loop3A_274 = arith.index_cast %parallel_loop3A_272 : i32 to index
          %parallel_loop3A_275 = arith.index_cast %parallel_loop3A_80 : i32 to index
          %parallel_loop3A_276 = tpu.vector_load %arg8[%parallel_loop3A_273, %parallel_loop3A_274, %parallel_loop3A_275] {strides = array<i32>} : memref<2x32x400xi32, #tpu.memory_space<vmem>>, vector<16xi32>,
          %parallel_loop3A_277 = arith.constant 1 : i32
          %parallel_loop3A_278 = arith.constant 8 : i32
          %parallel_loop3A_279 = arith.index_cast %parallel_loop3A_277 : i32 to index
          %parallel_loop3A_280 = arith.index_cast %parallel_loop3A_278 : i32 to index
          %parallel_loop3A_281 = arith.index_cast %parallel_loop3A_80 : i32 to index
          %parallel_loop3A_282 = tpu.vector_load %arg8[%parallel_loop3A_279, %parallel_loop3A_280, %parallel_loop3A_281] {strides = array<i32>} : memref<2x32x400xi32, #tpu.memory_space<vmem>>, vector<16xi32>,
          %parallel_loop3A_283 = tpu.vector_load_idx %arg5[%broadcast_in_dim3A_12, %parallel_loop3A_276] : memref<2x10000xi32, #tpu.memory_space<vmem>>[vector<16xi32>, vector<16xi32>], vector<16xi32>,
          %parallel_loop3A_284 = vector.bitcast %parallel_loop3A_283 : vector<16xi32> to vector<32xbf16>
          %parallel_loop3A_285 = tpu.vector_load_idx %arg5[%broadcast_in_dim3A_12, %parallel_loop3A_282] : memref<2x10000xi32, #tpu.memory_space<vmem>>[vector<16xi32>, vector<16xi32>], vector<16xi32>,
          %parallel_loop3A_286 = vector.bitcast %parallel_loop3A_285 : vector<16xi32> to vector<32xbf16>
          %parallel_loop3A_287 = arith.subf %parallel_loop3A_284, %parallel_loop3A_286 : vector<32xbf16>
          %parallel_loop3A_288 = arith.maximumf %parallel_loop3A_264, %parallel_loop3A_287 : vector<32xbf16>
          %parallel_loop3A_289 = tpu.vector_load_idx %arg5[%broadcast_in_dim3A_14, %parallel_loop3A_276] : memref<2x10000xi32, #tpu.memory_space<vmem>>[vector<16xi32>, vector<16xi32>], vector<16xi32>,
          %parallel_loop3A_290 = vector.bitcast %parallel_loop3A_289 : vector<16xi32> to vector<32xbf16>
          %parallel_loop3A_291 = tpu.vector_load_idx %arg5[%broadcast_in_dim3A_14, %parallel_loop3A_282] : memref<2x10000xi32, #tpu.memory_space<vmem>>[vector<16xi32>, vector<16xi32>], vector<16xi32>,
          %parallel_loop3A_292 = vector.bitcast %parallel_loop3A_291 : vector<16xi32> to vector<32xbf16>
          %parallel_loop3A_293 = arith.subf %parallel_loop3A_290, %parallel_loop3A_292 : vector<32xbf16>
          %parallel_loop3A_294 = arith.maximumf %parallel_loop3A_270, %parallel_loop3A_293 : vector<32xbf16>
          %parallel_loop3A_295 = arith.constant 0 : i32
          %parallel_loop3A_296 = arith.constant 9 : i32
          %parallel_loop3A_297 = arith.index_cast %parallel_loop3A_295 : i32 to index
          %parallel_loop3A_298 = arith.index_cast %parallel_loop3A_296 : i32 to index
          %parallel_loop3A_299 = arith.index_cast %parallel_loop3A_80 : i32 to index
          %parallel_loop3A_300 = tpu.vector_load %arg8[%parallel_loop3A_297, %parallel_loop3A_298, %parallel_loop3A_299] {strides = array<i32>} : memref<2x32x400xi32, #tpu.memory_space<vmem>>, vector<16xi32>,
          %parallel_loop3A_301 = arith.constant 1 : i32
          %parallel_loop3A_302 = arith.constant 9 : i32
          %parallel_loop3A_303 = arith.index_cast %parallel_loop3A_301 : i32 to index
          %parallel_loop3A_304 = arith.index_cast %parallel_loop3A_302 : i32 to index
          %parallel_loop3A_305 = arith.index_cast %parallel_loop3A_80 : i32 to index
          %parallel_loop3A_306 = tpu.vector_load %arg8[%parallel_loop3A_303, %parallel_loop3A_304, %parallel_loop3A_305] {strides = array<i32>} : memref<2x32x400xi32, #tpu.memory_space<vmem>>, vector<16xi32>,
          %parallel_loop3A_307 = tpu.vector_load_idx %arg5[%broadcast_in_dim3A_12, %parallel_loop3A_300] : memref<2x10000xi32, #tpu.memory_space<vmem>>[vector<16xi32>, vector<16xi32>], vector<16xi32>,
          %parallel_loop3A_308 = vector.bitcast %parallel_loop3A_307 : vector<16xi32> to vector<32xbf16>
          %parallel_loop3A_309 = tpu.vector_load_idx %arg5[%broadcast_in_dim3A_12, %parallel_loop3A_306] : memref<2x10000xi32, #tpu.memory_space<vmem>>[vector<16xi32>, vector<16xi32>], vector<16xi32>,
          %parallel_loop3A_310 = vector.bitcast %parallel_loop3A_309 : vector<16xi32> to vector<32xbf16>
          %parallel_loop3A_311 = arith.subf %parallel_loop3A_308, %parallel_loop3A_310 : vector<32xbf16>
          %parallel_loop3A_312 = arith.maximumf %parallel_loop3A_288, %parallel_loop3A_311 : vector<32xbf16>
          %parallel_loop3A_313 = tpu.vector_load_idx %arg5[%broadcast_in_dim3A_14, %parallel_loop3A_300] : memref<2x10000xi32, #tpu.memory_space<vmem>>[vector<16xi32>, vector<16xi32>], vector<16xi32>,
          %parallel_loop3A_314 = vector.bitcast %parallel_loop3A_313 : vector<16xi32> to vector<32xbf16>
          %parallel_loop3A_315 = tpu.vector_load_idx %arg5[%broadcast_in_dim3A_14, %parallel_loop3A_306] : memref<2x10000xi32, #tpu.memory_space<vmem>>[vector<16xi32>, vector<16xi32>], vector<16xi32>,
          %parallel_loop3A_316 = vector.bitcast %parallel_loop3A_315 : vector<16xi32> to vector<32xbf16>
          %parallel_loop3A_317 = arith.subf %parallel_loop3A_314, %parallel_loop3A_316 : vector<32xbf16>
          %parallel_loop3A_318 = arith.maximumf %parallel_loop3A_294, %parallel_loop3A_317 : vector<32xbf16>
          %parallel_loop3A_319 = arith.constant 0 : i32
          %parallel_loop3A_320 = arith.constant 10 : i32
          %parallel_loop3A_321 = arith.index_cast %parallel_loop3A_319 : i32 to index
          %parallel_loop3A_322 = arith.index_cast %parallel_loop3A_320 : i32 to index
          %parallel_loop3A_323 = arith.index_cast %parallel_loop3A_80 : i32 to index
          %parallel_loop3A_324 = tpu.vector_load %arg8[%parallel_loop3A_321, %parallel_loop3A_322, %parallel_loop3A_323] {strides = array<i32>} : memref<2x32x400xi32, #tpu.memory_space<vmem>>, vector<16xi32>,
          %parallel_loop3A_325 = arith.constant 1 : i32
          %parallel_loop3A_326 = arith.constant 10 : i32
          %parallel_loop3A_327 = arith.index_cast %parallel_loop3A_325 : i32 to index
          %parallel_loop3A_328 = arith.index_cast %parallel_loop3A_326 : i32 to index
          %parallel_loop3A_329 = arith.index_cast %parallel_loop3A_80 : i32 to index
          %parallel_loop3A_330 = tpu.vector_load %arg8[%parallel_loop3A_327, %parallel_loop3A_328, %parallel_loop3A_329] {strides = array<i32>} : memref<2x32x400xi32, #tpu.memory_space<vmem>>, vector<16xi32>,
          %parallel_loop3A_331 = tpu.vector_load_idx %arg5[%broadcast_in_dim3A_12, %parallel_loop3A_324] : memref<2x10000xi32, #tpu.memory_space<vmem>>[vector<16xi32>, vector<16xi32>], vector<16xi32>,
          %parallel_loop3A_332 = vector.bitcast %parallel_loop3A_331 : vector<16xi32> to vector<32xbf16>
          %parallel_loop3A_333 = tpu.vector_load_idx %arg5[%broadcast_in_dim3A_12, %parallel_loop3A_330] : memref<2x10000xi32, #tpu.memory_space<vmem>>[vector<16xi32>, vector<16xi32>], vector<16xi32>,
          %parallel_loop3A_334 = vector.bitcast %parallel_loop3A_333 : vector<16xi32> to vector<32xbf16>
          %parallel_loop3A_335 = arith.subf %parallel_loop3A_332, %parallel_loop3A_334 : vector<32xbf16>
          %parallel_loop3A_336 = arith.maximumf %parallel_loop3A_312, %parallel_loop3A_335 : vector<32xbf16>
          %parallel_loop3A_337 = tpu.vector_load_idx %arg5[%broadcast_in_dim3A_14, %parallel_loop3A_324] : memref<2x10000xi32, #tpu.memory_space<vmem>>[vector<16xi32>, vector<16xi32>], vector<16xi32>,
          %parallel_loop3A_338 = vector.bitcast %parallel_loop3A_337 : vector<16xi32> to vector<32xbf16>
          %parallel_loop3A_339 = tpu.vector_load_idx %arg5[%broadcast_in_dim3A_14, %parallel_loop3A_330] : memref<2x10000xi32, #tpu.memory_space<vmem>>[vector<16xi32>, vector<16xi32>], vector<16xi32>,
          %parallel_loop3A_340 = vector.bitcast %parallel_loop3A_339 : vector<16xi32> to vector<32xbf16>
          %parallel_loop3A_341 = arith.subf %parallel_loop3A_338, %parallel_loop3A_340 : vector<32xbf16>
          %parallel_loop3A_342 = arith.maximumf %parallel_loop3A_318, %parallel_loop3A_341 : vector<32xbf16>
          %parallel_loop3A_343 = arith.constant 0 : i32
          %parallel_loop3A_344 = arith.constant 11 : i32
          %parallel_loop3A_345 = arith.index_cast %parallel_loop3A_343 : i32 to index
          %parallel_loop3A_346 = arith.index_cast %parallel_loop3A_344 : i32 to index
          %parallel_loop3A_347 = arith.index_cast %parallel_loop3A_80 : i32 to index
          %parallel_loop3A_348 = tpu.vector_load %arg8[%parallel_loop3A_345, %parallel_loop3A_346, %parallel_loop3A_347] {strides = array<i32>} : memref<2x32x400xi32, #tpu.memory_space<vmem>>, vector<16xi32>,
          %parallel_loop3A_349 = arith.constant 1 : i32
          %parallel_loop3A_350 = arith.constant 11 : i32
          %parallel_loop3A_351 = arith.index_cast %parallel_loop3A_349 : i32 to index
          %parallel_loop3A_352 = arith.index_cast %parallel_loop3A_350 : i32 to index
          %parallel_loop3A_353 = arith.index_cast %parallel_loop3A_80 : i32 to index
          %parallel_loop3A_354 = tpu.vector_load %arg8[%parallel_loop3A_351, %parallel_loop3A_352, %parallel_loop3A_353] {strides = array<i32>} : memref<2x32x400xi32, #tpu.memory_space<vmem>>, vector<16xi32>,
          %parallel_loop3A_355 = tpu.vector_load_idx %arg5[%broadcast_in_dim3A_12, %parallel_loop3A_348] : memref<2x10000xi32, #tpu.memory_space<vmem>>[vector<16xi32>, vector<16xi32>], vector<16xi32>,
          %parallel_loop3A_356 = vector.bitcast %parallel_loop3A_355 : vector<16xi32> to vector<32xbf16>
          %parallel_loop3A_357 = tpu.vector_load_idx %arg5[%broadcast_in_dim3A_12, %parallel_loop3A_354] : memref<2x10000xi32, #tpu.memory_space<vmem>>[vector<16xi32>, vector<16xi32>], vector<16xi32>,
          %parallel_loop3A_358 = vector.bitcast %parallel_loop3A_357 : vector<16xi32> to vector<32xbf16>
          %parallel_loop3A_359 = arith.subf %parallel_loop3A_356, %parallel_loop3A_358 : vector<32xbf16>
          %parallel_loop3A_360 = arith.maximumf %parallel_loop3A_336, %parallel_loop3A_359 : vector<32xbf16>
          %parallel_loop3A_361 = tpu.vector_load_idx %arg5[%broadcast_in_dim3A_14, %parallel_loop3A_348] : memref<2x10000xi32, #tpu.memory_space<vmem>>[vector<16xi32>, vector<16xi32>], vector<16xi32>,
          %parallel_loop3A_362 = vector.bitcast %parallel_loop3A_361 : vector<16xi32> to vector<32xbf16>
          %parallel_loop3A_363 = tpu.vector_load_idx %arg5[%broadcast_in_dim3A_14, %parallel_loop3A_354] : memref<2x10000xi32, #tpu.memory_space<vmem>>[vector<16xi32>, vector<16xi32>], vector<16xi32>,
          %parallel_loop3A_364 = vector.bitcast %parallel_loop3A_363 : vector<16xi32> to vector<32xbf16>
          %parallel_loop3A_365 = arith.subf %parallel_loop3A_362, %parallel_loop3A_364 : vector<32xbf16>
          %parallel_loop3A_366 = arith.maximumf %parallel_loop3A_342, %parallel_loop3A_365 : vector<32xbf16>
          %parallel_loop3A_367 = arith.constant 0 : i32
          %parallel_loop3A_368 = arith.constant 12 : i32
          %parallel_loop3A_369 = arith.index_cast %parallel_loop3A_367 : i32 to index
          %parallel_loop3A_370 = arith.index_cast %parallel_loop3A_368 : i32 to index
          %parallel_loop3A_371 = arith.index_cast %parallel_loop3A_80 : i32 to index
          %parallel_loop3A_372 = tpu.vector_load %arg8[%parallel_loop3A_369, %parallel_loop3A_370, %parallel_loop3A_371] {strides = array<i32>} : memref<2x32x400xi32, #tpu.memory_space<vmem>>, vector<16xi32>,
          %parallel_loop3A_373 = arith.constant 1 : i32
          %parallel_loop3A_374 = arith.constant 12 : i32
          %parallel_loop3A_375 = arith.index_cast %parallel_loop3A_373 : i32 to index
          %parallel_loop3A_376 = arith.index_cast %parallel_loop3A_374 : i32 to index
          %parallel_loop3A_377 = arith.index_cast %parallel_loop3A_80 : i32 to index
          %parallel_loop3A_378 = tpu.vector_load %arg8[%parallel_loop3A_375, %parallel_loop3A_376, %parallel_loop3A_377] {strides = array<i32>} : memref<2x32x400xi32, #tpu.memory_space<vmem>>, vector<16xi32>,
          %parallel_loop3A_379 = tpu.vector_load_idx %arg5[%broadcast_in_dim3A_12, %parallel_loop3A_372] : memref<2x10000xi32, #tpu.memory_space<vmem>>[vector<16xi32>, vector<16xi32>], vector<16xi32>,
          %parallel_loop3A_380 = vector.bitcast %parallel_loop3A_379 : vector<16xi32> to vector<32xbf16>
          %parallel_loop3A_381 = tpu.vector_load_idx %arg5[%broadcast_in_dim3A_12, %parallel_loop3A_378] : memref<2x10000xi32, #tpu.memory_space<vmem>>[vector<16xi32>, vector<16xi32>], vector<16xi32>,
          %parallel_loop3A_382 = vector.bitcast %parallel_loop3A_381 : vector<16xi32> to vector<32xbf16>
          %parallel_loop3A_383 = arith.subf %parallel_loop3A_380, %parallel_loop3A_382 : vector<32xbf16>
          %parallel_loop3A_384 = arith.maximumf %parallel_loop3A_360, %parallel_loop3A_383 : vector<32xbf16>
          %parallel_loop3A_385 = tpu.vector_load_idx %arg5[%broadcast_in_dim3A_14, %parallel_loop3A_372] : memref<2x10000xi32, #tpu.memory_space<vmem>>[vector<16xi32>, vector<16xi32>], vector<16xi32>,
          %parallel_loop3A_386 = vector.bitcast %parallel_loop3A_385 : vector<16xi32> to vector<32xbf16>
          %parallel_loop3A_387 = tpu.vector_load_idx %arg5[%broadcast_in_dim3A_14, %parallel_loop3A_378] : memref<2x10000xi32, #tpu.memory_space<vmem>>[vector<16xi32>, vector<16xi32>], vector<16xi32>,
          %parallel_loop3A_388 = vector.bitcast %parallel_loop3A_387 : vector<16xi32> to vector<32xbf16>
          %parallel_loop3A_389 = arith.subf %parallel_loop3A_386, %parallel_loop3A_388 : vector<32xbf16>
          %parallel_loop3A_390 = arith.maximumf %parallel_loop3A_366, %parallel_loop3A_389 : vector<32xbf16>
          %parallel_loop3A_391 = arith.constant 0 : i32
          %parallel_loop3A_392 = arith.constant 13 : i32
          %parallel_loop3A_393 = arith.index_cast %parallel_loop3A_391 : i32 to index
          %parallel_loop3A_394 = arith.index_cast %parallel_loop3A_392 : i32 to index
          %parallel_loop3A_395 = arith.index_cast %parallel_loop3A_80 : i32 to index
          %parallel_loop3A_396 = tpu.vector_load %arg8[%parallel_loop3A_393, %parallel_loop3A_394, %parallel_loop3A_395] {strides = array<i32>} : memref<2x32x400xi32, #tpu.memory_space<vmem>>, vector<16xi32>,
          %parallel_loop3A_397 = arith.constant 1 : i32
          %parallel_loop3A_398 = arith.constant 13 : i32
          %parallel_loop3A_399 = arith.index_cast %parallel_loop3A_397 : i32 to index
          %parallel_loop3A_400 = arith.index_cast %parallel_loop3A_398 : i32 to index
          %parallel_loop3A_401 = arith.index_cast %parallel_loop3A_80 : i32 to index
          %parallel_loop3A_402 = tpu.vector_load %arg8[%parallel_loop3A_399, %parallel_loop3A_400, %parallel_loop3A_401] {strides = array<i32>} : memref<2x32x400xi32, #tpu.memory_space<vmem>>, vector<16xi32>,
          %parallel_loop3A_403 = tpu.vector_load_idx %arg5[%broadcast_in_dim3A_12, %parallel_loop3A_396] : memref<2x10000xi32, #tpu.memory_space<vmem>>[vector<16xi32>, vector<16xi32>], vector<16xi32>,
          %parallel_loop3A_404 = vector.bitcast %parallel_loop3A_403 : vector<16xi32> to vector<32xbf16>
          %parallel_loop3A_405 = tpu.vector_load_idx %arg5[%broadcast_in_dim3A_12, %parallel_loop3A_402] : memref<2x10000xi32, #tpu.memory_space<vmem>>[vector<16xi32>, vector<16xi32>], vector<16xi32>,
          %parallel_loop3A_406 = vector.bitcast %parallel_loop3A_405 : vector<16xi32> to vector<32xbf16>
          %parallel_loop3A_407 = arith.subf %parallel_loop3A_404, %parallel_loop3A_406 : vector<32xbf16>
          %parallel_loop3A_408 = arith.maximumf %parallel_loop3A_384, %parallel_loop3A_407 : vector<32xbf16>
          %parallel_loop3A_409 = tpu.vector_load_idx %arg5[%broadcast_in_dim3A_14, %parallel_loop3A_396] : memref<2x10000xi32, #tpu.memory_space<vmem>>[vector<16xi32>, vector<16xi32>], vector<16xi32>,
          %parallel_loop3A_410 = vector.bitcast %parallel_loop3A_409 : vector<16xi32> to vector<32xbf16>
          %parallel_loop3A_411 = tpu.vector_load_idx %arg5[%broadcast_in_dim3A_14, %parallel_loop3A_402] : memref<2x10000xi32, #tpu.memory_space<vmem>>[vector<16xi32>, vector<16xi32>], vector<16xi32>,
          %parallel_loop3A_412 = vector.bitcast %parallel_loop3A_411 : vector<16xi32> to vector<32xbf16>
          %parallel_loop3A_413 = arith.subf %parallel_loop3A_410, %parallel_loop3A_412 : vector<32xbf16>
          %parallel_loop3A_414 = arith.maximumf %parallel_loop3A_390, %parallel_loop3A_413 : vector<32xbf16>
          %parallel_loop3A_415 = arith.constant 0 : i32
          %parallel_loop3A_416 = arith.constant 14 : i32
          %parallel_loop3A_417 = arith.index_cast %parallel_loop3A_415 : i32 to index
          %parallel_loop3A_418 = arith.index_cast %parallel_loop3A_416 : i32 to index
          %parallel_loop3A_419 = arith.index_cast %parallel_loop3A_80 : i32 to index
          %parallel_loop3A_420 = tpu.vector_load %arg8[%parallel_loop3A_417, %parallel_loop3A_418, %parallel_loop3A_419] {strides = array<i32>} : memref<2x32x400xi32, #tpu.memory_space<vmem>>, vector<16xi32>,
          %parallel_loop3A_421 = arith.constant 1 : i32
          %parallel_loop3A_422 = arith.constant 14 : i32
          %parallel_loop3A_423 = arith.index_cast %parallel_loop3A_421 : i32 to index
          %parallel_loop3A_424 = arith.index_cast %parallel_loop3A_422 : i32 to index
          %parallel_loop3A_425 = arith.index_cast %parallel_loop3A_80 : i32 to index
          %parallel_loop3A_426 = tpu.vector_load %arg8[%parallel_loop3A_423, %parallel_loop3A_424, %parallel_loop3A_425] {strides = array<i32>} : memref<2x32x400xi32, #tpu.memory_space<vmem>>, vector<16xi32>,
          %parallel_loop3A_427 = tpu.vector_load_idx %arg5[%broadcast_in_dim3A_12, %parallel_loop3A_420] : memref<2x10000xi32, #tpu.memory_space<vmem>>[vector<16xi32>, vector<16xi32>], vector<16xi32>,
          %parallel_loop3A_428 = vector.bitcast %parallel_loop3A_427 : vector<16xi32> to vector<32xbf16>
          %parallel_loop3A_429 = tpu.vector_load_idx %arg5[%broadcast_in_dim3A_12, %parallel_loop3A_426] : memref<2x10000xi32, #tpu.memory_space<vmem>>[vector<16xi32>, vector<16xi32>], vector<16xi32>,
          %parallel_loop3A_430 = vector.bitcast %parallel_loop3A_429 : vector<16xi32> to vector<32xbf16>
          %parallel_loop3A_431 = arith.subf %parallel_loop3A_428, %parallel_loop3A_430 : vector<32xbf16>
          %parallel_loop3A_432 = arith.maximumf %parallel_loop3A_408, %parallel_loop3A_431 : vector<32xbf16>
          %parallel_loop3A_433 = tpu.vector_load_idx %arg5[%broadcast_in_dim3A_14, %parallel_loop3A_420] : memref<2x10000xi32, #tpu.memory_space<vmem>>[vector<16xi32>, vector<16xi32>], vector<16xi32>,
          %parallel_loop3A_434 = vector.bitcast %parallel_loop3A_433 : vector<16xi32> to vector<32xbf16>
          %parallel_loop3A_435 = tpu.vector_load_idx %arg5[%broadcast_in_dim3A_14, %parallel_loop3A_426] : memref<2x10000xi32, #tpu.memory_space<vmem>>[vector<16xi32>, vector<16xi32>], vector<16xi32>,
          %parallel_loop3A_436 = vector.bitcast %parallel_loop3A_435 : vector<16xi32> to vector<32xbf16>
          %parallel_loop3A_437 = arith.subf %parallel_loop3A_434, %parallel_loop3A_436 : vector<32xbf16>
          %parallel_loop3A_438 = arith.maximumf %parallel_loop3A_414, %parallel_loop3A_437 : vector<32xbf16>
          %parallel_loop3A_439 = arith.constant 0 : i32
          %parallel_loop3A_440 = arith.constant 15 : i32
          %parallel_loop3A_441 = arith.index_cast %parallel_loop3A_439 : i32 to index
          %parallel_loop3A_442 = arith.index_cast %parallel_loop3A_440 : i32 to index
          %parallel_loop3A_443 = arith.index_cast %parallel_loop3A_80 : i32 to index
          %parallel_loop3A_444 = tpu.vector_load %arg8[%parallel_loop3A_441, %parallel_loop3A_442, %parallel_loop3A_443] {strides = array<i32>} : memref<2x32x400xi32, #tpu.memory_space<vmem>>, vector<16xi32>,
          %parallel_loop3A_445 = arith.constant 1 : i32
          %parallel_loop3A_446 = arith.constant 15 : i32
          %parallel_loop3A_447 = arith.index_cast %parallel_loop3A_445 : i32 to index
          %parallel_loop3A_448 = arith.index_cast %parallel_loop3A_446 : i32 to index
          %parallel_loop3A_449 = arith.index_cast %parallel_loop3A_80 : i32 to index
          %parallel_loop3A_450 = tpu.vector_load %arg8[%parallel_loop3A_447, %parallel_loop3A_448, %parallel_loop3A_449] {strides = array<i32>} : memref<2x32x400xi32, #tpu.memory_space<vmem>>, vector<16xi32>,
          %parallel_loop3A_451 = tpu.vector_load_idx %arg5[%broadcast_in_dim3A_12, %parallel_loop3A_444] : memref<2x10000xi32, #tpu.memory_space<vmem>>[vector<16xi32>, vector<16xi32>], vector<16xi32>,
          %parallel_loop3A_452 = vector.bitcast %parallel_loop3A_451 : vector<16xi32> to vector<32xbf16>
          %parallel_loop3A_453 = tpu.vector_load_idx %arg5[%broadcast_in_dim3A_12, %parallel_loop3A_450] : memref<2x10000xi32, #tpu.memory_space<vmem>>[vector<16xi32>, vector<16xi32>], vector<16xi32>,
          %parallel_loop3A_454 = vector.bitcast %parallel_loop3A_453 : vector<16xi32> to vector<32xbf16>
          %parallel_loop3A_455 = arith.subf %parallel_loop3A_452, %parallel_loop3A_454 : vector<32xbf16>
          %parallel_loop3A_456 = arith.maximumf %parallel_loop3A_432, %parallel_loop3A_455 : vector<32xbf16>
          %parallel_loop3A_457 = tpu.vector_load_idx %arg5[%broadcast_in_dim3A_14, %parallel_loop3A_444] : memref<2x10000xi32, #tpu.memory_space<vmem>>[vector<16xi32>, vector<16xi32>], vector<16xi32>,
          %parallel_loop3A_458 = vector.bitcast %parallel_loop3A_457 : vector<16xi32> to vector<32xbf16>
          %parallel_loop3A_459 = tpu.vector_load_idx %arg5[%broadcast_in_dim3A_14, %parallel_loop3A_450] : memref<2x10000xi32, #tpu.memory_space<vmem>>[vector<16xi32>, vector<16xi32>], vector<16xi32>,
          %parallel_loop3A_460 = vector.bitcast %parallel_loop3A_459 : vector<16xi32> to vector<32xbf16>
          %parallel_loop3A_461 = arith.subf %parallel_loop3A_458, %parallel_loop3A_460 : vector<32xbf16>
          %parallel_loop3A_462 = arith.maximumf %parallel_loop3A_438, %parallel_loop3A_461 : vector<32xbf16>
          %parallel_loop3A_463 = arith.constant 0 : i32
          %parallel_loop3A_464 = arith.constant 16 : i32
          %parallel_loop3A_465 = arith.index_cast %parallel_loop3A_463 : i32 to index
          %parallel_loop3A_466 = arith.index_cast %parallel_loop3A_464 : i32 to index
          %parallel_loop3A_467 = arith.index_cast %parallel_loop3A_80 : i32 to index
          %parallel_loop3A_468 = tpu.vector_load %arg8[%parallel_loop3A_465, %parallel_loop3A_466, %parallel_loop3A_467] {strides = array<i32>} : memref<2x32x400xi32, #tpu.memory_space<vmem>>, vector<16xi32>,
          %parallel_loop3A_469 = arith.constant 1 : i32
          %parallel_loop3A_470 = arith.constant 16 : i32
          %parallel_loop3A_471 = arith.index_cast %parallel_loop3A_469 : i32 to index
          %parallel_loop3A_472 = arith.index_cast %parallel_loop3A_470 : i32 to index
          %parallel_loop3A_473 = arith.index_cast %parallel_loop3A_80 : i32 to index
          %parallel_loop3A_474 = tpu.vector_load %arg8[%parallel_loop3A_471, %parallel_loop3A_472, %parallel_loop3A_473] {strides = array<i32>} : memref<2x32x400xi32, #tpu.memory_space<vmem>>, vector<16xi32>,
          %parallel_loop3A_475 = tpu.vector_load_idx %arg5[%broadcast_in_dim3A_12, %parallel_loop3A_468] : memref<2x10000xi32, #tpu.memory_space<vmem>>[vector<16xi32>, vector<16xi32>], vector<16xi32>,
          %parallel_loop3A_476 = vector.bitcast %parallel_loop3A_475 : vector<16xi32> to vector<32xbf16>
          %parallel_loop3A_477 = tpu.vector_load_idx %arg5[%broadcast_in_dim3A_12, %parallel_loop3A_474] : memref<2x10000xi32, #tpu.memory_space<vmem>>[vector<16xi32>, vector<16xi32>], vector<16xi32>,
          %parallel_loop3A_478 = vector.bitcast %parallel_loop3A_477 : vector<16xi32> to vector<32xbf16>
          %parallel_loop3A_479 = arith.subf %parallel_loop3A_476, %parallel_loop3A_478 : vector<32xbf16>
          %parallel_loop3A_480 = arith.maximumf %parallel_loop3A_456, %parallel_loop3A_479 : vector<32xbf16>
          %parallel_loop3A_481 = tpu.vector_load_idx %arg5[%broadcast_in_dim3A_14, %parallel_loop3A_468] : memref<2x10000xi32, #tpu.memory_space<vmem>>[vector<16xi32>, vector<16xi32>], vector<16xi32>,
          %parallel_loop3A_482 = vector.bitcast %parallel_loop3A_481 : vector<16xi32> to vector<32xbf16>
          %parallel_loop3A_483 = tpu.vector_load_idx %arg5[%broadcast_in_dim3A_14, %parallel_loop3A_474] : memref<2x10000xi32, #tpu.memory_space<vmem>>[vector<16xi32>, vector<16xi32>], vector<16xi32>,
          %parallel_loop3A_484 = vector.bitcast %parallel_loop3A_483 : vector<16xi32> to vector<32xbf16>
          %parallel_loop3A_485 = arith.subf %parallel_loop3A_482, %parallel_loop3A_484 : vector<32xbf16>
          %parallel_loop3A_486 = arith.maximumf %parallel_loop3A_462, %parallel_loop3A_485 : vector<32xbf16>
          %parallel_loop3A_487 = arith.constant 0 : i32
          %parallel_loop3A_488 = arith.constant 17 : i32
          %parallel_loop3A_489 = arith.index_cast %parallel_loop3A_487 : i32 to index
          %parallel_loop3A_490 = arith.index_cast %parallel_loop3A_488 : i32 to index
          %parallel_loop3A_491 = arith.index_cast %parallel_loop3A_80 : i32 to index
          %parallel_loop3A_492 = tpu.vector_load %arg8[%parallel_loop3A_489, %parallel_loop3A_490, %parallel_loop3A_491] {strides = array<i32>} : memref<2x32x400xi32, #tpu.memory_space<vmem>>, vector<16xi32>,
          %parallel_loop3A_493 = arith.constant 1 : i32
          %parallel_loop3A_494 = arith.constant 17 : i32
          %parallel_loop3A_495 = arith.index_cast %parallel_loop3A_493 : i32 to index
          %parallel_loop3A_496 = arith.index_cast %parallel_loop3A_494 : i32 to index
          %parallel_loop3A_497 = arith.index_cast %parallel_loop3A_80 : i32 to index
          %parallel_loop3A_498 = tpu.vector_load %arg8[%parallel_loop3A_495, %parallel_loop3A_496, %parallel_loop3A_497] {strides = array<i32>} : memref<2x32x400xi32, #tpu.memory_space<vmem>>, vector<16xi32>,
          %parallel_loop3A_499 = tpu.vector_load_idx %arg5[%broadcast_in_dim3A_12, %parallel_loop3A_492] : memref<2x10000xi32, #tpu.memory_space<vmem>>[vector<16xi32>, vector<16xi32>], vector<16xi32>,
          %parallel_loop3A_500 = vector.bitcast %parallel_loop3A_499 : vector<16xi32> to vector<32xbf16>
          %parallel_loop3A_501 = tpu.vector_load_idx %arg5[%broadcast_in_dim3A_12, %parallel_loop3A_498] : memref<2x10000xi32, #tpu.memory_space<vmem>>[vector<16xi32>, vector<16xi32>], vector<16xi32>,
          %parallel_loop3A_502 = vector.bitcast %parallel_loop3A_501 : vector<16xi32> to vector<32xbf16>
          %parallel_loop3A_503 = arith.subf %parallel_loop3A_500, %parallel_loop3A_502 : vector<32xbf16>
          %parallel_loop3A_504 = arith.maximumf %parallel_loop3A_480, %parallel_loop3A_503 : vector<32xbf16>
          %parallel_loop3A_505 = tpu.vector_load_idx %arg5[%broadcast_in_dim3A_14, %parallel_loop3A_492] : memref<2x10000xi32, #tpu.memory_space<vmem>>[vector<16xi32>, vector<16xi32>], vector<16xi32>,
          %parallel_loop3A_506 = vector.bitcast %parallel_loop3A_505 : vector<16xi32> to vector<32xbf16>
          %parallel_loop3A_507 = tpu.vector_load_idx %arg5[%broadcast_in_dim3A_14, %parallel_loop3A_498] : memref<2x10000xi32, #tpu.memory_space<vmem>>[vector<16xi32>, vector<16xi32>], vector<16xi32>,
          %parallel_loop3A_508 = vector.bitcast %parallel_loop3A_507 : vector<16xi32> to vector<32xbf16>
          %parallel_loop3A_509 = arith.subf %parallel_loop3A_506, %parallel_loop3A_508 : vector<32xbf16>
          %parallel_loop3A_510 = arith.maximumf %parallel_loop3A_486, %parallel_loop3A_509 : vector<32xbf16>
          %parallel_loop3A_511 = arith.constant 0 : i32
          %parallel_loop3A_512 = arith.constant 18 : i32
          %parallel_loop3A_513 = arith.index_cast %parallel_loop3A_511 : i32 to index
          %parallel_loop3A_514 = arith.index_cast %parallel_loop3A_512 : i32 to index
          %parallel_loop3A_515 = arith.index_cast %parallel_loop3A_80 : i32 to index
          %parallel_loop3A_516 = tpu.vector_load %arg8[%parallel_loop3A_513, %parallel_loop3A_514, %parallel_loop3A_515] {strides = array<i32>} : memref<2x32x400xi32, #tpu.memory_space<vmem>>, vector<16xi32>,
          %parallel_loop3A_517 = arith.constant 1 : i32
          %parallel_loop3A_518 = arith.constant 18 : i32
          %parallel_loop3A_519 = arith.index_cast %parallel_loop3A_517 : i32 to index
          %parallel_loop3A_520 = arith.index_cast %parallel_loop3A_518 : i32 to index
          %parallel_loop3A_521 = arith.index_cast %parallel_loop3A_80 : i32 to index
          %parallel_loop3A_522 = tpu.vector_load %arg8[%parallel_loop3A_519, %parallel_loop3A_520, %parallel_loop3A_521] {strides = array<i32>} : memref<2x32x400xi32, #tpu.memory_space<vmem>>, vector<16xi32>,
          %parallel_loop3A_523 = tpu.vector_load_idx %arg5[%broadcast_in_dim3A_12, %parallel_loop3A_516] : memref<2x10000xi32, #tpu.memory_space<vmem>>[vector<16xi32>, vector<16xi32>], vector<16xi32>,
          %parallel_loop3A_524 = vector.bitcast %parallel_loop3A_523 : vector<16xi32> to vector<32xbf16>
          %parallel_loop3A_525 = tpu.vector_load_idx %arg5[%broadcast_in_dim3A_12, %parallel_loop3A_522] : memref<2x10000xi32, #tpu.memory_space<vmem>>[vector<16xi32>, vector<16xi32>], vector<16xi32>,
          %parallel_loop3A_526 = vector.bitcast %parallel_loop3A_525 : vector<16xi32> to vector<32xbf16>
          %parallel_loop3A_527 = arith.subf %parallel_loop3A_524, %parallel_loop3A_526 : vector<32xbf16>
          %parallel_loop3A_528 = arith.maximumf %parallel_loop3A_504, %parallel_loop3A_527 : vector<32xbf16>
          %parallel_loop3A_529 = tpu.vector_load_idx %arg5[%broadcast_in_dim3A_14, %parallel_loop3A_516] : memref<2x10000xi32, #tpu.memory_space<vmem>>[vector<16xi32>, vector<16xi32>], vector<16xi32>,
          %parallel_loop3A_530 = vector.bitcast %parallel_loop3A_529 : vector<16xi32> to vector<32xbf16>
          %parallel_loop3A_531 = tpu.vector_load_idx %arg5[%broadcast_in_dim3A_14, %parallel_loop3A_522] : memref<2x10000xi32, #tpu.memory_space<vmem>>[vector<16xi32>, vector<16xi32>], vector<16xi32>,
          %parallel_loop3A_532 = vector.bitcast %parallel_loop3A_531 : vector<16xi32> to vector<32xbf16>
          %parallel_loop3A_533 = arith.subf %parallel_loop3A_530, %parallel_loop3A_532 : vector<32xbf16>
          %parallel_loop3A_534 = arith.maximumf %parallel_loop3A_510, %parallel_loop3A_533 : vector<32xbf16>
          %parallel_loop3A_535 = arith.constant 0 : i32
          %parallel_loop3A_536 = arith.constant 19 : i32
          %parallel_loop3A_537 = arith.index_cast %parallel_loop3A_535 : i32 to index
          %parallel_loop3A_538 = arith.index_cast %parallel_loop3A_536 : i32 to index
          %parallel_loop3A_539 = arith.index_cast %parallel_loop3A_80 : i32 to index
          %parallel_loop3A_540 = tpu.vector_load %arg8[%parallel_loop3A_537, %parallel_loop3A_538, %parallel_loop3A_539] {strides = array<i32>} : memref<2x32x400xi32, #tpu.memory_space<vmem>>, vector<16xi32>,
          %parallel_loop3A_541 = arith.constant 1 : i32
          %parallel_loop3A_542 = arith.constant 19 : i32
          %parallel_loop3A_543 = arith.index_cast %parallel_loop3A_541 : i32 to index
          %parallel_loop3A_544 = arith.index_cast %parallel_loop3A_542 : i32 to index
          %parallel_loop3A_545 = arith.index_cast %parallel_loop3A_80 : i32 to index
          %parallel_loop3A_546 = tpu.vector_load %arg8[%parallel_loop3A_543, %parallel_loop3A_544, %parallel_loop3A_545] {strides = array<i32>} : memref<2x32x400xi32, #tpu.memory_space<vmem>>, vector<16xi32>,
          %parallel_loop3A_547 = tpu.vector_load_idx %arg5[%broadcast_in_dim3A_12, %parallel_loop3A_540] : memref<2x10000xi32, #tpu.memory_space<vmem>>[vector<16xi32>, vector<16xi32>], vector<16xi32>,
          %parallel_loop3A_548 = vector.bitcast %parallel_loop3A_547 : vector<16xi32> to vector<32xbf16>
          %parallel_loop3A_549 = tpu.vector_load_idx %arg5[%broadcast_in_dim3A_12, %parallel_loop3A_546] : memref<2x10000xi32, #tpu.memory_space<vmem>>[vector<16xi32>, vector<16xi32>], vector<16xi32>,
          %parallel_loop3A_550 = vector.bitcast %parallel_loop3A_549 : vector<16xi32> to vector<32xbf16>
          %parallel_loop3A_551 = arith.subf %parallel_loop3A_548, %parallel_loop3A_550 : vector<32xbf16>
          %parallel_loop3A_552 = arith.maximumf %parallel_loop3A_528, %parallel_loop3A_551 : vector<32xbf16>
          %parallel_loop3A_553 = tpu.vector_load_idx %arg5[%broadcast_in_dim3A_14, %parallel_loop3A_540] : memref<2x10000xi32, #tpu.memory_space<vmem>>[vector<16xi32>, vector<16xi32>], vector<16xi32>,
          %parallel_loop3A_554 = vector.bitcast %parallel_loop3A_553 : vector<16xi32> to vector<32xbf16>
          %parallel_loop3A_555 = tpu.vector_load_idx %arg5[%broadcast_in_dim3A_14, %parallel_loop3A_546] : memref<2x10000xi32, #tpu.memory_space<vmem>>[vector<16xi32>, vector<16xi32>], vector<16xi32>,
          %parallel_loop3A_556 = vector.bitcast %parallel_loop3A_555 : vector<16xi32> to vector<32xbf16>
          %parallel_loop3A_557 = arith.subf %parallel_loop3A_554, %parallel_loop3A_556 : vector<32xbf16>
          %parallel_loop3A_558 = arith.maximumf %parallel_loop3A_534, %parallel_loop3A_557 : vector<32xbf16>
          %parallel_loop3A_559 = arith.constant 0 : i32
          %parallel_loop3A_560 = arith.constant 20 : i32
          %parallel_loop3A_561 = arith.index_cast %parallel_loop3A_559 : i32 to index
          %parallel_loop3A_562 = arith.index_cast %parallel_loop3A_560 : i32 to index
          %parallel_loop3A_563 = arith.index_cast %parallel_loop3A_80 : i32 to index
          %parallel_loop3A_564 = tpu.vector_load %arg8[%parallel_loop3A_561, %parallel_loop3A_562, %parallel_loop3A_563] {strides = array<i32>} : memref<2x32x400xi32, #tpu.memory_space<vmem>>, vector<16xi32>,
          %parallel_loop3A_565 = arith.constant 1 : i32
          %parallel_loop3A_566 = arith.constant 20 : i32
          %parallel_loop3A_567 = arith.index_cast %parallel_loop3A_565 : i32 to index
          %parallel_loop3A_568 = arith.index_cast %parallel_loop3A_566 : i32 to index
          %parallel_loop3A_569 = arith.index_cast %parallel_loop3A_80 : i32 to index
          %parallel_loop3A_570 = tpu.vector_load %arg8[%parallel_loop3A_567, %parallel_loop3A_568, %parallel_loop3A_569] {strides = array<i32>} : memref<2x32x400xi32, #tpu.memory_space<vmem>>, vector<16xi32>,
          %parallel_loop3A_571 = tpu.vector_load_idx %arg5[%broadcast_in_dim3A_12, %parallel_loop3A_564] : memref<2x10000xi32, #tpu.memory_space<vmem>>[vector<16xi32>, vector<16xi32>], vector<16xi32>,
          %parallel_loop3A_572 = vector.bitcast %parallel_loop3A_571 : vector<16xi32> to vector<32xbf16>
          %parallel_loop3A_573 = tpu.vector_load_idx %arg5[%broadcast_in_dim3A_12, %parallel_loop3A_570] : memref<2x10000xi32, #tpu.memory_space<vmem>>[vector<16xi32>, vector<16xi32>], vector<16xi32>,
          %parallel_loop3A_574 = vector.bitcast %parallel_loop3A_573 : vector<16xi32> to vector<32xbf16>
          %parallel_loop3A_575 = arith.subf %parallel_loop3A_572, %parallel_loop3A_574 : vector<32xbf16>
          %parallel_loop3A_576 = arith.maximumf %parallel_loop3A_552, %parallel_loop3A_575 : vector<32xbf16>
          %parallel_loop3A_577 = tpu.vector_load_idx %arg5[%broadcast_in_dim3A_14, %parallel_loop3A_564] : memref<2x10000xi32, #tpu.memory_space<vmem>>[vector<16xi32>, vector<16xi32>], vector<16xi32>,
          %parallel_loop3A_578 = vector.bitcast %parallel_loop3A_577 : vector<16xi32> to vector<32xbf16>
          %parallel_loop3A_579 = tpu.vector_load_idx %arg5[%broadcast_in_dim3A_14, %parallel_loop3A_570] : memref<2x10000xi32, #tpu.memory_space<vmem>>[vector<16xi32>, vector<16xi32>], vector<16xi32>,
          %parallel_loop3A_580 = vector.bitcast %parallel_loop3A_579 : vector<16xi32> to vector<32xbf16>
          %parallel_loop3A_581 = arith.subf %parallel_loop3A_578, %parallel_loop3A_580 : vector<32xbf16>
          %parallel_loop3A_582 = arith.maximumf %parallel_loop3A_558, %parallel_loop3A_581 : vector<32xbf16>
          %parallel_loop3A_583 = arith.constant 0 : i32
          %parallel_loop3A_584 = arith.constant 21 : i32
          %parallel_loop3A_585 = arith.index_cast %parallel_loop3A_583 : i32 to index
          %parallel_loop3A_586 = arith.index_cast %parallel_loop3A_584 : i32 to index
          %parallel_loop3A_587 = arith.index_cast %parallel_loop3A_80 : i32 to index
          %parallel_loop3A_588 = tpu.vector_load %arg8[%parallel_loop3A_585, %parallel_loop3A_586, %parallel_loop3A_587] {strides = array<i32>} : memref<2x32x400xi32, #tpu.memory_space<vmem>>, vector<16xi32>,
          %parallel_loop3A_589 = arith.constant 1 : i32
          %parallel_loop3A_590 = arith.constant 21 : i32
          %parallel_loop3A_591 = arith.index_cast %parallel_loop3A_589 : i32 to index
          %parallel_loop3A_592 = arith.index_cast %parallel_loop3A_590 : i32 to index
          %parallel_loop3A_593 = arith.index_cast %parallel_loop3A_80 : i32 to index
          %parallel_loop3A_594 = tpu.vector_load %arg8[%parallel_loop3A_591, %parallel_loop3A_592, %parallel_loop3A_593] {strides = array<i32>} : memref<2x32x400xi32, #tpu.memory_space<vmem>>, vector<16xi32>,
          %parallel_loop3A_595 = tpu.vector_load_idx %arg5[%broadcast_in_dim3A_12, %parallel_loop3A_588] : memref<2x10000xi32, #tpu.memory_space<vmem>>[vector<16xi32>, vector<16xi32>], vector<16xi32>,
          %parallel_loop3A_596 = vector.bitcast %parallel_loop3A_595 : vector<16xi32> to vector<32xbf16>
          %parallel_loop3A_597 = tpu.vector_load_idx %arg5[%broadcast_in_dim3A_12, %parallel_loop3A_594] : memref<2x10000xi32, #tpu.memory_space<vmem>>[vector<16xi32>, vector<16xi32>], vector<16xi32>,
          %parallel_loop3A_598 = vector.bitcast %parallel_loop3A_597 : vector<16xi32> to vector<32xbf16>
          %parallel_loop3A_599 = arith.subf %parallel_loop3A_596, %parallel_loop3A_598 : vector<32xbf16>
          %parallel_loop3A_600 = arith.maximumf %parallel_loop3A_576, %parallel_loop3A_599 : vector<32xbf16>
          %parallel_loop3A_601 = tpu.vector_load_idx %arg5[%broadcast_in_dim3A_14, %parallel_loop3A_588] : memref<2x10000xi32, #tpu.memory_space<vmem>>[vector<16xi32>, vector<16xi32>], vector<16xi32>,
          %parallel_loop3A_602 = vector.bitcast %parallel_loop3A_601 : vector<16xi32> to vector<32xbf16>
          %parallel_loop3A_603 = tpu.vector_load_idx %arg5[%broadcast_in_dim3A_14, %parallel_loop3A_594] : memref<2x10000xi32, #tpu.memory_space<vmem>>[vector<16xi32>, vector<16xi32>], vector<16xi32>,
          %parallel_loop3A_604 = vector.bitcast %parallel_loop3A_603 : vector<16xi32> to vector<32xbf16>
          %parallel_loop3A_605 = arith.subf %parallel_loop3A_602, %parallel_loop3A_604 : vector<32xbf16>
          %parallel_loop3A_606 = arith.maximumf %parallel_loop3A_582, %parallel_loop3A_605 : vector<32xbf16>
          %parallel_loop3A_607 = arith.constant 0 : i32
          %parallel_loop3A_608 = arith.constant 22 : i32
          %parallel_loop3A_609 = arith.index_cast %parallel_loop3A_607 : i32 to index
          %parallel_loop3A_610 = arith.index_cast %parallel_loop3A_608 : i32 to index
          %parallel_loop3A_611 = arith.index_cast %parallel_loop3A_80 : i32 to index
          %parallel_loop3A_612 = tpu.vector_load %arg8[%parallel_loop3A_609, %parallel_loop3A_610, %parallel_loop3A_611] {strides = array<i32>} : memref<2x32x400xi32, #tpu.memory_space<vmem>>, vector<16xi32>,
          %parallel_loop3A_613 = arith.constant 1 : i32
          %parallel_loop3A_614 = arith.constant 22 : i32
          %parallel_loop3A_615 = arith.index_cast %parallel_loop3A_613 : i32 to index
          %parallel_loop3A_616 = arith.index_cast %parallel_loop3A_614 : i32 to index
          %parallel_loop3A_617 = arith.index_cast %parallel_loop3A_80 : i32 to index
          %parallel_loop3A_618 = tpu.vector_load %arg8[%parallel_loop3A_615, %parallel_loop3A_616, %parallel_loop3A_617] {strides = array<i32>} : memref<2x32x400xi32, #tpu.memory_space<vmem>>, vector<16xi32>,
          %parallel_loop3A_619 = tpu.vector_load_idx %arg5[%broadcast_in_dim3A_12, %parallel_loop3A_612] : memref<2x10000xi32, #tpu.memory_space<vmem>>[vector<16xi32>, vector<16xi32>], vector<16xi32>,
          %parallel_loop3A_620 = vector.bitcast %parallel_loop3A_619 : vector<16xi32> to vector<32xbf16>
          %parallel_loop3A_621 = tpu.vector_load_idx %arg5[%broadcast_in_dim3A_12, %parallel_loop3A_618] : memref<2x10000xi32, #tpu.memory_space<vmem>>[vector<16xi32>, vector<16xi32>], vector<16xi32>,
          %parallel_loop3A_622 = vector.bitcast %parallel_loop3A_621 : vector<16xi32> to vector<32xbf16>
          %parallel_loop3A_623 = arith.subf %parallel_loop3A_620, %parallel_loop3A_622 : vector<32xbf16>
          %parallel_loop3A_624 = arith.maximumf %parallel_loop3A_600, %parallel_loop3A_623 : vector<32xbf16>
          %parallel_loop3A_625 = tpu.vector_load_idx %arg5[%broadcast_in_dim3A_14, %parallel_loop3A_612] : memref<2x10000xi32, #tpu.memory_space<vmem>>[vector<16xi32>, vector<16xi32>], vector<16xi32>,
          %parallel_loop3A_626 = vector.bitcast %parallel_loop3A_625 : vector<16xi32> to vector<32xbf16>
          %parallel_loop3A_627 = tpu.vector_load_idx %arg5[%broadcast_in_dim3A_14, %parallel_loop3A_618] : memref<2x10000xi32, #tpu.memory_space<vmem>>[vector<16xi32>, vector<16xi32>], vector<16xi32>,
          %parallel_loop3A_628 = vector.bitcast %parallel_loop3A_627 : vector<16xi32> to vector<32xbf16>
          %parallel_loop3A_629 = arith.subf %parallel_loop3A_626, %parallel_loop3A_628 : vector<32xbf16>
          %parallel_loop3A_630 = arith.maximumf %parallel_loop3A_606, %parallel_loop3A_629 : vector<32xbf16>
          %parallel_loop3A_631 = arith.constant 0 : i32
          %parallel_loop3A_632 = arith.constant 23 : i32
          %parallel_loop3A_633 = arith.index_cast %parallel_loop3A_631 : i32 to index
          %parallel_loop3A_634 = arith.index_cast %parallel_loop3A_632 : i32 to index
          %parallel_loop3A_635 = arith.index_cast %parallel_loop3A_80 : i32 to index
          %parallel_loop3A_636 = tpu.vector_load %arg8[%parallel_loop3A_633, %parallel_loop3A_634, %parallel_loop3A_635] {strides = array<i32>} : memref<2x32x400xi32, #tpu.memory_space<vmem>>, vector<16xi32>,
          %parallel_loop3A_637 = arith.constant 1 : i32
          %parallel_loop3A_638 = arith.constant 23 : i32
          %parallel_loop3A_639 = arith.index_cast %parallel_loop3A_637 : i32 to index
          %parallel_loop3A_640 = arith.index_cast %parallel_loop3A_638 : i32 to index
          %parallel_loop3A_641 = arith.index_cast %parallel_loop3A_80 : i32 to index
          %parallel_loop3A_642 = tpu.vector_load %arg8[%parallel_loop3A_639, %parallel_loop3A_640, %parallel_loop3A_641] {strides = array<i32>} : memref<2x32x400xi32, #tpu.memory_space<vmem>>, vector<16xi32>,
          %parallel_loop3A_643 = tpu.vector_load_idx %arg5[%broadcast_in_dim3A_12, %parallel_loop3A_636] : memref<2x10000xi32, #tpu.memory_space<vmem>>[vector<16xi32>, vector<16xi32>], vector<16xi32>,
          %parallel_loop3A_644 = vector.bitcast %parallel_loop3A_643 : vector<16xi32> to vector<32xbf16>
          %parallel_loop3A_645 = tpu.vector_load_idx %arg5[%broadcast_in_dim3A_12, %parallel_loop3A_642] : memref<2x10000xi32, #tpu.memory_space<vmem>>[vector<16xi32>, vector<16xi32>], vector<16xi32>,
          %parallel_loop3A_646 = vector.bitcast %parallel_loop3A_645 : vector<16xi32> to vector<32xbf16>
          %parallel_loop3A_647 = arith.subf %parallel_loop3A_644, %parallel_loop3A_646 : vector<32xbf16>
          %parallel_loop3A_648 = arith.maximumf %parallel_loop3A_624, %parallel_loop3A_647 : vector<32xbf16>
          %parallel_loop3A_649 = tpu.vector_load_idx %arg5[%broadcast_in_dim3A_14, %parallel_loop3A_636] : memref<2x10000xi32, #tpu.memory_space<vmem>>[vector<16xi32>, vector<16xi32>], vector<16xi32>,
          %parallel_loop3A_650 = vector.bitcast %parallel_loop3A_649 : vector<16xi32> to vector<32xbf16>
          %parallel_loop3A_651 = tpu.vector_load_idx %arg5[%broadcast_in_dim3A_14, %parallel_loop3A_642] : memref<2x10000xi32, #tpu.memory_space<vmem>>[vector<16xi32>, vector<16xi32>], vector<16xi32>,
          %parallel_loop3A_652 = vector.bitcast %parallel_loop3A_651 : vector<16xi32> to vector<32xbf16>
          %parallel_loop3A_653 = arith.subf %parallel_loop3A_650, %parallel_loop3A_652 : vector<32xbf16>
          %parallel_loop3A_654 = arith.maximumf %parallel_loop3A_630, %parallel_loop3A_653 : vector<32xbf16>
          %parallel_loop3A_655 = arith.constant 0 : i32
          %parallel_loop3A_656 = arith.constant 24 : i32
          %parallel_loop3A_657 = arith.index_cast %parallel_loop3A_655 : i32 to index
          %parallel_loop3A_658 = arith.index_cast %parallel_loop3A_656 : i32 to index
          %parallel_loop3A_659 = arith.index_cast %parallel_loop3A_80 : i32 to index
          %parallel_loop3A_660 = tpu.vector_load %arg8[%parallel_loop3A_657, %parallel_loop3A_658, %parallel_loop3A_659] {strides = array<i32>} : memref<2x32x400xi32, #tpu.memory_space<vmem>>, vector<16xi32>,
          %parallel_loop3A_661 = arith.constant 1 : i32
          %parallel_loop3A_662 = arith.constant 24 : i32
          %parallel_loop3A_663 = arith.index_cast %parallel_loop3A_661 : i32 to index
          %parallel_loop3A_664 = arith.index_cast %parallel_loop3A_662 : i32 to index
          %parallel_loop3A_665 = arith.index_cast %parallel_loop3A_80 : i32 to index
          %parallel_loop3A_666 = tpu.vector_load %arg8[%parallel_loop3A_663, %parallel_loop3A_664, %parallel_loop3A_665] {strides = array<i32>} : memref<2x32x400xi32, #tpu.memory_space<vmem>>, vector<16xi32>,
          %parallel_loop3A_667 = tpu.vector_load_idx %arg5[%broadcast_in_dim3A_12, %parallel_loop3A_660] : memref<2x10000xi32, #tpu.memory_space<vmem>>[vector<16xi32>, vector<16xi32>], vector<16xi32>,
          %parallel_loop3A_668 = vector.bitcast %parallel_loop3A_667 : vector<16xi32> to vector<32xbf16>
          %parallel_loop3A_669 = tpu.vector_load_idx %arg5[%broadcast_in_dim3A_12, %parallel_loop3A_666] : memref<2x10000xi32, #tpu.memory_space<vmem>>[vector<16xi32>, vector<16xi32>], vector<16xi32>,
          %parallel_loop3A_670 = vector.bitcast %parallel_loop3A_669 : vector<16xi32> to vector<32xbf16>
          %parallel_loop3A_671 = arith.subf %parallel_loop3A_668, %parallel_loop3A_670 : vector<32xbf16>
          %parallel_loop3A_672 = arith.maximumf %parallel_loop3A_648, %parallel_loop3A_671 : vector<32xbf16>
          %parallel_loop3A_673 = tpu.vector_load_idx %arg5[%broadcast_in_dim3A_14, %parallel_loop3A_660] : memref<2x10000xi32, #tpu.memory_space<vmem>>[vector<16xi32>, vector<16xi32>], vector<16xi32>,
          %parallel_loop3A_674 = vector.bitcast %parallel_loop3A_673 : vector<16xi32> to vector<32xbf16>
          %parallel_loop3A_675 = tpu.vector_load_idx %arg5[%broadcast_in_dim3A_14, %parallel_loop3A_666] : memref<2x10000xi32, #tpu.memory_space<vmem>>[vector<16xi32>, vector<16xi32>], vector<16xi32>,
          %parallel_loop3A_676 = vector.bitcast %parallel_loop3A_675 : vector<16xi32> to vector<32xbf16>
          %parallel_loop3A_677 = arith.subf %parallel_loop3A_674, %parallel_loop3A_676 : vector<32xbf16>
          %parallel_loop3A_678 = arith.maximumf %parallel_loop3A_654, %parallel_loop3A_677 : vector<32xbf16>
          %parallel_loop3A_679 = arith.constant 0 : i32
          %parallel_loop3A_680 = arith.constant 25 : i32
          %parallel_loop3A_681 = arith.index_cast %parallel_loop3A_679 : i32 to index
          %parallel_loop3A_682 = arith.index_cast %parallel_loop3A_680 : i32 to index
          %parallel_loop3A_683 = arith.index_cast %parallel_loop3A_80 : i32 to index
          %parallel_loop3A_684 = tpu.vector_load %arg8[%parallel_loop3A_681, %parallel_loop3A_682, %parallel_loop3A_683] {strides = array<i32>} : memref<2x32x400xi32, #tpu.memory_space<vmem>>, vector<16xi32>,
          %parallel_loop3A_685 = arith.constant 1 : i32
          %parallel_loop3A_686 = arith.constant 25 : i32
          %parallel_loop3A_687 = arith.index_cast %parallel_loop3A_685 : i32 to index
          %parallel_loop3A_688 = arith.index_cast %parallel_loop3A_686 : i32 to index
          %parallel_loop3A_689 = arith.index_cast %parallel_loop3A_80 : i32 to index
          %parallel_loop3A_690 = tpu.vector_load %arg8[%parallel_loop3A_687, %parallel_loop3A_688, %parallel_loop3A_689] {strides = array<i32>} : memref<2x32x400xi32, #tpu.memory_space<vmem>>, vector<16xi32>,
          %parallel_loop3A_691 = tpu.vector_load_idx %arg5[%broadcast_in_dim3A_12, %parallel_loop3A_684] : memref<2x10000xi32, #tpu.memory_space<vmem>>[vector<16xi32>, vector<16xi32>], vector<16xi32>,
          %parallel_loop3A_692 = vector.bitcast %parallel_loop3A_691 : vector<16xi32> to vector<32xbf16>
          %parallel_loop3A_693 = tpu.vector_load_idx %arg5[%broadcast_in_dim3A_12, %parallel_loop3A_690] : memref<2x10000xi32, #tpu.memory_space<vmem>>[vector<16xi32>, vector<16xi32>], vector<16xi32>,
          %parallel_loop3A_694 = vector.bitcast %parallel_loop3A_693 : vector<16xi32> to vector<32xbf16>
          %parallel_loop3A_695 = arith.subf %parallel_loop3A_692, %parallel_loop3A_694 : vector<32xbf16>
          %parallel_loop3A_696 = arith.maximumf %parallel_loop3A_672, %parallel_loop3A_695 : vector<32xbf16>
          %parallel_loop3A_697 = tpu.vector_load_idx %arg5[%broadcast_in_dim3A_14, %parallel_loop3A_684] : memref<2x10000xi32, #tpu.memory_space<vmem>>[vector<16xi32>, vector<16xi32>], vector<16xi32>,
          %parallel_loop3A_698 = vector.bitcast %parallel_loop3A_697 : vector<16xi32> to vector<32xbf16>
          %parallel_loop3A_699 = tpu.vector_load_idx %arg5[%broadcast_in_dim3A_14, %parallel_loop3A_690] : memref<2x10000xi32, #tpu.memory_space<vmem>>[vector<16xi32>, vector<16xi32>], vector<16xi32>,
          %parallel_loop3A_700 = vector.bitcast %parallel_loop3A_699 : vector<16xi32> to vector<32xbf16>
          %parallel_loop3A_701 = arith.subf %parallel_loop3A_698, %parallel_loop3A_700 : vector<32xbf16>
          %parallel_loop3A_702 = arith.maximumf %parallel_loop3A_678, %parallel_loop3A_701 : vector<32xbf16>
          %parallel_loop3A_703 = arith.constant 0 : i32
          %parallel_loop3A_704 = arith.constant 26 : i32
          %parallel_loop3A_705 = arith.index_cast %parallel_loop3A_703 : i32 to index
          %parallel_loop3A_706 = arith.index_cast %parallel_loop3A_704 : i32 to index
          %parallel_loop3A_707 = arith.index_cast %parallel_loop3A_80 : i32 to index
          %parallel_loop3A_708 = tpu.vector_load %arg8[%parallel_loop3A_705, %parallel_loop3A_706, %parallel_loop3A_707] {strides = array<i32>} : memref<2x32x400xi32, #tpu.memory_space<vmem>>, vector<16xi32>,
          %parallel_loop3A_709 = arith.constant 1 : i32
          %parallel_loop3A_710 = arith.constant 26 : i32
          %parallel_loop3A_711 = arith.index_cast %parallel_loop3A_709 : i32 to index
          %parallel_loop3A_712 = arith.index_cast %parallel_loop3A_710 : i32 to index
          %parallel_loop3A_713 = arith.index_cast %parallel_loop3A_80 : i32 to index
          %parallel_loop3A_714 = tpu.vector_load %arg8[%parallel_loop3A_711, %parallel_loop3A_712, %parallel_loop3A_713] {strides = array<i32>} : memref<2x32x400xi32, #tpu.memory_space<vmem>>, vector<16xi32>,
          %parallel_loop3A_715 = tpu.vector_load_idx %arg5[%broadcast_in_dim3A_12, %parallel_loop3A_708] : memref<2x10000xi32, #tpu.memory_space<vmem>>[vector<16xi32>, vector<16xi32>], vector<16xi32>,
          %parallel_loop3A_716 = vector.bitcast %parallel_loop3A_715 : vector<16xi32> to vector<32xbf16>
          %parallel_loop3A_717 = tpu.vector_load_idx %arg5[%broadcast_in_dim3A_12, %parallel_loop3A_714] : memref<2x10000xi32, #tpu.memory_space<vmem>>[vector<16xi32>, vector<16xi32>], vector<16xi32>,
          %parallel_loop3A_718 = vector.bitcast %parallel_loop3A_717 : vector<16xi32> to vector<32xbf16>
          %parallel_loop3A_719 = arith.subf %parallel_loop3A_716, %parallel_loop3A_718 : vector<32xbf16>
          %parallel_loop3A_720 = arith.maximumf %parallel_loop3A_696, %parallel_loop3A_719 : vector<32xbf16>
          %parallel_loop3A_721 = tpu.vector_load_idx %arg5[%broadcast_in_dim3A_14, %parallel_loop3A_708] : memref<2x10000xi32, #tpu.memory_space<vmem>>[vector<16xi32>, vector<16xi32>], vector<16xi32>,
          %parallel_loop3A_722 = vector.bitcast %parallel_loop3A_721 : vector<16xi32> to vector<32xbf16>
          %parallel_loop3A_723 = tpu.vector_load_idx %arg5[%broadcast_in_dim3A_14, %parallel_loop3A_714] : memref<2x10000xi32, #tpu.memory_space<vmem>>[vector<16xi32>, vector<16xi32>], vector<16xi32>,
          %parallel_loop3A_724 = vector.bitcast %parallel_loop3A_723 : vector<16xi32> to vector<32xbf16>
          %parallel_loop3A_725 = arith.subf %parallel_loop3A_722, %parallel_loop3A_724 : vector<32xbf16>
          %parallel_loop3A_726 = arith.maximumf %parallel_loop3A_702, %parallel_loop3A_725 : vector<32xbf16>
          %parallel_loop3A_727 = arith.constant 0 : i32
          %parallel_loop3A_728 = arith.constant 27 : i32
          %parallel_loop3A_729 = arith.index_cast %parallel_loop3A_727 : i32 to index
          %parallel_loop3A_730 = arith.index_cast %parallel_loop3A_728 : i32 to index
          %parallel_loop3A_731 = arith.index_cast %parallel_loop3A_80 : i32 to index
          %parallel_loop3A_732 = tpu.vector_load %arg8[%parallel_loop3A_729, %parallel_loop3A_730, %parallel_loop3A_731] {strides = array<i32>} : memref<2x32x400xi32, #tpu.memory_space<vmem>>, vector<16xi32>,
          %parallel_loop3A_733 = arith.constant 1 : i32
          %parallel_loop3A_734 = arith.constant 27 : i32
          %parallel_loop3A_735 = arith.index_cast %parallel_loop3A_733 : i32 to index
          %parallel_loop3A_736 = arith.index_cast %parallel_loop3A_734 : i32 to index
          %parallel_loop3A_737 = arith.index_cast %parallel_loop3A_80 : i32 to index
          %parallel_loop3A_738 = tpu.vector_load %arg8[%parallel_loop3A_735, %parallel_loop3A_736, %parallel_loop3A_737] {strides = array<i32>} : memref<2x32x400xi32, #tpu.memory_space<vmem>>, vector<16xi32>,
          %parallel_loop3A_739 = tpu.vector_load_idx %arg5[%broadcast_in_dim3A_12, %parallel_loop3A_732] : memref<2x10000xi32, #tpu.memory_space<vmem>>[vector<16xi32>, vector<16xi32>], vector<16xi32>,
          %parallel_loop3A_740 = vector.bitcast %parallel_loop3A_739 : vector<16xi32> to vector<32xbf16>
          %parallel_loop3A_741 = tpu.vector_load_idx %arg5[%broadcast_in_dim3A_12, %parallel_loop3A_738] : memref<2x10000xi32, #tpu.memory_space<vmem>>[vector<16xi32>, vector<16xi32>], vector<16xi32>,
          %parallel_loop3A_742 = vector.bitcast %parallel_loop3A_741 : vector<16xi32> to vector<32xbf16>
          %parallel_loop3A_743 = arith.subf %parallel_loop3A_740, %parallel_loop3A_742 : vector<32xbf16>
          %parallel_loop3A_744 = arith.maximumf %parallel_loop3A_720, %parallel_loop3A_743 : vector<32xbf16>
          %parallel_loop3A_745 = tpu.vector_load_idx %arg5[%broadcast_in_dim3A_14, %parallel_loop3A_732] : memref<2x10000xi32, #tpu.memory_space<vmem>>[vector<16xi32>, vector<16xi32>], vector<16xi32>,
          %parallel_loop3A_746 = vector.bitcast %parallel_loop3A_745 : vector<16xi32> to vector<32xbf16>
          %parallel_loop3A_747 = tpu.vector_load_idx %arg5[%broadcast_in_dim3A_14, %parallel_loop3A_738] : memref<2x10000xi32, #tpu.memory_space<vmem>>[vector<16xi32>, vector<16xi32>], vector<16xi32>,
          %parallel_loop3A_748 = vector.bitcast %parallel_loop3A_747 : vector<16xi32> to vector<32xbf16>
          %parallel_loop3A_749 = arith.subf %parallel_loop3A_746, %parallel_loop3A_748 : vector<32xbf16>
          %parallel_loop3A_750 = arith.maximumf %parallel_loop3A_726, %parallel_loop3A_749 : vector<32xbf16>
          %parallel_loop3A_751 = arith.constant 0 : i32
          %parallel_loop3A_752 = arith.constant 28 : i32
          %parallel_loop3A_753 = arith.index_cast %parallel_loop3A_751 : i32 to index
          %parallel_loop3A_754 = arith.index_cast %parallel_loop3A_752 : i32 to index
          %parallel_loop3A_755 = arith.index_cast %parallel_loop3A_80 : i32 to index
          %parallel_loop3A_756 = tpu.vector_load %arg8[%parallel_loop3A_753, %parallel_loop3A_754, %parallel_loop3A_755] {strides = array<i32>} : memref<2x32x400xi32, #tpu.memory_space<vmem>>, vector<16xi32>,
          %parallel_loop3A_757 = arith.constant 1 : i32
          %parallel_loop3A_758 = arith.constant 28 : i32
          %parallel_loop3A_759 = arith.index_cast %parallel_loop3A_757 : i32 to index
          %parallel_loop3A_760 = arith.index_cast %parallel_loop3A_758 : i32 to index
          %parallel_loop3A_761 = arith.index_cast %parallel_loop3A_80 : i32 to index
          %parallel_loop3A_762 = tpu.vector_load %arg8[%parallel_loop3A_759, %parallel_loop3A_760, %parallel_loop3A_761] {strides = array<i32>} : memref<2x32x400xi32, #tpu.memory_space<vmem>>, vector<16xi32>,
          %parallel_loop3A_763 = tpu.vector_load_idx %arg5[%broadcast_in_dim3A_12, %parallel_loop3A_756] : memref<2x10000xi32, #tpu.memory_space<vmem>>[vector<16xi32>, vector<16xi32>], vector<16xi32>,
          %parallel_loop3A_764 = vector.bitcast %parallel_loop3A_763 : vector<16xi32> to vector<32xbf16>
          %parallel_loop3A_765 = tpu.vector_load_idx %arg5[%broadcast_in_dim3A_12, %parallel_loop3A_762] : memref<2x10000xi32, #tpu.memory_space<vmem>>[vector<16xi32>, vector<16xi32>], vector<16xi32>,
          %parallel_loop3A_766 = vector.bitcast %parallel_loop3A_765 : vector<16xi32> to vector<32xbf16>
          %parallel_loop3A_767 = arith.subf %parallel_loop3A_764, %parallel_loop3A_766 : vector<32xbf16>
          %parallel_loop3A_768 = arith.maximumf %parallel_loop3A_744, %parallel_loop3A_767 : vector<32xbf16>
          %parallel_loop3A_769 = tpu.vector_load_idx %arg5[%broadcast_in_dim3A_14, %parallel_loop3A_756] : memref<2x10000xi32, #tpu.memory_space<vmem>>[vector<16xi32>, vector<16xi32>], vector<16xi32>,
          %parallel_loop3A_770 = vector.bitcast %parallel_loop3A_769 : vector<16xi32> to vector<32xbf16>
          %parallel_loop3A_771 = tpu.vector_load_idx %arg5[%broadcast_in_dim3A_14, %parallel_loop3A_762] : memref<2x10000xi32, #tpu.memory_space<vmem>>[vector<16xi32>, vector<16xi32>], vector<16xi32>,
          %parallel_loop3A_772 = vector.bitcast %parallel_loop3A_771 : vector<16xi32> to vector<32xbf16>
          %parallel_loop3A_773 = arith.subf %parallel_loop3A_770, %parallel_loop3A_772 : vector<32xbf16>
          %parallel_loop3A_774 = arith.maximumf %parallel_loop3A_750, %parallel_loop3A_773 : vector<32xbf16>
          %parallel_loop3A_775 = arith.constant 0 : i32
          %parallel_loop3A_776 = arith.constant 29 : i32
          %parallel_loop3A_777 = arith.index_cast %parallel_loop3A_775 : i32 to index
          %parallel_loop3A_778 = arith.index_cast %parallel_loop3A_776 : i32 to index
          %parallel_loop3A_779 = arith.index_cast %parallel_loop3A_80 : i32 to index
          %parallel_loop3A_780 = tpu.vector_load %arg8[%parallel_loop3A_777, %parallel_loop3A_778, %parallel_loop3A_779] {strides = array<i32>} : memref<2x32x400xi32, #tpu.memory_space<vmem>>, vector<16xi32>,
          %parallel_loop3A_781 = arith.constant 1 : i32
          %parallel_loop3A_782 = arith.constant 29 : i32
          %parallel_loop3A_783 = arith.index_cast %parallel_loop3A_781 : i32 to index
          %parallel_loop3A_784 = arith.index_cast %parallel_loop3A_782 : i32 to index
          %parallel_loop3A_785 = arith.index_cast %parallel_loop3A_80 : i32 to index
          %parallel_loop3A_786 = tpu.vector_load %arg8[%parallel_loop3A_783, %parallel_loop3A_784, %parallel_loop3A_785] {strides = array<i32>} : memref<2x32x400xi32, #tpu.memory_space<vmem>>, vector<16xi32>,
          %parallel_loop3A_787 = tpu.vector_load_idx %arg5[%broadcast_in_dim3A_12, %parallel_loop3A_780] : memref<2x10000xi32, #tpu.memory_space<vmem>>[vector<16xi32>, vector<16xi32>], vector<16xi32>,
          %parallel_loop3A_788 = vector.bitcast %parallel_loop3A_787 : vector<16xi32> to vector<32xbf16>
          %parallel_loop3A_789 = tpu.vector_load_idx %arg5[%broadcast_in_dim3A_12, %parallel_loop3A_786] : memref<2x10000xi32, #tpu.memory_space<vmem>>[vector<16xi32>, vector<16xi32>], vector<16xi32>,
          %parallel_loop3A_790 = vector.bitcast %parallel_loop3A_789 : vector<16xi32> to vector<32xbf16>
          %parallel_loop3A_791 = arith.subf %parallel_loop3A_788, %parallel_loop3A_790 : vector<32xbf16>
          %parallel_loop3A_792 = arith.maximumf %parallel_loop3A_768, %parallel_loop3A_791 : vector<32xbf16>
          %parallel_loop3A_793 = tpu.vector_load_idx %arg5[%broadcast_in_dim3A_14, %parallel_loop3A_780] : memref<2x10000xi32, #tpu.memory_space<vmem>>[vector<16xi32>, vector<16xi32>], vector<16xi32>,
          %parallel_loop3A_794 = vector.bitcast %parallel_loop3A_793 : vector<16xi32> to vector<32xbf16>
          %parallel_loop3A_795 = tpu.vector_load_idx %arg5[%broadcast_in_dim3A_14, %parallel_loop3A_786] : memref<2x10000xi32, #tpu.memory_space<vmem>>[vector<16xi32>, vector<16xi32>], vector<16xi32>,
          %parallel_loop3A_796 = vector.bitcast %parallel_loop3A_795 : vector<16xi32> to vector<32xbf16>
          %parallel_loop3A_797 = arith.subf %parallel_loop3A_794, %parallel_loop3A_796 : vector<32xbf16>
          %parallel_loop3A_798 = arith.maximumf %parallel_loop3A_774, %parallel_loop3A_797 : vector<32xbf16>
          %parallel_loop3A_799 = arith.constant 0 : i32
          %parallel_loop3A_800 = arith.constant 30 : i32
          %parallel_loop3A_801 = arith.index_cast %parallel_loop3A_799 : i32 to index
          %parallel_loop3A_802 = arith.index_cast %parallel_loop3A_800 : i32 to index
          %parallel_loop3A_803 = arith.index_cast %parallel_loop3A_80 : i32 to index
          %parallel_loop3A_804 = tpu.vector_load %arg8[%parallel_loop3A_801, %parallel_loop3A_802, %parallel_loop3A_803] {strides = array<i32>} : memref<2x32x400xi32, #tpu.memory_space<vmem>>, vector<16xi32>,
          %parallel_loop3A_805 = arith.constant 1 : i32
          %parallel_loop3A_806 = arith.constant 30 : i32
          %parallel_loop3A_807 = arith.index_cast %parallel_loop3A_805 : i32 to index
          %parallel_loop3A_808 = arith.index_cast %parallel_loop3A_806 : i32 to index
          %parallel_loop3A_809 = arith.index_cast %parallel_loop3A_80 : i32 to index
          %parallel_loop3A_810 = tpu.vector_load %arg8[%parallel_loop3A_807, %parallel_loop3A_808, %parallel_loop3A_809] {strides = array<i32>} : memref<2x32x400xi32, #tpu.memory_space<vmem>>, vector<16xi32>,
          %parallel_loop3A_811 = tpu.vector_load_idx %arg5[%broadcast_in_dim3A_12, %parallel_loop3A_804] : memref<2x10000xi32, #tpu.memory_space<vmem>>[vector<16xi32>, vector<16xi32>], vector<16xi32>,
          %parallel_loop3A_812 = vector.bitcast %parallel_loop3A_811 : vector<16xi32> to vector<32xbf16>
          %parallel_loop3A_813 = tpu.vector_load_idx %arg5[%broadcast_in_dim3A_12, %parallel_loop3A_810] : memref<2x10000xi32, #tpu.memory_space<vmem>>[vector<16xi32>, vector<16xi32>], vector<16xi32>,
          %parallel_loop3A_814 = vector.bitcast %parallel_loop3A_813 : vector<16xi32> to vector<32xbf16>
          %parallel_loop3A_815 = arith.subf %parallel_loop3A_812, %parallel_loop3A_814 : vector<32xbf16>
          %parallel_loop3A_816 = arith.maximumf %parallel_loop3A_792, %parallel_loop3A_815 : vector<32xbf16>
          %parallel_loop3A_817 = tpu.vector_load_idx %arg5[%broadcast_in_dim3A_14, %parallel_loop3A_804] : memref<2x10000xi32, #tpu.memory_space<vmem>>[vector<16xi32>, vector<16xi32>], vector<16xi32>,
          %parallel_loop3A_818 = vector.bitcast %parallel_loop3A_817 : vector<16xi32> to vector<32xbf16>
          %parallel_loop3A_819 = tpu.vector_load_idx %arg5[%broadcast_in_dim3A_14, %parallel_loop3A_810] : memref<2x10000xi32, #tpu.memory_space<vmem>>[vector<16xi32>, vector<16xi32>], vector<16xi32>,
          %parallel_loop3A_820 = vector.bitcast %parallel_loop3A_819 : vector<16xi32> to vector<32xbf16>
          %parallel_loop3A_821 = arith.subf %parallel_loop3A_818, %parallel_loop3A_820 : vector<32xbf16>
          %parallel_loop3A_822 = arith.maximumf %parallel_loop3A_798, %parallel_loop3A_821 : vector<32xbf16>
          %parallel_loop3A_823 = arith.constant 0 : i32
          %parallel_loop3A_824 = arith.constant 31 : i32
          %parallel_loop3A_825 = arith.index_cast %parallel_loop3A_823 : i32 to index
          %parallel_loop3A_826 = arith.index_cast %parallel_loop3A_824 : i32 to index
          %parallel_loop3A_827 = arith.index_cast %parallel_loop3A_80 : i32 to index
          %parallel_loop3A_828 = tpu.vector_load %arg8[%parallel_loop3A_825, %parallel_loop3A_826, %parallel_loop3A_827] {strides = array<i32>} : memref<2x32x400xi32, #tpu.memory_space<vmem>>, vector<16xi32>,
          %parallel_loop3A_829 = arith.constant 1 : i32
          %parallel_loop3A_830 = arith.constant 31 : i32
          %parallel_loop3A_831 = arith.index_cast %parallel_loop3A_829 : i32 to index
          %parallel_loop3A_832 = arith.index_cast %parallel_loop3A_830 : i32 to index
          %parallel_loop3A_833 = arith.index_cast %parallel_loop3A_80 : i32 to index
          %parallel_loop3A_834 = tpu.vector_load %arg8[%parallel_loop3A_831, %parallel_loop3A_832, %parallel_loop3A_833] {strides = array<i32>} : memref<2x32x400xi32, #tpu.memory_space<vmem>>, vector<16xi32>,
          %parallel_loop3A_835 = tpu.vector_load_idx %arg5[%broadcast_in_dim3A_12, %parallel_loop3A_828] : memref<2x10000xi32, #tpu.memory_space<vmem>>[vector<16xi32>, vector<16xi32>], vector<16xi32>,
          %parallel_loop3A_836 = vector.bitcast %parallel_loop3A_835 : vector<16xi32> to vector<32xbf16>
          %parallel_loop3A_837 = tpu.vector_load_idx %arg5[%broadcast_in_dim3A_12, %parallel_loop3A_834] : memref<2x10000xi32, #tpu.memory_space<vmem>>[vector<16xi32>, vector<16xi32>], vector<16xi32>,
          %parallel_loop3A_838 = vector.bitcast %parallel_loop3A_837 : vector<16xi32> to vector<32xbf16>
          %parallel_loop3A_839 = arith.subf %parallel_loop3A_836, %parallel_loop3A_838 : vector<32xbf16>
          %parallel_loop3A_840 = arith.maximumf %parallel_loop3A_816, %parallel_loop3A_839 : vector<32xbf16>
          %parallel_loop3A_841 = tpu.vector_load_idx %arg5[%broadcast_in_dim3A_14, %parallel_loop3A_828] : memref<2x10000xi32, #tpu.memory_space<vmem>>[vector<16xi32>, vector<16xi32>], vector<16xi32>,
          %parallel_loop3A_842 = vector.bitcast %parallel_loop3A_841 : vector<16xi32> to vector<32xbf16>
          %parallel_loop3A_843 = tpu.vector_load_idx %arg5[%broadcast_in_dim3A_14, %parallel_loop3A_834] : memref<2x10000xi32, #tpu.memory_space<vmem>>[vector<16xi32>, vector<16xi32>], vector<16xi32>,
          %parallel_loop3A_844 = vector.bitcast %parallel_loop3A_843 : vector<16xi32> to vector<32xbf16>
          %parallel_loop3A_845 = arith.subf %parallel_loop3A_842, %parallel_loop3A_844 : vector<32xbf16>
          %parallel_loop3A_846 = arith.maximumf %parallel_loop3A_822, %parallel_loop3A_845 : vector<32xbf16>
          %parallel_loop3A_847 = tpu.unpack_subelements %parallel_loop3A_840, 0 {pack_format = #tpu.pack_format<interleaved>} : vector<32xbf16> -> vector<16xf32>
          %parallel_loop3A_848 = tpu.unpack_subelements %parallel_loop3A_840, 1 {pack_format = #tpu.pack_format<interleaved>} : vector<32xbf16> -> vector<16xf32>
          %parallel_loop3A_849 = arith.constant 0 : i32
          %parallel_loop3A_850 = arith.index_cast %parallel_loop3A_849 : i32 to index
          %parallel_loop3A_851 = arith.index_cast %parallel_loop3A_78 : i32 to index
          %parallel_loop3A_852 = tpu.vector_load %arg6[%parallel_loop3A_850, %parallel_loop3A_851] {strides = array<i32>} : memref<4x10000xf32, #tpu.memory_space<vmem>>, vector<16xf32>,
          tpu.vector_store %arg6[%parallel_loop3A_850, %parallel_loop3A_851], %parallel_loop3A_847 {strides = array<i32>} : memref<4x10000xf32, #tpu.memory_space<vmem>>, vector<16xf32>,
          %parallel_loop3A_853 = arith.constant 1 : i32
          %parallel_loop3A_854 = arith.index_cast %parallel_loop3A_853 : i32 to index
          %parallel_loop3A_855 = arith.index_cast %parallel_loop3A_78 : i32 to index
          %parallel_loop3A_856 = tpu.vector_load %arg6[%parallel_loop3A_854, %parallel_loop3A_855] {strides = array<i32>} : memref<4x10000xf32, #tpu.memory_space<vmem>>, vector<16xf32>,
          tpu.vector_store %arg6[%parallel_loop3A_854, %parallel_loop3A_855], %parallel_loop3A_848 {strides = array<i32>} : memref<4x10000xf32, #tpu.memory_space<vmem>>, vector<16xf32>,
          %parallel_loop3A_857 = tpu.unpack_subelements %parallel_loop3A_846, 0 {pack_format = #tpu.pack_format<interleaved>} : vector<32xbf16> -> vector<16xf32>
          %parallel_loop3A_858 = tpu.unpack_subelements %parallel_loop3A_846, 1 {pack_format = #tpu.pack_format<interleaved>} : vector<32xbf16> -> vector<16xf32>
          %parallel_loop3A_859 = arith.constant 2 : i32
          %parallel_loop3A_860 = arith.index_cast %parallel_loop3A_859 : i32 to index
          %parallel_loop3A_861 = arith.index_cast %parallel_loop3A_78 : i32 to index
          %parallel_loop3A_862 = tpu.vector_load %arg6[%parallel_loop3A_860, %parallel_loop3A_861] {strides = array<i32>} : memref<4x10000xf32, #tpu.memory_space<vmem>>, vector<16xf32>,
          tpu.vector_store %arg6[%parallel_loop3A_860, %parallel_loop3A_861], %parallel_loop3A_857 {strides = array<i32>} : memref<4x10000xf32, #tpu.memory_space<vmem>>, vector<16xf32>,
          %parallel_loop3A_863 = arith.constant 3 : i32
          %parallel_loop3A_864 = arith.index_cast %parallel_loop3A_863 : i32 to index
          %parallel_loop3A_865 = arith.index_cast %parallel_loop3A_78 : i32 to index
          %parallel_loop3A_866 = tpu.vector_load %arg6[%parallel_loop3A_864, %parallel_loop3A_865] {strides = array<i32>} : memref<4x10000xf32, #tpu.memory_space<vmem>>, vector<16xf32>,
          tpu.vector_store %arg6[%parallel_loop3A_864, %parallel_loop3A_865], %parallel_loop3A_858 {strides = array<i32>} : memref<4x10000xf32, #tpu.memory_space<vmem>>, vector<16xf32>,
        } {sc.loop_unroll_factor = 4 : i64, sc.parallel_access}
      } else {
      }
      %scan3A_58 = arith.constant 0 : i32
      scf.yield %scan3A_58 : i32
    }
    %scan3A_20 = arith.constant 25 : i32
    "tpu.region"() ({
      %run_scoped3A = tpu.sem_alloc : memref<!tpu.dma_semaphore, #tpu.memory_space<semaphore_mem>>
      %dma_start3A_21 = arith.constant 0 : i32
      %dma_start3A_22 = tpu.memref_slice %arg4[%mul3A_2, %dma_start3A_21] : memref<128x10000xf32, #tpu.memory_space<hbm>> -> memref<4x10000xf32, #tpu.memory_space<hbm>>
      %dma_start3A_23 = arith.constant 0 : i32
      %dma_start3A_24 = tpu.memref_slice %arg4[%mul3A_2, %dma_start3A_23] : memref<128x10000xf32, #tpu.memory_space<hbm>> -> memref<4x10000xf32, #tpu.memory_space<hbm>>
      tpu.enqueue_dma source(%arg6 : memref<4x10000xf32, #tpu.memory_space<vmem>>) target(%dma_start3A_24 : memref<4x10000xf32, #tpu.memory_space<hbm>>) target_semaphore(%run_scoped3A : memref<!tpu.dma_semaphore, #tpu.memory_space<semaphore_mem>>)
      %dma_wait3A = arith.constant 0 : i32
      %dma_wait3A_25 = tpu.memref_slice %arg4[%mul3A_2, %dma_wait3A] : memref<128x10000xf32, #tpu.memory_space<hbm>> -> memref<4x10000xf32, #tpu.memory_space<hbm>>
      %dma_wait3A_26 = arith.constant 0 : i32
      %dma_wait3A_27 = tpu.memref_slice %arg4[%mul3A_2, %dma_wait3A_26] : memref<128x10000xf32, #tpu.memory_space<hbm>> -> memref<4x10000xf32, #tpu.memory_space<hbm>>
      tpu.wait_dma2 semaphore(%run_scoped3A : memref<!tpu.dma_semaphore, #tpu.memory_space<semaphore_mem>>) src(%arg6 : memref<4x10000xf32, #tpu.memory_space<vmem>>) dst(%dma_wait3A_27 : memref<4x10000xf32, #tpu.memory_space<hbm>>)
      tpu.yield
    }) : () -> ()
    return
  }
}

module attributes {stable_mosaic.version = 14 : i64} {
  func.func @_conv_body(%arg0: memref<128x10000xf32, #tpu.memory_space<vmem>>, %arg1: memref<128x10000xf32, #tpu.memory_space<vmem>>, %arg2: memref<128x128xf32, #tpu.memory_space<vmem>>, %arg3: memref<128x128xf32, #tpu.memory_space<vmem>>, %arg4: memref<128x1xf32, #tpu.memory_space<vmem>>, %arg5: memref<1x128x10000xf32, #tpu.memory_space<vmem>>) attributes {dimension_semantics = [], scalar_prefetch = 0 : i64, scratch_operands = 0 : i64, tpu.core_type = #tpu.core_type<tc>} {
    %get3A = arith.constant 0 : index
    %get3A_0 = arith.constant 0 : index
    %get3A_1 = vector.load %arg2[%get3A, %get3A_0] : memref<128x128xf32, #tpu.memory_space<vmem>>, vector<128x128xf32>
    %get3A_2 = arith.constant 0 : index
    %get3A_3 = arith.constant 0 : index
    %get3A_4 = vector.load %arg0[%get3A_2, %get3A_3] : memref<128x10000xf32, #tpu.memory_space<vmem>>, vector<128x10000xf32>
    %dot_general3A = arith.constant dense<0.000000e+00> : vector<128x10000xf32>
    %dot_general3A_5 = tpu.matmul %get3A_1, %get3A_4, %dot_general3A {dimension_numbers = #tpu.dot_dimension_numbers<[1], [0], [0], [1], [0, 0, 1, 1], [], []>, transpose_lhs_hint = false} : vector<128x128xf32>, vector<128x10000xf32>, vector<128x10000xf32> -> vector<128x10000xf32>
    %get3A_6 = arith.constant 0 : index
    %get3A_7 = arith.constant 0 : index
    %get3A_8 = vector.load %arg3[%get3A_6, %get3A_7] : memref<128x128xf32, #tpu.memory_space<vmem>>, vector<128x128xf32>
    %get3A_9 = arith.constant 0 : index
    %get3A_10 = arith.constant 0 : index
    %get3A_11 = vector.load %arg1[%get3A_9, %get3A_10] : memref<128x10000xf32, #tpu.memory_space<vmem>>, vector<128x10000xf32>
    %dot_general3A_12 = arith.constant dense<0.000000e+00> : vector<128x10000xf32>
    %dot_general3A_13 = tpu.matmul %get3A_8, %get3A_11, %dot_general3A_12 {dimension_numbers = #tpu.dot_dimension_numbers<[1], [0], [0], [1], [0, 0, 1, 1], [], []>, transpose_lhs_hint = false} : vector<128x128xf32>, vector<128x10000xf32>, vector<128x10000xf32> -> vector<128x10000xf32>
    %add3A = arith.addf %dot_general3A_5, %dot_general3A_13 : vector<128x10000xf32>
    %get3A_14 = arith.constant 0 : index
    %get3A_15 = arith.constant 0 : index
    %get3A_16 = vector.load %arg4[%get3A_14, %get3A_15] : memref<128x1xf32, #tpu.memory_space<vmem>>, vector<128x1xf32>
    %add3A_17 = vector.broadcast %get3A_16 : vector<128x1xf32> to vector<128x10000xf32>
    %add3A_18 = arith.addf %add3A, %add3A_17 : vector<128x10000xf32>
    %max3A = arith.constant 0.000000e+00 : f32
    %max3A_19 = vector.broadcast %max3A : f32 to vector<128x10000xf32>
    %max3A_20 = arith.maximumf %add3A_18, %max3A_19 : vector<128x10000xf32>
    %swap3A = arith.constant 0 : index
    %swap3A_21 = arith.constant 0 : index
    %swap3A_22 = arith.constant 0 : index
    %swap3A_23 = vector.load %arg5[%swap3A, %swap3A_21, %swap3A_22] : memref<1x128x10000xf32, #tpu.memory_space<vmem>>, vector<1x128x10000xf32>
    %swap3A_24 = vector.shape_cast %swap3A_23 : vector<1x128x10000xf32> to vector<128x10000xf32>
    %swap3A_25 = vector.shape_cast %max3A_20 : vector<128x10000xf32> to vector<1x128x10000xf32>
    tpu.vector_store %arg5[%swap3A, %swap3A_21, %swap3A_22], %swap3A_25 {strides = array<i32>} : memref<1x128x10000xf32, #tpu.memory_space<vmem>>, vector<1x128x10000xf32>,
    return
  }
}

</mosaic_0001>

<sc_bundles>
// kernel: kernel.4.cloned.1.call-start
scs
__scs_entry_jumppad:
0x0: {  	(pc) =	sbr.rel $0x88, $3  }
0x1: {  	(tag) =	ssettag $0x0;
	lr =	simm.s32 $0x1  }
0x2: {  	[smem:$0x3F9D] =	sst lr;
	_ =	strace $0xD0000000  }
0x3: {  	_ = 	snop  }
0x4: {  	_ = 	snop  }
0x5: {  	_ = 	snop  }
0x6: {  	_ = 	snop  }
0x7: {  	_ = 	snop  }
__scs_overlays_trampoline_lowered:
0x8: {  	[smem:$0x3FAC] =	sst s0  }
0x9: {  	[smem:$0x3FAD] =	sst s1  }
0xa: {  	[smem:$0x3FAE] =	sst s2  }
0xb: {  	[smem:$0x3FAF] =	sst s3  }
0xc: {  	[smem:$0x3FB0] =	sst s4  }
0xd: {  	[smem:$0x3FB1] =	sst s5  }
0xe: {  	[smem:$0x3FB2] =	sst s6  }
0xf: {  	[smem:$0x3FB3] =	sst s7  }
0x10: {  	[smem:$0x3FB4] =	sst s8  }
0x11: {  	[smem:$0x3FB5] =	sst s9;
	s0 =	simm.s32 @!p0 $0x0  }
0x12: {  	s1 =	sld [smem:$0x3F9B];
	s0 =	simm.s32 @p0 $0x1  }
0x13: {  	[smem:$0x3FB6] =	sst s0;
	s0 =	simm.s32 @!p1 $0x0  }
0x14: {  	s2 =	sld [smem:$0x3F9A];
	s0 =	simm.s32 @p1 $0x1  }
0x15: {  	[smem:$0x3FB7] =	sst s0;
	s0 =	simm.s32 @!p2 $0x0  }
0x16: {  	s3 =	sld [smem:$0x3FDB];
	s0 =	simm.s32 @p2 $0x1  }
0x17: {  	s4 =	simm.s32 $0x1BF5;
	[smem:$0x3FB9] =	sst s0  }
0x18: {  	s0 =	sld [smem:$0x3F9C];
	_ =	swait.ge [sflag:s4], $0x0  }
0x19: {  	s7 =	sld [smem:$0x3F9D]  }
0x1a: {  	s8 =	sadd.s32 $0xFFFFE003, lr  }
0x1b: {  	s9 =	sadd.s32 $0xFFFFFEF7, lr;
	s5 =	simm.s32 $0xFFFFFFFF;
	p2 =	slt.u32 s8, $0xFFFFF086  }
0x1c: {  	p1 =	slt.u32 s9, $0xF7A;
	s5 =	simm.s32 @!p2 $0x0  }
0x1d: {  	s5 =	simm.s32 @p1 $0x1;
	p0 =	seq.s32 s7, s2  }
0x1e: {  	s7 =	smul.u32 @!p0 $0xF7A, s2;
	p2 =	seq.s32 @!p0 s5, $0x0  }
0x1f: {  	s9 =	smul.u32 $0xF7A, s1;
	s8 =	simm.s32 @!p0 $0x1BF5;
	p2 =	por !p2, p0  }
0x20: {  	[sflag:s8] =	ssyncset.s32 @!p0 $0xFFFFF086;
	s6 =	sadd.s32 @!p0 s3, s7;
	s7 =	simm.s32 @!p0 $0x108  }
0x21: {  	s3 =	sadd.s32 s3, s9;
	s6 =	sadd.s32 @!p0 $0x88, s6;
	s7 =	simm.s32 @p2 $0x1082  }
0x22: {  	[simem:s7], [sflag:s8] =	dma.local @!p0 [hbm:s6], $0xF7A  }
0x23: {  	s9 =	sor.u32 $0xD0000000, s2;
	s6 =	simm.s32 $0x108;
	_ =	swait.ge @!p0 [sflag:s8], $0x0  }
0x24: {  	s3 =	sadd.s32 $0x88, s3;
	s6 =	simm.s32 @!p1 $0x1082;
	[sflag:s4] =	ssyncset.s32 $0xFFFFF086  }
0x25: {  	[simem:s6], [sflag:s4] =	dma.local [hbm:s3], $0xF7A  }
0x26: {  	[smem:$0x3F9D] =	sst s1;
	(tag) =	ssettag s2;
	_ =	strace s9  }
0x27: {  	s1 =	sld [smem:$0x3FAD]  }
0x28: {  	s2 =	sld [smem:$0x3FAE]  }
0x29: {  	s4 =	sld [smem:$0x3FB0]  }
0x2a: {  	p0 =	seq.s32 s5, $0x0;
	s5 =	sld [smem:$0x3FB1]  }
0x2b: {  	s6 =	sld [smem:$0x3FB2]  }
0x2c: {  	s7 =	sld [smem:$0x3FB3]  }
0x2d: {  	s3 =	simm.s32 $0x108;
	s8 =	sld [smem:$0x3FB4]  }
0x2e: {  	s3 =	simm.s32 @!p0 $0x1082;
	s9 =	sld [smem:$0x3FB5]  }
0x2f: {  	lr =	sadd.s32 s0, s3;
	s0 =	sld [smem:$0x3FAC]  }
0x30: {  	s3 =	sld [smem:$0x3FAF]  }
0x31: {  	[smem:$0x3FB8] =	sst s10  }
0x32: {  	s10 =	sld [smem:$0x3FB6];
	_ =	sdelay $0x3  }
0x33: {  	p0 =	seq.s32 s10, $0x1;
	s10 =	sld [smem:$0x3FB8];
	_ =	sdelay $0x3  }
0x34: {  	[smem:$0x3FB8] =	sst s10  }
0x35: {  	s10 =	sld [smem:$0x3FB7];
	_ =	sdelay $0x3  }
0x36: {  	p1 =	seq.s32 s10, $0x1;
	s10 =	sld [smem:$0x3FB8];
	_ =	sdelay $0x3  }
0x37: {  	[smem:$0x3FB8] =	sst s10  }
0x38: {  	s10 =	sld [smem:$0x3FB9]  }
0x39: {  	_ = 	snop;
	(pc) =	sbr.ind lr, $3  }
0x3a: {  	_ = 	snop  }
0x3b: {  	_ = 	snop  }
0x3c: {  	p2 =	seq.s32 s10, $0x1;
	s10 =	sld [smem:$0x3FB8]  }
0x3d: {  	_ =	shalt  }
0x3e: {  	_ =	shalt  }
0x3f: {  	_ =	shalt  }
0x40: {  	_ =	shalt  }
0x41: {  	_ =	shalt  }
0x42: {  	_ =	shalt  }
0x43: {  	_ =	shalt  }
0x44: {  	_ =	shalt  }
0x45: {  	_ =	shalt  }
0x46: {  	_ =	shalt  }
0x47: {  	_ =	shalt  }
0x48: {  	_ =	shalt  }
0x49: {  	_ =	shalt  }
0x4a: {  	_ =	shalt  }
0x4b: {  	_ =	shalt  }
0x4c: {  	_ =	shalt  }
0x4d: {  	_ =	shalt  }
0x4e: {  	_ =	shalt  }
0x4f: {  	_ =	shalt  }
0x50: {  	_ =	shalt  }
0x51: {  	_ =	shalt  }
0x52: {  	_ =	shalt  }
0x53: {  	_ =	shalt  }
0x54: {  	_ =	shalt  }
0x55: {  	_ =	shalt  }
0x56: {  	_ =	shalt  }
0x57: {  	_ =	shalt  }
0x58: {  	_ =	shalt  }
0x59: {  	_ =	shalt  }
0x5a: {  	_ =	shalt  }
0x5b: {  	_ =	shalt  }
0x5c: {  	_ =	shalt  }
0x5d: {  	_ =	shalt  }
0x5e: {  	_ =	shalt  }
0x5f: {  	_ =	shalt  }
0x60: {  	_ =	shalt  }
0x61: {  	_ =	shalt  }
0x62: {  	_ =	shalt  }
0x63: {  	_ =	shalt  }
0x64: {  	_ =	shalt  }
0x65: {  	_ =	shalt  }
0x66: {  	_ =	shalt  }
0x67: {  	_ =	shalt  }
0x68: {  	_ =	shalt  }
0x69: {  	_ =	shalt  }
0x6a: {  	_ =	shalt  }
0x6b: {  	_ =	shalt  }
0x6c: {  	_ =	shalt  }
0x6d: {  	_ =	shalt  }
0x6e: {  	_ =	shalt  }
0x6f: {  	_ =	shalt  }
0x70: {  	_ =	shalt  }
0x71: {  	_ =	shalt  }
0x72: {  	_ =	shalt  }
0x73: {  	_ =	shalt  }
0x74: {  	_ =	shalt  }
0x75: {  	_ =	shalt  }
0x76: {  	_ =	shalt  }
0x77: {  	_ =	shalt  }
0x78: {  	_ =	shalt  }
0x79: {  	_ =	shalt  }
0x7a: {  	_ =	shalt  }
0x7b: {  	_ =	shalt  }
0x7c: {  	_ =	shalt  }
0x7d: {  	_ =	shalt  }
0x7e: {  	_ =	shalt  }
0x7f: {  	_ =	shalt  }
0x80: {  	_ =	shalt  }
0x81: {  	_ =	shalt  }
0x82: {  	_ =	shalt  }
0x83: {  	_ =	shalt  }
0x84: {  	_ =	shalt  }
0x85: {  	_ =	shalt  }
0x86: {  	_ =	shalt  }
0x87: {  	_ =	shalt  }
.Lfunc_end0:
.L_simem_size_0:
called_computation_lowered:
.L_overlay_start_0:
0x88: {  	s2 =	sld [smem:$0x3FD9]  }
0x89: {  	s3 =	sld [smem:$0x3FFE];
	_ =	sdelay $0x1  }
0x8a: {  	s1 =	srdreg.scid  }
0x8b: {  	s0 =	sand.u32 $0x1, s1  }
0x8c: {  	s17 =	sshll.u32 s0, $0xA;
	s2 =	sadd.s32 s3, s2  }
0x8d: {  	s2 =	sadd.s32 s2, s17  }
0x8e: {  	[smem:$0x3FC4] =	sst s2  }
0x8f: {  	_ = 	snop  }
0x90: {  	s2 =	sld [smem:$0x3FD0];
	(tm) =	ssettm $0x1  }
0x91: {  	s18 =	sld [smem:$0x3FFB];
	_ =	sdelay $0x3  }
0x92: {  	_ =	strace s18  }
0x93: {  	s3 =	sld [smem:$0x3FFC];
	_ =	sdelay $0x3  }
0x94: {  	_ =	strace s3  }
0x95: {  	s3 =	sld [smem:$0x3FFD];
	_ =	sdelay $0x3  }
0x96: {  	_ =	strace s3  }
0x97: {  	_ =	strace $0x8FFFFFFF  }
0x98: {  	s19 =	sld [smem:$0x3FDB];
	_ =	sdelay $0x1  }
0x99: {  	s4 =	simm.s32 $_scs_section_size  }
0x9a: {  	s5 =	simm.s32 $_size__tile_overlayer_lowered;
	s6 =	simm.s32 $_tile_overlayer_lowered  }
0x9b: {  	s22 =	simm.s32 $0x1BFF;
	s21 =	sshll.u32 s6, $0x1;
	s3 =	sadd.s32 s4, s19  }
0x9c: {  	s7 =	simm.s32 $0x0;
	s20 =	sshll.u32 s5, $0x1;
	s5 =	sadd.s32 s21, s3  }
0x9d: {  	[timem:s7], [sflag:s22] =	dma.local [hbm:s5], s20  }
0x9e: {  	_ =	swait.ge [sflag:s22], s20  }
0x9f: {  	s4 =	ssub.s32 $0x0, s20;
	[sflag:s22] =	ssyncset.done $0x0  }
0xa0: {  	[sflag:s22] =	ssyncadd.s32 s4;
	_ =	sdelay $0x1  }
0xa1: {  	s23 =	simm.s32 $0x1B8B  }
0xa2: {  	_ =	swait.ge [sflag:s23], $0x1  }
0xa3: {  	[sflag:s23] =	ssyncset.done $0x0  }
0xa4: {  	s25 =	simm.s32 $0x1B8E;
	s24 =	sld [smem:$0x3FFE];
	[sflag:s23] =	ssyncadd.s32 $0xFFFFFFFF  }
0xa5: {  	s26 =	simm.s32 $execute0_lowered;
	[smem:$0x3FD2] =	sst s25  }
0xa6: {  	s5 =	sshll.u32 s26, $0x1;
	_ =	strace $0x80000046;
	[dreg:$0x1] =	wrdreg $0xFFFFFFFF  }
0xa7: {  	s28 =	simm.s32 $_size_execute0_lowered;
	s3 =	sadd.s32 s3, s5;
	[dreg:$0x0] =	wrdreg $0x0  }
0xa8: {  	s5 =	sshll.u32 s28, $0x1;
	[dreg:$0x2] =	wrdreg s3  }
0xa9: {  	[dreg:$0x3] =	wrdreg s5  }
0xaa: {  	[dreg:$0x4] =	wrdreg $0xC0  }
0xab: {  	_ =	task [dreg:s7], $0x5FFFF  }
0xac: {  	[dreg:$0x1] =	wrdreg $0xFFFFFFFF  }
0xad: {  	[dreg:$0x0] =	wrdreg $0x60  }
0xae: {  	[dreg:$0x2] =	wrdreg s24  }
0xaf: {  	[dreg:$0x3] =	wrdreg s2  }
0xb0: {  	[dreg:$0x4] =	wrdreg $0x9  }
0xb1: {  	_ =	task.clear_ibuf [dreg:s7], $0x5FFFF;
	_ =	strace $0x90000046  }
0xb2: {  	s29 =	simm.s32 $0x9;
	_ =	strace $0x80000048  }
0xb3: {  	_ =	swait.ge [sflag:s29], $0x1  }
0xb4: {  	[sflag:s29] =	ssyncadd.s32 $0xFFFFFFFF  }
0xb5: {  	_ =	strace $0x90000048  }
0xb6: {  	_ =	sfence  }
0xb7: {  	s30 =	sld [smem:$0x0];
	_ =	sdelay $0x2  }
0xb8: {  	s31 =	sshll.u32 s1, $0xD;
	s1 =	sshrl.u32 s1, $0x2  }
0xb9: {  	s3 =	sand.u32 $0x4000, s31;
	s1 =	sadd.s32 s1, s30  }
0xba: {  	s0 =	sor.u32 s3, s0;
	s1 =	sshll.u32 s1, $0x11  }
0xbb: {  	s0 =	sor.u32 s1, s0  }
0xbc: {  	s0 =	sadd.s32 $0x8F2B, s0  }
0xbd: {  	[sflag:s0] =	ssyncadd.remote.s32 $0x1  }
0xbe: {  	_ =	sfence.sel $0xFFFF  }
0xbf: {  	[dreg:$0x0] =	wrdreg $0xFFFFFFFF;
	(pc) =	sbr.abs _section_cstart, $3  }
0xc0: {  	[dreg:$0x1] =	wrdreg $0xFFFFFFFF  }
0xc1: {  	_ =	task.clear_ibuf [dreg:s7], $0x2FFFF;
	_ =	strace $0x9FFFFFFF  }
0xc2: {  	(tm) =	ssettm $0x7FFFFFFF  }
0xc3: {  	_ =	shalt  }
tec
execute0_lowered:
.L_overlay_start_1:
0x0: {  	(tag) =	ssettag $0x1  }
0x1: {  	s3 =	rddreg [dreg:$0x0]  }
0x2: {  	s1 =	srdreg.scid;
	s0 =	stileid.u32  }
0x3: {  	s5 =	rddreg [dreg:$0x1];
	s2 =	simm.s32 $0x0;
	s9 =	simm.s32 $0xEA60  }
0x4: {  	s10 =	simm.s32 $0x3;
	s4 =	sand.u32 $0x1, s1;
	s6 =	sshll.u32 s0, $0x1  }
0x5: {  	s11 =	simm.s32 $0x2;
	s12 =	simm.s32 $0x4E20;
	s6 =	sor.u32 s4, s6  }
0x6: {  	s13 =	simm.s32 $0x1;
	s14 =	simm.s32 $0x0;
	s7 =	smul.u32 $0x9C4, s6  }
.Ltmp0:
0x7: {  	s1 =	rddreg [dreg:$0x2];
	s4 =	ssub.s32 $0x2, s4;
	(pc) =	sbr.rel .LBB2_1-.Ltmp0, $4  }
0x8: {  	[smem:$0x7FF] =	sst s2;
	s6 =	smul.u32 $0x1388, s6;
	s8 =	sshrl.u32 s4, $0x1  }
0x9: {  	_ =	strace $0x80000047;
	s8 =	ssub.s32 s4, s8;
	s7 =	sadd.s32 s7, s3  }
0xa: {  	s3 =	sadd.s32 $0x800, s3;
	s5 =	sadd.s32 s5, s6;
	s6 =	smax.u32 s8, $0x1  }
0xb: {  	s8 =	simm.s32 $0x2710;
	s4 =	sadd.s32 $0x14200, s7;
	s7 =	simm.s32 $0x190  }
.LBB2_10:
0xc: {  	s14 =	sadd.s32 $0x1, s14  }
0xd: {  	p0 =	sne.s32 s14, s6  }
.Ltmp1:
0xe: {  	_ = 	snop;
	(pc) =	sbr.rel @!p0 .LBB2_11-.Ltmp1, $4  }
0xf: {  	[hbm4b:s5+s2] =	stream.linear.scatter [tilespmem:s12], [sflag:$0x3], $0x9C40, $0x38;
	[tilespmem:$0x1B260] =	vst v63  }
0x10: {  	_ =	swait.ge [sflag:s10], $0x9C40  }
0x11: {  	[sflag:s10] =	ssyncset.done $0x0  }
0x12: {  	[sflag:s10] =	ssyncadd.s32 $0xFFFF63C0  }
.LBB2_1:
0x13: {  	[tilespmem:s9], [sflag:$0x1] =	stream.strided.gather [hbm4b:s3+s7], $0x6400, s8, s7, $0x38;
	[tilespmem:$0x1B260] =	vst v63  }
.Ltmp2:
0x14: {  	_ = 	snop;
	(pc) =	sbr.rel .LBB2_2-.Ltmp2, $4  }
0x15: {  	[tilespmem:s2], [sflag:$0x3] =	stream.linear.gather [hbm4b:s4+s2], $0x4E20, $0x38;
	[tilespmem:$0x1B260] =	vst v63  }
0x16: {  	_ =	swait.ge [sflag:s10], $0x4E20  }
0x17: {  	[sflag:s10] =	ssyncset.done $0x0  }
0x18: {  	s16 =	simm.s32 $0x0;
	[sflag:s10] =	ssyncadd.s32 $0xFFFFB1E0  }
.LBB2_9:
0x19: {  	p0 =	sne.s32 s15, $0x19  }
.Ltmp3:
0x1a: {  	_ = 	snop;
	(pc) =	sbr.rel @!p0 .LBB2_10-.Ltmp3, $2  }
0x1b: {  	_ =	sdelay $0x2  }
0x1c: {  	s16 =	smov.u32 s15  }
.LBB2_2:
0x1d: {  	s17 =	sand.u32 $0x1, s16  }
0x1e: {  	p0 =	seq.s32 s17, $0x1  }
.Ltmp4:
0x1f: {  	_ = 	snop;
	(pc) =	sbr.rel @p0 .LBB2_6-.Ltmp4, $2  }
0x20: {  	_ =	sdelay $0x2  }
0x21: {  	s15 =	sadd.s32 $0x1, s16  }
0x22: {  	p0 =	seq.s32 s16, $0x18  }
0x23: {  	s18 =	smul.u32 @!p0 $0x32, s15  }
0x24: {  	s22 =	smul.u32 $0x640, s16;
	s19 =	simm.s32 @!p0 $0x190  }
0x25: {  	s20 =	simm.s32 @!p0 $0x2710;
	s21 =	simm.s32 @!p0 $0x14E60;
	s18 =	sadd.s32 @!p0 s3, s18  }
0x26: {  	[tilespmem:s21], [sflag:$0x2] =	stream.strided.gather @!p0 [hbm4b:s18+s19], $0x6400, s20, s19, $0x38;
	[tilespmem:$0x1B260] =	vst v63  }
0x27: {  	s18 =	sshra.s32 s22, $0x2  }
0x28: {  	_ =	swait.ge [sflag:s13], $0x6400;
	s31 =	sadd.s32 $0x4E20, s18  }
0x29: {  	[sflag:s13] =	ssyncset.done $0x0;
	v0 =	vmov s31  }
0x2a: {  	s19 =	simm.s32 $0x0;
	[sflag:s13] =	ssyncadd.s32 $0xFFFF9C00;
	[tilespmem:$0x1FFF0] =	vst v0  }
.LBB2_4:
0x2b: {  	s20 =	sshll.u32 s19, $0x4  }
0x2c: {  	v0 =	vld [tilespmem:s20+$0xEA60]  }
0x2d: {  	v1 =	vld [tilespmem:s20+$0x11C60]  }
0x2e: {  	v4 =	vld [tilespmem:s20+$0xEBF0]  }
0x2f: {  	v5 =	vld [tilespmem:s20+$0x11DF0]  }
0x30: {  	v53 =	vld [tilespmem:s20+$0xED80]  }
0x31: {  	v54 =	vld [tilespmem:s20+$0x11F80]  }
0x32: {  	v59 =	vld [tilespmem:s20+$0xEF10]  }
0x33: {  	v60 =	vld [tilespmem:s20+$0x12110]  }
0x34: {  	v9 =	vld [tilespmem:s20+$0xF0A0]  }
0x35: {  	v10 =	vld [tilespmem:s20+$0x122A0]  }
0x36: {  	v15 =	vld [tilespmem:s20+$0xF230]  }
0x37: {  	v16 =	vld [tilespmem:s20+$0x12430]  }
0x38: {  	v21 =	vld [tilespmem:s20+$0xF3C0]  }
0x39: {  	v22 =	vld [tilespmem:s20+$0x125C0]  }
0x3a: {  	v27 =	vld [tilespmem:s20+$0xF550]  }
0x3b: {  	v28 =	vld [tilespmem:s20+$0x12750]  }
0x3c: {  	v33 =	vld [tilespmem:s20+$0xF6E0]  }
0x3d: {  	v34 =	vld [tilespmem:s20+$0x128E0]  }
0x3e: {  	v39 =	vld [tilespmem:s20+$0xF870]  }
0x3f: {  	v40 =	vld [tilespmem:s20+$0x12A70]  }
0x40: {  	v45 =	vld [tilespmem:s20+$0xFA00]  }
0x41: {  	v46 =	vld [tilespmem:s20+$0x12C00]  }
0x42: {  	v6 =	vld [tilespmem:s20+$0x13880]  }
0x43: {  	v48 =	vld.idx.msk [tilespmem:v0+s2+$0x0], $0xffff  }
0x44: {  	v51 =	vadd.s32 $0x2710, v4;
	v4 =	vld.idx.msk [tilespmem:v4+s2+$0x0], $0xffff  }
0x45: {  	v55 =	vld.idx.msk [tilespmem:v5+s2+$0x0], $0xffff  }
0x46: {  	v61 =	vld.idx.msk [tilespmem:v54+s2+$0x0], $0xffff  }
0x47: {  	v11 =	vld.idx.msk [tilespmem:v60+s2+$0x0], $0xffff  }
0x48: {  	v17 =	vld.idx.msk [tilespmem:v10+s2+$0x0], $0xffff  }
0x49: {  	v23 =	vld.idx.msk [tilespmem:v16+s2+$0x0], $0xffff  }
0x4a: {  	v29 =	vld.idx.msk [tilespmem:v22+s2+$0x0], $0xffff  }
0x4b: {  	v35 =	vld.idx.msk [tilespmem:v28+s2+$0x0], $0xffff  }
0x4c: {  	v41 =	vld.idx.msk [tilespmem:v34+s2+$0x0], $0xffff  }
0x4d: {  	v2 =	vadd.s32 $0x2710, v0;
	v14 =	vadd.s32 $0x2710, v10;
	v10 =	vld [tilespmem:s20+$0xFEB0]  }
0x4e: {  	v20 =	vadd.s32 $0x2710, v16;
	v16 =	vld [tilespmem:s20+$0x10040]  }
0x4f: {  	v52 =	vadd.s32 $0x2710, v5;
	v26 =	vadd.s32 $0x2710, v22;
	v22 =	vld [tilespmem:s20+$0x101D0]  }
0x50: {  	v32 =	vadd.s32 $0x2710, v28;
	v28 =	vld [tilespmem:s20+$0x10360]  }
0x51: {  	v58 =	vadd.s32 $0x2710, v54;
	v38 =	vadd.s32 $0x2710, v34;
	v34 =	vld [tilespmem:s20+$0x104F0]  }
0x52: {  	v8 =	vadd.s32 $0x2710, v60;
	v47 =	vld.idx.msk [tilespmem:v2+s2+$0x0], $0xffff  }
0x53: {  	v0 =	vld.idx.msk [tilespmem:v51+s2+$0x0], $0xffff  }
0x54: {  	v56 =	vld.idx.msk [tilespmem:v52+s2+$0x0], $0xffff  }
0x55: {  	v2 =	vld.idx.msk [tilespmem:v53+s2+$0x0], $0xffff  }
0x56: {  	v62 =	vld.idx.msk [tilespmem:v58+s2+$0x0], $0xffff  }
0x57: {  	v12 =	vld.idx.msk [tilespmem:v8+s2+$0x0], $0xffff  }
0x58: {  	v18 =	vld.idx.msk [tilespmem:v14+s2+$0x0], $0xffff  }
0x59: {  	v44 =	vadd.s32 $0x2710, v40;
	v24 =	vld.idx.msk [tilespmem:v20+s2+$0x0], $0xffff  }
0x5a: {  	v30 =	vld.idx.msk [tilespmem:v26+s2+$0x0], $0xffff  }
0x5b: {  	v36 =	vld.idx.msk [tilespmem:v32+s2+$0x0], $0xffff  }
0x5c: {  	v42 =	vld.idx.msk [tilespmem:v38+s2+$0x0], $0xffff  }
0x5d: {  	v54 =	vadd.s32 $0x2710, v46;
	v51 =	vld.idx.msk [tilespmem:v40+s2+$0x0], $0xffff  }
0x5e: {  	v52 =	vld.idx.msk [tilespmem:v44+s2+$0x0], $0xffff  }
0x5f: {  	v40 =	vld [tilespmem:s20+$0x10680]  }
0x60: {  	[tilespmem:$0x1EAA0] =	vst v4;
	v4 =	vld.idx.msk [tilespmem:v59+s2+$0x0], $0xffff  }
0x61: {  	[tilespmem:$0x1EAB0] =	vst v55;
	v55 =	vld [tilespmem:s20+$0xFB90]  }
0x62: {  	v58 =	vld.idx.msk [tilespmem:v54+s2+$0x0], $0xffff  }
0x63: {  	[tilespmem:$0x1EAF0] =	vst v61;
	v61 =	vld [tilespmem:s20+$0xFD20]  }
0x64: {  	v57 =	vadd.s32 $0x2710, v53;
	[tilespmem:$0x1EB30] =	vst v11;
	v11 =	vld [tilespmem:s20+$0x130B0]  }
0x65: {  	[tilespmem:$0x1EB70] =	vst v17;
	v17 =	vld [tilespmem:s20+$0x13240]  }
0x66: {  	[tilespmem:$0x1EBB0] =	vst v23;
	v23 =	vld [tilespmem:s20+$0x133D0]  }
0x67: {  	[tilespmem:$0x1EBF0] =	vst v29;
	v29 =	vld [tilespmem:s20+$0x13560]  }
0x68: {  	[tilespmem:$0x1EC30] =	vst v35;
	v35 =	vld [tilespmem:s20+$0x136F0]  }
0x69: {  	[tilespmem:$0x1EAC0] =	vst v0;
	v0 =	vld.idx.msk [tilespmem:v57+s2+$0x0], $0xffff  }
0x6a: {  	[tilespmem:$0x1EAE0] =	vst v2;
	v2 =	vld.idx.msk [tilespmem:v9+s2+$0x0], $0xffff  }
0x6b: {  	[tilespmem:$0x1EAD0] =	vst v56;
	v56 =	vld [tilespmem:s20+$0x12D90]  }
0x6c: {  	v57 =	vld.idx.msk [tilespmem:v46+s2+$0x0], $0xffff  }
0x6d: {  	[tilespmem:$0x1EB10] =	vst v62;
	v62 =	vld [tilespmem:s20+$0x12F20]  }
0x6e: {  	v63 =	vadd.s32 $0x2710, v59;
	[tilespmem:$0x1ECB0] =	vst v51;
	v51 =	vld [tilespmem:s20+$0x10810]  }
0x6f: {  	[tilespmem:$0x1ECD0] =	vst v52;
	v52 =	vld [tilespmem:s20+$0x13A10]  }
0x70: {  	[tilespmem:$0x1EC70] =	vst v41;
	v41 =	vld.idx.msk [tilespmem:v34+s2+$0x0], $0xffff  }
0x71: {  	[tilespmem:$0x1EB20] =	vst v4;
	v4 =	vld.idx.msk [tilespmem:v15+s2+$0x0], $0xffff  }
0x72: {  	[tilespmem:$0x1ED10] =	vst v58;
	v58 =	vld [tilespmem:s20+$0x109A0]  }
0x73: {  	[tilespmem:$0x1EB00] =	vst v0;
	v0 =	vld.idx.msk [tilespmem:v63+s2+$0x0], $0xffff  }
0x74: {  	[tilespmem:$0x1EB60] =	vst v2;
	v2 =	vld.idx.msk [tilespmem:v21+s2+$0x0], $0xffff  }
0x75: {  	[tilespmem:$0x1EB90] =	vst v18;
	v18 =	vld.idx.msk [tilespmem:v11+s2+$0x0], $0xffff  }
0x76: {  	[tilespmem:$0x1EBD0] =	vst v24;
	v24 =	vld.idx.msk [tilespmem:v17+s2+$0x0], $0xffff  }
0x77: {  	[tilespmem:$0x1EC10] =	vst v30;
	v30 =	vld.idx.msk [tilespmem:v23+s2+$0x0], $0xffff  }
0x78: {  	[tilespmem:$0x1EC50] =	vst v36;
	v36 =	vld.idx.msk [tilespmem:v29+s2+$0x0], $0xffff  }
0x79: {  	[tilespmem:$0x1EC90] =	vst v42;
	v42 =	vld.idx.msk [tilespmem:v35+s2+$0x0], $0xffff  }
0x7a: {  	v19 =	vadd.s32 $0x2710, v15;
	v15 =	vadd.s32 $0x2710, v11;
	v11 =	vld [tilespmem:s20+$0x10B30]  }
0x7b: {  	v13 =	vadd.s32 $0x2710, v9;
	[tilespmem:$0x1EBA0] =	vst v4;
	v4 =	vld.idx.msk [tilespmem:v27+s2+$0x0], $0xffff  }
0x7c: {  	v63 =	vld.idx.msk [tilespmem:v56+s2+$0x0], $0xffff  }
0x7d: {  	[tilespmem:$0x1EB50] =	vst v12;
	v60 =	vadd.s32 $0x2710, v56;
	v12 =	vld.idx.msk [tilespmem:v62+s2+$0x0], $0xffff  }
0x7e: {  	v9 =	vadd.s32 $0x2710, v62;
	v62 =	vld.idx.msk [tilespmem:v6+s2+$0x0], $0xffff  }
0x7f: {  	v31 =	vadd.s32 $0x2710, v27;
	v27 =	vadd.s32 $0x2710, v23;
	v23 =	vld [tilespmem:s20+$0x10FE0]  }
0x80: {  	[tilespmem:$0x1EB40] =	vst v0;
	v0 =	vld.idx.msk [tilespmem:v13+s2+$0x0], $0xffff  }
0x81: {  	[tilespmem:$0x1EBE0] =	vst v2;
	v2 =	vld.idx.msk [tilespmem:v33+s2+$0x0], $0xffff  }
0x82: {  	v7 =	vld.idx.msk [tilespmem:v60+s2+$0x0], $0xffff  }
0x83: {  	v13 =	vld.idx.msk [tilespmem:v9+s2+$0x0], $0xffff  }
0x84: {  	v60 =	vld.idx.msk [tilespmem:v52+s2+$0x0], $0xffff  }
0x85: {  	[tilespmem:$0x1EDF0] =	vst v24;
	v24 =	vld [tilespmem:s20+$0x141E0]  }
0x86: {  	[tilespmem:$0x1EC20] =	vst v4;
	v4 =	vld.idx.msk [tilespmem:v39+s2+$0x0], $0xffff  }
0x87: {  	[tilespmem:$0x1ED30] =	vst v63;
	v63 =	vld.idx.msk [tilespmem:v51+s2+$0x0], $0xffff  }
0x88: {  	v56 =	vadd.s32 $0x2710, v51;
	[tilespmem:$0x1ED70] =	vst v12;
	v12 =	vld [tilespmem:s20+$0x13D30]  }
0x89: {  	v51 =	vld [tilespmem:s20+$0x14500]  }
0x8a: {  	[tilespmem:$0x1EB80] =	vst v0;
	v0 =	vld.idx.msk [tilespmem:v19+s2+$0x0], $0xffff  }
0x8b: {  	[tilespmem:$0x1EC60] =	vst v2;
	v2 =	vld.idx.msk [tilespmem:v45+s2+$0x0], $0xffff  }
0x8c: {  	v43 =	vadd.s32 $0x2710, v39;
	v39 =	vadd.s32 $0x2710, v35;
	v19 =	vld.idx.msk [tilespmem:v15+s2+$0x0], $0xffff  }
0x8d: {  	v46 =	vadd.s32 $0x2710, v6;
	[tilespmem:$0x1ED50] =	vst v7;
	v7 =	vld.idx.msk [tilespmem:v56+s2+$0x0], $0xffff  }
0x8e: {  	v25 =	vadd.s32 $0x2710, v21;
	v15 =	vld [tilespmem:s20+$0x10CC0]  }
0x8f: {  	v56 =	vld [tilespmem:s20+$0x14690]  }
0x90: {  	v21 =	vadd.s32 $0x2710, v17;
	[tilespmem:$0x1ECA0] =	vst v4;
	v4 =	vld.idx.msk [tilespmem:v55+s2+$0x0], $0xffff  }
0x91: {  	v53 =	vadd.s32 $0x2710, v45;
	v45 =	vadd.s32 $0x2710, v40;
	v44 =	vld.idx.msk [tilespmem:v39+s2+$0x0], $0xffff  }
0x92: {  	v59 =	vadd.s32 $0x2710, v55;
	[tilespmem:$0x1ED90] =	vst v13;
	v13 =	vadd.s32 $0x2710, v11;
	v55 =	vld.idx.msk [tilespmem:v46+s2+$0x0], $0xffff  }
0x93: {  	[tilespmem:$0x1EBC0] =	vst v0;
	v0 =	vld.idx.msk [tilespmem:v25+s2+$0x0], $0xffff  }
0x94: {  	[tilespmem:$0x1ECE0] =	vst v2;
	v2 =	vld.idx.msk [tilespmem:v61+s2+$0x0], $0xffff  }
0x95: {  	v25 =	vld.idx.msk [tilespmem:v21+s2+$0x0], $0xffff  }
0x96: {  	v54 =	vld.idx.msk [tilespmem:v45+s2+$0x0], $0xffff  }
0x97: {  	v8 =	vadd.s32 $0x2710, v61;
	v61 =	vld.idx.msk [tilespmem:v13+s2+$0x0], $0xffff  }
0x98: {  	[tilespmem:$0x1EDD0] =	vst v19;
	v19 =	vld [tilespmem:s20+$0x10E50]  }
0x99: {  	v37 =	vadd.s32 $0x2710, v33;
	[tilespmem:$0x1EC00] =	vst v0;
	v0 =	vld.idx.msk [tilespmem:v31+s2+$0x0], $0xffff  }
0x9a: {  	v45 =	vld [tilespmem:s20+$0x11300]  }
0x9b: {  	[tilespmem:$0x1EF10] =	vst v7;
	v7 =	vld [tilespmem:s20+$0x14B40]  }
0x9c: {  	v13 =	vld.idx.msk [tilespmem:v51+s2+$0x0], $0xffff  }
0x9d: {  	[tilespmem:$0x1ED20] =	vst v4;
	v4 =	vld.idx.msk [tilespmem:v10+s2+$0x0], $0xffff  }
0x9e: {  	[tilespmem:$0x1EC40] =	vst v0;
	v0 =	vld.idx.msk [tilespmem:v37+s2+$0x0], $0xffff  }
0x9f: {  	[tilespmem:$0x1EEA0] =	vst v41;
	v41 =	vld.idx.msk [tilespmem:v15+s2+$0x0], $0xffff  }
0xa0: {  	v17 =	vadd.s32 $0x2710, v15;
	[tilespmem:$0x1EF00] =	vst v55;
	v55 =	vld [tilespmem:s20+$0x11490]  }
0xa1: {  	[tilespmem:$0x1ED60] =	vst v2;
	v2 =	vld.idx.msk [tilespmem:v16+s2+$0x0], $0xffff  }
0xa2: {  	v31 =	vld.idx.msk [tilespmem:v27+s2+$0x0], $0xffff  }
0xa3: {  	[tilespmem:$0x1EC80] =	vst v0;
	v0 =	vld.idx.msk [tilespmem:v43+s2+$0x0], $0xffff  }
0xa4: {  	v20 =	vadd.s32 $0x2710, v16;
	v16 =	vld [tilespmem:s20+$0x13EC0]  }
0xa5: {  	v46 =	vld.idx.msk [tilespmem:v17+s2+$0x0], $0xffff  }
0xa6: {  	v33 =	vadd.s32 $0x2710, v29;
	[tilespmem:$0x1EE10] =	vst v25;
	v27 =	vld [tilespmem:s20+$0x11170]  }
0xa7: {  	[tilespmem:$0x1EEF0] =	vst v54;
	v54 =	vadd.s32 $0x2710, v51;
	v51 =	vld [tilespmem:s20+$0x117B0]  }
0xa8: {  	[tilespmem:$0x1ECC0] =	vst v0;
	v0 =	vld.idx.msk [tilespmem:v53+s2+$0x0], $0xffff  }
0xa9: {  	[tilespmem:$0x1EDA0] =	vst v4;
	v4 =	vld.idx.msk [tilespmem:v22+s2+$0x0], $0xffff  }
0xaa: {  	v25 =	vadd.s32 $0x2710, v23;
	[tilespmem:$0x1EDE0] =	vst v2;
	v2 =	vld.idx.msk [tilespmem:v28+s2+$0x0], $0xffff  }
0xab: {  	v37 =	vld.idx.msk [tilespmem:v33+s2+$0x0], $0xffff  }
0xac: {  	[tilespmem:$0x1EE50] =	vst v31;
	v31 =	vld.idx.msk [tilespmem:v19+s2+$0x0], $0xffff  }
0xad: {  	[tilespmem:$0x1ED00] =	vst v0;
	v0 =	vld.idx.msk [tilespmem:v59+s2+$0x0], $0xffff  }
0xae: {  	v32 =	vadd.s32 $0x2710, v28;
	v28 =	vld [tilespmem:s20+$0x14370]  }
0xaf: {  	v38 =	vadd.s32 $0x2710, v34;
	v39 =	vld.idx.msk [tilespmem:v25+s2+$0x0], $0xffff  }
0xb0: {  	v21 =	vadd.s32 $0x2710, v19;
	v19 =	vld.idx.msk [tilespmem:v55+s2+$0x0], $0xffff  }
0xb1: {  	[tilespmem:$0x1EDB0] =	vst v18;
	v25 =	vld.idx.msk [tilespmem:v27+s2+$0x0], $0xffff  }
0xb2: {  	v14 =	vadd.s32 $0x2710, v10;
	[tilespmem:$0x1ED40] =	vst v0;
	v0 =	vld.idx.msk [tilespmem:v8+s2+$0x0], $0xffff  }
0xb3: {  	[tilespmem:$0x1EE30] =	vst v30;
	v18 =	vadd.s32 $0x2710, v16;
	v30 =	vadd.s32 $0x2710, v27;
	v27 =	vld.idx.msk [tilespmem:v54+s2+$0x0], $0xffff  }
0xb4: {  	v43 =	vld.idx.msk [tilespmem:v38+s2+$0x0], $0xffff  }
0xb5: {  	[tilespmem:$0x1EE90] =	vst v37;
	v37 =	vld.idx.msk [tilespmem:v12+s2+$0x0], $0xffff  }
0xb6: {  	v38 =	vld.idx.msk [tilespmem:v16+s2+$0x0], $0xffff  }
0xb7: {  	[tilespmem:$0x1ED80] =	vst v0;
	v0 =	vld.idx.msk [tilespmem:v14+s2+$0x0], $0xffff  }
0xb8: {  	[tilespmem:$0x1EEB0] =	vst v42;
	v42 =	vld.idx.msk [tilespmem:v18+s2+$0x0], $0xffff  }
0xb9: {  	v54 =	vadd.s32 $0x2710, v51;
	v16 =	vld.idx.msk [tilespmem:v45+s2+$0x0], $0xffff  }
0xba: {  	v53 =	vld.idx.msk [tilespmem:v40+s2+$0x0], $0xffff  }
0xbb: {  	v59 =	vld [tilespmem:s20+$0x13BA0]  }
0xbc: {  	v26 =	vadd.s32 $0x2710, v22;
	[tilespmem:$0x1EDC0] =	vst v0;
	v0 =	vld.idx.msk [tilespmem:v20+s2+$0x0], $0xffff  }
0xbd: {  	v9 =	vadd.s32 $0x2710, v58;
	[tilespmem:$0x1EEC0] =	vst v43;
	v43 =	vld.idx.msk [tilespmem:v21+s2+$0x0], $0xffff  }
0xbe: {  	[tilespmem:$0x1ECF0] =	vst v57;
	v57 =	vadd.s32 $0x2710, v52;
	v21 =	vld.idx.msk [tilespmem:v54+s2+$0x0], $0xffff  }
0xbf: {  	v54 =	vld [tilespmem:s20+$0xEA70]  }
0xc0: {  	[tilespmem:$0x1EEE0] =	vst v53;
	v53 =	vld.idx.msk [tilespmem:v58+s2+$0x0], $0xffff;
	v10 =	vadd.s32 $0x2710, v59  }
0xc1: {  	[tilespmem:$0x1EE00] =	vst v0;
	v0 =	vld.idx.msk [tilespmem:v26+s2+$0x0], $0xffff  }
0xc2: {  	v58 =	vld.idx.msk [tilespmem:v9+s2+$0x0], $0xffff  }
0xc3: {  	v8 =	vld.idx.msk [tilespmem:v57+s2+$0x0], $0xffff;
	v26 =	vadd.s32 $0x2710, v24  }
0xc4: {  	[tilespmem:$0x1EED0] =	vst v44;
	v44 =	vld.idx.msk [tilespmem:v59+s2+$0x0], $0xffff  }
0xc5: {  	v34 =	vadd.s32 $0x2710, v28;
	v57 =	vld.idx.msk [tilespmem:v10+s2+$0x0], $0xffff  }
0xc6: {  	v52 =	vadd.s32 $0x2710, v45;
	[tilespmem:$0x1EE40] =	vst v0;
	v0 =	vld.idx.msk [tilespmem:v32+s2+$0x0], $0xffff  }
0xc7: {  	v32 =	vld.idx.msk [tilespmem:v24+s2+$0x0], $0xffff  }
0xc8: {  	v33 =	vld.idx.msk [tilespmem:v26+s2+$0x0], $0xffff  }
0xc9: {  	v14 =	vadd.s32 $0x2710, v12;
	v26 =	vld [tilespmem:s20+$0x14820]  }
0xca: {  	v24 =	vld.idx.msk [tilespmem:v34+s2+$0x0], $0xffff  }
0xcb: {  	v34 =	vld.idx.msk [tilespmem:v52+s2+$0x0], $0xffff  }
0xcc: {  	v10 =	vadd.s32 $0x2710, v56;
	v52 =	vld [tilespmem:s20+$0x149B0]  }
0xcd: {  	v20 =	vld [tilespmem:s20+$0x14050]  }
0xce: {  	v59 =	vld.idx.msk [tilespmem:v14+s2+$0x0], $0xffff;
	v45 =	vadd.s32 $0x2710, v26  }
0xcf: {  	v14 =	vld.idx.msk [tilespmem:v56+s2+$0x0], $0xffff  }
0xd0: {  	v56 =	vld [tilespmem:s20+$0x11940]  }
0xd1: {  	v9 =	vadd.s32 $0x2710, v55;
	v17 =	vld.idx.msk [tilespmem:v10+s2+$0x0], $0xffff;
	v55 =	vadd.s32 $0x2710, v52  }
0xd2: {  	v10 =	vld.idx.msk [tilespmem:v26+s2+$0x0], $0xffff  }
0xd3: {  	v26 =	vld.idx.msk [tilespmem:v45+s2+$0x0], $0xffff  }
0xd4: {  	v45 =	vld [tilespmem:s20+$0x14CD0]  }
0xd5: {  	v12 =	vadd.s32 $0x2710, v56;
	v29 =	vld.idx.msk [tilespmem:v20+s2+$0x0], $0xffff  }
0xd6: {  	v15 =	vadd.s32 $0x2710, v7;
	v22 =	vadd.s32 $0x2710, v20;
	v20 =	vld.idx.msk [tilespmem:v55+s2+$0x0], $0xffff  }
0xd7: {  	v55 =	vld [tilespmem:s20+$0x11C70]  }
0xd8: {  	[tilespmem:$0x1EF20] =	vst v8;
	v8 =	vld [tilespmem:s20+$0x11AD0]  }
0xd9: {  	v6 =	vld.idx.msk [tilespmem:v56+s2+$0x0], $0xffff  }
0xda: {  	v18 =	vld.idx.msk [tilespmem:v12+s2+$0x0], $0xffff  }
0xdb: {  	v12 =	vld.idx.msk [tilespmem:v15+s2+$0x0], $0xffff  }
0xdc: {  	[tilespmem:$0x1EE60] =	vst v2;
	v15 =	vadd.s32 $0x2710, v45;
	v2 =	vld.idx.msk [tilespmem:v45+s2+$0x0], $0xffff;
	v45 =	vadd.s32 $0x2710, v55  }
0xdd: {  	v56 =	vld [tilespmem:s20+$0xEC00]  }
0xde: {  	v3 =	vadd.s32 $0x2710, v1;
	v35 =	vld.idx.msk [tilespmem:v22+s2+$0x0], $0xffff  }
0xdf: {  	v22 =	vld.idx.msk [tilespmem:v9+s2+$0x0], $0xffff  }
0xe0: {  	v9 =	vld.idx.msk [tilespmem:v51+s2+$0x0], $0xffff  }
0xe1: {  	v51 =	vadd.s32 $0x2710, v8;
	[tilespmem:$0x1EE80] =	vst v0;
	v0 =	vld.idx.msk [tilespmem:v45+s2+$0x0], $0xffff  }
0xe2: {  	v49 =	vld.idx.msk [tilespmem:v1+s2+$0x0], $0xffff  }
0xe3: {  	v50 =	vld.idx.msk [tilespmem:v3+s2+$0x0], $0xffff  }
0xe4: {  	[tilespmem:$0x1EE20] =	vst v4;
	v4 =	vld.idx.msk [tilespmem:v7+s2+$0x0], $0xffff  }
0xe5: {  	v3 =	vld.idx.msk [tilespmem:v8+s2+$0x0], $0xffff  }
0xe6: {  	v8 =	vld.idx.msk [tilespmem:v51+s2+$0x0], $0xffff;
	[tilespmem:$0x1EF70] =	vst v0;
	v0 =	vadd.s32 $0x2710, v56  }
0xe7: {  	v51 =	vld [tilespmem:s20+$0x11E00]  }
0xe8: {  	v7 =	vld.idx.msk [tilespmem:v15+s2+$0x0], $0xffff  }
0xe9: {  	v15 =	vld.idx.msk [tilespmem:v54+s2+$0x0], $0xffff  }
0xea: {  	v1 =	vadd.s32 $0x2710, v54;
	v54 =	vld [tilespmem:s20+$0xED90]  }
0xeb: {  	v0 =	vld.idx.msk [tilespmem:v0+s2+$0x0], $0xffff  }
0xec: {  	v55 =	vld.idx.msk [tilespmem:v55+s2+$0x0], $0xffff;
	_ =	sdelay $0x1  }
0xed: {  	[tilespmem:$0x1EF30] =	vst v15;
	v15 =	vadd.s32 $0x2710, v51  }
0xee: {  	v5 =	vld.idx.msk [tilespmem:v52+s2+$0x0], $0xffff  }
0xef: {  	v52 =	vld.idx.msk [tilespmem:v51+s2+$0x0], $0xffff;
	[tilespmem:$0x1EF90] =	vst v0;
	v0 =	vadd.s32 $0x2710, v54  }
0xf0: {  	[tilespmem:$0x1EF40] =	vst v55;
	v55 =	vld [tilespmem:s20+$0x11F90]  }
0xf1: {  	v45 =	vld.idx.msk [tilespmem:v56+s2+$0x0], $0xffff  }
0xf2: {  	v56 =	vld.idx.msk [tilespmem:v15+s2+$0x0], $0xffff  }
0xf3: {  	v51 =	vld [tilespmem:s20+$0xEF20]  }
0xf4: {  	v0 =	vld.idx.msk [tilespmem:v0+s2+$0x0], $0xffff  }
0xf5: {  	v15 =	vadd.s32 $0x2710, v55  }
0xf6: {  	[tilespmem:$0x1EF60] =	vst v52;
	v52 =	vld.idx.msk [tilespmem:v54+s2+$0x0], $0xffff  }
0xf7: {  	[tilespmem:$0x1EFA0] =	vst v56;
	v56 =	vld [tilespmem:s20+$0x12120]  }
0xf8: {  	v54 =	vld.idx.msk [tilespmem:v55+s2+$0x0], $0xffff  }
0xf9: {  	[tilespmem:$0x1EFD0] =	vst v0;
	v0 =	vadd.s32 $0x2710, v51  }
0xfa: {  	v55 =	vld.idx.msk [tilespmem:v15+s2+$0x0], $0xffff;
	_ =	sdelay $0x2  }
0xfb: {  	[tilespmem:$0x1EFC0] =	vst v54;
	v54 =	vld [tilespmem:s20+$0xF0B0]  }
0xfc: {  	v0 =	vld.idx.msk [tilespmem:v0+s2+$0x0], $0xffff  }
0xfd: {  	v15 =	vadd.s32 $0x2710, v56;
	[tilespmem:$0x1EFE0] =	vst v55;
	v55 =	vld [tilespmem:s20+$0x122B0]  }
0xfe: {  	[tilespmem:$0x1EFB0] =	vst v52;
	v52 =	vld.idx.msk [tilespmem:v56+s2+$0x0], $0xffff  }
0xff: {  	v51 =	vld.idx.msk [tilespmem:v51+s2+$0x0], $0xffff  }
0x100: {  	[tilespmem:$0x1EF50] =	vst v45  }
0x101: {  	v45 =	vld [tilespmem:$0x1EAA0];
	[tilespmem:$0x1F010] =	vst v0;
	v0 =	vadd.s32 $0x2710, v54  }
0x102: {  	v56 =	vld.idx.msk [tilespmem:v15+s2+$0x0], $0xffff;
	v15 =	vadd.s32 $0x2710, v55  }
0x103: {  	[tilespmem:$0x1F000] =	vst v52;
	v52 =	vld.idx.msk [tilespmem:v54+s2+$0x0], $0xffff  }
0x104: {  	[tilespmem:$0x1EFF0] =	vst v51;
	v51 =	vld [tilespmem:s20+$0xF240]  }
0x105: {  	v54 =	vld.idx.msk [tilespmem:v55+s2+$0x0], $0xffff  }
0x106: {  	v0 =	vld.idx.msk [tilespmem:v0+s2+$0x0], $0xffff  }
0x107: {  	v55 =	vld.idx.msk [tilespmem:v15+s2+$0x0], $0xffff  }
0x108: {  	v15 =	vld [tilespmem:$0x1EAB0];
	_ =	sdelay $0x1  }
0x109: {  	[tilespmem:$0x1F020] =	vst v56  }
0x10a: {  	v56 =	vld [tilespmem:s20+$0x12440];
	[tilespmem:$0x1F050] =	vst v0;
	v0 =	vadd.s32 $0x2710, v51  }
0x10b: {  	[tilespmem:$0x1F030] =	vst v52;
	v52 =	vsub.bf16 v48, v49;
	v48 =	vld.idx.msk [tilespmem:v51+s2+$0x0], $0xffff  }
0x10c: {  	v49 =	vsub.bf16 v45, v15;
	v15 =	vld [tilespmem:$0x1EAD0]  }
0x10d: {  	v51 =	vsub.bf16 v47, v50;
	v50 =	vld [tilespmem:$0x1EAC0]  }
0x10e: {  	v1 =	vld.idx.msk [tilespmem:v1+s2+$0x0], $0xffff  }
0x10f: {  	v0 =	vld.idx.msk [tilespmem:v0+s2+$0x0], $0xffff;
	_ =	sdelay $0x1  }
0x110: {  	v49 =	vmax.bf16 v52, v49;
	v52 =	vld [tilespmem:$0x1EAE0]  }
0x111: {  	[tilespmem:$0x1F070] =	vst v48;
	v48 =	vld.idx.msk [tilespmem:v56+s2+$0x0], $0xffff;
	v50 =	vsub.bf16 v50, v15  }
0x112: {  	[tilespmem:$0x1EF80] =	vst v1;
	v1 =	vadd.s32 $0x2710, v56;
	v56 =	vld [tilespmem:$0x1EAF0]  }
0x113: {  	[tilespmem:$0x1F090] =	vst v0;
	v0 =	vmax.bf16 v51, v50;
	v50 =	vld [tilespmem:$0x1EB00]  }
0x114: {  	v51 =	vld [tilespmem:$0x1EB10];
	_ =	sdelay $0x3  }
0x115: {  	[tilespmem:$0x1F080] =	vst v48;
	v48 =	vld [tilespmem:$0x1EB40];
	v15 =	vsub.bf16 v52, v56  }
0x116: {  	v56 =	vld [tilespmem:$0x1EB20];
	v50 =	vsub.bf16 v50, v51  }
0x117: {  	v49 =	vmax.bf16 v49, v15;
	v15 =	vld [tilespmem:$0x1EB30]  }
0x118: {  	v0 =	vmax.bf16 v0, v50;
	v50 =	vld [tilespmem:$0x1EB50];
	_ =	sdelay $0x3  }
0x119: {  	v51 =	vsub.bf16 v56, v15;
	v15 =	vld [tilespmem:$0x1EB60]  }
0x11a: {  	v50 =	vsub.bf16 v48, v50;
	v48 =	vld [tilespmem:$0x1EB70]  }
0x11b: {  	[tilespmem:$0x1F040] =	vst v54;
	v54 =	vld [tilespmem:s20+$0xF3D0];
	_ =	sdelay $0x1  }
0x11c: {  	v1 =	vld.idx.msk [tilespmem:v1+s2+$0x0], $0xffff  }
0x11d: {  	v45 =	vld [tilespmem:$0x1EB80]  }
0x11e: {  	v47 =	vsub.bf16 v15, v48;
	v15 =	vld [tilespmem:$0x1EB90];
	_ =	sdelay $0x3  }
0x11f: {  	[tilespmem:$0x1F0A0] =	vst v1;
	v1 =	vadd.s32 $0x2710, v54;
	v54 =	vld.idx.msk [tilespmem:v54+s2+$0x0], $0xffff  }
0x120: {  	v49 =	vmax.bf16 v49, v51;
	v51 =	vsub.bf16 v45, v15;
	v45 =	vld [tilespmem:$0x1EBA0]  }
0x121: {  	v15 =	vld [tilespmem:$0x1EBB0];
	_ =	sdelay $0x1  }
0x122: {  	[tilespmem:$0x1F060] =	vst v55;
	v55 =	vld [tilespmem:s20+$0x125D0];
	_ =	sdelay $0x1  }
0x123: {  	[tilespmem:$0x1F0B0] =	vst v54;
	v54 =	vld [tilespmem:$0x1EBD0]  }
0x124: {  	v45 =	vsub.bf16 v45, v15;
	v15 =	vld [tilespmem:$0x1EBC0];
	_ =	sdelay $0x4  }
0x125: {  	v47 =	vmax.bf16 v49, v47;
	v49 =	vsub.bf16 v15, v54;
	v15 =	vld.idx.msk [tilespmem:v55+s2+$0x0], $0xffff;
	_ =	sdelay $0x1  }
0x126: {  	v52 =	vadd.s32 $0x2710, v55  }
0x127: {  	v1 =	vld.idx.msk [tilespmem:v1+s2+$0x0], $0xffff  }
0x128: {  	v55 =	vld [tilespmem:$0x1EC00]  }
0x129: {  	[tilespmem:$0x1F0C0] =	vst v15;
	v15 =	vld [tilespmem:$0x1EC10];
	_ =	sdelay $0x1  }
0x12a: {  	v52 =	vld.idx.msk [tilespmem:v52+s2+$0x0], $0xffff  }
0x12b: {  	v56 =	vld [tilespmem:s20+$0xF560];
	v0 =	vmax.bf16 v0, v50  }
0x12c: {  	v0 =	vmax.bf16 v0, v51;
	v51 =	vld [tilespmem:$0x1EBE0]  }
0x12d: {  	[tilespmem:$0x1F0D0] =	vst v1;
	v54 =	vld [tilespmem:$0x1EBF0];
	v1 =	vsub.bf16 v55, v15  }
0x12e: {  	v0 =	vmax.bf16 v0, v49;
	v15 =	vld [tilespmem:$0x1EC50]  }
0x12f: {  	v0 =	vmax.bf16 v0, v1;
	v1 =	vld [tilespmem:$0x1EC40]  }
0x130: {  	[tilespmem:$0x1F0E0] =	vst v52;
	v52 =	vld [tilespmem:$0x1EC70]  }
0x131: {  	v48 =	vld [tilespmem:s20+$0x12760]  }
0x132: {  	v45 =	vmax.bf16 v47, v45;
	v47 =	vsub.bf16 v51, v54;
	v54 =	vld [tilespmem:$0x1EC20]  }
0x133: {  	v55 =	vld [tilespmem:$0x1EC30]  }
0x134: {  	v1 =	vsub.bf16 v1, v15;
	v15 =	vld [tilespmem:$0x1EC60];
	_ =	sdelay $0x2  }
0x135: {  	v49 =	vadd.s32 $0x2710, v56;
	v56 =	vld.idx.msk [tilespmem:v56+s2+$0x0], $0xffff  }
0x136: {  	v45 =	vmax.bf16 v45, v47;
	v47 =	vsub.bf16 v54, v55;
	v55 =	vld [tilespmem:$0x1EC90]  }
0x137: {  	v52 =	vsub.bf16 v15, v52;
	v15 =	vld [tilespmem:$0x1EC80];
	_ =	sdelay $0x1  }
0x138: {  	v50 =	vadd.s32 $0x2710, v48;
	v48 =	vld.idx.msk [tilespmem:v48+s2+$0x0], $0xffff  }
0x139: {  	[tilespmem:$0x1F0F0] =	vst v56;
	v56 =	vld [tilespmem:$0x1ECC0];
	v45 =	vmax.bf16 v45, v47  }
0x13a: {  	v0 =	vmax.bf16 v0, v1;
	v1 =	vmax.bf16 v45, v52;
	v52 =	vld [tilespmem:$0x1ECD0]  }
0x13b: {  	v47 =	vsub.bf16 v15, v55;
	v15 =	vld [tilespmem:$0x1ECA0]  }
0x13c: {  	v55 =	vld [tilespmem:$0x1ECB0];
	_ =	sdelay $0x1  }
0x13d: {  	[tilespmem:$0x1F100] =	vst v48;
	v48 =	vld [tilespmem:$0x1ECF0]  }
0x13e: {  	v45 =	vsub.bf16 v56, v52;
	v56 =	vld [tilespmem:$0x1ECE0];
	_ =	sdelay $0x1  }
0x13f: {  	v52 =	vld.idx.msk [tilespmem:v49+s2+$0x0], $0xffff;
	v55 =	vsub.bf16 v15, v55  }
0x140: {  	v15 =	vld.idx.msk [tilespmem:v50+s2+$0x0], $0xffff  }
0x141: {  	v1 =	vmax.bf16 v1, v55;
	v55 =	vld [tilespmem:$0x1ED00]  }
0x142: {  	v0 =	vmax.bf16 v0, v47;
	v47 =	vsub.bf16 v56, v48;
	v56 =	vld [tilespmem:$0x1ED10];
	_ =	sdelay $0x1  }
0x143: {  	v51 =	vld [tilespmem:s20+$0xF6F0]  }
0x144: {  	[tilespmem:$0x1F110] =	vst v52;
	v52 =	vld [tilespmem:$0x1ED40]  }
0x145: {  	[tilespmem:$0x1F120] =	vst v15;
	v15 =	vld [tilespmem:$0x1ED60]  }
0x146: {  	v0 =	vmax.bf16 v0, v45;
	v45 =	vsub.bf16 v55, v56;
	v55 =	vld [tilespmem:$0x1ED50]  }
0x147: {  	v56 =	vld [tilespmem:$0x1ED70]  }
0x148: {  	v49 =	vld [tilespmem:$0x1ED20]  }
0x149: {  	v50 =	vld [tilespmem:$0x1ED30];
	_ =	sdelay $0x1  }
0x14a: {  	v48 =	vadd.s32 $0x2710, v51;
	v51 =	vld.idx.msk [tilespmem:v51+s2+$0x0], $0xffff  }
0x14b: {  	v0 =	vmax.bf16 v0, v45;
	v45 =	vsub.bf16 v52, v55;
	v52 =	vsub.bf16 v15, v56;
	v15 =	vld [tilespmem:$0x1ED80]  }
0x14c: {  	v56 =	vld [tilespmem:$0x1ED90]  }
0x14d: {  	[tilespmem:$0x1EE70] =	vst v36;
	v36 =	vld.idx.msk [tilespmem:v23+s2+$0x0], $0xffff;
	v1 =	vmax.bf16 v1, v47;
	v47 =	vsub.bf16 v49, v50  }
0x14e: {  	v54 =	vld [tilespmem:s20+$0x128F0]  }
0x14f: {  	v1 =	vmax.bf16 v1, v47;
	[tilespmem:$0x1F130] =	vst v51;
	v51 =	vld [tilespmem:$0x1EDC0]  }
0x150: {  	v1 =	vmax.bf16 v1, v52;
	v52 =	vld [tilespmem:$0x1EDD0]  }
0x151: {  	v47 =	vsub.bf16 v15, v56;
	v15 =	vld [tilespmem:$0x1EDA0]  }
0x152: {  	v56 =	vld [tilespmem:$0x1EDB0]  }
0x153: {  	v30 =	vld.idx.msk [tilespmem:v30+s2+$0x0], $0xffff  }
0x154: {  	v40 =	vld.idx.msk [tilespmem:v11+s2+$0x0], $0xffff  }
0x155: {  	v11 =	vld [tilespmem:s20+$0x11620]  }
0x156: {  	v0 =	vmax.bf16 v0, v45;
	v45 =	vsub.bf16 v51, v52;
	v51 =	vld [tilespmem:$0x1EDE0]  }
0x157: {  	v49 =	vadd.s32 $0x2710, v54;
	v56 =	vsub.bf16 v15, v56;
	v15 =	vld.idx.msk [tilespmem:v54+s2+$0x0], $0xffff  }
0x158: {  	v52 =	vld [tilespmem:$0x1EDF0]  }
0x159: {  	v54 =	vld [tilespmem:$0x1EE00]  }
0x15a: {  	v1 =	vmax.bf16 v1, v56;
	v56 =	vld [tilespmem:$0x1EE10]  }
0x15b: {  	v50 =	vld [tilespmem:s20+$0xF880]  }
0x15c: {  	[tilespmem:$0x1F140] =	vst v15;
	v15 =	vld.idx.msk [tilespmem:v49+s2+$0x0], $0xffff  }
0x15d: {  	v48 =	vld.idx.msk [tilespmem:v48+s2+$0x0], $0xffff  }
0x15e: {  	v0 =	vmax.bf16 v0, v47;
	v47 =	vsub.bf16 v51, v52;
	v52 =	vld [tilespmem:$0x1EE40]  }
0x15f: {  	v0 =	vmax.bf16 v0, v45;
	v45 =	vsub.bf16 v54, v56;
	v54 =	vld [tilespmem:$0x1EE50]  }
0x160: {  	v56 =	vld [tilespmem:$0x1EE70]  }
0x161: {  	[tilespmem:$0x1F160] =	vst v15;
	v15 =	vld [tilespmem:$0x1EE60]  }
0x162: {  	v51 =	vld [tilespmem:$0x1EE30]  }
0x163: {  	v49 =	vld [tilespmem:$0x1EE20]  }
0x164: {  	v23 =	vld.idx.msk [tilespmem:v28+s2+$0x0], $0xffff  }
0x165: {  	[tilespmem:$0x1F150] =	vst v48;
	v48 =	vadd.s32 $0x2710, v50;
	v50 =	vld.idx.msk [tilespmem:v50+s2+$0x0], $0xffff  }
0x166: {  	v0 =	vmax.bf16 v0, v45;
	v45 =	vsub.bf16 v52, v54;
	v52 =	vsub.bf16 v15, v56;
	v15 =	vld [tilespmem:$0x1EE80]  }
0x167: {  	v56 =	vld [tilespmem:$0x1EE90]  }
0x168: {  	v55 =	vld [tilespmem:s20+$0x12A80];
	v1 =	vmax.bf16 v1, v47;
	v47 =	vsub.bf16 v49, v51  }
0x169: {  	v28 =	vadd.s32 $0x2710, v11;
	v11 =	vld.idx.msk [tilespmem:v11+s2+$0x0], $0xffff  }
0x16a: {  	[tilespmem:$0x1F170] =	vst v50;
	v50 =	vld [tilespmem:$0x1EEC0];
	v1 =	vmax.bf16 v1, v47  }
0x16b: {  	v1 =	vmax.bf16 v1, v52;
	v52 =	vld [tilespmem:$0x1EED0]  }
0x16c: {  	v47 =	vsub.bf16 v15, v56;
	v15 =	vld [tilespmem:$0x1EEA0]  }
0x16d: {  	v56 =	vld [tilespmem:$0x1EEB0]  }
0x16e: {  	v28 =	vld.idx.msk [tilespmem:v28+s2+$0x0], $0xffff  }
0x16f: {  	v51 =	vld [tilespmem:s20+$0xFA10]  }
0x170: {  	v49 =	vadd.s32 $0x2710, v55;
	v55 =	vld.idx.msk [tilespmem:v55+s2+$0x0], $0xffff  }
0x171: {  	v0 =	vmax.bf16 v0, v45;
	v45 =	vsub.bf16 v50, v52;
	v50 =	vld [tilespmem:$0x1EEE0]  }
0x172: {  	v54 =	vld [tilespmem:s20+$0x12C10];
	v56 =	vsub.bf16 v15, v56  }
0x173: {  	v0 =	vmax.bf16 v0, v47;
	v47 =	vsub.bf16 v63, v60;
	v60 =	vld [tilespmem:$0x1EF20]  }
0x174: {  	v1 =	vmax.bf16 v1, v56;
	v56 =	vld.idx.msk [tilespmem:v48+s2+$0x0], $0xffff  }
0x175: {  	v48 =	vld [tilespmem:$0x1EEF0]  }
0x176: {  	v52 =	vsub.bf16 v50, v62;
	v50 =	vld [tilespmem:$0x1EF00]  }
0x177: {  	v63 =	vld [tilespmem:s20+$0x12DA0]  }
0x178: {  	v15 =	vsub.bf16 v58, v57;
	v58 =	vld [tilespmem:s20+$0xFD30]  }
0x179: {  	v44 =	vsub.bf16 v53, v44;
	v1 =	vmax.bf16 v1, v52;
	v52 =	vld [tilespmem:$0x1EF10]  }
0x17a: {  	v38 =	vsub.bf16 v41, v38;
	v0 =	vmax.bf16 v0, v45;
	v62 =	vld.idx.msk [tilespmem:v49+s2+$0x0], $0xffff;
	v1 =	vmax.bf16 v1, v47  }
0x17b: {  	v1 =	vmax.bf16 v1, v44;
	v44 =	vld.idx.msk [tilespmem:v54+s2+$0x0], $0xffff;
	v45 =	vsub.bf16 v48, v50;
	v48 =	vadd.s32 $0x2710, v51  }
0x17c: {  	v13 =	vsub.bf16 v16, v13;
	v49 =	vadd.s32 $0x2710, v54;
	v54 =	vsub.bf16 v46, v42;
	v42 =	vld [tilespmem:s20+$0x10050]  }
0x17d: {  	v23 =	vsub.bf16 v25, v23;
	v37 =	vsub.bf16 v40, v37;
	v46 =	vld [tilespmem:s20+$0x13250]  }
0x17e: {  	v14 =	vsub.bf16 v19, v14;
	v50 =	vld [tilespmem:s20+$0xFBA0];
	v0 =	vmax.bf16 v0, v45;
	v45 =	vsub.bf16 v52, v60  }
0x17f: {  	v29 =	vsub.bf16 v31, v29;
	v4 =	vsub.bf16 v6, v4;
	v51 =	vld.idx.msk [tilespmem:v51+s2+$0x0], $0xffff  }
0x180: {  	v57 =	vadd.s32 $0x2710, v63;
	v0 =	vmax.bf16 v0, v45;
	v45 =	vld.idx.msk [tilespmem:v48+s2+$0x0], $0xffff;
	v48 =	vsub.bf16 v61, v59  }
0x181: {  	v35 =	vsub.bf16 v43, v35;
	v17 =	vsub.bf16 v22, v17;
	v47 =	vld.idx.msk [tilespmem:v49+s2+$0x0], $0xffff;
	v0 =	vmax.bf16 v0, v15  }
0x182: {  	v10 =	vsub.bf16 v11, v10;
	v1 =	vmax.bf16 v1, v37;
	v22 =	vld.idx.msk [tilespmem:v58+s2+$0x0], $0xffff;
	v0 =	vmax.bf16 v0, v48  }
0x183: {  	v60 =	vsub.bf16 v36, v32;
	v32 =	vld [tilespmem:s20+$0xFEC0];
	v61 =	vsub.bf16 v39, v33;
	v0 =	vmax.bf16 v0, v54  }
0x184: {  	v1 =	vmax.bf16 v1, v38;
	v33 =	vld.idx.msk [tilespmem:v63+s2+$0x0], $0xffff;
	v63 =	vsub.bf16 v30, v24;
	v0 =	vmax.bf16 v0, v35  }
0x185: {  	v1 =	vmax.bf16 v1, v29;
	v29 =	vld.idx.msk [tilespmem:v57+s2+$0x0], $0xffff;
	v35 =	vsub.bf16 v34, v27;
	v0 =	vmax.bf16 v0, v61  }
0x186: {  	v1 =	vmax.bf16 v1, v60;
	v53 =	vadd.s32 $0x2710, v50;
	v59 =	vld [tilespmem:s20+$0x12F30];
	v0 =	vmax.bf16 v0, v63  }
0x187: {  	v5 =	vsub.bf16 v9, v5;
	v1 =	vmax.bf16 v1, v23;
	v0 =	vmax.bf16 v0, v35;
	v35 =	vld [tilespmem:$0x1FFF0]  }
0x188: {  	v41 =	vsub.bf16 v28, v26;
	v39 =	vld [tilespmem:s20+$0x130C0];
	v1 =	vmax.bf16 v1, v13;
	v43 =	vadd.s32 $0x2710, v32  }
0x189: {  	v2 =	vsub.bf16 v3, v2;
	v1 =	vmax.bf16 v1, v14;
	v48 =	vsub.bf16 v21, v20;
	v20 =	vld.idx.msk [tilespmem:v42+s2+$0x0], $0xffff  }
0x18a: {  	v38 =	vadd.s32 $0x2710, v58;
	v52 =	vsub.bf16 v8, v7;
	v36 =	vld.idx.msk [tilespmem:v50+s2+$0x0], $0xffff;
	v1 =	vmax.bf16 v1, v10  }
0x18b: {  	v50 =	vsub.bf16 v18, v12;
	v1 =	vmax.bf16 v1, v5;
	v24 =	vld.idx.msk [tilespmem:v53+s2+$0x0], $0xffff;
	v0 =	vmax.bf16 v0, v17  }
0x18c: {  	v40 =	vadd.s32 $0x2710, v59;
	v1 =	vmax.bf16 v1, v4;
	v13 =	vld.idx.msk [tilespmem:v32+s2+$0x0], $0xffff;
	v0 =	vmax.bf16 v0, v41  }
0x18d: {  	v49 =	vadd.s32 $0x2710, v39;
	v1 =	vmax.bf16 v1, v2;
	v19 =	vld.idx.msk [tilespmem:v43+s2+$0x0], $0xffff;
	v0 =	vmax.bf16 v0, v48  }
0x18e: {  	v53 =	vunpack.i.l.bf16.f32 v1;
	v16 =	vld.idx.msk [tilespmem:v59+s2+$0x0], $0xffff;
	v0 =	vmax.bf16 v0, v50  }
0x18f: {  	v54 =	vadd.s32 $0x2710, v42;
	v1 =	vunpack.i.u.bf16.f32 v1;
	v17 =	vld.idx.msk [tilespmem:v38+s2+$0x0], $0xffff;
	v0 =	vmax.bf16 v0, v52;
	[tilespmem:v35+s20+$0x0 ss:$0x1] =	vst.idx.msk $0xffff, v53  }
0x190: {  	v14 =	vld.idx.msk [tilespmem:v39+s2+$0x0], $0xffff;
	v57 =	vunpack.i.l.bf16.f32 v0;
	[tilespmem:v35+s20+$0x2710 ss:$0x1] =	vst.idx.msk $0xffff, v1  }
0x191: {  	v18 =	vld.idx.msk [tilespmem:v40+s2+$0x0], $0xffff;
	v0 =	vunpack.i.u.bf16.f32 v0;
	[tilespmem:v35+s20+$0x4E20 ss:$0x1] =	vst.idx.msk $0xffff, v57  }
0x192: {  	v58 =	vadd.s32 $0x2710, v46;
	v23 =	vld.idx.msk [tilespmem:v49+s2+$0x0], $0xffff;
	[tilespmem:v35+s20+$0x7530 ss:$0x1] =	vst.idx.msk $0xffff, v0  }
0x193: {  	v25 =	vld.idx.msk [tilespmem:v46+s2+$0x0], $0xffff  }
0x194: {  	v21 =	vld.idx.msk [tilespmem:v54+s2+$0x0], $0xffff  }
0x195: {  	v59 =	vld [tilespmem:s20+$0x101E0]  }
0x196: {  	v60 =	vld [tilespmem:s20+$0x133E0]  }
0x197: {  	v27 =	vld.idx.msk [tilespmem:v58+s2+$0x0], $0xffff  }
0x198: {  	v8 =	vld [tilespmem:s20+$0x10370]  }
0x199: {  	v9 =	vld [tilespmem:s20+$0x13570]  }
0x19a: {  	v12 =	vld [tilespmem:s20+$0x10500]  }
0x19b: {  	v15 =	vld [tilespmem:s20+$0x13700]  }
0x19c: {  	v53 =	vld [tilespmem:s20+$0x10690]  }
0x19d: {  	v54 =	vld [tilespmem:s20+$0x13890]  }
0x19e: {  	v3 =	vld [tilespmem:s20+$0x14060]  }
0x19f: {  	v30 =	vld.idx.msk [tilespmem:v59+s2+$0x0], $0xffff  }
0x1a0: {  	v31 =	vld.idx.msk [tilespmem:v60+s2+$0x0], $0xffff  }
0x1a1: {  	v34 =	vld.idx.msk [tilespmem:v8+s2+$0x0], $0xffff  }
0x1a2: {  	v38 =	vld.idx.msk [tilespmem:v9+s2+$0x0], $0xffff  }
0x1a3: {  	v43 =	vld.idx.msk [tilespmem:v12+s2+$0x0], $0xffff  }
0x1a4: {  	v50 =	vld.idx.msk [tilespmem:v15+s2+$0x0], $0xffff  }
0x1a5: {  	v61 =	vadd.s32 $0x2710, v59;
	v59 =	vld [tilespmem:s20+$0x10820]  }
0x1a6: {  	v63 =	vadd.s32 $0x2710, v60;
	v60 =	vld [tilespmem:s20+$0x13A20]  }
0x1a7: {  	v10 =	vadd.s32 $0x2710, v8;
	v8 =	vld [tilespmem:s20+$0x109B0]  }
0x1a8: {  	v11 =	vadd.s32 $0x2710, v9;
	v9 =	vld [tilespmem:s20+$0x13BB0]  }
0x1a9: {  	v46 =	vadd.s32 $0x2710, v12;
	v12 =	vld [tilespmem:s20+$0x10B40]  }
0x1aa: {  	v52 =	vadd.s32 $0x2710, v15;
	v15 =	vld [tilespmem:s20+$0x13D40]  }
0x1ab: {  	v26 =	vld.idx.msk [tilespmem:v61+s2+$0x0], $0xffff  }
0x1ac: {  	v28 =	vld.idx.msk [tilespmem:v63+s2+$0x0], $0xffff  }
0x1ad: {  	v32 =	vld.idx.msk [tilespmem:v10+s2+$0x0], $0xffff  }
0x1ae: {  	v57 =	vadd.s32 $0x2710, v53;
	v37 =	vld.idx.msk [tilespmem:v11+s2+$0x0], $0xffff  }
0x1af: {  	v58 =	vadd.s32 $0x2710, v54;
	v39 =	vld.idx.msk [tilespmem:v46+s2+$0x0], $0xffff  }
0x1b0: {  	v40 =	vld.idx.msk [tilespmem:v52+s2+$0x0], $0xffff  }
0x1b1: {  	v46 =	vld.idx.msk [tilespmem:v53+s2+$0x0], $0xffff  }
0x1b2: {  	v52 =	vld.idx.msk [tilespmem:v54+s2+$0x0], $0xffff  }
0x1b3: {  	v41 =	vld.idx.msk [tilespmem:v57+s2+$0x0], $0xffff  }
0x1b4: {  	v48 =	vld.idx.msk [tilespmem:v58+s2+$0x0], $0xffff  }
0x1b5: {  	v53 =	vld.idx.msk [tilespmem:v59+s2+$0x0], $0xffff  }
0x1b6: {  	v63 =	vadd.s32 $0x2710, v60;
	v54 =	vld.idx.msk [tilespmem:v60+s2+$0x0], $0xffff  }
0x1b7: {  	v10 =	vadd.s32 $0x2710, v8;
	v58 =	vld.idx.msk [tilespmem:v8+s2+$0x0], $0xffff  }
0x1b8: {  	v60 =	vld.idx.msk [tilespmem:v9+s2+$0x0], $0xffff  }
0x1b9: {  	v61 =	vadd.s32 $0x2710, v59;
	v11 =	vadd.s32 $0x2710, v9;
	v9 =	vld [tilespmem:s20+$0x10CD0]  }
0x1ba: {  	v2 =	vld.idx.msk [tilespmem:v12+s2+$0x0], $0xffff  }
0x1bb: {  	v49 =	vld.idx.msk [tilespmem:v63+s2+$0x0], $0xffff  }
0x1bc: {  	v57 =	vld.idx.msk [tilespmem:v10+s2+$0x0], $0xffff  }
0x1bd: {  	v63 =	vadd.s32 $0x2710, v12;
	v10 =	vld [tilespmem:s20+$0x13ED0]  }
0x1be: {  	v8 =	vadd.s32 $0x2710, v15;
	v42 =	vld.idx.msk [tilespmem:v61+s2+$0x0], $0xffff  }
0x1bf: {  	v59 =	vld.idx.msk [tilespmem:v11+s2+$0x0], $0xffff  }
0x1c0: {  	v11 =	vld.idx.msk [tilespmem:v15+s2+$0x0], $0xffff  }
0x1c1: {  	[tilespmem:$0x1F180] =	vst v2;
	v12 =	vadd.s32 $0x2710, v9;
	v2 =	vld [tilespmem:s20+$0x10E60]  }
0x1c2: {  	v61 =	vld.idx.msk [tilespmem:v63+s2+$0x0], $0xffff  }
0x1c3: {  	v63 =	vld.idx.msk [tilespmem:v8+s2+$0x0], $0xffff;
	v15 =	vadd.s32 $0x2710, v10  }
0x1c4: {  	v4 =	vld.idx.msk [tilespmem:v9+s2+$0x0], $0xffff  }
0x1c5: {  	v8 =	vld.idx.msk [tilespmem:v10+s2+$0x0], $0xffff  }
0x1c6: {  	v0 =	vld.idx.msk [tilespmem:v12+s2+$0x0], $0xffff  }
0x1c7: {  	v12 =	vld [tilespmem:s20+$0x10FF0]  }
0x1c8: {  	v9 =	vld.idx.msk [tilespmem:v15+s2+$0x0], $0xffff  }
0x1c9: {  	v10 =	vadd.s32 $0x2710, v2;
	v15 =	vld [tilespmem:s20+$0x141F0]  }
0x1ca: {  	v2 =	vld.idx.msk [tilespmem:v2+s2+$0x0], $0xffff  }
0x1cb: {  	[tilespmem:$0x1F190] =	vst v11;
	v11 =	vadd.s32 $0x2710, v3  }
0x1cc: {  	v6 =	vld.idx.msk [tilespmem:v3+s2+$0x0], $0xffff  }
0x1cd: {  	v3 =	vld [tilespmem:s20+$0x14380];
	[tilespmem:$0x1F1B0] =	vst v8  }
0x1ce: {  	[tilespmem:$0x1F1C0] =	vst v0;
	v0 =	vld.idx.msk [tilespmem:v10+s2+$0x0], $0xffff;
	v8 =	vadd.s32 $0x2710, v12  }
0x1cf: {  	[tilespmem:$0x1F1E0] =	vst v2;
	v2 =	vld [tilespmem:s20+$0x11180]  }
0x1d0: {  	v7 =	vld.idx.msk [tilespmem:v11+s2+$0x0], $0xffff;
	[tilespmem:$0x1F1D0] =	vst v9;
	v9 =	vadd.s32 $0x2710, v15  }
0x1d1: {  	[tilespmem:$0x1F1A0] =	vst v4;
	v4 =	vld.idx.msk [tilespmem:v12+s2+$0x0], $0xffff  }
0x1d2: {  	v10 =	vld.idx.msk [tilespmem:v15+s2+$0x0], $0xffff  }
0x1d3: {  	[tilespmem:$0x1F200] =	vst v0;
	v0 =	vld.idx.msk [tilespmem:v8+s2+$0x0], $0xffff  }
0x1d4: {  	v8 =	vld [tilespmem:s20+$0x11310]  }
0x1d5: {  	v11 =	vld.idx.msk [tilespmem:v9+s2+$0x0], $0xffff  }
0x1d6: {  	v15 =	vadd.s32 $0x2710, v3;
	v9 =	vld [tilespmem:s20+$0x14510]  }
0x1d7: {  	v12 =	vadd.s32 $0x2710, v2;
	v2 =	vld.idx.msk [tilespmem:v2+s2+$0x0], $0xffff;
	_ =	sdelay $0x1  }
0x1d8: {  	[tilespmem:$0x1F230] =	vst v10;
	v10 =	vld.idx.msk [tilespmem:v3+s2+$0x0], $0xffff  }
0x1d9: {  	v3 =	vld [tilespmem:s20+$0x146A0]  }
0x1da: {  	[tilespmem:$0x1F250] =	vst v11;
	v11 =	vld.idx.msk [tilespmem:v15+s2+$0x0], $0xffff;
	v15 =	vadd.s32 $0x2710, v9  }
0x1db: {  	[tilespmem:$0x1F260] =	vst v2;
	v2 =	vld [tilespmem:s20+$0x114A0]  }
0x1dc: {  	[tilespmem:$0x1F240] =	vst v0;
	v0 =	vld.idx.msk [tilespmem:v12+s2+$0x0], $0xffff;
	v12 =	vadd.s32 $0x2710, v8  }
0x1dd: {  	[tilespmem:$0x1F220] =	vst v4;
	v4 =	vld.idx.msk [tilespmem:v8+s2+$0x0], $0xffff  }
0x1de: {  	v8 =	vld.idx.msk [tilespmem:v9+s2+$0x0], $0xffff  }
0x1df: {  	v9 =	vld.idx.msk [tilespmem:v15+s2+$0x0], $0xffff  }
0x1e0: {  	v15 =	vld [tilespmem:s20+$0x14830]  }
0x1e1: {  	[tilespmem:$0x1F280] =	vst v0;
	v0 =	vld.idx.msk [tilespmem:v12+s2+$0x0], $0xffff  }
0x1e2: {  	[tilespmem:$0x1F290] =	vst v11;
	v11 =	vadd.s32 $0x2710, v3;
	v12 =	vld [tilespmem:s20+$0x11630]  }
0x1e3: {  	[tilespmem:$0x1F270] =	vst v10;
	v10 =	vadd.s32 $0x2710, v2;
	v2 =	vld.idx.msk [tilespmem:v2+s2+$0x0], $0xffff  }
0x1e4: {  	[tilespmem:$0x1F1F0] =	vst v6  }
0x1e5: {  	[tilespmem:$0x1F210] =	vst v7;
	v6 =	vld.idx.msk [tilespmem:v3+s2+$0x0], $0xffff  }
0x1e6: {  	v3 =	vld [tilespmem:s20+$0x149C0];
	[tilespmem:$0x1F2B0] =	vst v8  }
0x1e7: {  	[tilespmem:$0x1F2D0] =	vst v9;
	v7 =	vld.idx.msk [tilespmem:v11+s2+$0x0], $0xffff;
	v9 =	vadd.s32 $0x2710, v15  }
0x1e8: {  	[tilespmem:$0x1F2E0] =	vst v2;
	v2 =	vld [tilespmem:s20+$0x117C0]  }
0x1e9: {  	[tilespmem:$0x1F2C0] =	vst v0;
	v8 =	vadd.s32 $0x2710, v12;
	v0 =	vld.idx.msk [tilespmem:v10+s2+$0x0], $0xffff  }
0x1ea: {  	[tilespmem:$0x1F2A0] =	vst v4;
	v4 =	vld.idx.msk [tilespmem:v12+s2+$0x0], $0xffff  }
0x1eb: {  	v10 =	vld.idx.msk [tilespmem:v15+s2+$0x0], $0xffff  }
0x1ec: {  	v11 =	vld.idx.msk [tilespmem:v9+s2+$0x0], $0xffff  }
0x1ed: {  	v9 =	vld [tilespmem:s20+$0x14B50]  }
0x1ee: {  	[tilespmem:$0x1F300] =	vst v0;
	v0 =	vld.idx.msk [tilespmem:v8+s2+$0x0], $0xffff  }
0x1ef: {  	v15 =	vadd.s32 $0x2710, v3;
	v8 =	vld [tilespmem:s20+$0x11950]  }
0x1f0: {  	v12 =	vadd.s32 $0x2710, v2;
	v2 =	vld.idx.msk [tilespmem:v2+s2+$0x0], $0xffff;
	_ =	sdelay $0x1  }
0x1f1: {  	[tilespmem:$0x1F330] =	vst v10;
	v10 =	vld.idx.msk [tilespmem:v3+s2+$0x0], $0xffff  }
0x1f2: {  	v3 =	vld [tilespmem:s20+$0x14CE0]  }
0x1f3: {  	[tilespmem:$0x1F350] =	vst v11;
	v11 =	vld.idx.msk [tilespmem:v15+s2+$0x0], $0xffff;
	v15 =	vadd.s32 $0x2710, v9  }
0x1f4: {  	[tilespmem:$0x1F360] =	vst v2;
	v2 =	vld [tilespmem:s20+$0x11AE0]  }
0x1f5: {  	[tilespmem:$0x1F340] =	vst v0;
	v0 =	vld.idx.msk [tilespmem:v12+s2+$0x0], $0xffff  }
0x1f6: {  	[tilespmem:$0x1F320] =	vst v4;
	v12 =	vadd.s32 $0x2710, v8;
	v4 =	vld.idx.msk [tilespmem:v8+s2+$0x0], $0xffff  }
0x1f7: {  	v8 =	vld.idx.msk [tilespmem:v9+s2+$0x0], $0xffff  }
0x1f8: {  	v9 =	vld.idx.msk [tilespmem:v15+s2+$0x0], $0xffff  }
0x1f9: {  	v15 =	vld [tilespmem:s20+$0x11C80]  }
0x1fa: {  	[tilespmem:$0x1F390] =	vst v11  }
0x1fb: {  	v11 =	vadd.s32 $0x2710, v3;
	[tilespmem:$0x1F380] =	vst v0;
	v0 =	vld.idx.msk [tilespmem:v12+s2+$0x0], $0xffff  }
0x1fc: {  	[tilespmem:$0x1F370] =	vst v10;
	v10 =	vadd.s32 $0x2710, v2;
	v2 =	vld.idx.msk [tilespmem:v2+s2+$0x0], $0xffff  }
0x1fd: {  	[tilespmem:$0x1F2F0] =	vst v6;
	v12 =	vld [tilespmem:s20+$0xEA80]  }
0x1fe: {  	v6 =	vld.idx.msk [tilespmem:v3+s2+$0x0], $0xffff;
	[tilespmem:$0x1F3D0] =	vst v9;
	v9 =	vadd.s32 $0x2710, v15  }
0x1ff: {  	[tilespmem:$0x1F310] =	vst v7;
	v3 =	vld [tilespmem:s20+$0x11E10]  }
0x200: {  	v7 =	vld.idx.msk [tilespmem:v11+s2+$0x0], $0xffff;
	[tilespmem:$0x1F3B0] =	vst v8  }
0x201: {  	[tilespmem:$0x1F3E0] =	vst v2;
	v2 =	vld [tilespmem:s20+$0xEC10]  }
0x202: {  	[tilespmem:$0x1F3C0] =	vst v0;
	v8 =	vadd.s32 $0x2710, v12;
	v0 =	vld.idx.msk [tilespmem:v10+s2+$0x0], $0xffff  }
0x203: {  	v11 =	vld.idx.msk [tilespmem:v9+s2+$0x0], $0xffff  }
0x204: {  	v9 =	vld [tilespmem:s20+$0x11FA0]  }
0x205: {  	[tilespmem:$0x1F3A0] =	vst v4;
	v4 =	vld.idx.msk [tilespmem:v12+s2+$0x0], $0xffff  }
0x206: {  	v10 =	vld.idx.msk [tilespmem:v15+s2+$0x0], $0xffff  }
0x207: {  	v15 =	vadd.s32 $0x2710, v3;
	[tilespmem:$0x1F480] =	vst v0;
	v0 =	vld.idx.msk [tilespmem:v8+s2+$0x0], $0xffff  }
0x208: {  	v8 =	vld [tilespmem:s20+$0xEDA0]  }
0x209: {  	v12 =	vadd.s32 $0x2710, v2;
	v2 =	vld.idx.msk [tilespmem:v2+s2+$0x0], $0xffff;
	_ =	sdelay $0x1  }
0x20a: {  	[tilespmem:$0x1F410] =	vst v10;
	v10 =	vld.idx.msk [tilespmem:v3+s2+$0x0], $0xffff  }
0x20b: {  	[tilespmem:$0x1F430] =	vst v11;
	v11 =	vld.idx.msk [tilespmem:v15+s2+$0x0], $0xffff  }
0x20c: {  	v15 =	vadd.s32 $0x2710, v9;
	v3 =	vld [tilespmem:s20+$0x12130]  }
0x20d: {  	[tilespmem:$0x1F440] =	vst v2;
	v2 =	vld [tilespmem:s20+$0xEF30]  }
0x20e: {  	[tilespmem:$0x1F420] =	vst v0;
	v0 =	vld.idx.msk [tilespmem:v12+s2+$0x0], $0xffff  }
0x20f: {  	[tilespmem:$0x1F400] =	vst v4;
	v12 =	vadd.s32 $0x2710, v8;
	v4 =	vld.idx.msk [tilespmem:v8+s2+$0x0], $0xffff  }
0x210: {  	v8 =	vld.idx.msk [tilespmem:v9+s2+$0x0], $0xffff  }
0x211: {  	v9 =	vld.idx.msk [tilespmem:v15+s2+$0x0], $0xffff  }
0x212: {  	v15 =	vld [tilespmem:s20+$0x122C0]  }
0x213: {  	[tilespmem:$0x1F470] =	vst v11  }
0x214: {  	v11 =	vadd.s32 $0x2710, v3;
	[tilespmem:$0x1F460] =	vst v0;
	v0 =	vld.idx.msk [tilespmem:v12+s2+$0x0], $0xffff  }
0x215: {  	[tilespmem:$0x1F450] =	vst v10;
	v10 =	vadd.s32 $0x2710, v2;
	v2 =	vld.idx.msk [tilespmem:v2+s2+$0x0], $0xffff  }
0x216: {  	[tilespmem:$0x1F3F0] =	vst v6;
	v12 =	vld [tilespmem:s20+$0xF0C0]  }
0x217: {  	v6 =	vld.idx.msk [tilespmem:v3+s2+$0x0], $0xffff;
	[tilespmem:$0x1F4D0] =	vst v9;
	v9 =	vadd.s32 $0x2710, v15  }
0x218: {  	[tilespmem:$0x1F490] =	vst v7;
	v3 =	vld [tilespmem:s20+$0x12450]  }
0x219: {  	v7 =	vld.idx.msk [tilespmem:v11+s2+$0x0], $0xffff;
	[tilespmem:$0x1F4B0] =	vst v8  }
0x21a: {  	[tilespmem:$0x1F4E0] =	vst v2;
	v2 =	vld [tilespmem:s20+$0xF250]  }
0x21b: {  	[tilespmem:$0x1F4C0] =	vst v0;
	v8 =	vadd.s32 $0x2710, v12;
	v0 =	vld.idx.msk [tilespmem:v10+s2+$0x0], $0xffff  }
0x21c: {  	v11 =	vld.idx.msk [tilespmem:v9+s2+$0x0], $0xffff  }
0x21d: {  	v9 =	vld [tilespmem:s20+$0x125E0]  }
0x21e: {  	[tilespmem:$0x1F4A0] =	vst v4;
	v4 =	vld.idx.msk [tilespmem:v12+s2+$0x0], $0xffff  }
0x21f: {  	v10 =	vld.idx.msk [tilespmem:v15+s2+$0x0], $0xffff  }
0x220: {  	v15 =	vadd.s32 $0x2710, v3;
	[tilespmem:$0x1F500] =	vst v0;
	v0 =	vld.idx.msk [tilespmem:v8+s2+$0x0], $0xffff  }
0x221: {  	v8 =	vld [tilespmem:s20+$0xF3E0]  }
0x222: {  	v12 =	vadd.s32 $0x2710, v2;
	v2 =	vld.idx.msk [tilespmem:v2+s2+$0x0], $0xffff;
	_ =	sdelay $0x1  }
0x223: {  	[tilespmem:$0x1F530] =	vst v10;
	v10 =	vld.idx.msk [tilespmem:v3+s2+$0x0], $0xffff  }
0x224: {  	[tilespmem:$0x1F550] =	vst v11;
	v11 =	vld.idx.msk [tilespmem:v15+s2+$0x0], $0xffff  }
0x225: {  	v15 =	vadd.s32 $0x2710, v9;
	v3 =	vld [tilespmem:s20+$0x12770]  }
0x226: {  	[tilespmem:$0x1F560] =	vst v2;
	v2 =	vld [tilespmem:s20+$0xF570]  }
0x227: {  	[tilespmem:$0x1F540] =	vst v0;
	v0 =	vld.idx.msk [tilespmem:v12+s2+$0x0], $0xffff  }
0x228: {  	[tilespmem:$0x1F520] =	vst v4;
	v12 =	vadd.s32 $0x2710, v8;
	v4 =	vld.idx.msk [tilespmem:v8+s2+$0x0], $0xffff  }
0x229: {  	v8 =	vld.idx.msk [tilespmem:v9+s2+$0x0], $0xffff  }
0x22a: {  	v9 =	vld.idx.msk [tilespmem:v15+s2+$0x0], $0xffff  }
0x22b: {  	v15 =	vld [tilespmem:s20+$0x12900]  }
0x22c: {  	[tilespmem:$0x1F590] =	vst v11  }
0x22d: {  	v11 =	vadd.s32 $0x2710, v3;
	[tilespmem:$0x1F580] =	vst v0;
	v0 =	vld.idx.msk [tilespmem:v12+s2+$0x0], $0xffff  }
0x22e: {  	[tilespmem:$0x1F570] =	vst v10;
	v10 =	vadd.s32 $0x2710, v2;
	v2 =	vld.idx.msk [tilespmem:v2+s2+$0x0], $0xffff  }
0x22f: {  	[tilespmem:$0x1F4F0] =	vst v6;
	v12 =	vld [tilespmem:s20+$0xF700]  }
0x230: {  	v6 =	vld.idx.msk [tilespmem:v3+s2+$0x0], $0xffff;
	[tilespmem:$0x1F5D0] =	vst v9;
	v9 =	vadd.s32 $0x2710, v15  }
0x231: {  	[tilespmem:$0x1F510] =	vst v7;
	v3 =	vld [tilespmem:s20+$0x12A90]  }
0x232: {  	v7 =	vld.idx.msk [tilespmem:v11+s2+$0x0], $0xffff;
	[tilespmem:$0x1F5B0] =	vst v8  }
0x233: {  	[tilespmem:$0x1F5E0] =	vst v2;
	v2 =	vld [tilespmem:s20+$0xF890]  }
0x234: {  	[tilespmem:$0x1F5C0] =	vst v0;
	v8 =	vadd.s32 $0x2710, v12;
	v0 =	vld.idx.msk [tilespmem:v10+s2+$0x0], $0xffff  }
0x235: {  	v11 =	vld.idx.msk [tilespmem:v9+s2+$0x0], $0xffff  }
0x236: {  	v9 =	vld [tilespmem:s20+$0x12C20]  }
0x237: {  	[tilespmem:$0x1F5A0] =	vst v4;
	v4 =	vld.idx.msk [tilespmem:v12+s2+$0x0], $0xffff  }
0x238: {  	v10 =	vld.idx.msk [tilespmem:v15+s2+$0x0], $0xffff  }
0x239: {  	v15 =	vadd.s32 $0x2710, v3;
	[tilespmem:$0x1F600] =	vst v0;
	v0 =	vld.idx.msk [tilespmem:v8+s2+$0x0], $0xffff  }
0x23a: {  	v8 =	vld [tilespmem:s20+$0xFA20]  }
0x23b: {  	v12 =	vadd.s32 $0x2710, v2;
	v2 =	vld.idx.msk [tilespmem:v2+s2+$0x0], $0xffff;
	_ =	sdelay $0x1  }
0x23c: {  	[tilespmem:$0x1F630] =	vst v10;
	v10 =	vld.idx.msk [tilespmem:v3+s2+$0x0], $0xffff  }
0x23d: {  	[tilespmem:$0x1F650] =	vst v11;
	v11 =	vld.idx.msk [tilespmem:v15+s2+$0x0], $0xffff  }
0x23e: {  	v15 =	vadd.s32 $0x2710, v9;
	v3 =	vld [tilespmem:s20+$0x12DB0]  }
0x23f: {  	[tilespmem:$0x1F660] =	vst v2;
	v2 =	vld [tilespmem:s20+$0xFBB0]  }
0x240: {  	[tilespmem:$0x1F640] =	vst v0;
	v0 =	vld.idx.msk [tilespmem:v12+s2+$0x0], $0xffff  }
0x241: {  	[tilespmem:$0x1F620] =	vst v4;
	v12 =	vadd.s32 $0x2710, v8;
	v4 =	vld.idx.msk [tilespmem:v8+s2+$0x0], $0xffff  }
0x242: {  	v8 =	vld.idx.msk [tilespmem:v9+s2+$0x0], $0xffff  }
0x243: {  	v9 =	vld.idx.msk [tilespmem:v15+s2+$0x0], $0xffff  }
0x244: {  	v15 =	vld [tilespmem:s20+$0x12F40]  }
0x245: {  	[tilespmem:$0x1F690] =	vst v11  }
0x246: {  	v11 =	vadd.s32 $0x2710, v3;
	[tilespmem:$0x1F680] =	vst v0;
	v0 =	vld.idx.msk [tilespmem:v12+s2+$0x0], $0xffff  }
0x247: {  	[tilespmem:$0x1F670] =	vst v10;
	v10 =	vadd.s32 $0x2710, v2;
	v2 =	vld.idx.msk [tilespmem:v2+s2+$0x0], $0xffff  }
0x248: {  	[tilespmem:$0x1F5F0] =	vst v6;
	v12 =	vld [tilespmem:s20+$0xFD40]  }
0x249: {  	v6 =	vld.idx.msk [tilespmem:v3+s2+$0x0], $0xffff;
	[tilespmem:$0x1F6D0] =	vst v9;
	v9 =	vadd.s32 $0x2710, v15  }
0x24a: {  	[tilespmem:$0x1F610] =	vst v7;
	v3 =	vld [tilespmem:s20+$0x130D0]  }
0x24b: {  	v7 =	vld.idx.msk [tilespmem:v11+s2+$0x0], $0xffff;
	[tilespmem:$0x1F6B0] =	vst v8  }
0x24c: {  	[tilespmem:$0x1F6E0] =	vst v2;
	v2 =	vld [tilespmem:s20+$0xFED0]  }
0x24d: {  	[tilespmem:$0x1F6C0] =	vst v0;
	v8 =	vadd.s32 $0x2710, v12;
	v0 =	vld.idx.msk [tilespmem:v10+s2+$0x0], $0xffff  }
0x24e: {  	v11 =	vld.idx.msk [tilespmem:v9+s2+$0x0], $0xffff  }
0x24f: {  	v9 =	vld [tilespmem:s20+$0x13260]  }
0x250: {  	[tilespmem:$0x1F6A0] =	vst v4;
	v4 =	vld.idx.msk [tilespmem:v12+s2+$0x0], $0xffff  }
0x251: {  	v10 =	vld.idx.msk [tilespmem:v15+s2+$0x0], $0xffff  }
0x252: {  	v15 =	vadd.s32 $0x2710, v3;
	[tilespmem:$0x1F700] =	vst v0;
	v0 =	vld.idx.msk [tilespmem:v8+s2+$0x0], $0xffff  }
0x253: {  	v8 =	vld [tilespmem:s20+$0x10060]  }
0x254: {  	v12 =	vadd.s32 $0x2710, v2;
	v2 =	vld.idx.msk [tilespmem:v2+s2+$0x0], $0xffff;
	_ =	sdelay $0x1  }
0x255: {  	[tilespmem:$0x1F730] =	vst v10;
	v10 =	vld.idx.msk [tilespmem:v3+s2+$0x0], $0xffff  }
0x256: {  	[tilespmem:$0x1F750] =	vst v11;
	v11 =	vld.idx.msk [tilespmem:v15+s2+$0x0], $0xffff  }
0x257: {  	v15 =	vadd.s32 $0x2710, v9;
	v3 =	vld [tilespmem:s20+$0x133F0]  }
0x258: {  	[tilespmem:$0x1F760] =	vst v2;
	v2 =	vld [tilespmem:s20+$0x101F0]  }
0x259: {  	[tilespmem:$0x1F740] =	vst v0;
	v0 =	vld.idx.msk [tilespmem:v12+s2+$0x0], $0xffff  }
0x25a: {  	[tilespmem:$0x1F720] =	vst v4;
	v12 =	vadd.s32 $0x2710, v8;
	v4 =	vld.idx.msk [tilespmem:v8+s2+$0x0], $0xffff  }
0x25b: {  	v8 =	vld.idx.msk [tilespmem:v9+s2+$0x0], $0xffff  }
0x25c: {  	v9 =	vld.idx.msk [tilespmem:v15+s2+$0x0], $0xffff  }
0x25d: {  	v15 =	vld [tilespmem:s20+$0x13580]  }
0x25e: {  	[tilespmem:$0x1F790] =	vst v11  }
0x25f: {  	v11 =	vadd.s32 $0x2710, v3;
	[tilespmem:$0x1F780] =	vst v0;
	v0 =	vld.idx.msk [tilespmem:v12+s2+$0x0], $0xffff  }
0x260: {  	[tilespmem:$0x1F770] =	vst v10;
	v10 =	vadd.s32 $0x2710, v2;
	v2 =	vld.idx.msk [tilespmem:v2+s2+$0x0], $0xffff  }
0x261: {  	[tilespmem:$0x1F6F0] =	vst v6;
	v12 =	vld [tilespmem:s20+$0x10380]  }
0x262: {  	v6 =	vld.idx.msk [tilespmem:v3+s2+$0x0], $0xffff;
	[tilespmem:$0x1F7D0] =	vst v9;
	v9 =	vadd.s32 $0x2710, v15  }
0x263: {  	[tilespmem:$0x1F710] =	vst v7;
	v3 =	vld [tilespmem:s20+$0x13710]  }
0x264: {  	v7 =	vld.idx.msk [tilespmem:v11+s2+$0x0], $0xffff;
	[tilespmem:$0x1F7B0] =	vst v8  }
0x265: {  	[tilespmem:$0x1F7E0] =	vst v2;
	v2 =	vld [tilespmem:s20+$0x10510]  }
0x266: {  	[tilespmem:$0x1F7C0] =	vst v0;
	v8 =	vadd.s32 $0x2710, v12;
	v0 =	vld.idx.msk [tilespmem:v10+s2+$0x0], $0xffff  }
0x267: {  	v11 =	vld.idx.msk [tilespmem:v9+s2+$0x0], $0xffff  }
0x268: {  	v9 =	vld [tilespmem:s20+$0x138A0]  }
0x269: {  	[tilespmem:$0x1F7A0] =	vst v4;
	v4 =	vld.idx.msk [tilespmem:v12+s2+$0x0], $0xffff  }
0x26a: {  	v10 =	vld.idx.msk [tilespmem:v15+s2+$0x0], $0xffff  }
0x26b: {  	v15 =	vadd.s32 $0x2710, v3;
	[tilespmem:$0x1F800] =	vst v0;
	v0 =	vld.idx.msk [tilespmem:v8+s2+$0x0], $0xffff  }
0x26c: {  	v8 =	vld [tilespmem:s20+$0x106A0]  }
0x26d: {  	v12 =	vadd.s32 $0x2710, v2;
	v2 =	vld.idx.msk [tilespmem:v2+s2+$0x0], $0xffff;
	_ =	sdelay $0x1  }
0x26e: {  	[tilespmem:$0x1F830] =	vst v10;
	v10 =	vld.idx.msk [tilespmem:v3+s2+$0x0], $0xffff  }
0x26f: {  	[tilespmem:$0x1F850] =	vst v11;
	v11 =	vld.idx.msk [tilespmem:v15+s2+$0x0], $0xffff  }
0x270: {  	v15 =	vadd.s32 $0x2710, v9;
	v3 =	vld [tilespmem:s20+$0x13A30]  }
0x271: {  	[tilespmem:$0x1F860] =	vst v2;
	v2 =	vld [tilespmem:s20+$0x10830]  }
0x272: {  	[tilespmem:$0x1F840] =	vst v0;
	v0 =	vld.idx.msk [tilespmem:v12+s2+$0x0], $0xffff  }
0x273: {  	[tilespmem:$0x1F820] =	vst v4;
	v12 =	vadd.s32 $0x2710, v8;
	v4 =	vld.idx.msk [tilespmem:v8+s2+$0x0], $0xffff  }
0x274: {  	v8 =	vld.idx.msk [tilespmem:v9+s2+$0x0], $0xffff  }
0x275: {  	v9 =	vld.idx.msk [tilespmem:v15+s2+$0x0], $0xffff  }
0x276: {  	v15 =	vld [tilespmem:s20+$0x13BC0]  }
0x277: {  	[tilespmem:$0x1F890] =	vst v11  }
0x278: {  	v11 =	vadd.s32 $0x2710, v3;
	[tilespmem:$0x1F880] =	vst v0;
	v0 =	vld.idx.msk [tilespmem:v12+s2+$0x0], $0xffff  }
0x279: {  	[tilespmem:$0x1F870] =	vst v10;
	v10 =	vadd.s32 $0x2710, v2;
	v2 =	vld.idx.msk [tilespmem:v2+s2+$0x0], $0xffff  }
0x27a: {  	[tilespmem:$0x1F7F0] =	vst v6;
	v12 =	vld [tilespmem:s20+$0x109C0]  }
0x27b: {  	v6 =	vld.idx.msk [tilespmem:v3+s2+$0x0], $0xffff;
	[tilespmem:$0x1F8D0] =	vst v9;
	v9 =	vadd.s32 $0x2710, v15  }
0x27c: {  	[tilespmem:$0x1F810] =	vst v7;
	v3 =	vld [tilespmem:s20+$0x13D50]  }
0x27d: {  	v7 =	vld.idx.msk [tilespmem:v11+s2+$0x0], $0xffff;
	[tilespmem:$0x1F8B0] =	vst v8  }
0x27e: {  	[tilespmem:$0x1F8E0] =	vst v2;
	v2 =	vld [tilespmem:s20+$0x10B50]  }
0x27f: {  	[tilespmem:$0x1F8C0] =	vst v0;
	v8 =	vadd.s32 $0x2710, v12;
	v0 =	vld.idx.msk [tilespmem:v10+s2+$0x0], $0xffff  }
0x280: {  	v11 =	vld.idx.msk [tilespmem:v9+s2+$0x0], $0xffff  }
0x281: {  	v9 =	vld [tilespmem:s20+$0x13EE0]  }
0x282: {  	[tilespmem:$0x1F8A0] =	vst v4;
	v4 =	vld.idx.msk [tilespmem:v12+s2+$0x0], $0xffff  }
0x283: {  	v10 =	vld.idx.msk [tilespmem:v15+s2+$0x0], $0xffff  }
0x284: {  	v15 =	vadd.s32 $0x2710, v3;
	[tilespmem:$0x1F900] =	vst v0;
	v0 =	vld.idx.msk [tilespmem:v8+s2+$0x0], $0xffff  }
0x285: {  	v8 =	vld [tilespmem:s20+$0x10CE0]  }
0x286: {  	v12 =	vadd.s32 $0x2710, v2;
	v2 =	vld.idx.msk [tilespmem:v2+s2+$0x0], $0xffff;
	_ =	sdelay $0x1  }
0x287: {  	[tilespmem:$0x1F930] =	vst v10;
	v10 =	vld.idx.msk [tilespmem:v3+s2+$0x0], $0xffff  }
0x288: {  	[tilespmem:$0x1F950] =	vst v11;
	v11 =	vld.idx.msk [tilespmem:v15+s2+$0x0], $0xffff  }
0x289: {  	v15 =	vadd.s32 $0x2710, v9;
	v3 =	vld [tilespmem:s20+$0x14070]  }
0x28a: {  	[tilespmem:$0x1F960] =	vst v2;
	v2 =	vld [tilespmem:s20+$0x10E70]  }
0x28b: {  	[tilespmem:$0x1F940] =	vst v0;
	v0 =	vld.idx.msk [tilespmem:v12+s2+$0x0], $0xffff;
	v12 =	vadd.s32 $0x2710, v8  }
0x28c: {  	[tilespmem:$0x1F920] =	vst v4;
	v4 =	vld.idx.msk [tilespmem:v8+s2+$0x0], $0xffff  }
0x28d: {  	v8 =	vld.idx.msk [tilespmem:v9+s2+$0x0], $0xffff  }
0x28e: {  	v9 =	vld.idx.msk [tilespmem:v15+s2+$0x0], $0xffff  }
0x28f: {  	v15 =	vld [tilespmem:s20+$0x14200]  }
0x290: {  	[tilespmem:$0x1F980] =	vst v0;
	v0 =	vld.idx.msk [tilespmem:v12+s2+$0x0], $0xffff  }
0x291: {  	[tilespmem:$0x1F970] =	vst v10;
	v12 =	vld [tilespmem:s20+$0x11000];
	v10 =	vadd.s32 $0x2710, v2  }
0x292: {  	[tilespmem:$0x1F8F0] =	vst v6;
	v2 =	vld.idx.msk [tilespmem:v2+s2+$0x0], $0xffff  }
0x293: {  	[tilespmem:$0x1F990] =	vst v11;
	v11 =	vadd.s32 $0x2710, v3  }
0x294: {  	v6 =	vld.idx.msk [tilespmem:v3+s2+$0x0], $0xffff;
	[tilespmem:$0x1F9D0] =	vst v9;
	v9 =	vadd.s32 $0x2710, v15  }
0x295: {  	v3 =	vld [tilespmem:s20+$0x14390];
	[tilespmem:$0x1F9B0] =	vst v8  }
0x296: {  	[tilespmem:$0x1F9C0] =	vst v0;
	v0 =	vld.idx.msk [tilespmem:v10+s2+$0x0], $0xffff  }
0x297: {  	v8 =	vadd.s32 $0x2710, v12;
	[tilespmem:$0x1F9E0] =	vst v2;
	v2 =	vld [tilespmem:s20+$0x11190]  }
0x298: {  	[tilespmem:$0x1F910] =	vst v7;
	v7 =	vld.idx.msk [tilespmem:v11+s2+$0x0], $0xffff  }
0x299: {  	v11 =	vld.idx.msk [tilespmem:v9+s2+$0x0], $0xffff  }
0x29a: {  	v9 =	vld [tilespmem:s20+$0x14520]  }
0x29b: {  	v10 =	vld.idx.msk [tilespmem:v15+s2+$0x0], $0xffff  }
0x29c: {  	v15 =	vadd.s32 $0x2710, v3;
	[tilespmem:$0x1FA00] =	vst v0;
	v0 =	vld.idx.msk [tilespmem:v8+s2+$0x0], $0xffff  }
0x29d: {  	v8 =	vld [tilespmem:s20+$0x11320]  }
0x29e: {  	[tilespmem:$0x1F9A0] =	vst v4;
	v4 =	vld.idx.msk [tilespmem:v12+s2+$0x0], $0xffff;
	v12 =	vadd.s32 $0x2710, v2  }
0x29f: {  	v2 =	vld.idx.msk [tilespmem:v2+s2+$0x0], $0xffff  }
0x2a0: {  	[tilespmem:$0x1FA30] =	vst v10;
	v10 =	vld.idx.msk [tilespmem:v3+s2+$0x0], $0xffff  }
0x2a1: {  	[tilespmem:$0x1FA50] =	vst v11;
	v11 =	vld.idx.msk [tilespmem:v15+s2+$0x0], $0xffff  }
0x2a2: {  	v15 =	vadd.s32 $0x2710, v9;
	v3 =	vld [tilespmem:s20+$0x146B0]  }
0x2a3: {  	[tilespmem:$0x1FA40] =	vst v0;
	v0 =	vld.idx.msk [tilespmem:v12+s2+$0x0], $0xffff  }
0x2a4: {  	v12 =	vadd.s32 $0x2710, v8;
	[tilespmem:$0x1FA60] =	vst v2;
	v2 =	vld [tilespmem:s20+$0x114B0]  }
0x2a5: {  	[tilespmem:$0x1FA20] =	vst v4;
	v4 =	vld.idx.msk [tilespmem:v8+s2+$0x0], $0xffff  }
0x2a6: {  	v8 =	vld.idx.msk [tilespmem:v9+s2+$0x0], $0xffff  }
0x2a7: {  	v9 =	vld.idx.msk [tilespmem:v15+s2+$0x0], $0xffff  }
0x2a8: {  	v15 =	vld [tilespmem:s20+$0x14840]  }
0x2a9: {  	[tilespmem:$0x1FA80] =	vst v0;
	v0 =	vld.idx.msk [tilespmem:v12+s2+$0x0], $0xffff  }
0x2aa: {  	[tilespmem:$0x1FA70] =	vst v10;
	v12 =	vld [tilespmem:s20+$0x11640];
	v10 =	vadd.s32 $0x2710, v2  }
0x2ab: {  	[tilespmem:$0x1FA90] =	vst v11;
	v11 =	vadd.s32 $0x2710, v3  }
0x2ac: {  	[tilespmem:$0x1F9F0] =	vst v6;
	v2 =	vld.idx.msk [tilespmem:v2+s2+$0x0], $0xffff  }
0x2ad: {  	v6 =	vld.idx.msk [tilespmem:v3+s2+$0x0], $0xffff;
	[tilespmem:$0x1FAD0] =	vst v9;
	v9 =	vadd.s32 $0x2710, v15  }
0x2ae: {  	v3 =	vld [tilespmem:s20+$0x149D0];
	[tilespmem:$0x1FAB0] =	vst v8  }
0x2af: {  	[tilespmem:$0x1FAC0] =	vst v0;
	v8 =	vadd.s32 $0x2710, v12;
	v0 =	vld.idx.msk [tilespmem:v10+s2+$0x0], $0xffff  }
0x2b0: {  	[tilespmem:$0x1FA10] =	vst v7;
	v7 =	vld.idx.msk [tilespmem:v11+s2+$0x0], $0xffff  }
0x2b1: {  	[tilespmem:$0x1FAE0] =	vst v2;
	v2 =	vld [tilespmem:s20+$0x117D0]  }
0x2b2: {  	v11 =	vld.idx.msk [tilespmem:v9+s2+$0x0], $0xffff  }
0x2b3: {  	v10 =	vld.idx.msk [tilespmem:v15+s2+$0x0], $0xffff  }
0x2b4: {  	[tilespmem:$0x1FB00] =	vst v0;
	v0 =	vld.idx.msk [tilespmem:v8+s2+$0x0], $0xffff  }
0x2b5: {  	v15 =	vadd.s32 $0x2710, v3;
	v8 =	vld [tilespmem:s20+$0x11960]  }
0x2b6: {  	v9 =	vld [tilespmem:s20+$0x14B60]  }
0x2b7: {  	[tilespmem:$0x1FAA0] =	vst v4;
	v4 =	vld.idx.msk [tilespmem:v12+s2+$0x0], $0xffff;
	v12 =	vadd.s32 $0x2710, v2  }
0x2b8: {  	[tilespmem:$0x1FB30] =	vst v10;
	v10 =	vld.idx.msk [tilespmem:v3+s2+$0x0], $0xffff  }
0x2b9: {  	v2 =	vld.idx.msk [tilespmem:v2+s2+$0x0], $0xffff  }
0x2ba: {  	[tilespmem:$0x1FB50] =	vst v11;
	v11 =	vld.idx.msk [tilespmem:v15+s2+$0x0], $0xffff  }
0x2bb: {  	v15 =	vadd.s32 $0x2710, v9;
	v3 =	vld [tilespmem:s20+$0x14CF0]  }
0x2bc: {  	[tilespmem:$0x1FB40] =	vst v0;
	v0 =	vld.idx.msk [tilespmem:v12+s2+$0x0], $0xffff;
	v12 =	vadd.s32 $0x2710, v8  }
0x2bd: {  	[tilespmem:$0x1FB20] =	vst v4;
	v4 =	vld.idx.msk [tilespmem:v8+s2+$0x0], $0xffff  }
0x2be: {  	[tilespmem:$0x1FB60] =	vst v2;
	v2 =	vld [tilespmem:s20+$0x11AF0]  }
0x2bf: {  	v8 =	vld.idx.msk [tilespmem:v9+s2+$0x0], $0xffff  }
0x2c0: {  	v9 =	vld.idx.msk [tilespmem:v15+s2+$0x0], $0xffff  }
0x2c1: {  	[tilespmem:$0x1FB80] =	vst v0;
	v0 =	vld.idx.msk [tilespmem:v12+s2+$0x0], $0xffff  }
0x2c2: {  	[tilespmem:$0x1FB90] =	vst v11;
	v11 =	vadd.s32 $0x2710, v3;
	v12 =	vld [tilespmem:s20+$0xEA90]  }
0x2c3: {  	[tilespmem:$0x1FB70] =	vst v10;
	v15 =	vld [tilespmem:s20+$0x11C90];
	v10 =	vadd.s32 $0x2710, v2;
	_ =	sdelay $0x2  }
0x2c4: {  	[tilespmem:$0x1FB10] =	vst v7;
	v2 =	vld.idx.msk [tilespmem:v2+s2+$0x0], $0xffff  }
0x2c5: {  	v7 =	vld.idx.msk [tilespmem:v11+s2+$0x0], $0xffff;
	[tilespmem:$0x1FBD0] =	vst v9  }
0x2c6: {  	v9 =	vadd.s32 $0x2710, v15;
	[tilespmem:$0x1FBC0] =	vst v0;
	v0 =	vld.idx.msk [tilespmem:v10+s2+$0x0], $0xffff  }
0x2c7: {  	[tilespmem:$0x1FBB0] =	vst v8;
	v8 =	vadd.s32 $0x2710, v12;
	v10 =	vld [tilespmem:s20+$0x11E20]  }
0x2c8: {  	[tilespmem:$0x1FBA0] =	vst v4;
	v4 =	vld.idx.msk [tilespmem:v12+s2+$0x0], $0xffff  }
0x2c9: {  	[tilespmem:$0x1FF80] =	vst v2;
	v2 =	vld [tilespmem:s20+$0xEC20]  }
0x2ca: {  	v11 =	vld.idx.msk [tilespmem:v15+s2+$0x0], $0xffff  }
0x2cb: {  	v12 =	vld.idx.msk [tilespmem:v9+s2+$0x0], $0xffff  }
0x2cc: {  	[tilespmem:$0x1FFA0] =	vst v0;
	v0 =	vld.idx.msk [tilespmem:v8+s2+$0x0], $0xffff;
	v8 =	vadd.s32 $0x2710, v10  }
0x2cd: {  	[tilespmem:$0x1FBE0] =	vst v4;
	v4 =	vld [tilespmem:s20+$0xEDB0]  }
0x2ce: {  	v9 =	vld [tilespmem:s20+$0x11FB0];
	v15 =	vadd.s32 $0x2710, v2  }
0x2cf: {  	[tilespmem:$0x1FAF0] =	vst v6;
	v6 =	vld.idx.msk [tilespmem:v3+s2+$0x0], $0xffff  }
0x2d0: {  	v10 =	vld.idx.msk [tilespmem:v10+s2+$0x0], $0xffff  }
0x2d1: {  	[tilespmem:$0x1FBF0] =	vst v11;
	v11 =	vld.idx.msk [tilespmem:v8+s2+$0x0], $0xffff  }
0x2d2: {  	[tilespmem:$0x1FC10] =	vst v12;
	v2 =	vld.idx.msk [tilespmem:v2+s2+$0x0], $0xffff  }
0x2d3: {  	[tilespmem:$0x1FC00] =	vst v0;
	v12 =	vadd.s32 $0x2710, v4;
	v0 =	vld.idx.msk [tilespmem:v15+s2+$0x0], $0xffff  }
0x2d4: {  	v8 =	vld [tilespmem:s20+$0x12140];
	v15 =	vadd.s32 $0x2710, v9  }
0x2d5: {  	[tilespmem:$0x1FF90] =	vst v6;
	v4 =	vld.idx.msk [tilespmem:v4+s2+$0x0], $0xffff  }
0x2d6: {  	[tilespmem:$0x1FFB0] =	vst v7;
	v9 =	vld.idx.msk [tilespmem:v9+s2+$0x0], $0xffff  }
0x2d7: {  	[tilespmem:$0x1FC20] =	vst v2;
	v2 =	vld [tilespmem:s20+$0xEF40]  }
0x2d8: {  	[tilespmem:$0x1FC40] =	vst v0;
	v0 =	vld.idx.msk [tilespmem:v12+s2+$0x0], $0xffff  }
0x2d9: {  	[tilespmem:$0x1FC30] =	vst v10;
	v10 =	vld.idx.msk [tilespmem:v15+s2+$0x0], $0xffff  }
0x2da: {  	[tilespmem:$0x1FC50] =	vst v11  }
0x2db: {  	[tilespmem:$0x1FC60] =	vst v4;
	v15 =	vld [tilespmem:s20+$0xF0D0]  }
0x2dc: {  	[tilespmem:$0x1FC70] =	vst v9;
	v12 =	vadd.s32 $0x2710, v8  }
0x2dd: {  	v11 =	vadd.s32 $0x2710, v2;
	[tilespmem:$0x1FC80] =	vst v0  }
0x2de: {  	[tilespmem:$0x1FC90] =	vst v10  }
0x2df: {  	v5 =	vld [tilespmem:s20+$0x122D0]  }
0x2e0: {  	v7 =	vld.idx.msk [tilespmem:v8+s2+$0x0], $0xffff  }
0x2e1: {  	v8 =	vld.idx.msk [tilespmem:v12+s2+$0x0], $0xffff  }
0x2e2: {  	v9 =	vadd.s32 $0x2710, v15;
	v0 =	vld.idx.msk [tilespmem:v11+s2+$0x0], $0xffff  }
0x2e3: {  	v4 =	vld.idx.msk [tilespmem:v15+s2+$0x0], $0xffff  }
0x2e4: {  	v11 =	vld [tilespmem:s20+$0xF260]  }
0x2e5: {  	v12 =	vld [tilespmem:s20+$0x12460]  }
0x2e6: {  	v2 =	vld.idx.msk [tilespmem:v2+s2+$0x0], $0xffff;
	v10 =	vadd.s32 $0x2710, v5  }
0x2e7: {  	[tilespmem:$0x1FCC0] =	vst v0;
	v0 =	vld.idx.msk [tilespmem:v9+s2+$0x0], $0xffff  }
0x2e8: {  	[tilespmem:$0x1FCE0] =	vst v4;
	v4 =	vld [tilespmem:s20+$0xF3F0]  }
0x2e9: {  	[tilespmem:$0x1FCD0] =	vst v8;
	v8 =	vadd.s32 $0x2710, v11;
	v15 =	vld.idx.msk [tilespmem:v5+s2+$0x0], $0xffff  }
0x2ea: {  	v9 =	vadd.s32 $0x2710, v12;
	v5 =	vld [tilespmem:s20+$0x125F0]  }
0x2eb: {  	[tilespmem:$0x1FCB0] =	vst v7;
	v7 =	vld.idx.msk [tilespmem:v10+s2+$0x0], $0xffff  }
0x2ec: {  	[tilespmem:$0x1FCA0] =	vst v2;
	v2 =	vld.idx.msk [tilespmem:v11+s2+$0x0], $0xffff  }
0x2ed: {  	v10 =	vld.idx.msk [tilespmem:v12+s2+$0x0], $0xffff  }
0x2ee: {  	[tilespmem:$0x1FD00] =	vst v0;
	v0 =	vld.idx.msk [tilespmem:v8+s2+$0x0], $0xffff  }
0x2ef: {  	v11 =	vld.idx.msk [tilespmem:v9+s2+$0x0], $0xffff  }
0x2f0: {  	v12 =	vadd.s32 $0x2710, v4;
	v8 =	vld [tilespmem:s20+$0xF580]  }
0x2f1: {  	v9 =	vld [tilespmem:s20+$0x12780];
	[tilespmem:$0x1FCF0] =	vst v15;
	v15 =	vadd.s32 $0x2710, v5  }
0x2f2: {  	v4 =	vld.idx.msk [tilespmem:v4+s2+$0x0], $0xffff;
	_ =	sdelay $0x2  }
0x2f3: {  	[tilespmem:$0x1FD40] =	vst v0;
	v0 =	vld.idx.msk [tilespmem:v12+s2+$0x0], $0xffff;
	v12 =	vadd.s32 $0x2710, v8  }
0x2f4: {  	[tilespmem:$0x1FD50] =	vst v11;
	v11 =	vld.idx.msk [tilespmem:v15+s2+$0x0], $0xffff  }
0x2f5: {  	v15 =	vadd.s32 $0x2710, v9;
	[tilespmem:$0x1FD60] =	vst v4;
	v4 =	vld [tilespmem:s20+$0xF710]  }
0x2f6: {  	[tilespmem:$0x1FD20] =	vst v2;
	v2 =	vld.idx.msk [tilespmem:v8+s2+$0x0], $0xffff  }
0x2f7: {  	v8 =	vld.idx.msk [tilespmem:v9+s2+$0x0], $0xffff  }
0x2f8: {  	[tilespmem:$0x1FD80] =	vst v0;
	v0 =	vld.idx.msk [tilespmem:v12+s2+$0x0], $0xffff  }
0x2f9: {  	v12 =	vld [tilespmem:$0x1EF50]  }
0x2fa: {  	v9 =	vld.idx.msk [tilespmem:v15+s2+$0x0], $0xffff  }
0x2fb: {  	v15 =	vld [tilespmem:$0x1EF60];
	_ =	sdelay $0x3  }
0x2fc: {  	[tilespmem:$0x1FDC0] =	vst v0;
	v0 =	vadd.s32 $0x2710, v4;
	v4 =	vld.idx.msk [tilespmem:v4+s2+$0x0], $0xffff  }
0x2fd: {  	[tilespmem:$0x1FD10] =	vst v7;
	v7 =	vsub.bf16 v12, v15;
	v12 =	vld [tilespmem:$0x1EF70]  }
0x2fe: {  	v15 =	vld [tilespmem:$0x1EF80];
	_ =	sdelay $0x4  }
0x2ff: {  	[tilespmem:$0x1FDE0] =	vst v4;
	v4 =	vsub.bf16 v15, v12;
	v12 =	vld [tilespmem:$0x1EF90]  }
0x300: {  	v15 =	vld [tilespmem:$0x1EFA0];
	_ =	sdelay $0x2  }
0x301: {  	[tilespmem:$0x1FD30] =	vst v10;
	v10 =	vld.idx.msk [tilespmem:v5+s2+$0x0], $0xffff  }
0x302: {  	[tilespmem:$0x1FDD0] =	vst v9;
	v9 =	vld [tilespmem:$0x1EFE0]  }
0x303: {  	[tilespmem:$0x1FDB0] =	vst v8;
	v8 =	vsub.bf16 v12, v15;
	v15 =	vld [tilespmem:$0x1EFD0]  }
0x304: {  	v5 =	vld [tilespmem:s20+$0x12910]  }
0x305: {  	v0 =	vld.idx.msk [tilespmem:v0+s2+$0x0], $0xffff;
	_ =	sdelay $0x1  }
0x306: {  	[tilespmem:$0x1FD70] =	vst v10;
	v10 =	vld [tilespmem:$0x1EF30]  }
0x307: {  	[tilespmem:$0x1FD90] =	vst v11;
	v11 =	vld [tilespmem:$0x1EF40];
	v12 =	vmax.bf16 v4, v8;
	v4 =	vsub.bf16 v15, v9  }
0x308: {  	v15 =	vld [tilespmem:$0x1F020]  }
0x309: {  	[tilespmem:$0x1FE00] =	vst v0;
	v0 =	vmax.bf16 v12, v4;
	v12 =	vld [tilespmem:$0x1F010];
	_ =	sdelay $0x1  }
0x30a: {  	v1 =	vadd.s32 $0x2710, v5;
	v5 =	vld.idx.msk [tilespmem:v5+s2+$0x0], $0xffff  }
0x30b: {  	v6 =	vsub.bf16 v10, v11;
	v10 =	vld [tilespmem:$0x1EFB0]  }
0x30c: {  	v11 =	vld [tilespmem:$0x1EFC0]  }
0x30d: {  	v4 =	vsub.bf16 v12, v15;
	v12 =	vld [tilespmem:$0x1F030]  }
0x30e: {  	v15 =	vld [tilespmem:$0x1F040];
	_ =	sdelay $0x1  }
0x30f: {  	[tilespmem:$0x1FDA0] =	vst v2;
	v2 =	vld [tilespmem:s20+$0xF8A0]  }
0x310: {  	[tilespmem:$0x1FDF0] =	vst v5;
	v5 =	vmax.bf16 v6, v7;
	v6 =	vsub.bf16 v10, v11;
	v10 =	vld [tilespmem:$0x1EFF0]  }
0x311: {  	v11 =	vld [tilespmem:$0x1F000]  }
0x312: {  	v9 =	vsub.bf16 v12, v15;
	v12 =	vld [tilespmem:$0x1F050]  }
0x313: {  	v15 =	vld [tilespmem:$0x1F060];
	_ =	sdelay $0x1  }
0x314: {  	v3 =	vld [tilespmem:s20+$0x12AA0]  }
0x315: {  	v1 =	vld.idx.msk [tilespmem:v1+s2+$0x0], $0xffff;
	v5 =	vmax.bf16 v5, v6;
	v6 =	vsub.bf16 v10, v11  }
0x316: {  	v11 =	vld [tilespmem:$0x1F070]  }
0x317: {  	v5 =	vmax.bf16 v5, v6;
	v6 =	vsub.bf16 v12, v15;
	v12 =	vld [tilespmem:$0x1F080]  }
0x318: {  	v18 =	vsub.bf16 v17, v18;
	v17 =	vsub.bf16 v41, v48;
	v41 =	vld [tilespmem:s20+$0x10200]  }
0x319: {  	v48 =	vld [tilespmem:$0x1F250]  }
0x31a: {  	[tilespmem:$0x1FE10] =	vst v1;
	v1 =	vadd.s32 $0x2710, v2;
	v2 =	vld.idx.msk [tilespmem:v2+s2+$0x0], $0xffff  }
0x31b: {  	v15 =	vld [tilespmem:$0x1F090]  }
0x31c: {  	v11 =	vsub.bf16 v11, v12;
	v12 =	vmax.bf16 v5, v9;
	v9 =	vld [tilespmem:$0x1F0A0]  }
0x31d: {  	v10 =	vld [tilespmem:s20+$0x12C30]  }
0x31e: {  	v7 =	vadd.s32 $0x2710, v3;
	v3 =	vld.idx.msk [tilespmem:v3+s2+$0x0], $0xffff  }
0x31f: {  	v1 =	vld.idx.msk [tilespmem:v1+s2+$0x0], $0xffff  }
0x320: {  	[tilespmem:$0x1FE20] =	vst v2;
	v2 =	vmax.bf16 v12, v11;
	v12 =	vld [tilespmem:$0x1F0B0]  }
0x321: {  	v0 =	vmax.bf16 v0, v4;
	v4 =	vsub.bf16 v15, v9;
	v15 =	vld [tilespmem:$0x1F0C0]  }
0x322: {  	v8 =	vld [tilespmem:s20+$0xFA30];
	v5 =	vadd.s32 $0x2710, v10  }
0x323: {  	v11 =	vld [tilespmem:$0x1F0E0]  }
0x324: {  	v9 =	vld [tilespmem:$0x1F0D0]  }
0x325: {  	v0 =	vmax.bf16 v0, v6;
	v6 =	vld [tilespmem:s20+$0xFBC0]  }
0x326: {  	[tilespmem:$0x1FE30] =	vst v3;
	v3 =	vsub.bf16 v12, v15;
	v12 =	vld.idx.msk [tilespmem:v7+s2+$0x0], $0xffff  }
0x327: {  	v45 =	vsub.bf16 v45, v47;
	v47 =	vld.idx.msk [tilespmem:v5+s2+$0x0], $0xffff  }
0x328: {  	v15 =	vld [tilespmem:$0x1F0F0]  }
0x329: {  	[tilespmem:$0x1FE40] =	vst v1;
	v0 =	vmax.bf16 v0, v4;
	v4 =	vadd.s32 $0x2710, v8;
	v1 =	vsub.bf16 v9, v11;
	v9 =	vld [tilespmem:$0x1F100]  }
0x32a: {  	v11 =	vld [tilespmem:$0x1F110]  }
0x32b: {  	[tilespmem:$0x1FE50] =	vst v12;
	v12 =	vld [tilespmem:$0x1F120]  }
0x32c: {  	[tilespmem:$0x1FE80] =	vst v47;
	v47 =	vld [tilespmem:s20+$0xFEE0]  }
0x32d: {  	v44 =	vsub.bf16 v51, v44;
	v51 =	vadd.s32 $0x2710, v6;
	v6 =	vld.idx.msk [tilespmem:v6+s2+$0x0], $0xffff  }
0x32e: {  	v4 =	vld.idx.msk [tilespmem:v4+s2+$0x0], $0xffff  }
0x32f: {  	v2 =	vmax.bf16 v2, v3;
	v3 =	vsub.bf16 v15, v9;
	v15 =	vld [tilespmem:$0x1F130]  }
0x330: {  	v0 =	vmax.bf16 v0, v1;
	v1 =	vsub.bf16 v11, v12;
	v12 =	vld [tilespmem:$0x1F140]  }
0x331: {  	v25 =	vsub.bf16 v20, v25;
	v20 =	vsub.bf16 v53, v54;
	v54 =	vld [tilespmem:$0x1F2A0]  }
0x332: {  	v9 =	vld [tilespmem:s20+$0x12DC0]  }
0x333: {  	[tilespmem:$0x1FE70] =	vst v4;
	v4 =	vld.idx.msk [tilespmem:v51+s2+$0x0], $0xffff  }
0x334: {  	[tilespmem:$0x1FE90] =	vst v6;
	v6 =	vld.idx.msk [tilespmem:v47+s2+$0x0], $0xffff  }
0x335: {  	v7 =	vsub.bf16 v15, v12;
	v15 =	vld [tilespmem:$0x1F150]  }
0x336: {  	v12 =	vld [tilespmem:$0x1F160]  }
0x337: {  	v51 =	vsub.bf16 v26, v28;
	v28 =	vld [tilespmem:$0x1F190]  }
0x338: {  	v26 =	vsub.bf16 v57, v59;
	v57 =	vld [tilespmem:$0x1F2C0]  }
0x339: {  	v23 =	vsub.bf16 v19, v23;
	v19 =	vadd.s32 $0x2710, v47;
	v47 =	vld [tilespmem:$0x1F240]  }
0x33a: {  	[tilespmem:$0x1FF10] =	vst v6;
	v6 =	vld.idx.msk [tilespmem:v41+s2+$0x0], $0xffff  }
0x33b: {  	v2 =	vmax.bf16 v2, v3;
	v59 =	vadd.s32 $0x2710, v41;
	v41 =	vld [tilespmem:s20+$0x10520];
	v3 =	vsub.bf16 v15, v12  }
0x33c: {  	v0 =	vmax.bf16 v0, v1;
	v15 =	vld [tilespmem:$0x1F170];
	v12 =	vsub.bf16 v56, v62  }
0x33d: {  	v1 =	vmax.bf16 v2, v7;
	v7 =	vld [tilespmem:s20+$0xFD50];
	v0 =	vmax.bf16 v0, v3  }
0x33e: {  	v62 =	vadd.s32 $0x2710, v9;
	v0 =	vmax.bf16 v0, v12;
	v12 =	vsub.bf16 v24, v29;
	v24 =	vld.idx.msk [tilespmem:v9+s2+$0x0], $0xffff  }
0x33f: {  	v29 =	vsub.bf16 v21, v27;
	v27 =	vld [tilespmem:$0x1F180]  }
0x340: {  	v9 =	vld [tilespmem:s20+$0x10B60]  }
0x341: {  	v11 =	vsub.bf16 v15, v55;
	v55 =	vld.idx.msk [tilespmem:v8+s2+$0x0], $0xffff  }
0x342: {  	v15 =	vld.idx.msk [tilespmem:v10+s2+$0x0], $0xffff  }
0x343: {  	v56 =	vsub.bf16 v36, v33;
	v36 =	vadd.s32 $0x2710, v7;
	v33 =	vld.idx.msk [tilespmem:v62+s2+$0x0], $0xffff  }
0x344: {  	v62 =	vld [tilespmem:s20+$0x130E0]  }
0x345: {  	v0 =	vmax.bf16 v0, v45;
	v7 =	vld.idx.msk [tilespmem:v7+s2+$0x0], $0xffff  }
0x346: {  	v0 =	vmax.bf16 v0, v12;
	v12 =	vsub.bf16 v32, v37;
	v32 =	vld [tilespmem:$0x1F1B0]  }
0x347: {  	v10 =	vld [tilespmem:s20+$0x109D0]  }
0x348: {  	[tilespmem:$0x1FEB0] =	vst v4;
	v0 =	vmax.bf16 v0, v18;
	v4 =	vld.idx.msk [tilespmem:v36+s2+$0x0], $0xffff  }
0x349: {  	v0 =	vmax.bf16 v0, v23;
	v23 =	vsub.bf16 v42, v49;
	v42 =	vld [tilespmem:$0x1F200]  }
0x34a: {  	v1 =	vmax.bf16 v1, v11;
	v49 =	vld [tilespmem:$0x1F260]  }
0x34b: {  	v1 =	vmax.bf16 v1, v44;
	v44 =	vsub.bf16 v30, v31;
	v31 =	vld [tilespmem:$0x1F1A0]  }
0x34c: {  	[tilespmem:$0x1FEA0] =	vst v24;
	v24 =	vsub.bf16 v58, v60;
	v58 =	vld [tilespmem:$0x1F2D0]  }
0x34d: {  	v60 =	vld [tilespmem:$0x1F2E0]  }
0x34e: {  	v0 =	vmax.bf16 v0, v29;
	v29 =	vsub.bf16 v61, v63;
	v61 =	vld [tilespmem:$0x1F2F0]  }
0x34f: {  	v63 =	vld [tilespmem:s20+$0x10390]  }
0x350: {  	v11 =	vsub.bf16 v27, v28;
	v27 =	vld [tilespmem:$0x1F370]  }
0x351: {  	v1 =	vmax.bf16 v1, v56;
	v56 =	vsub.bf16 v34, v38;
	v34 =	vld [tilespmem:$0x1F1D0]  }
0x352: {  	v38 =	vld [tilespmem:$0x1F1E0]  }
0x353: {  	v0 =	vmax.bf16 v0, v51;
	v51 =	vld [tilespmem:$0x1F280]  }
0x354: {  	[tilespmem:$0x1FE60] =	vst v15;
	v15 =	vsub.bf16 v22, v16;
	v16 =	vld [tilespmem:s20+$0x12F50]  }
0x355: {  	[tilespmem:$0x1FEC0] =	vst v33;
	v33 =	vld [tilespmem:$0x1F1C0]  }
0x356: {  	v22 =	vsub.bf16 v13, v14;
	v14 =	vsub.bf16 v39, v40;
	v39 =	vld [tilespmem:$0x1F1F0]  }
0x357: {  	v13 =	vsub.bf16 v43, v50;
	v43 =	vld [tilespmem:$0x1F210]  }
0x358: {  	v50 =	vld [tilespmem:$0x1F270]  }
0x359: {  	v0 =	vmax.bf16 v0, v12;
	[tilespmem:$0x1FEF0] =	vst v4;
	v4 =	vld.idx.msk [tilespmem:v19+s2+$0x0], $0xffff  }
0x35a: {  	v0 =	vmax.bf16 v0, v14;
	v14 =	vld [tilespmem:$0x1F310]  }
0x35b: {  	v1 =	vmax.bf16 v1, v15;
	v19 =	vld [tilespmem:$0x1F450]  }
0x35c: {  	v1 =	vmax.bf16 v1, v22;
	v22 =	vld [tilespmem:s20+$0x10070]  }
0x35d: {  	v30 =	vld.idx.msk [tilespmem:v62+s2+$0x0], $0xffff  }
0x35e: {  	v21 =	vadd.s32 $0x2710, v62;
	v0 =	vmax.bf16 v0, v17;
	v17 =	vld [tilespmem:s20+$0x13590]  }
0x35f: {  	v3 =	vsub.bf16 v31, v32;
	v31 =	vld [tilespmem:$0x1F390]  }
0x360: {  	v32 =	vld [tilespmem:$0x1F3A0]  }
0x361: {  	v1 =	vmax.bf16 v1, v25;
	v25 =	vld [tilespmem:s20+$0x13270]  }
0x362: {  	v0 =	vmax.bf16 v0, v23;
	v23 =	vld [tilespmem:$0x1F490]  }
0x363: {  	v36 =	vld.idx.msk [tilespmem:v21+s2+$0x0], $0xffff  }
0x364: {  	v1 =	vmax.bf16 v1, v44;
	v44 =	vld [tilespmem:$0x1F220]  }
0x365: {  	v0 =	vmax.bf16 v0, v26;
	v26 =	vld [tilespmem:$0x1F360]  }
0x366: {  	v2 =	vsub.bf16 v33, v34;
	v33 =	vld [tilespmem:$0x1F3B0]  }
0x367: {  	v21 =	vld [tilespmem:$0x1F470]  }
0x368: {  	v1 =	vmax.bf16 v1, v56;
	v56 =	vld [tilespmem:$0x1F2B0]  }
0x369: {  	v0 =	vmax.bf16 v0, v29;
	v29 =	vld.idx.msk [tilespmem:v59+s2+$0x0], $0xffff  }
0x36a: {  	v59 =	vld [tilespmem:$0x1F560]  }
0x36b: {  	v1 =	vmax.bf16 v1, v13;
	v13 =	vld [tilespmem:$0x1F300]  }
0x36c: {  	v0 =	vmax.bf16 v0, v2;
	v2 =	vsub.bf16 v42, v43;
	v42 =	vld [tilespmem:$0x1F400]  }
0x36d: {  	v45 =	vadd.s32 $0x2710, v16;
	v43 =	vld [tilespmem:$0x1F410]  }
0x36e: {  	v15 =	vld.idx.msk [tilespmem:v16+s2+$0x0], $0xffff  }
0x36f: {  	v16 =	vsub.bf16 v46, v52;
	v46 =	vld [tilespmem:s20+$0x13400]  }
0x370: {  	v52 =	vld [tilespmem:$0x1F290]  }
0x371: {  	[tilespmem:$0x1FF20] =	vst v30;
	v30 =	vld [tilespmem:$0x1F380]  }
0x372: {  	v18 =	vld.idx.msk [tilespmem:v45+s2+$0x0], $0xffff  }
0x373: {  	v45 =	vld [tilespmem:$0x1F230]  }
0x374: {  	v1 =	vmax.bf16 v1, v16;
	v16 =	vld [tilespmem:$0x1F330]  }
0x375: {  	[tilespmem:$0x1FF40] =	vst v36;
	v36 =	vld [tilespmem:$0x1F3C0]  }
0x376: {  	[tilespmem:$0x1FED0] =	vst v7;
	v7 =	vld.idx.msk [tilespmem:v22+s2+$0x0], $0xffff  }
0x377: {  	v1 =	vmax.bf16 v1, v20;
	v20 =	vld [tilespmem:$0x1F460]  }
0x378: {  	v37 =	vadd.s32 $0x2710, v22;
	v22 =	vld [tilespmem:$0x1F480]  }
0x379: {  	[tilespmem:$0x1FFE0] =	vst v29;
	v29 =	vld [tilespmem:$0x1F4E0]  }
0x37a: {  	v53 =	vld.idx.msk [tilespmem:v25+s2+$0x0], $0xffff  }
0x37b: {  	v1 =	vmax.bf16 v1, v24;
	v24 =	vld [tilespmem:$0x1F340]  }
0x37c: {  	v40 =	vadd.s32 $0x2710, v25;
	v25 =	vld [tilespmem:$0x1F350]  }
0x37d: {  	v34 =	vadd.s32 $0x2710, v63;
	[tilespmem:$0x1FF30] =	vst v4;
	v4 =	vld.idx.msk [tilespmem:v37+s2+$0x0], $0xffff  }
0x37e: {  	[tilespmem:$0x1FEE0] =	vst v15;
	v15 =	vld [tilespmem:$0x1F320]  }
0x37f: {  	v37 =	vld [tilespmem:$0x1F3D0]  }
0x380: {  	v0 =	vmax.bf16 v0, v2;
	v2 =	vsub.bf16 v51, v52;
	v51 =	vld.idx.msk [tilespmem:v63+s2+$0x0], $0xffff  }
0x381: {  	v1 =	vmax.bf16 v1, v11;
	v11 =	vsub.bf16 v49, v50;
	v50 =	vld.idx.msk [tilespmem:v17+s2+$0x0], $0xffff  }
0x382: {  	v49 =	vld.idx.msk [tilespmem:v34+s2+$0x0], $0xffff  }
0x383: {  	v63 =	vld [tilespmem:$0x1F590]  }
0x384: {  	v1 =	vmax.bf16 v1, v3;
	v3 =	vsub.bf16 v38, v39;
	v38 =	vld [tilespmem:$0x1F3E0]  }
0x385: {  	v39 =	vld [tilespmem:$0x1F3F0]  }
0x386: {  	v8 =	vsub.bf16 v44, v45;
	v44 =	vld [tilespmem:$0x1F420]  }
0x387: {  	v45 =	vld [tilespmem:$0x1F430]  }
0x388: {  	[tilespmem:$0x1FF00] =	vst v18;
	v18 =	vld [tilespmem:$0x1F440]  }
0x389: {  	v62 =	vadd.s32 $0x2710, v46;
	v28 =	vld.idx.msk [tilespmem:v46+s2+$0x0], $0xffff  }
0x38a: {  	v46 =	vld [tilespmem:s20+$0x13720]  }
0x38b: {  	v1 =	vmax.bf16 v1, v3;
	v3 =	vsub.bf16 v47, v48;
	v47 =	vld [tilespmem:$0x1F520]  }
0x38c: {  	[tilespmem:$0x1FF60] =	vst v53;
	v53 =	vld [tilespmem:$0x1F530]  }
0x38d: {  	v0 =	vmax.bf16 v0, v3;
	v3 =	vsub.bf16 v54, v56;
	v56 =	vld.idx.msk [tilespmem:v40+s2+$0x0], $0xffff  }
0x38e: {  	v1 =	vmax.bf16 v1, v8;
	v52 =	vld.idx.msk [tilespmem:v62+s2+$0x0], $0xffff  }
0x38f: {  	v1 =	vmax.bf16 v1, v11;
	v11 =	vsub.bf16 v26, v27;
	v27 =	vld [tilespmem:$0x1F4C0]  }
0x390: {  	[tilespmem:$0x1FFC0] =	vst v6;
	v6 =	vsub.bf16 v36, v37;
	v36 =	vld [tilespmem:s20+$0x106B0]  }
0x391: {  	v54 =	vld [tilespmem:$0x1F540]  }
0x392: {  	v62 =	vsub.bf16 v22, v23;
	v22 =	vld [tilespmem:$0x1F5D0]  }
0x393: {  	v23 =	vld [tilespmem:$0x1F5E0]  }
0x394: {  	v37 =	vld [tilespmem:$0x1F660]  }
0x395: {  	v8 =	vsub.bf16 v15, v16;
	v16 =	vld [tilespmem:$0x1F720]  }
0x396: {  	v40 =	vadd.s32 $0x2710, v17;
	v17 =	vld [tilespmem:$0x1F730]  }
0x397: {  	v15 =	vld [tilespmem:$0x1F8C0]  }
0x398: {  	v0 =	vmax.bf16 v0, v2;
	v2 =	vsub.bf16 v57, v58;
	v57 =	vld [tilespmem:$0x1F550]  }
0x399: {  	v58 =	vld [tilespmem:s20+$0x138B0]  }
0x39a: {  	[tilespmem:$0x1FF70] =	vst v4;
	v4 =	vsub.bf16 v38, v39;
	v38 =	vld [tilespmem:$0x1F670]  }
0x39b: {  	v39 =	vld [tilespmem:$0x1F680]  }
0x39c: {  	v1 =	vmax.bf16 v1, v3;
	v3 =	vsub.bf16 v60, v61;
	v60 =	vld [tilespmem:$0x1F570]  }
0x39d: {  	v61 =	vld [tilespmem:$0x1F580]  }
0x39e: {  	[tilespmem:$0x1FFD0] =	vst v28;
	v28 =	vld [tilespmem:$0x1F4D0]  }
0x39f: {  	v0 =	vmax.bf16 v0, v2;
	v2 =	vsub.bf16 v13, v14;
	v14 =	vsub.bf16 v20, v21;
	v20 =	vld [tilespmem:$0x1F5B0]  }
0x3a0: {  	v21 =	vld [tilespmem:$0x1F5C0]  }
0x3a1: {  	v13 =	vld [tilespmem:$0x1F8A0]  }
0x3a2: {  	v1 =	vmax.bf16 v1, v3;
	v3 =	vsub.bf16 v24, v25;
	v24 =	vld [tilespmem:$0x1F4A0]  }
0x3a3: {  	v25 =	vld [tilespmem:$0x1F4B0]  }
0x3a4: {  	v0 =	vmax.bf16 v0, v2;
	v2 =	vsub.bf16 v30, v31;
	v30 =	vld [tilespmem:$0x1F4F0]  }
0x3a5: {  	v12 =	vsub.bf16 v44, v45;
	v48 =	vld.idx.msk [tilespmem:v40+s2+$0x0], $0xffff  }
0x3a6: {  	v40 =	vld [tilespmem:$0x1F690]  }
0x3a7: {  	v26 =	vmax.bf16 v12, v14;
	v12 =	vld [tilespmem:$0x1F9F0]  }
0x3a8: {  	v0 =	vmax.bf16 v0, v3;
	v3 =	vsub.bf16 v32, v33;
	v32 =	vld [tilespmem:$0x1F500]  }
0x3a9: {  	v33 =	vld [tilespmem:$0x1F510]  }
0x3aa: {  	v34 =	vadd.s32 $0x2710, v46;
	v1 =	vmax.bf16 v1, v8;
	v45 =	vld.idx.msk [tilespmem:v46+s2+$0x0], $0xffff  }
0x3ab: {  	v1 =	vmax.bf16 v1, v11;
	v11 =	vsub.bf16 v42, v43;
	v43 =	vld [tilespmem:$0x1F6B0]  }
0x3ac: {  	v46 =	vld [tilespmem:$0x1F6C0]  }
0x3ad: {  	v14 =	vsub.bf16 v61, v63;
	v61 =	vld [tilespmem:$0x1F710]  }
0x3ae: {  	v2 =	vmax.bf16 v0, v2;
	v0 =	vmax.bf16 v1, v3;
	v3 =	vsub.bf16 v18, v19;
	v19 =	vld [tilespmem:$0x1F5A0]  }
0x3af: {  	v42 =	vld.idx.msk [tilespmem:v34+s2+$0x0], $0xffff  }
0x3b0: {  	[tilespmem:$0x1FF50] =	vst v7;
	v7 =	vsub.bf16 v27, v28;
	v27 =	vld [tilespmem:$0x1F610]  }
0x3b1: {  	v34 =	vld [tilespmem:s20+$0x13A40]  }
0x3b2: {  	v44 =	vld.idx.msk [tilespmem:v36+s2+$0x0], $0xffff  }
0x3b3: {  	v1 =	vmax.bf16 v2, v6;
	v2 =	vsub.bf16 v24, v25;
	v24 =	vld [tilespmem:$0x1F5F0]  }
0x3b4: {  	v25 =	vadd.s32 $0x2710, v36;
	v36 =	vld [tilespmem:$0x1F810]  }
0x3b5: {  	v3 =	vmax.bf16 v11, v3;
	v11 =	vsub.bf16 v54, v57;
	v54 =	vld.idx.msk [tilespmem:v41+s2+$0x0], $0xffff  }
0x3b6: {  	v6 =	vmax.bf16 v26, v7;
	v26 =	vld [tilespmem:$0x1F600]  }
0x3b7: {  	v31 =	vadd.s32 $0x2710, v41;
	v41 =	vld [tilespmem:$0x1F6A0]  }
0x3b8: {  	v57 =	vld [tilespmem:$0x1F6E0]  }
0x3b9: {  	v2 =	vmax.bf16 v3, v2;
	v3 =	vsub.bf16 v29, v30;
	v29 =	vld [tilespmem:s20+$0x10840]  }
0x3ba: {  	v30 =	vld [tilespmem:$0x1F620]  }
0x3bb: {  	v7 =	vsub.bf16 v32, v33;
	v32 =	vld [tilespmem:$0x1F640]  }
0x3bc: {  	v33 =	vld [tilespmem:$0x1F650]  }
0x3bd: {  	v2 =	vmax.bf16 v2, v3;
	v3 =	vsub.bf16 v47, v53;
	v47 =	vld.idx.msk [tilespmem:v31+s2+$0x0], $0xffff  }
0x3be: {  	v31 =	vld [tilespmem:$0x1F630]  }
0x3bf: {  	v53 =	vld [tilespmem:$0x1F6D0]  }
0x3c0: {  	v6 =	vmax.bf16 v6, v7;
	v7 =	vsub.bf16 v59, v60;
	v60 =	vld [tilespmem:$0x1F700]  }
0x3c1: {  	v18 =	vmax.bf16 v6, v11;
	v6 =	vsub.bf16 v19, v20;
	v19 =	vld [tilespmem:$0x1F750]  }
0x3c2: {  	v20 =	vld [tilespmem:s20+$0x13BD0]  }
0x3c3: {  	v5 =	vsub.bf16 v23, v24;
	v23 =	vld [tilespmem:$0x1F780]  }
0x3c4: {  	v24 =	vld [tilespmem:$0x1F790]  }
0x3c5: {  	v2 =	vmax.bf16 v2, v3;
	v3 =	vmax.bf16 v18, v14;
	v14 =	vsub.bf16 v39, v40;
	v40 =	vld.idx.msk [tilespmem:v25+s2+$0x0], $0xffff  }
0x3c6: {  	v18 =	vld [tilespmem:$0x1F740]  }
0x3c7: {  	v25 =	vld [tilespmem:$0x1F7A0]  }
0x3c8: {  	v2 =	vmax.bf16 v2, v7;
	v7 =	vsub.bf16 v21, v22;
	v21 =	vld [tilespmem:$0x1F760]  }
0x3c9: {  	v22 =	vld [tilespmem:$0x1F770]  }
0x3ca: {  	v11 =	vsub.bf16 v32, v33;
	v32 =	vld.idx.msk [tilespmem:v34+s2+$0x0], $0xffff  }
0x3cb: {  	v28 =	vadd.s32 $0x2710, v58;
	v63 =	vadd.s32 $0x2710, v34;
	v34 =	vld [tilespmem:$0x1F800]  }
0x3cc: {  	v2 =	vmax.bf16 v2, v6;
	v3 =	vmax.bf16 v3, v7;
	v7 =	vsub.bf16 v26, v27;
	v26 =	vld [tilespmem:$0x1F7B0]  }
0x3cd: {  	v2 =	vmax.bf16 v2, v5;
	v5 =	vsub.bf16 v30, v31;
	v27 =	vld [tilespmem:$0x1F7C0]  }
0x3ce: {  	v30 =	vld [tilespmem:$0x1F7F0]  }
0x3cf: {  	v2 =	vmax.bf16 v2, v5;
	v5 =	vsub.bf16 v41, v43;
	v41 =	vld.idx.msk [tilespmem:v58+s2+$0x0], $0xffff  }
0x3d0: {  	v58 =	vld [tilespmem:$0x1F6F0]  }
0x3d1: {  	v59 =	vadd.s32 $0x2710, v29;
	v3 =	vmax.bf16 v3, v7;
	v7 =	vsub.bf16 v37, v38;
	v37 =	vld.idx.msk [tilespmem:v28+s2+$0x0], $0xffff  }
0x3d2: {  	v38 =	vld.idx.msk [tilespmem:v29+s2+$0x0], $0xffff  }
0x3d3: {  	v33 =	vadd.s32 $0x2710, v10;
	v28 =	vld [tilespmem:$0x1F7D0]  }
0x3d4: {  	v29 =	vld [tilespmem:$0x1F7E0]  }
0x3d5: {  	v43 =	vld [tilespmem:$0x1F820]  }
0x3d6: {  	v31 =	vld.idx.msk [tilespmem:v59+s2+$0x0], $0xffff  }
0x3d7: {  	v59 =	vld [tilespmem:$0x1F870]  }
0x3d8: {  	v3 =	vmax.bf16 v3, v11;
	v11 =	vsub.bf16 v18, v19;
	v19 =	vld.idx.msk [tilespmem:v33+s2+$0x0], $0xffff  }
0x3d9: {  	v18 =	vld [tilespmem:$0x1F8F0]  }
0x3da: {  	v33 =	vld [tilespmem:$0x1F970]  }
0x3db: {  	v2 =	vmax.bf16 v2, v7;
	v7 =	vsub.bf16 v46, v53;
	v46 =	vld [tilespmem:$0x1F830]  }
0x3dc: {  	v53 =	vld [tilespmem:$0x1F840]  }
0x3dd: {  	v3 =	vmax.bf16 v3, v14;
	v14 =	vsub.bf16 v23, v24;
	v23 =	vld.idx.msk [tilespmem:v20+s2+$0x0], $0xffff  }
0x3de: {  	v39 =	vadd.s32 $0x2710, v20;
	v20 =	vld [tilespmem:$0x1F900]  }
0x3df: {  	v24 =	vld [tilespmem:$0x1F920]  }
0x3e0: {  	v3 =	vmax.bf16 v3, v7;
	v7 =	vsub.bf16 v60, v61;
	v60 =	vld [tilespmem:$0x1F880]  }
0x3e1: {  	v61 =	vld [tilespmem:$0x1F890]  }
0x3e2: {  	v2 =	vmax.bf16 v2, v5;
	v5 =	vsub.bf16 v57, v58;
	v57 =	vld [tilespmem:$0x1F850]  }
0x3e3: {  	v58 =	vld [tilespmem:$0x1F860]  }
0x3e4: {  	v3 =	vmax.bf16 v3, v7;
	v7 =	vsub.bf16 v21, v22;
	v21 =	vld [tilespmem:$0x1F910]  }
0x3e5: {  	v2 =	vmax.bf16 v2, v5;
	v5 =	vsub.bf16 v16, v17;
	v16 =	vld [tilespmem:$0x1F8D0]  }
0x3e6: {  	v3 =	vmax.bf16 v3, v11;
	v17 =	vld [tilespmem:$0x1F8E0]  }
0x3e7: {  	v3 =	vmax.bf16 v3, v14;
	v14 =	vld [tilespmem:$0x1F8B0]  }
0x3e8: {  	v2 =	vmax.bf16 v2, v5;
	v5 =	vsub.bf16 v25, v26;
	v25 =	vld.idx.msk [tilespmem:v10+s2+$0x0], $0xffff  }
0x3e9: {  	v26 =	vld [tilespmem:$0x1F930]  }
0x3ea: {  	v11 =	vsub.bf16 v53, v57;
	v53 =	vld [tilespmem:s20+$0x13D60]  }
0x3eb: {  	v2 =	vmax.bf16 v2, v7;
	v7 =	vsub.bf16 v27, v28;
	v27 =	vld [tilespmem:$0x1F940]  }
0x3ec: {  	v28 =	vld [tilespmem:$0x1F950]  }
0x3ed: {  	v2 =	vmax.bf16 v2, v5;
	v5 =	vsub.bf16 v29, v30;
	v29 =	vld.idx.msk [tilespmem:v63+s2+$0x0], $0xffff  }
0x3ee: {  	v30 =	vld [tilespmem:$0x1F960]  }
0x3ef: {  	v63 =	vsub.bf16 v60, v61;
	v61 =	vld [tilespmem:$0x1F9C0]  }
0x3f0: {  	v3 =	vmax.bf16 v3, v7;
	v7 =	vsub.bf16 v34, v36;
	v34 =	vld [tilespmem:$0x1F980]  }
0x3f1: {  	v6 =	vadd.s32 $0x2710, v9;
	v36 =	vld [tilespmem:$0x1F990]  }
0x3f2: {  	v2 =	vmax.bf16 v2, v5;
	v5 =	vsub.bf16 v43, v46;
	v43 =	vld [tilespmem:$0x1F9A0]  }
0x3f3: {  	v46 =	vld [tilespmem:$0x1F9B0]  }
0x3f4: {  	v3 =	vmax.bf16 v3, v7;
	v7 =	vsub.bf16 v58, v59;
	v58 =	vld [tilespmem:s20+$0x10CF0]  }
0x3f5: {  	v59 =	vld [tilespmem:s20+$0x13EF0]  }
0x3f6: {  	v2 =	vmax.bf16 v2, v5;
	v5 =	vsub.bf16 v13, v14;
	v13 =	vld.idx.msk [tilespmem:v6+s2+$0x0], $0xffff  }
0x3f7: {  	v3 =	vmax.bf16 v3, v11;
	v11 =	vld [tilespmem:$0x1F9E0]  }
0x3f8: {  	v8 =	vsub.bf16 v27, v28;
	v27 =	vld [tilespmem:$0x1FA50]  }
0x3f9: {  	v6 =	vld [tilespmem:$0x1FB10]  }
0x3fa: {  	v2 =	vmax.bf16 v2, v7;
	v7 =	vsub.bf16 v15, v16;
	v16 =	vld.idx.msk [tilespmem:v9+s2+$0x0], $0xffff  }
0x3fb: {  	v3 =	vmax.bf16 v3, v63;
	v63 =	vld [tilespmem:$0x1F9D0]  }
0x3fc: {  	v15 =	vld [tilespmem:$0x1FA00]  }
0x3fd: {  	v2 =	vmax.bf16 v2, v5;
	v5 =	vsub.bf16 v17, v18;
	v17 =	vld.idx.msk [tilespmem:v39+s2+$0x0], $0xffff  }
0x3fe: {  	v18 =	vld [tilespmem:$0x1FA10]  }
0x3ff: {  	v39 =	vsub.bf16 v34, v36;
	v36 =	vld [tilespmem:s20+$0x11010]  }
0x400: {  	v14 =	vld.idx.msk [tilespmem:v53+s2+$0x0], $0xffff  }
0x401: {  	v3 =	vmax.bf16 v3, v7;
	v7 =	vsub.bf16 v20, v21;
	v21 =	vld [tilespmem:$0x1FA20]  }
0x402: {  	v2 =	vmax.bf16 v2, v5;
	v5 =	vsub.bf16 v24, v26;
	v26 =	vld [tilespmem:$0x1FA40]  }
0x403: {  	v3 =	vmax.bf16 v3, v7;
	v7 =	vsub.bf16 v30, v33;
	v30 =	vld [tilespmem:$0x1FA60]  }
0x404: {  	v33 =	vld [tilespmem:$0x1FA70]  }
0x405: {  	v22 =	vadd.s32 $0x2710, v53;
	v10 =	vsub.bf16 v61, v63;
	v61 =	vld [tilespmem:s20+$0x10E80]  }
0x406: {  	v2 =	vmax.bf16 v2, v5;
	v5 =	vsub.bf16 v43, v46;
	v43 =	vld [tilespmem:s20+$0x14080]  }
0x407: {  	v3 =	vmax.bf16 v3, v8;
	v8 =	vld [tilespmem:$0x1FB20]  }
0x408: {  	v20 =	vsub.bf16 v15, v18;
	v15 =	vld [tilespmem:$0x1FA80]  }
0x409: {  	v2 =	vmax.bf16 v2, v7;
	v18 =	vld [tilespmem:$0x1FA90]  }
0x40a: {  	v2 =	vmax.bf16 v2, v5;
	v5 =	vsub.bf16 v11, v12;
	v12 =	vld.idx.msk [tilespmem:v22+s2+$0x0], $0xffff  }
0x40b: {  	v57 =	vadd.s32 $0x2710, v58;
	v22 =	vld [tilespmem:$0x1FA30]  }
0x40c: {  	v60 =	vadd.s32 $0x2710, v59;
	v3 =	vmax.bf16 v3, v39;
	v11 =	vld.idx.msk [tilespmem:v58+s2+$0x0], $0xffff  }
0x40d: {  	v3 =	vmax.bf16 v3, v10;
	v10 =	vld.idx.msk [tilespmem:v59+s2+$0x0], $0xffff  }
0x40e: {  	v28 =	vsub.bf16 v26, v27;
	v26 =	vld [tilespmem:$0x1FAC0]  }
0x40f: {  	v27 =	vld [tilespmem:$0x1FAD0]  }
0x410: {  	v9 =	vld.idx.msk [tilespmem:v57+s2+$0x0], $0xffff  }
0x411: {  	v63 =	vld.idx.msk [tilespmem:v60+s2+$0x0], $0xffff  }
0x412: {  	v60 =	vld [tilespmem:$0x1FB00]  }
0x413: {  	v57 =	vld [tilespmem:$0x1FBE0]  }
0x414: {  	v34 =	vsub.bf16 v30, v33;
	v30 =	vld [tilespmem:$0x1FAE0]  }
0x415: {  	v33 =	vld [tilespmem:$0x1FAF0]  }
0x416: {  	v2 =	vmax.bf16 v2, v5;
	v5 =	vld [tilespmem:$0x1FC20]  }
0x417: {  	v3 =	vmax.bf16 v3, v20;
	v20 =	vsub.bf16 v15, v18;
	v15 =	vld [tilespmem:$0x1FB30]  }
0x418: {  	v24 =	vsub.bf16 v21, v22;
	v21 =	vld [tilespmem:$0x1FAA0]  }
0x419: {  	v46 =	vmax.bf16 v3, v28;
	v59 =	vadd.s32 $0x2710, v43;
	v22 =	vld [tilespmem:$0x1FAB0]  }
0x41a: {  	v39 =	vmax.bf16 v46, v20;
	v20 =	vld [tilespmem:$0x1FB40]  }
0x41b: {  	v28 =	vsub.bf16 v26, v27;
	v26 =	vld [tilespmem:$0x1FB70]  }
0x41c: {  	v46 =	vld [tilespmem:$0x1FBC0]  }
0x41d: {  	v7 =	vsub.bf16 v60, v6;
	v60 =	vmax.bf16 v0, v4;
	v4 =	vld [tilespmem:$0x1FC10]  }
0x41e: {  	v6 =	vmax.bf16 v1, v62;
	v39 =	vmax.bf16 v39, v28;
	v62 =	vld.idx.msk [tilespmem:v59+s2+$0x0], $0xffff  }
0x41f: {  	v39 =	vmax.bf16 v39, v7;
	v7 =	vld [tilespmem:$0x1FB80]  }
0x420: {  	v18 =	vsub.bf16 v8, v15;
	v8 =	vld [tilespmem:$0x1FB90]  }
0x421: {  	v58 =	vadd.s32 $0x2710, v61;
	v2 =	vmax.bf16 v2, v24;
	v59 =	vld [tilespmem:$0x1FC00];
	v24 =	vsub.bf16 v21, v22  }
0x422: {  	v53 =	vmax.bf16 v2, v34;
	v34 =	vsub.bf16 v30, v33;
	v21 =	vld [tilespmem:$0x1FB50]  }
0x423: {  	v53 =	vmax.bf16 v53, v24;
	v24 =	vld [tilespmem:$0x1FB60]  }
0x424: {  	v53 =	vmax.bf16 v53, v34;
	v34 =	vld [tilespmem:s20+$0x14210]  }
0x425: {  	v15 =	vsub.bf16 v7, v8;
	v8 =	vld.idx.msk [tilespmem:v43+s2+$0x0], $0xffff  }
0x426: {  	v7 =	vld.idx.msk [tilespmem:v58+s2+$0x0], $0xffff  }
0x427: {  	v22 =	vsub.bf16 v20, v21;
	v20 =	vld [tilespmem:$0x1FBA0]  }
0x428: {  	v21 =	vld [tilespmem:$0x1FBB0];
	v27 =	vsub.bf16 v24, v26  }
0x429: {  	v53 =	vmax.bf16 v53, v18;
	v58 =	vld [tilespmem:$0x1FBF0]  }
0x42a: {  	v18 =	vmax.bf16 v53, v27;
	v53 =	vld [tilespmem:$0x1FBD0]  }
0x42b: {  	v33 =	vmax.bf16 v39, v22;
	v26 =	vld [tilespmem:$0x1FC60]  }
0x42c: {  	v30 =	vmax.bf16 v33, v15;
	v15 =	vld [tilespmem:$0x1FC30]  }
0x42d: {  	v22 =	vsub.bf16 v20, v21;
	v20 =	vld [tilespmem:$0x1FC40]  }
0x42e: {  	v21 =	vld [tilespmem:$0x1FC50]  }
0x42f: {  	v43 =	vsub.bf16 v46, v53;
	v53 =	vsub.bf16 v57, v58;
	v57 =	vld [tilespmem:$0x1FC80]  }
0x430: {  	v58 =	vsub.bf16 v59, v4;
	v4 =	vld [tilespmem:$0x1FC90]  }
0x431: {  	v46 =	vadd.s32 $0x2710, v36;
	v30 =	vmax.bf16 v30, v43;
	v43 =	vld [tilespmem:$0x1FC70];
	_ =	sdelay $0x1  }
0x432: {  	v33 =	vmax.bf16 v18, v22;
	v18 =	vsub.bf16 v5, v15;
	v22 =	vsub.bf16 v20, v21;
	v20 =	vld [tilespmem:$0x1FCA0]  }
0x433: {  	v21 =	vld [tilespmem:$0x1FCB0]  }
0x434: {  	v15 =	vmax.bf16 v53, v18;
	v18 =	vmax.bf16 v58, v22;
	v58 =	vld.idx.msk [tilespmem:v34+s2+$0x0], $0xffff;
	v5 =	vsub.bf16 v57, v4  }
0x435: {  	v59 =	vld.idx.msk [tilespmem:v46+s2+$0x0], $0xffff;
	v43 =	vsub.bf16 v26, v43  }
0x436: {  	v26 =	vmax.bf16 v18, v5;
	v5 =	vld [tilespmem:$0x1FCC0]  }
0x437: {  	v4 =	vmax.bf16 v15, v43;
	v15 =	vld [tilespmem:$0x1FCD0]  }
0x438: {  	v46 =	vld [tilespmem:$0x1FD10]  }
0x439: {  	v22 =	vsub.bf16 v20, v21;
	v20 =	vld [tilespmem:$0x1FCE0]  }
0x43a: {  	v21 =	vld [tilespmem:$0x1FCF0]  }
0x43b: {  	v27 =	vadd.s32 $0x2710, v34;
	v34 =	vmax.bf16 v4, v22;
	v4 =	vld [tilespmem:$0x1FD20]  }
0x43c: {  	v18 =	vsub.bf16 v5, v15;
	v5 =	vld [tilespmem:$0x1FD30]  }
0x43d: {  	v43 =	vld [tilespmem:$0x1FD00]  }
0x43e: {  	v15 =	vld [tilespmem:$0x1FD40]  }
0x43f: {  	v26 =	vmax.bf16 v26, v18;
	v18 =	vld [tilespmem:$0x1FD50]  }
0x440: {  	v57 =	vld.idx.msk [tilespmem:v36+s2+$0x0], $0xffff  }
0x441: {  	v39 =	vsub.bf16 v4, v5;
	v4 =	vld [tilespmem:$0x1FD80]  }
0x442: {  	v22 =	vsub.bf16 v20, v21;
	v36 =	vsub.bf16 v43, v46;
	v5 =	vld [tilespmem:$0x1FD90]  }
0x443: {  	v20 =	vld [tilespmem:$0x1FD60]  }
0x444: {  	v34 =	vmax.bf16 v34, v22;
	v26 =	vmax.bf16 v26, v36;
	v36 =	vld [tilespmem:$0x1FD70];
	v22 =	vsub.bf16 v15, v18  }
0x445: {  	v34 =	vmax.bf16 v34, v39;
	v39 =	vld [tilespmem:$0x1FDB0]  }
0x446: {  	v22 =	vmax.bf16 v26, v22;
	v26 =	vld [tilespmem:$0x1FDA0]  }
0x447: {  	v15 =	vsub.bf16 v4, v5  }
0x448: {  	v5 =	vld [tilespmem:$0x1FDC0]  }
0x449: {  	v36 =	vsub.bf16 v20, v36;
	v20 =	vmax.bf16 v22, v15;
	v15 =	vld [tilespmem:$0x1FDD0];
	_ =	sdelay $0x1  }
0x44a: {  	v4 =	vsub.bf16 v26, v39  }
0x44b: {  	v34 =	vmax.bf16 v34, v36  }
0x44c: {  	v26 =	vmax.bf16 v34, v4;
	v4 =	vld [tilespmem:$0x1FDE0]  }
0x44d: {  	v18 =	vsub.bf16 v5, v15;
	v5 =	vld [tilespmem:$0x1FDF0];
	_ =	sdelay $0x1  }
0x44e: {  	v22 =	vld [tilespmem:$0x1FE10]  }
0x44f: {  	v20 =	vmax.bf16 v20, v18;
	v18 =	vld [tilespmem:$0x1FE00]  }
0x450: {  	v34 =	vld [tilespmem:$0x1FE20]  }
0x451: {  	v15 =	vsub.bf16 v4, v5;
	v4 =	vld [tilespmem:$0x1FE30]  }
0x452: {  	v5 =	vld [tilespmem:$0x1FE40]  }
0x453: {  	v26 =	vmax.bf16 v26, v15;
	v15 =	vld [tilespmem:$0x1FE50]  }
0x454: {  	v22 =	vsub.bf16 v18, v22;
	_ =	sdelay $0x1  }
0x455: {  	v20 =	vmax.bf16 v20, v22;
	v22 =	vld [tilespmem:$0x1FE60]  }
0x456: {  	v34 =	vsub.bf16 v34, v4;
	v4 =	vld [tilespmem:$0x1FE70]  }
0x457: {  	v15 =	vsub.bf16 v5, v15;
	v5 =	vld [tilespmem:$0x1FE80];
	_ =	sdelay $0x2  }
0x458: {  	v24 =	vld [tilespmem:s20+$0x143A0]  }
0x459: {  	v22 =	vsub.bf16 v55, v22;
	v55 =	vld [tilespmem:$0x1FE90]  }
0x45a: {  	v0 =	vsub.bf16 v4, v5;
	v4 =	vld [tilespmem:$0x1FEA0];
	_ =	sdelay $0x2  }
0x45b: {  	v43 =	vadd.s32 $0x2710, v24;
	_ =	sdelay $0x1  }
0x45c: {  	v5 =	vsub.bf16 v55, v4;
	v55 =	vld [tilespmem:$0x1FED0]  }
0x45d: {  	v4 =	vld [tilespmem:$0x1FEE0]  }
0x45e: {  	v21 =	vld [tilespmem:s20+$0x14530]  }
0x45f: {  	v36 =	vld.idx.msk [tilespmem:v43+s2+$0x0], $0xffff;
	v26 =	vmax.bf16 v26, v34  }
0x460: {  	v34 =	vld [tilespmem:$0x1FEC0];
	v22 =	vmax.bf16 v26, v22  }
0x461: {  	v15 =	vmax.bf16 v20, v15;
	v20 =	vmax.bf16 v22, v5;
	v22 =	vld [tilespmem:$0x1FF20]  }
0x462: {  	v5 =	vsub.bf16 v55, v4;
	v55 =	vld [tilespmem:$0x1FF10]  }
0x463: {  	v43 =	vadd.s32 $0x2710, v21;
	v26 =	vld [tilespmem:$0x1FEB0]  }
0x464: {  	v3 =	vld [tilespmem:s20+$0x146C0]  }
0x465: {  	v1 =	vld [tilespmem:$0x1FF30]  }
0x466: {  	v28 =	vld [tilespmem:s20+$0x111A0]  }
0x467: {  	v22 =	vsub.bf16 v55, v22;
	v55 =	vld [tilespmem:$0x1FF40]  }
0x468: {  	v0 =	vmax.bf16 v15, v0;
	v15 =	vsub.bf16 v26, v34;
	v34 =	vld.idx.msk [tilespmem:v43+s2+$0x0], $0xffff  }
0x469: {  	v43 =	vld [tilespmem:$0x1FF00]  }
0x46a: {  	v0 =	vmax.bf16 v0, v15;
	v15 =	vld [tilespmem:$0x1FEF0]  }
0x46b: {  	v20 =	vmax.bf16 v20, v5;
	v5 =	vld [tilespmem:$0x1FF50]  }
0x46c: {  	v1 =	vsub.bf16 v1, v55;
	v55 =	vld [tilespmem:$0x1FF60]  }
0x46d: {  	v61 =	vld.idx.msk [tilespmem:v61+s2+$0x0], $0xffff  }
0x46e: {  	v53 =	vld.idx.msk [tilespmem:v27+s2+$0x0], $0xffff;
	v27 =	vadd.s32 $0x2710, v28  }
0x46f: {  	v9 =	vsub.bf16 v9, v63;
	v63 =	vld [tilespmem:s20+$0x14D00];
	v15 =	vsub.bf16 v15, v43  }
0x470: {  	v2 =	vld [tilespmem:s20+$0x11650]  }
0x471: {  	v0 =	vmax.bf16 v0, v15;
	v15 =	vsub.bf16 v5, v55;
	v55 =	vld [tilespmem:$0x1FF70]  }
0x472: {  	v28 =	vld.idx.msk [tilespmem:v28+s2+$0x0], $0xffff  }
0x473: {  	v27 =	vld.idx.msk [tilespmem:v27+s2+$0x0], $0xffff  }
0x474: {  	v46 =	vld [tilespmem:s20+$0x11330]  }
0x475: {  	v5 =	vld [tilespmem:$0x1FF80]  }
0x476: {  	v56 =	vsub.bf16 v55, v56;
	v55 =	vld [tilespmem:$0x1FF90]  }
0x477: {  	v24 =	vld.idx.msk [tilespmem:v24+s2+$0x0], $0xffff  }
0x478: {  	v18 =	vld [tilespmem:s20+$0x114C0]  }
0x479: {  	v0 =	vmax.bf16 v0, v1;
	v1 =	vld.idx.msk [tilespmem:v3+s2+$0x0], $0xffff  }
0x47a: {  	v43 =	vadd.s32 $0x2710, v3;
	v3 =	vld [tilespmem:$0x1FFA0]  }
0x47b: {  	v5 =	vsub.bf16 v5, v55;
	v55 =	vld [tilespmem:$0x1FFB0]  }
0x47c: {  	v39 =	vadd.s32 $0x2710, v46;
	v4 =	vld [tilespmem:s20+$0x14850]  }
0x47d: {  	v21 =	vld.idx.msk [tilespmem:v21+s2+$0x0], $0xffff  }
0x47e: {  	v46 =	vld.idx.msk [tilespmem:v46+s2+$0x0], $0xffff  }
0x47f: {  	v0 =	vmax.bf16 v0, v56;
	v56 =	vld [tilespmem:$0x1FFC0]  }
0x480: {  	v3 =	vsub.bf16 v3, v55;
	v55 =	vld [tilespmem:$0x1FFD0]  }
0x481: {  	v50 =	vsub.bf16 v51, v50;
	v48 =	vsub.bf16 v49, v48;
	v26 =	vld.idx.msk [tilespmem:v39+s2+$0x0], $0xffff  }
0x482: {  	v42 =	vsub.bf16 v47, v42;
	v47 =	vsub.bf16 v44, v41;
	v39 =	vadd.s32 $0x2710, v18;
	v18 =	vld.idx.msk [tilespmem:v18+s2+$0x0], $0xffff  }
0x483: {  	v37 =	vsub.bf16 v40, v37;
	v32 =	vsub.bf16 v38, v32;
	v49 =	vadd.s32 $0x2710, v4;
	v43 =	vld.idx.msk [tilespmem:v43+s2+$0x0], $0xffff  }
0x484: {  	v23 =	vsub.bf16 v25, v23;
	v29 =	vsub.bf16 v31, v29;
	v4 =	vld.idx.msk [tilespmem:v4+s2+$0x0], $0xffff  }
0x485: {  	v17 =	vsub.bf16 v19, v17;
	v20 =	vmax.bf16 v20, v22;
	v22 =	vsub.bf16 v56, v55;
	v56 =	vld [tilespmem:$0x1FFE0]  }
0x486: {  	v14 =	vsub.bf16 v16, v14;
	v12 =	vsub.bf16 v13, v12;
	v55 =	vld [tilespmem:s20+$0x117E0]  }
0x487: {  	v10 =	vsub.bf16 v11, v10;
	v8 =	vsub.bf16 v61, v8;
	v15 =	vmax.bf16 v20, v15;
	v20 =	vld.idx.msk [tilespmem:v39+s2+$0x0], $0xffff  }
0x488: {  	v7 =	vsub.bf16 v7, v62;
	v38 =	vsub.bf16 v59, v53;
	v15 =	vmax.bf16 v15, v22;
	v22 =	vld.idx.msk [tilespmem:v49+s2+$0x0], $0xffff  }
0x489: {  	v40 =	vsub.bf16 v28, v24;
	v44 =	vsub.bf16 v27, v36;
	v15 =	vmax.bf16 v15, v50;
	v50 =	vld [tilespmem:s20+$0x14B70]  }
0x48a: {  	v39 =	vsub.bf16 v56, v52;
	v52 =	vadd.s32 $0x2710, v2;
	v56 =	vsub.bf16 v54, v45;
	v45 =	vld [tilespmem:s20+$0x149E0]  }
0x48b: {  	v1 =	vsub.bf16 v18, v1;
	v5 =	vmax.bf16 v33, v5;
	v2 =	vld.idx.msk [tilespmem:v2+s2+$0x0], $0xffff;
	v49 =	vadd.s32 $0x2710, v55  }
0x48c: {  	v33 =	vsub.bf16 v57, v58;
	v0 =	vmax.bf16 v0, v39;
	v15 =	vmax.bf16 v15, v56;
	v56 =	vld [tilespmem:s20+$0x11B00]  }
0x48d: {  	v58 =	vunpack.i.l.bf16.f32 v5;
	v5 =	vunpack.i.u.bf16.f32 v5;
	v0 =	vmax.bf16 v0, v48;
	v48 =	vld [tilespmem:s20+$0x11970]  }
0x48e: {  	[tilespmem:v35+s20+$0x20 ss:$0x1] =	vst.idx.msk $0xffff, v58;
	v3 =	vmax.bf16 v30, v3;
	v15 =	vmax.bf16 v15, v47;
	v13 =	vld.idx.msk [tilespmem:v55+s2+$0x0], $0xffff  }
0x48f: {  	[tilespmem:v35+s20+$0x2730 ss:$0x1] =	vst.idx.msk $0xffff, v5;
	v55 =	vunpack.i.u.bf16.f32 v60;
	v15 =	vmax.bf16 v15, v32;
	v32 =	vadd.s32 $0x2710, v50;
	v31 =	vld.idx.msk [tilespmem:v52+s2+$0x0], $0xffff  }
0x490: {  	v47 =	vsub.bf16 v46, v21;
	v0 =	vmax.bf16 v0, v42;
	v51 =	vadd.s32 $0x2710, v45;
	v30 =	vld.idx.msk [tilespmem:v49+s2+$0x0], $0xffff  }
0x491: {  	[tilespmem:v35+s20+$0x2720 ss:$0x1] =	vst.idx.msk $0xffff, v55;
	v0 =	vmax.bf16 v0, v37;
	v15 =	vmax.bf16 v15, v23;
	v41 =	vld.idx.msk [tilespmem:v50+s2+$0x0], $0xffff  }
0x492: {  	v52 =	vunpack.i.l.bf16.f32 v60;
	v49 =	vsub.bf16 v20, v43;
	v2 =	vsub.bf16 v2, v4;
	v50 =	vld.idx.msk [tilespmem:v63+s2+$0x0], $0xffff  }
0x493: {  	v0 =	vmax.bf16 v0, v29;
	v14 =	vmax.bf16 v15, v14;
	v42 =	vadd.s32 $0x2710, v56;
	v54 =	vld.idx.msk [tilespmem:v45+s2+$0x0], $0xffff  }
0x494: {  	v0 =	vmax.bf16 v0, v17;
	v10 =	vmax.bf16 v14, v10;
	v60 =	vadd.s32 $0x2710, v48;
	v19 =	vld.idx.msk [tilespmem:v32+s2+$0x0], $0xffff  }
0x495: {  	v0 =	vmax.bf16 v0, v12;
	v8 =	vmax.bf16 v10, v8;
	v45 =	vadd.s32 $0x2710, v63;
	v37 =	vld.idx.msk [tilespmem:v51+s2+$0x0], $0xffff  }
0x496: {  	[tilespmem:v35+s20+$0x10 ss:$0x1] =	vst.idx.msk $0xffff, v52;
	v0 =	vmax.bf16 v0, v9;
	v8 =	vmax.bf16 v8, v33;
	v12 =	vld.idx.msk [tilespmem:v56+s2+$0x0], $0xffff  }
0x497: {  	v0 =	vmax.bf16 v0, v7;
	v8 =	vmax.bf16 v8, v40;
	v51 =	vsub.bf16 v31, v22;
	v39 =	vld.idx.msk [tilespmem:v48+s2+$0x0], $0xffff  }
0x498: {  	v0 =	vmax.bf16 v0, v38;
	v48 =	vsub.bf16 v26, v34;
	v8 =	vmax.bf16 v8, v47;
	v52 =	vld.idx.msk [tilespmem:v42+s2+$0x0], $0xffff  }
0x499: {  	v0 =	vmax.bf16 v0, v44;
	v11 =	vld.idx.msk [tilespmem:v60+s2+$0x0], $0xffff;
	v53 =	vsub.bf16 v13, v54;
	v54 =	vunpack.i.l.bf16.f32 v6  }
0x49a: {  	v1 =	vmax.bf16 v8, v1;
	v55 =	vld.idx.msk [tilespmem:v45+s2+$0x0], $0xffff;
	v6 =	vunpack.i.u.bf16.f32 v6;
	[tilespmem:v35+s20+$0x4E30 ss:$0x1] =	vst.idx.msk $0xffff, v54  }
0x49b: {  	v0 =	vmax.bf16 v0, v48;
	v1 =	vmax.bf16 v1, v2;
	v60 =	vunpack.i.l.bf16.f32 v3;
	[tilespmem:v35+s20+$0x7540 ss:$0x1] =	vst.idx.msk $0xffff, v6  }
0x49c: {  	v3 =	vunpack.i.u.bf16.f32 v3;
	v0 =	vmax.bf16 v0, v49;
	[tilespmem:v35+s20+$0x4E40 ss:$0x1] =	vst.idx.msk $0xffff, v60;
	v57 =	vsub.bf16 v39, v41  }
0x49d: {  	v56 =	vsub.bf16 v30, v37;
	v1 =	vmax.bf16 v1, v53;
	v4 =	vsub.bf16 v12, v50  }
0x49e: {  	v0 =	vmax.bf16 v0, v51;
	v1 =	vmax.bf16 v1, v57;
	v59 =	vsub.bf16 v11, v19  }
0x49f: {  	p0 =	slt.u32 s19, $0x14;
	v0 =	vmax.bf16 v0, v56;
	v61 =	vsub.bf16 v52, v55;
	v1 =	vmax.bf16 v1, v4  }
.Ltmp5:
0x4a0: {  	[tilespmem:v35+s20+$0x7550 ss:$0x1] =	vst.idx.msk $0xffff, v3;
	v0 =	vmax.bf16 v0, v59;
	v62 =	vunpack.i.l.bf16.f32 v1;
	(pc) =	sbr.rel @p0 .LBB2_4-.Ltmp5, $4  }
0x4a1: {  	v1 =	vunpack.i.u.bf16.f32 v1;
	v0 =	vmax.bf16 v0, v61;
	[tilespmem:v35+s20+$0x30 ss:$0x1] =	vst.idx.msk $0xffff, v62  }
0x4a2: {  	[tilespmem:v35+s20+$0x2740 ss:$0x1] =	vst.idx.msk $0xffff, v1;
	v63 =	vunpack.i.l.bf16.f32 v0  }
0x4a3: {  	v0 =	vunpack.i.u.bf16.f32 v0;
	[tilespmem:v35+s20+$0x4E50 ss:$0x1] =	vst.idx.msk $0xffff, v63  }
0x4a4: {  	s19 =	sadd.s32 $0x4, s19;
	[tilespmem:v35+s20+$0x7560 ss:$0x1] =	vst.idx.msk $0xffff, v0  }
0x4a5: {  	v0 =	vld [tilespmem:$0xEBE0]  }
0x4a6: {  	v1 =	vld [tilespmem:$0x11DE0]  }
0x4a7: {  	v4 =	vld [tilespmem:$0xED70]  }
0x4a8: {  	v5 =	vld [tilespmem:$0x11F70]  }
0x4a9: {  	v24 =	vld [tilespmem:$0xEF00]  }
0x4aa: {  	v25 =	vld [tilespmem:$0x12100]  }
0x4ab: {  	v28 =	vld [tilespmem:$0xF090]  }
0x4ac: {  	v29 =	vld [tilespmem:$0x12290]  }
0x4ad: {  	v32 =	vld [tilespmem:$0xF220]  }
0x4ae: {  	v33 =	vld [tilespmem:$0x12420]  }
0x4af: {  	v38 =	vld [tilespmem:$0xF3B0]  }
0x4b0: {  	v39 =	vld [tilespmem:$0x125B0]  }
0x4b1: {  	v44 =	vld [tilespmem:$0xF540]  }
0x4b2: {  	v45 =	vld [tilespmem:$0x12740]  }
0x4b3: {  	v50 =	vld [tilespmem:$0xF6D0]  }
0x4b4: {  	v51 =	vld [tilespmem:$0x128D0]  }
0x4b5: {  	v56 =	vld [tilespmem:$0xF860]  }
0x4b6: {  	v57 =	vld [tilespmem:$0x12A60]  }
0x4b7: {  	v62 =	vld [tilespmem:$0xF9F0]  }
0x4b8: {  	v63 =	vld [tilespmem:$0x12BF0]  }
0x4b9: {  	v7 =	vld.idx.msk [tilespmem:v0+s2+$0x0], $0xffff  }
0x4ba: {  	v11 =	vld.idx.msk [tilespmem:v1+s2+$0x0], $0xffff  }
0x4bb: {  	v14 =	vld.idx.msk [tilespmem:v4+s2+$0x0], $0xffff  }
0x4bc: {  	v15 =	vld.idx.msk [tilespmem:v5+s2+$0x0], $0xffff  }
0x4bd: {  	v20 =	vld.idx.msk [tilespmem:v24+s2+$0x0], $0xffff  }
0x4be: {  	v21 =	vld.idx.msk [tilespmem:v25+s2+$0x0], $0xffff  }
0x4bf: {  	v22 =	vadd.s32 $0x2710, v4;
	v4 =	vld.idx.msk [tilespmem:v28+s2+$0x0], $0xffff  }
0x4c0: {  	v34 =	vld.idx.msk [tilespmem:v29+s2+$0x0], $0xffff  }
0x4c1: {  	v40 =	vld.idx.msk [tilespmem:v33+s2+$0x0], $0xffff  }
0x4c2: {  	v46 =	vld.idx.msk [tilespmem:v39+s2+$0x0], $0xffff  }
0x4c3: {  	v52 =	vld.idx.msk [tilespmem:v45+s2+$0x0], $0xffff  }
0x4c4: {  	v58 =	vld.idx.msk [tilespmem:v51+s2+$0x0], $0xffff  }
0x4c5: {  	v2 =	vadd.s32 $0x2710, v0;
	v6 =	vld.idx.msk [tilespmem:v57+s2+$0x0], $0xffff  }
0x4c6: {  	v3 =	vadd.s32 $0x2710, v1;
	v26 =	vadd.s32 $0x2710, v24;
	v24 =	vld.idx.msk [tilespmem:v63+s2+$0x0], $0xffff  }
0x4c7: {  	v30 =	vadd.s32 $0x2710, v28;
	v28 =	vld [tilespmem:$0xFD10]  }
0x4c8: {  	v23 =	vadd.s32 $0x2710, v5;
	v31 =	vadd.s32 $0x2710, v29;
	v29 =	vld [tilespmem:$0x12F10]  }
0x4c9: {  	v55 =	vadd.s32 $0x2710, v51;
	v51 =	vld [tilespmem:$0x13550]  }
0x4ca: {  	v27 =	vadd.s32 $0x2710, v25;
	v12 =	vld.idx.msk [tilespmem:v2+s2+$0x0], $0xffff  }
0x4cb: {  	v13 =	vld.idx.msk [tilespmem:v3+s2+$0x0], $0xffff  }
0x4cc: {  	v16 =	vld.idx.msk [tilespmem:v22+s2+$0x0], $0xffff  }
0x4cd: {  	v17 =	vld.idx.msk [tilespmem:v23+s2+$0x0], $0xffff  }
0x4ce: {  	v37 =	vadd.s32 $0x2710, v33;
	v18 =	vld.idx.msk [tilespmem:v26+s2+$0x0], $0xffff  }
0x4cf: {  	v43 =	vadd.s32 $0x2710, v39;
	v19 =	vld.idx.msk [tilespmem:v27+s2+$0x0], $0xffff  }
0x4d0: {  	v49 =	vadd.s32 $0x2710, v45;
	v0 =	vld.idx.msk [tilespmem:v30+s2+$0x0], $0xffff  }
0x4d1: {  	v35 =	vld.idx.msk [tilespmem:v31+s2+$0x0], $0xffff  }
0x4d2: {  	v61 =	vadd.s32 $0x2710, v57;
	v2 =	vld.idx.msk [tilespmem:v32+s2+$0x0], $0xffff  }
0x4d3: {  	v41 =	vld.idx.msk [tilespmem:v37+s2+$0x0], $0xffff  }
0x4d4: {  	v47 =	vld.idx.msk [tilespmem:v43+s2+$0x0], $0xffff  }
0x4d5: {  	v10 =	vadd.s32 $0x2710, v63;
	v53 =	vld.idx.msk [tilespmem:v49+s2+$0x0], $0xffff  }
0x4d6: {  	v59 =	vld.idx.msk [tilespmem:v55+s2+$0x0], $0xffff  }
0x4d7: {  	v8 =	vld.idx.msk [tilespmem:v61+s2+$0x0], $0xffff  }
0x4d8: {  	v22 =	vld [tilespmem:$0xFB80]  }
0x4d9: {  	v23 =	vld [tilespmem:$0x12D80]  }
0x4da: {  	v25 =	vld.idx.msk [tilespmem:v10+s2+$0x0], $0xffff  }
0x4db: {  	[tilespmem:$0x1E7F0] =	vst v4;
	v4 =	vld.idx.msk [tilespmem:v38+s2+$0x0], $0xffff  }
0x4dc: {  	v36 =	vadd.s32 $0x2710, v32;
	[tilespmem:$0x1E800] =	vst v34;
	v34 =	vld [tilespmem:$0xFEA0]  }
0x4dd: {  	[tilespmem:$0x1E840] =	vst v40;
	v40 =	vld [tilespmem:$0x10030]  }
0x4de: {  	[tilespmem:$0x1E880] =	vst v46;
	v46 =	vld [tilespmem:$0x101C0]  }
0x4df: {  	v11 =	vsub.bf16 v7, v11;
	v7 =	vld [tilespmem:$0x144F0]  }
0x4e0: {  	v15 =	vsub.bf16 v14, v15;
	v14 =	vld [tilespmem:$0x1E800]  }
0x4e1: {  	[tilespmem:$0x1E810] =	vst v0;
	v0 =	vld.idx.msk [tilespmem:v36+s2+$0x0], $0xffff  }
0x4e2: {  	[tilespmem:$0x1E830] =	vst v2;
	v2 =	vld.idx.msk [tilespmem:v44+s2+$0x0], $0xffff  }
0x4e3: {  	[tilespmem:$0x1E820] =	vst v35;
	v35 =	vld [tilespmem:$0x130A0]  }
0x4e4: {  	[tilespmem:$0x1E860] =	vst v41;
	v41 =	vld [tilespmem:$0x13230]  }
0x4e5: {  	[tilespmem:$0x1E8A0] =	vst v47;
	v47 =	vld [tilespmem:$0x133C0]  }
0x4e6: {  	v13 =	vsub.bf16 v12, v13;
	v17 =	vsub.bf16 v16, v17;
	v36 =	vld.idx.msk [tilespmem:v29+s2+$0x0], $0xffff  }
0x4e7: {  	v33 =	vadd.s32 $0x2710, v29;
	v16 =	vld [tilespmem:$0x1E810]  }
0x4e8: {  	v3 =	vmax.bf16 v13, v17;
	v13 =	vld [tilespmem:$0x1E7F0]  }
0x4e9: {  	v17 =	vld [tilespmem:$0x1E820]  }
0x4ea: {  	v10 =	vadd.s32 $0x2710, v51;
	[tilespmem:$0x1E870] =	vst v4;
	v4 =	vld.idx.msk [tilespmem:v50+s2+$0x0], $0xffff  }
0x4eb: {  	v30 =	vld.idx.msk [tilespmem:v23+s2+$0x0], $0xffff  }
0x4ec: {  	v42 =	vadd.s32 $0x2710, v38;
	v37 =	vld.idx.msk [tilespmem:v33+s2+$0x0], $0xffff  }
0x4ed: {  	v54 =	vadd.s32 $0x2710, v50;
	v50 =	vld [tilespmem:$0x10350]  }
0x4ee: {  	v27 =	vadd.s32 $0x2710, v23;
	v12 =	vsub.bf16 v18, v19;
	v23 =	vld [tilespmem:$0x136E0]  }
0x4ef: {  	[tilespmem:$0x1E8E0] =	vst v53;
	v53 =	vld.idx.msk [tilespmem:v10+s2+$0x0], $0xffff  }
0x4f0: {  	v3 =	vmax.bf16 v3, v12;
	v12 =	vld [tilespmem:$0x1E830]  }
0x4f1: {  	[tilespmem:$0x1E850] =	vst v0;
	v0 =	vld.idx.msk [tilespmem:v42+s2+$0x0], $0xffff  }
0x4f2: {  	[tilespmem:$0x1E8B0] =	vst v2;
	v2 =	vld.idx.msk [tilespmem:v56+s2+$0x0], $0xffff  }
0x4f3: {  	v31 =	vld.idx.msk [tilespmem:v27+s2+$0x0], $0xffff  }
0x4f4: {  	v27 =	vld [tilespmem:$0x13870]  }
0x4f5: {  	v11 =	vmax.bf16 v11, v15;
	v15 =	vsub.bf16 v13, v14;
	v13 =	vld [tilespmem:$0x1E840]  }
0x4f6: {  	v14 =	vld [tilespmem:$0x1E850]  }
0x4f7: {  	v48 =	vadd.s32 $0x2710, v44;
	v44 =	vadd.s32 $0x2710, v40;
	v18 =	vsub.bf16 v16, v17;
	v16 =	vld [tilespmem:$0x1E870]  }
0x4f8: {  	v17 =	vld [tilespmem:$0x1E880]  }
0x4f9: {  	[tilespmem:$0x1E8F0] =	vst v4;
	v4 =	vld.idx.msk [tilespmem:v62+s2+$0x0], $0xffff  }
0x4fa: {  	v42 =	vld.idx.msk [tilespmem:v35+s2+$0x0], $0xffff  }
0x4fb: {  	v60 =	vadd.s32 $0x2710, v56;
	v56 =	vld.idx.msk [tilespmem:v41+s2+$0x0], $0xffff  }
0x4fc: {  	v57 =	vld.idx.msk [tilespmem:v44+s2+$0x0], $0xffff  }
0x4fd: {  	[tilespmem:$0x1E960] =	vst v8;
	v8 =	vld.idx.msk [tilespmem:v47+s2+$0x0], $0xffff  }
0x4fe: {  	v9 =	vadd.s32 $0x2710, v62;
	v39 =	vadd.s32 $0x2710, v35;
	v62 =	vld.idx.msk [tilespmem:v51+s2+$0x0], $0xffff  }
0x4ff: {  	v45 =	vadd.s32 $0x2710, v41;
	[tilespmem:$0x1E9C0] =	vst v30;
	v30 =	vld [tilespmem:$0x10800]  }
0x500: {  	v49 =	vadd.s32 $0x2710, v47;
	v35 =	vld [tilespmem:$0x13B90]  }
0x501: {  	[tilespmem:$0x1E890] =	vst v0;
	v0 =	vld.idx.msk [tilespmem:v48+s2+$0x0], $0xffff  }
0x502: {  	[tilespmem:$0x1E930] =	vst v2;
	v2 =	vld.idx.msk [tilespmem:v22+s2+$0x0], $0xffff  }
0x503: {  	v43 =	vld.idx.msk [tilespmem:v39+s2+$0x0], $0xffff  }
0x504: {  	[tilespmem:$0x1E920] =	vst v59;
	v59 =	vld.idx.msk [tilespmem:v45+s2+$0x0], $0xffff  }
0x505: {  	[tilespmem:$0x1E900] =	vst v58;
	v58 =	vld.idx.msk [tilespmem:v49+s2+$0x0], $0xffff  }
0x506: {  	v26 =	vadd.s32 $0x2710, v22;
	v22 =	vld [tilespmem:$0x104E0]  }
0x507: {  	[tilespmem:$0x1E9E0] =	vst v31;
	v31 =	vld [tilespmem:$0x13A00]  }
0x508: {  	v39 =	vld [tilespmem:$0x10B20]  }
0x509: {  	[tilespmem:$0x1E9A0] =	vst v25;
	v3 =	vmax.bf16 v3, v18;
	v48 =	vadd.s32 $0x2710, v46;
	v18 =	vld [tilespmem:$0x1E890]  }
0x50a: {  	v25 =	vadd.s32 $0x2710, v23;
	[tilespmem:$0x1E970] =	vst v4;
	v4 =	vld.idx.msk [tilespmem:v28+s2+$0x0], $0xffff  }
0x50b: {  	[tilespmem:$0x1EA90] =	vst v8;
	v8 =	vld [tilespmem:$0x13D20]  }
0x50c: {  	v29 =	vadd.s32 $0x2710, v27;
	[tilespmem:$0x1E8D0] =	vst v0;
	v0 =	vld.idx.msk [tilespmem:v54+s2+$0x0], $0xffff  }
0x50d: {  	[tilespmem:$0x1E9B0] =	vst v2;
	v2 =	vld.idx.msk [tilespmem:v34+s2+$0x0], $0xffff  }
0x50e: {  	v55 =	vld.idx.msk [tilespmem:v48+s2+$0x0], $0xffff  }
0x50f: {  	v54 =	vld.idx.msk [tilespmem:v25+s2+$0x0], $0xffff  }
0x510: {  	v48 =	vld.idx.msk [tilespmem:v27+s2+$0x0], $0xffff  }
0x511: {  	v47 =	vld.idx.msk [tilespmem:v29+s2+$0x0], $0xffff  }
0x512: {  	v38 =	vadd.s32 $0x2710, v34;
	v34 =	vld [tilespmem:$0x10990]  }
0x513: {  	v29 =	vld [tilespmem:$0x10E40]  }
0x514: {  	v44 =	vld.idx.msk [tilespmem:v30+s2+$0x0], $0xffff  }
0x515: {  	v45 =	vld.idx.msk [tilespmem:v35+s2+$0x0], $0xffff  }
0x516: {  	[tilespmem:$0x1E9F0] =	vst v4;
	v4 =	vld.idx.msk [tilespmem:v40+s2+$0x0], $0xffff  }
0x517: {  	[tilespmem:$0x1E8C0] =	vst v52;
	v52 =	vld.idx.msk [tilespmem:v22+s2+$0x0], $0xffff  }
0x518: {  	[tilespmem:$0x1E980] =	vst v24;
	v24 =	vadd.s32 $0x2710, v22;
	v40 =	vld.idx.msk [tilespmem:v31+s2+$0x0], $0xffff  }
0x519: {  	v33 =	vadd.s32 $0x2710, v31;
	v22 =	vld [tilespmem:$0x10CB0]  }
0x51a: {  	[tilespmem:$0x1E910] =	vst v0;
	v0 =	vld.idx.msk [tilespmem:v60+s2+$0x0], $0xffff  }
0x51b: {  	[tilespmem:$0x1EA30] =	vst v2;
	v2 =	vld.idx.msk [tilespmem:v46+s2+$0x0], $0xffff  }
0x51c: {  	v60 =	vld.idx.msk [tilespmem:v50+s2+$0x0], $0xffff  }
0x51d: {  	v61 =	vld.idx.msk [tilespmem:v24+s2+$0x0], $0xffff  }
0x51e: {  	[tilespmem:$0x1EA00] =	vst v36;
	v36 =	vld.idx.msk [tilespmem:v33+s2+$0x0], $0xffff  }
0x51f: {  	v33 =	vld.idx.msk [tilespmem:v39+s2+$0x0], $0xffff  }
0x520: {  	[tilespmem:$0x1EA20] =	vst v37;
	v37 =	vadd.s32 $0x2710, v34;
	v31 =	vld.idx.msk [tilespmem:v8+s2+$0x0], $0xffff  }
0x521: {  	v10 =	vadd.s32 $0x2710, v8;
	v8 =	vld [tilespmem:$0x10FD0]  }
0x522: {  	[tilespmem:$0x1EA70] =	vst v4;
	v46 =	vld.idx.msk [tilespmem:v34+s2+$0x0], $0xffff;
	v4 =	vadd.s32 $0x2710, v29  }
0x523: {  	[tilespmem:$0x1E950] =	vst v0;
	v0 =	vld.idx.msk [tilespmem:v9+s2+$0x0], $0xffff  }
0x524: {  	v9 =	vadd.s32 $0x2710, v50;
	v50 =	vld.idx.msk [tilespmem:v23+s2+$0x0], $0xffff  }
0x525: {  	[tilespmem:$0x1EA60] =	vst v43;
	v43 =	vld.idx.msk [tilespmem:v37+s2+$0x0], $0xffff  }
0x526: {  	v23 =	vld [tilespmem:$0x13EB0]  }
0x527: {  	v25 =	vld.idx.msk [tilespmem:v4+s2+$0x0], $0xffff  }
0x528: {  	v4 =	vsub.bf16 v16, v17;
	v16 =	vld [tilespmem:$0x1E8A0]  }
0x529: {  	[tilespmem:$0x1E990] =	vst v0;
	v0 =	vld.idx.msk [tilespmem:v26+s2+$0x0], $0xffff  }
0x52a: {  	v32 =	vadd.s32 $0x2710, v28;
	v26 =	vld [tilespmem:$0x10670]  }
0x52b: {  	v17 =	vld [tilespmem:$0x1E8B0]  }
0x52c: {  	v63 =	vld.idx.msk [tilespmem:v9+s2+$0x0], $0xffff  }
0x52d: {  	v9 =	vadd.s32 $0x2710, v39;
	v39 =	vld.idx.msk [tilespmem:v22+s2+$0x0], $0xffff  }
0x52e: {  	v27 =	vadd.s32 $0x2710, v22;
	v22 =	vld [tilespmem:$0x11160]  }
0x52f: {  	[tilespmem:$0x1E9D0] =	vst v0;
	v0 =	vld.idx.msk [tilespmem:v32+s2+$0x0], $0xffff  }
0x530: {  	v32 =	vadd.s32 $0x2710, v30;
	v30 =	vld [tilespmem:$0x14040]  }
0x531: {  	v37 =	vld.idx.msk [tilespmem:v23+s2+$0x0], $0xffff  }
0x532: {  	v51 =	vld.idx.msk [tilespmem:v26+s2+$0x0], $0xffff  }
0x533: {  	v28 =	vadd.s32 $0x2710, v26;
	v26 =	vld.idx.msk [tilespmem:v10+s2+$0x0], $0xffff  }
0x534: {  	[tilespmem:$0x1EA10] =	vst v0;
	v0 =	vld.idx.msk [tilespmem:v38+s2+$0x0], $0xffff;
	v38 =	vadd.s32 $0x2710, v35  }
0x535: {  	v10 =	vld [tilespmem:$0x141D0]  }
0x536: {  	v41 =	vld.idx.msk [tilespmem:v32+s2+$0x0], $0xffff  }
0x537: {  	v32 =	vld.idx.msk [tilespmem:v9+s2+$0x0], $0xffff  }
0x538: {  	[tilespmem:$0x1E940] =	vst v6;
	v6 =	vadd.s32 $0x2710, v8;
	v24 =	vld.idx.msk [tilespmem:v30+s2+$0x0], $0xffff  }
0x539: {  	[tilespmem:$0x1EA40] =	vst v42;
	v42 =	vld.idx.msk [tilespmem:v38+s2+$0x0], $0xffff  }
0x53a: {  	v38 =	vld.idx.msk [tilespmem:v27+s2+$0x0], $0xffff  }
0x53b: {  	v27 =	vld.idx.msk [tilespmem:v29+s2+$0x0], $0xffff  }
0x53c: {  	[tilespmem:$0x1EA50] =	vst v0;
	v0 =	vld [tilespmem:$0x14360]  }
0x53d: {  	v29 =	vld.idx.msk [tilespmem:v6+s2+$0x0], $0xffff  }
0x53e: {  	v5 =	vadd.s32 $0x2710, v30;
	v6 =	vld [tilespmem:$0x112F0]  }
0x53f: {  	v9 =	vadd.s32 $0x2710, v10;
	v30 =	vld.idx.msk [tilespmem:v10+s2+$0x0], $0xffff;
	v10 =	vsub.bf16 v20, v21  }
0x540: {  	v49 =	vld.idx.msk [tilespmem:v28+s2+$0x0], $0xffff;
	v28 =	vadd.s32 $0x2710, v23  }
0x541: {  	[tilespmem:$0x1EA80] =	vst v2;
	v1 =	vsub.bf16 v18, v16;
	v16 =	vld.idx.msk [tilespmem:v7+s2+$0x0], $0xffff;
	v2 =	vmax.bf16 v11, v10  }
0x542: {  	v2 =	vmax.bf16 v2, v15;
	v15 =	vld [tilespmem:$0x1E860]  }
0x543: {  	v23 =	vld.idx.msk [tilespmem:v5+s2+$0x0], $0xffff  }
0x544: {  	v5 =	vsub.bf16 v12, v13;
	v12 =	vld [tilespmem:$0x1E8C0];
	v10 =	vadd.s32 $0x2710, v6  }
0x545: {  	v34 =	vld.idx.msk [tilespmem:v28+s2+$0x0], $0xffff  }
0x546: {  	v28 =	vld.idx.msk [tilespmem:v9+s2+$0x0], $0xffff  }
0x547: {  	v9 =	vadd.s32 $0x2710, v0;
	v21 =	vld.idx.msk [tilespmem:v0+s2+$0x0], $0xffff;
	v0 =	vsub.bf16 v14, v15  }
0x548: {  	v15 =	vld [tilespmem:$0x1E8F0]  }
0x549: {  	v0 =	vmax.bf16 v3, v0;
	v3 =	vsub.bf16 v17, v12;
	v17 =	vld.idx.msk [tilespmem:v10+s2+$0x0], $0xffff  }
0x54a: {  	v11 =	vadd.s32 $0x2710, v7;
	v10 =	vld [tilespmem:$0x1E900]  }
0x54b: {  	v35 =	vld.idx.msk [tilespmem:v8+s2+$0x0], $0xffff  }
0x54c: {  	v13 =	vld [tilespmem:$0x1E8D0]  }
0x54d: {  	v2 =	vmax.bf16 v2, v5;
	v14 =	vld [tilespmem:$0x1E8E0]  }
0x54e: {  	v2 =	vmax.bf16 v2, v4;
	v12 =	vld [tilespmem:$0x1E920]  }
0x54f: {  	v2 =	vmax.bf16 v2, v3;
	v3 =	vsub.bf16 v15, v10;
	v15 =	vld.idx.msk [tilespmem:v11+s2+$0x0], $0xffff  }
0x550: {  	v11 =	vld [tilespmem:$0x1E910]  }
0x551: {  	v7 =	vld [tilespmem:$0x1E950]  }
0x552: {  	v0 =	vmax.bf16 v0, v1;
	v1 =	vsub.bf16 v13, v14;
	v13 =	vld [tilespmem:$0x1E930]  }
0x553: {  	v14 =	vld [tilespmem:$0x1E940]  }
0x554: {  	v19 =	vld.idx.msk [tilespmem:v9+s2+$0x0], $0xffff  }
0x555: {  	v4 =	vmax.bf16 v0, v1;
	v1 =	vsub.bf16 v11, v12;
	v12 =	vld [tilespmem:$0x1E960]  }
0x556: {  	v9 =	vld [tilespmem:$0x11480]  }
0x557: {  	v8 =	vadd.s32 $0x2710, v22;
	v5 =	vmax.bf16 v2, v3;
	v2 =	vld [tilespmem:$0x1E990]  }
0x558: {  	v3 =	vsub.bf16 v13, v14;
	v13 =	vld [tilespmem:$0x1E970]  }
0x559: {  	v14 =	vld [tilespmem:$0x1E980]  }
0x55a: {  	v0 =	vsub.bf16 v7, v12;
	v12 =	vld [tilespmem:$0x1E9A0];
	_ =	sdelay $0x1  }
0x55b: {  	v20 =	vld.idx.msk [tilespmem:v8+s2+$0x0], $0xffff  }
0x55c: {  	v8 =	vld [tilespmem:$0x14680]  }
0x55d: {  	v1 =	vmax.bf16 v4, v1;
	v4 =	vsub.bf16 v13, v14;
	v13 =	vld [tilespmem:$0x1E9C0]  }
0x55e: {  	v2 =	vsub.bf16 v2, v12;
	v12 =	vld [tilespmem:$0x1E9B0];
	_ =	sdelay $0x1  }
0x55f: {  	v18 =	vld.idx.msk [tilespmem:v6+s2+$0x0], $0xffff  }
0x560: {  	v14 =	vld.idx.msk [tilespmem:v9+s2+$0x0], $0xffff  }
0x561: {  	v6 =	vadd.s32 $0x2710, v9;
	v9 =	vld [tilespmem:$0x1E9D0]  }
0x562: {  	v0 =	vmax.bf16 v1, v0;
	v1 =	vsub.bf16 v12, v13;
	v12 =	vld [tilespmem:$0x1E9E0];
	_ =	sdelay $0x1  }
0x563: {  	v10 =	vld [tilespmem:$0x11610]  }
0x564: {  	v13 =	vld.idx.msk [tilespmem:v8+s2+$0x0], $0xffff  }
0x565: {  	v11 =	vadd.s32 $0x2710, v8;
	v8 =	vld [tilespmem:$0x1E9F0]  }
0x566: {  	v0 =	vmax.bf16 v0, v2;
	v2 =	vsub.bf16 v9, v12;
	v12 =	vld.idx.msk [tilespmem:v6+s2+$0x0], $0xffff  }
0x567: {  	v9 =	vld [tilespmem:$0x1EA00]  }
0x568: {  	v3 =	vmax.bf16 v5, v3;
	v6 =	vld [tilespmem:$0x1EA40]  }
0x569: {  	v3 =	vmax.bf16 v3, v4;
	v4 =	vmax.bf16 v0, v2;
	v0 =	vld [tilespmem:$0x1EA30]  }
0x56a: {  	v5 =	vld [tilespmem:$0x1EA20]  }
0x56b: {  	v7 =	vld [tilespmem:$0x14810]  }
0x56c: {  	v1 =	vmax.bf16 v3, v1;
	v3 =	vsub.bf16 v8, v9;
	v9 =	vld.idx.msk [tilespmem:v11+s2+$0x0], $0xffff  }
0x56d: {  	v11 =	vld [tilespmem:$0x1EA10]  }
0x56e: {  	v8 =	vadd.s32 $0x2710, v10;
	v1 =	vmax.bf16 v1, v3;
	v3 =	vsub.bf16 v0, v6;
	v0 =	vld [tilespmem:$0x1EA50]  }
0x56f: {  	v6 =	vld [tilespmem:$0x1EA60]  }
0x570: {  	v22 =	vld.idx.msk [tilespmem:v22+s2+$0x0], $0xffff  }
0x571: {  	v10 =	vld.idx.msk [tilespmem:v10+s2+$0x0], $0xffff  }
0x572: {  	v2 =	vsub.bf16 v11, v5;
	v5 =	vld [tilespmem:$0x117A0]  }
0x573: {  	v1 =	vmax.bf16 v1, v3;
	v11 =	vadd.s32 $0x2710, v7;
	v3 =	vld.idx.msk [tilespmem:v8+s2+$0x0], $0xffff  }
0x574: {  	v0 =	vsub.bf16 v0, v6;
	v2 =	vmax.bf16 v4, v2;
	v4 =	vld [tilespmem:$0x1EA70]  }
0x575: {  	v6 =	vld [tilespmem:$0x149A0]  }
0x576: {  	v0 =	vmax.bf16 v2, v0;
	v2 =	vld.idx.msk [tilespmem:v7+s2+$0x0], $0xffff  }
0x577: {  	v7 =	vsub.bf16 v55, v58;
	v55 =	vsub.bf16 v60, v62;
	v62 =	vld [tilespmem:$0x14B30]  }
0x578: {  	v40 =	vsub.bf16 v44, v40;
	v8 =	vld.idx.msk [tilespmem:v11+s2+$0x0], $0xffff  }
0x579: {  	v11 =	vadd.s32 $0x2710, v5;
	v4 =	vsub.bf16 v4, v56;
	v56 =	vsub.bf16 v57, v59;
	v57 =	vld [tilespmem:$0x1EA80]  }
0x57a: {  	v31 =	vsub.bf16 v33, v31;
	v53 =	vsub.bf16 v63, v53;
	v59 =	vld [tilespmem:$0x1EA90]  }
0x57b: {  	v63 =	vsub.bf16 v61, v54;
	v60 =	vsub.bf16 v52, v50;
	v52 =	vld [tilespmem:$0x11AC0]  }
0x57c: {  	v61 =	vsub.bf16 v39, v37;
	v51 =	vsub.bf16 v51, v48;
	v5 =	vld.idx.msk [tilespmem:v5+s2+$0x0], $0xffff  }
0x57d: {  	v47 =	vsub.bf16 v49, v47;
	v0 =	vmax.bf16 v0, v56;
	v56 =	vadd.s32 $0x2710, v6;
	v6 =	vld.idx.msk [tilespmem:v6+s2+$0x0], $0xffff  }
0x57e: {  	v36 =	vsub.bf16 v41, v36;
	v26 =	vsub.bf16 v32, v26;
	v11 =	vld.idx.msk [tilespmem:v11+s2+$0x0], $0xffff  }
0x57f: {  	v1 =	vmax.bf16 v1, v4;
	v0 =	vmax.bf16 v0, v7;
	v4 =	vsub.bf16 v57, v59;
	v57 =	vld [tilespmem:$0x11930]  }
0x580: {  	v54 =	vsub.bf16 v43, v42;
	v34 =	vsub.bf16 v38, v34;
	v0 =	vmax.bf16 v0, v53;
	v7 =	vld.idx.msk [tilespmem:v62+s2+$0x0], $0xffff  }
0x581: {  	v24 =	vsub.bf16 v27, v24;
	v0 =	vmax.bf16 v0, v63;
	v59 =	vadd.s32 $0x2710, v62;
	v63 =	vld [tilespmem:$0x14E50]  }
0x582: {  	v23 =	vsub.bf16 v25, v23;
	v62 =	vadd.s32 $0x2710, v52;
	v1 =	vmax.bf16 v1, v4;
	v4 =	vld.idx.msk [tilespmem:v56+s2+$0x0], $0xffff  }
0x583: {  	v28 =	vsub.bf16 v29, v28;
	v21 =	vsub.bf16 v22, v21;
	v56 =	vld [tilespmem:$0x14CC0]  }
0x584: {  	v16 =	vsub.bf16 v18, v16;
	v19 =	vsub.bf16 v20, v19;
	v44 =	vld.idx.msk [tilespmem:v52+s2+$0x0], $0xffff;
	v1 =	vmax.bf16 v1, v55  }
0x585: {  	v15 =	vsub.bf16 v17, v15;
	v1 =	vmax.bf16 v1, v60;
	v60 =	vld [tilespmem:$0x11C50];
	v55 =	vadd.s32 $0x2710, v57  }
0x586: {  	v53 =	vsub.bf16 v46, v45;
	v0 =	vmax.bf16 v0, v47;
	v1 =	vmax.bf16 v1, v51;
	v42 =	vld.idx.msk [tilespmem:v59+s2+$0x0], $0xffff  }
0x587: {  	v0 =	vmax.bf16 v0, v36;
	v48 =	vld.idx.msk [tilespmem:v62+s2+$0x0], $0xffff;
	v49 =	vadd.s32 $0x2710, v63;
	v1 =	vmax.bf16 v1, v40  }
0x588: {  	v45 =	vsub.bf16 v35, v30;
	v0 =	vmax.bf16 v0, v54;
	v1 =	vmax.bf16 v1, v53;
	v58 =	vld.idx.msk [tilespmem:v57+s2+$0x0], $0xffff  }
0x589: {  	v0 =	vmax.bf16 v0, v26;
	v41 =	vadd.s32 $0x2710, v56;
	v1 =	vmax.bf16 v1, v31;
	v52 =	vld.idx.msk [tilespmem:v63+s2+$0x0], $0xffff  }
0x58a: {  	v0 =	vmax.bf16 v0, v34;
	v1 =	vmax.bf16 v1, v61;
	v47 =	vadd.s32 $0x2710, v60;
	v40 =	vld.idx.msk [tilespmem:v55+s2+$0x0], $0xffff  }
0x58b: {  	v13 =	vsub.bf16 v14, v13;
	v0 =	vmax.bf16 v0, v23;
	v1 =	vmax.bf16 v1, v24;
	v46 =	vld.idx.msk [tilespmem:v56+s2+$0x0], $0xffff  }
0x58c: {  	v9 =	vsub.bf16 v12, v9;
	v0 =	vmax.bf16 v0, v28;
	v54 =	vld.idx.msk [tilespmem:v49+s2+$0x0], $0xffff;
	v1 =	vmax.bf16 v1, v45  }
0x58d: {  	v2 =	vsub.bf16 v10, v2;
	v0 =	vmax.bf16 v0, v19;
	v1 =	vmax.bf16 v1, v21;
	v51 =	vld.idx.msk [tilespmem:v60+s2+$0x0], $0xffff  }
0x58e: {  	v3 =	vsub.bf16 v3, v8;
	v0 =	vmax.bf16 v0, v15;
	v50 =	vld.idx.msk [tilespmem:v41+s2+$0x0], $0xffff;
	v1 =	vmax.bf16 v1, v16  }
0x58f: {  	v5 =	vsub.bf16 v5, v6;
	v0 =	vmax.bf16 v0, v9;
	v53 =	vld.idx.msk [tilespmem:v47+s2+$0x0], $0xffff;
	v1 =	vmax.bf16 v1, v13  }
0x590: {  	v56 =	vsub.bf16 v11, v4;
	v55 =	vsub.bf16 v58, v7;
	v1 =	vmax.bf16 v1, v2  }
0x591: {  	v0 =	vmax.bf16 v0, v3;
	v57 =	vsub.bf16 v44, v46;
	v1 =	vmax.bf16 v1, v5  }
0x592: {  	v58 =	vsub.bf16 v40, v42;
	v1 =	vmax.bf16 v1, v55;
	v59 =	vsub.bf16 v51, v52  }
0x593: {  	v0 =	vmax.bf16 v0, v56;
	v60 =	vsub.bf16 v48, v50;
	v1 =	vmax.bf16 v1, v57  }
0x594: {  	p0 =	seq.s32 s17, $0x0;
	v0 =	vmax.bf16 v0, v58;
	v1 =	vmax.bf16 v1, v59;
	v61 =	vsub.bf16 v53, v54  }
.Ltmp6:
0x595: {  	v0 =	vmax.bf16 v0, v60;
	v62 =	vunpack.i.l.bf16.f32 v1;
	(pc) =	sbr.rel @p0 .LBB2_9-.Ltmp6, $4  }
0x596: {  	v1 =	vunpack.i.u.bf16.f32 v1;
	v0 =	vmax.bf16 v0, v61;
	[tilespmem:s18+$0x4FA0] =	vst v62  }
0x597: {  	[tilespmem:s18+$0x76B0] =	vst v1;
	v63 =	vunpack.i.l.bf16.f32 v0  }
0x598: {  	v0 =	vunpack.i.u.bf16.f32 v0;
	[tilespmem:s18+$0x9DC0] =	vst v63  }
0x599: {  	[tilespmem:s18+$0xC4D0] =	vst v0  }
.LBB2_6:
0x59a: {  	p0 =	seq.s32 s16, $0x18;
	s30 =	smul.u32 $0x640, s16  }
0x59b: {  	s17 =	smul.u32 @!p0 $0x32, s15  }
0x59c: {  	s18 =	simm.s32 @!p0 $0x190;
	s19 =	simm.s32 @!p0 $0x2710  }
0x59d: {  	s20 =	simm.s32 @!p0 $0xEA60;
	s16 =	sshra.s32 s30, $0x2;
	s17 =	sadd.s32 @!p0 s3, s17  }
0x59e: {  	[tilespmem:s20], [sflag:$0x1] =	stream.strided.gather @!p0 [hbm4b:s17+s18], $0x6400, s19, s18, $0x38;
	[tilespmem:$0x1B260] =	vst v63  }
0x59f: {  	s31 =	sadd.s32 $0x4E20, s16;
	_ =	swait.ge [sflag:s11], $0x6400  }
0x5a0: {  	v0 =	vmov s31;
	[sflag:s11] =	ssyncset.done $0x0  }
0x5a1: {  	s17 =	simm.s32 $0x0;
	[tilespmem:$0x1E7E0] =	vst v0;
	[sflag:s11] =	ssyncadd.s32 $0xFFFF9C00  }
.LBB2_7:
0x5a2: {  	s18 =	sshll.u32 s17, $0x4  }
0x5a3: {  	v0 =	vld [tilespmem:s18+$0x14E60]  }
0x5a4: {  	v1 =	vld [tilespmem:s18+$0x18060]  }
0x5a5: {  	v4 =	vld [tilespmem:s18+$0x14FF0]  }
0x5a6: {  	v5 =	vld [tilespmem:s18+$0x181F0]  }
0x5a7: {  	v53 =	vld [tilespmem:s18+$0x15180]  }
0x5a8: {  	v54 =	vld [tilespmem:s18+$0x18380]  }
0x5a9: {  	v59 =	vld [tilespmem:s18+$0x15310]  }
0x5aa: {  	v60 =	vld [tilespmem:s18+$0x18510]  }
0x5ab: {  	v9 =	vld [tilespmem:s18+$0x154A0]  }
0x5ac: {  	v10 =	vld [tilespmem:s18+$0x186A0]  }
0x5ad: {  	v15 =	vld [tilespmem:s18+$0x15630]  }
0x5ae: {  	v16 =	vld [tilespmem:s18+$0x18830]  }
0x5af: {  	v21 =	vld [tilespmem:s18+$0x157C0]  }
0x5b0: {  	v22 =	vld [tilespmem:s18+$0x189C0]  }
0x5b1: {  	v27 =	vld [tilespmem:s18+$0x15950]  }
0x5b2: {  	v28 =	vld [tilespmem:s18+$0x18B50]  }
0x5b3: {  	v33 =	vld [tilespmem:s18+$0x15AE0]  }
0x5b4: {  	v34 =	vld [tilespmem:s18+$0x18CE0]  }
0x5b5: {  	v39 =	vld [tilespmem:s18+$0x15C70]  }
0x5b6: {  	v40 =	vld [tilespmem:s18+$0x18E70]  }
0x5b7: {  	v45 =	vld [tilespmem:s18+$0x15E00]  }
0x5b8: {  	v46 =	vld [tilespmem:s18+$0x19000]  }
0x5b9: {  	v6 =	vld [tilespmem:s18+$0x19C80]  }
0x5ba: {  	v48 =	vld.idx.msk [tilespmem:v0+s2+$0x0], $0xffff  }
0x5bb: {  	v51 =	vadd.s32 $0x2710, v4;
	v4 =	vld.idx.msk [tilespmem:v4+s2+$0x0], $0xffff  }
0x5bc: {  	v55 =	vld.idx.msk [tilespmem:v5+s2+$0x0], $0xffff  }
0x5bd: {  	v61 =	vld.idx.msk [tilespmem:v54+s2+$0x0], $0xffff  }
0x5be: {  	v11 =	vld.idx.msk [tilespmem:v60+s2+$0x0], $0xffff  }
0x5bf: {  	v17 =	vld.idx.msk [tilespmem:v10+s2+$0x0], $0xffff  }
0x5c0: {  	v23 =	vld.idx.msk [tilespmem:v16+s2+$0x0], $0xffff  }
0x5c1: {  	v29 =	vld.idx.msk [tilespmem:v22+s2+$0x0], $0xffff  }
0x5c2: {  	v35 =	vld.idx.msk [tilespmem:v28+s2+$0x0], $0xffff  }
0x5c3: {  	v41 =	vld.idx.msk [tilespmem:v34+s2+$0x0], $0xffff  }
0x5c4: {  	v2 =	vadd.s32 $0x2710, v0;
	v14 =	vadd.s32 $0x2710, v10;
	v10 =	vld [tilespmem:s18+$0x162B0]  }
0x5c5: {  	v20 =	vadd.s32 $0x2710, v16;
	v16 =	vld [tilespmem:s18+$0x16440]  }
0x5c6: {  	v52 =	vadd.s32 $0x2710, v5;
	v26 =	vadd.s32 $0x2710, v22;
	v22 =	vld [tilespmem:s18+$0x165D0]  }
0x5c7: {  	v32 =	vadd.s32 $0x2710, v28;
	v28 =	vld [tilespmem:s18+$0x16760]  }
0x5c8: {  	v58 =	vadd.s32 $0x2710, v54;
	v38 =	vadd.s32 $0x2710, v34;
	v34 =	vld [tilespmem:s18+$0x168F0]  }
0x5c9: {  	v8 =	vadd.s32 $0x2710, v60;
	v47 =	vld.idx.msk [tilespmem:v2+s2+$0x0], $0xffff  }
0x5ca: {  	v0 =	vld.idx.msk [tilespmem:v51+s2+$0x0], $0xffff  }
0x5cb: {  	v56 =	vld.idx.msk [tilespmem:v52+s2+$0x0], $0xffff  }
0x5cc: {  	v2 =	vld.idx.msk [tilespmem:v53+s2+$0x0], $0xffff  }
0x5cd: {  	v62 =	vld.idx.msk [tilespmem:v58+s2+$0x0], $0xffff  }
0x5ce: {  	v12 =	vld.idx.msk [tilespmem:v8+s2+$0x0], $0xffff  }
0x5cf: {  	v18 =	vld.idx.msk [tilespmem:v14+s2+$0x0], $0xffff  }
0x5d0: {  	v44 =	vadd.s32 $0x2710, v40;
	v24 =	vld.idx.msk [tilespmem:v20+s2+$0x0], $0xffff  }
0x5d1: {  	v30 =	vld.idx.msk [tilespmem:v26+s2+$0x0], $0xffff  }
0x5d2: {  	v36 =	vld.idx.msk [tilespmem:v32+s2+$0x0], $0xffff  }
0x5d3: {  	v42 =	vld.idx.msk [tilespmem:v38+s2+$0x0], $0xffff  }
0x5d4: {  	v54 =	vadd.s32 $0x2710, v46;
	v51 =	vld.idx.msk [tilespmem:v40+s2+$0x0], $0xffff  }
0x5d5: {  	v52 =	vld.idx.msk [tilespmem:v44+s2+$0x0], $0xffff  }
0x5d6: {  	v40 =	vld [tilespmem:s18+$0x16A80]  }
0x5d7: {  	[tilespmem:$0x1D290] =	vst v4;
	v4 =	vld.idx.msk [tilespmem:v59+s2+$0x0], $0xffff  }
0x5d8: {  	[tilespmem:$0x1D2A0] =	vst v55;
	v55 =	vld [tilespmem:s18+$0x15F90]  }
0x5d9: {  	v58 =	vld.idx.msk [tilespmem:v54+s2+$0x0], $0xffff  }
0x5da: {  	[tilespmem:$0x1D2E0] =	vst v61;
	v61 =	vld [tilespmem:s18+$0x16120]  }
0x5db: {  	v57 =	vadd.s32 $0x2710, v53;
	[tilespmem:$0x1D320] =	vst v11;
	v11 =	vld [tilespmem:s18+$0x194B0]  }
0x5dc: {  	[tilespmem:$0x1D360] =	vst v17;
	v17 =	vld [tilespmem:s18+$0x19640]  }
0x5dd: {  	[tilespmem:$0x1D3A0] =	vst v23;
	v23 =	vld [tilespmem:s18+$0x197D0]  }
0x5de: {  	[tilespmem:$0x1D3E0] =	vst v29;
	v29 =	vld [tilespmem:s18+$0x19960]  }
0x5df: {  	[tilespmem:$0x1D420] =	vst v35;
	v35 =	vld [tilespmem:s18+$0x19AF0]  }
0x5e0: {  	[tilespmem:$0x1D2B0] =	vst v0;
	v0 =	vld.idx.msk [tilespmem:v57+s2+$0x0], $0xffff  }
0x5e1: {  	[tilespmem:$0x1D2D0] =	vst v2;
	v2 =	vld.idx.msk [tilespmem:v9+s2+$0x0], $0xffff  }
0x5e2: {  	[tilespmem:$0x1D2C0] =	vst v56;
	v56 =	vld [tilespmem:s18+$0x19190]  }
0x5e3: {  	v57 =	vld.idx.msk [tilespmem:v46+s2+$0x0], $0xffff  }
0x5e4: {  	[tilespmem:$0x1D300] =	vst v62;
	v62 =	vld [tilespmem:s18+$0x19320]  }
0x5e5: {  	v63 =	vadd.s32 $0x2710, v59;
	[tilespmem:$0x1D4A0] =	vst v51;
	v51 =	vld [tilespmem:s18+$0x16C10]  }
0x5e6: {  	[tilespmem:$0x1D4C0] =	vst v52;
	v52 =	vld [tilespmem:s18+$0x19E10]  }
0x5e7: {  	[tilespmem:$0x1D460] =	vst v41;
	v41 =	vld.idx.msk [tilespmem:v34+s2+$0x0], $0xffff  }
0x5e8: {  	[tilespmem:$0x1D310] =	vst v4;
	v4 =	vld.idx.msk [tilespmem:v15+s2+$0x0], $0xffff  }
0x5e9: {  	[tilespmem:$0x1D500] =	vst v58;
	v58 =	vld [tilespmem:s18+$0x16DA0]  }
0x5ea: {  	[tilespmem:$0x1D2F0] =	vst v0;
	v0 =	vld.idx.msk [tilespmem:v63+s2+$0x0], $0xffff  }
0x5eb: {  	[tilespmem:$0x1D350] =	vst v2;
	v2 =	vld.idx.msk [tilespmem:v21+s2+$0x0], $0xffff  }
0x5ec: {  	[tilespmem:$0x1D380] =	vst v18;
	v18 =	vld.idx.msk [tilespmem:v11+s2+$0x0], $0xffff  }
0x5ed: {  	[tilespmem:$0x1D3C0] =	vst v24;
	v24 =	vld.idx.msk [tilespmem:v17+s2+$0x0], $0xffff  }
0x5ee: {  	[tilespmem:$0x1D400] =	vst v30;
	v30 =	vld.idx.msk [tilespmem:v23+s2+$0x0], $0xffff  }
0x5ef: {  	[tilespmem:$0x1D440] =	vst v36;
	v36 =	vld.idx.msk [tilespmem:v29+s2+$0x0], $0xffff  }
0x5f0: {  	[tilespmem:$0x1D480] =	vst v42;
	v42 =	vld.idx.msk [tilespmem:v35+s2+$0x0], $0xffff  }
0x5f1: {  	v19 =	vadd.s32 $0x2710, v15;
	v15 =	vadd.s32 $0x2710, v11;
	v11 =	vld [tilespmem:s18+$0x16F30]  }
0x5f2: {  	v13 =	vadd.s32 $0x2710, v9;
	[tilespmem:$0x1D390] =	vst v4;
	v4 =	vld.idx.msk [tilespmem:v27+s2+$0x0], $0xffff  }
0x5f3: {  	v63 =	vld.idx.msk [tilespmem:v56+s2+$0x0], $0xffff  }
0x5f4: {  	[tilespmem:$0x1D340] =	vst v12;
	v60 =	vadd.s32 $0x2710, v56;
	v12 =	vld.idx.msk [tilespmem:v62+s2+$0x0], $0xffff  }
0x5f5: {  	v9 =	vadd.s32 $0x2710, v62;
	v62 =	vld.idx.msk [tilespmem:v6+s2+$0x0], $0xffff  }
0x5f6: {  	v31 =	vadd.s32 $0x2710, v27;
	v27 =	vadd.s32 $0x2710, v23;
	v23 =	vld [tilespmem:s18+$0x173E0]  }
0x5f7: {  	[tilespmem:$0x1D330] =	vst v0;
	v0 =	vld.idx.msk [tilespmem:v13+s2+$0x0], $0xffff  }
0x5f8: {  	[tilespmem:$0x1D3D0] =	vst v2;
	v2 =	vld.idx.msk [tilespmem:v33+s2+$0x0], $0xffff  }
0x5f9: {  	v7 =	vld.idx.msk [tilespmem:v60+s2+$0x0], $0xffff  }
0x5fa: {  	v13 =	vld.idx.msk [tilespmem:v9+s2+$0x0], $0xffff  }
0x5fb: {  	v60 =	vld.idx.msk [tilespmem:v52+s2+$0x0], $0xffff  }
0x5fc: {  	[tilespmem:$0x1D5E0] =	vst v24;
	v24 =	vld [tilespmem:s18+$0x1A5E0]  }
0x5fd: {  	[tilespmem:$0x1D410] =	vst v4;
	v4 =	vld.idx.msk [tilespmem:v39+s2+$0x0], $0xffff  }
0x5fe: {  	[tilespmem:$0x1D520] =	vst v63;
	v63 =	vld.idx.msk [tilespmem:v51+s2+$0x0], $0xffff  }
0x5ff: {  	v56 =	vadd.s32 $0x2710, v51;
	[tilespmem:$0x1D560] =	vst v12;
	v12 =	vld [tilespmem:s18+$0x1A130]  }
0x600: {  	v51 =	vld [tilespmem:s18+$0x1A900]  }
0x601: {  	[tilespmem:$0x1D370] =	vst v0;
	v0 =	vld.idx.msk [tilespmem:v19+s2+$0x0], $0xffff  }
0x602: {  	[tilespmem:$0x1D450] =	vst v2;
	v2 =	vld.idx.msk [tilespmem:v45+s2+$0x0], $0xffff  }
0x603: {  	v43 =	vadd.s32 $0x2710, v39;
	v39 =	vadd.s32 $0x2710, v35;
	v19 =	vld.idx.msk [tilespmem:v15+s2+$0x0], $0xffff  }
0x604: {  	v46 =	vadd.s32 $0x2710, v6;
	[tilespmem:$0x1D540] =	vst v7;
	v7 =	vld.idx.msk [tilespmem:v56+s2+$0x0], $0xffff  }
0x605: {  	v25 =	vadd.s32 $0x2710, v21;
	v15 =	vld [tilespmem:s18+$0x170C0]  }
0x606: {  	v56 =	vld [tilespmem:s18+$0x1AA90]  }
0x607: {  	v21 =	vadd.s32 $0x2710, v17;
	[tilespmem:$0x1D490] =	vst v4;
	v4 =	vld.idx.msk [tilespmem:v55+s2+$0x0], $0xffff  }
0x608: {  	v53 =	vadd.s32 $0x2710, v45;
	v45 =	vadd.s32 $0x2710, v40;
	v44 =	vld.idx.msk [tilespmem:v39+s2+$0x0], $0xffff  }
0x609: {  	v59 =	vadd.s32 $0x2710, v55;
	[tilespmem:$0x1D580] =	vst v13;
	v13 =	vadd.s32 $0x2710, v11;
	v55 =	vld.idx.msk [tilespmem:v46+s2+$0x0], $0xffff  }
0x60a: {  	[tilespmem:$0x1D3B0] =	vst v0;
	v0 =	vld.idx.msk [tilespmem:v25+s2+$0x0], $0xffff  }
0x60b: {  	[tilespmem:$0x1D4D0] =	vst v2;
	v2 =	vld.idx.msk [tilespmem:v61+s2+$0x0], $0xffff  }
0x60c: {  	v25 =	vld.idx.msk [tilespmem:v21+s2+$0x0], $0xffff  }
0x60d: {  	v54 =	vld.idx.msk [tilespmem:v45+s2+$0x0], $0xffff  }
0x60e: {  	v8 =	vadd.s32 $0x2710, v61;
	v61 =	vld.idx.msk [tilespmem:v13+s2+$0x0], $0xffff  }
0x60f: {  	[tilespmem:$0x1D5C0] =	vst v19;
	v19 =	vld [tilespmem:s18+$0x17250]  }
0x610: {  	v37 =	vadd.s32 $0x2710, v33;
	[tilespmem:$0x1D3F0] =	vst v0;
	v0 =	vld.idx.msk [tilespmem:v31+s2+$0x0], $0xffff  }
0x611: {  	v45 =	vld [tilespmem:s18+$0x17700]  }
0x612: {  	[tilespmem:$0x1D700] =	vst v7;
	v7 =	vld [tilespmem:s18+$0x1AF40]  }
0x613: {  	v13 =	vld.idx.msk [tilespmem:v51+s2+$0x0], $0xffff  }
0x614: {  	[tilespmem:$0x1D510] =	vst v4;
	v4 =	vld.idx.msk [tilespmem:v10+s2+$0x0], $0xffff  }
0x615: {  	[tilespmem:$0x1D430] =	vst v0;
	v0 =	vld.idx.msk [tilespmem:v37+s2+$0x0], $0xffff  }
0x616: {  	[tilespmem:$0x1D690] =	vst v41;
	v41 =	vld.idx.msk [tilespmem:v15+s2+$0x0], $0xffff  }
0x617: {  	v17 =	vadd.s32 $0x2710, v15;
	[tilespmem:$0x1D6F0] =	vst v55;
	v55 =	vld [tilespmem:s18+$0x17890]  }
0x618: {  	[tilespmem:$0x1D550] =	vst v2;
	v2 =	vld.idx.msk [tilespmem:v16+s2+$0x0], $0xffff  }
0x619: {  	v31 =	vld.idx.msk [tilespmem:v27+s2+$0x0], $0xffff  }
0x61a: {  	[tilespmem:$0x1D470] =	vst v0;
	v0 =	vld.idx.msk [tilespmem:v43+s2+$0x0], $0xffff  }
0x61b: {  	v20 =	vadd.s32 $0x2710, v16;
	v16 =	vld [tilespmem:s18+$0x1A2C0]  }
0x61c: {  	v46 =	vld.idx.msk [tilespmem:v17+s2+$0x0], $0xffff  }
0x61d: {  	v33 =	vadd.s32 $0x2710, v29;
	[tilespmem:$0x1D600] =	vst v25;
	v27 =	vld [tilespmem:s18+$0x17570]  }
0x61e: {  	[tilespmem:$0x1D6E0] =	vst v54;
	v54 =	vadd.s32 $0x2710, v51;
	v51 =	vld [tilespmem:s18+$0x17BB0]  }
0x61f: {  	[tilespmem:$0x1D4B0] =	vst v0;
	v0 =	vld.idx.msk [tilespmem:v53+s2+$0x0], $0xffff  }
0x620: {  	[tilespmem:$0x1D590] =	vst v4;
	v4 =	vld.idx.msk [tilespmem:v22+s2+$0x0], $0xffff  }
0x621: {  	v25 =	vadd.s32 $0x2710, v23;
	[tilespmem:$0x1D5D0] =	vst v2;
	v2 =	vld.idx.msk [tilespmem:v28+s2+$0x0], $0xffff  }
0x622: {  	v37 =	vld.idx.msk [tilespmem:v33+s2+$0x0], $0xffff  }
0x623: {  	[tilespmem:$0x1D640] =	vst v31;
	v31 =	vld.idx.msk [tilespmem:v19+s2+$0x0], $0xffff  }
0x624: {  	[tilespmem:$0x1D4F0] =	vst v0;
	v0 =	vld.idx.msk [tilespmem:v59+s2+$0x0], $0xffff  }
0x625: {  	v32 =	vadd.s32 $0x2710, v28;
	v28 =	vld [tilespmem:s18+$0x1A770]  }
0x626: {  	v38 =	vadd.s32 $0x2710, v34;
	v39 =	vld.idx.msk [tilespmem:v25+s2+$0x0], $0xffff  }
0x627: {  	v21 =	vadd.s32 $0x2710, v19;
	v19 =	vld.idx.msk [tilespmem:v55+s2+$0x0], $0xffff  }
0x628: {  	[tilespmem:$0x1D5A0] =	vst v18;
	v25 =	vld.idx.msk [tilespmem:v27+s2+$0x0], $0xffff  }
0x629: {  	v14 =	vadd.s32 $0x2710, v10;
	[tilespmem:$0x1D530] =	vst v0;
	v0 =	vld.idx.msk [tilespmem:v8+s2+$0x0], $0xffff  }
0x62a: {  	[tilespmem:$0x1D620] =	vst v30;
	v18 =	vadd.s32 $0x2710, v16;
	v30 =	vadd.s32 $0x2710, v27;
	v27 =	vld.idx.msk [tilespmem:v54+s2+$0x0], $0xffff  }
0x62b: {  	v43 =	vld.idx.msk [tilespmem:v38+s2+$0x0], $0xffff  }
0x62c: {  	[tilespmem:$0x1D680] =	vst v37;
	v37 =	vld.idx.msk [tilespmem:v12+s2+$0x0], $0xffff  }
0x62d: {  	v38 =	vld.idx.msk [tilespmem:v16+s2+$0x0], $0xffff  }
0x62e: {  	[tilespmem:$0x1D570] =	vst v0;
	v0 =	vld.idx.msk [tilespmem:v14+s2+$0x0], $0xffff  }
0x62f: {  	[tilespmem:$0x1D6A0] =	vst v42;
	v42 =	vld.idx.msk [tilespmem:v18+s2+$0x0], $0xffff  }
0x630: {  	v54 =	vadd.s32 $0x2710, v51;
	v16 =	vld.idx.msk [tilespmem:v45+s2+$0x0], $0xffff  }
0x631: {  	v53 =	vld.idx.msk [tilespmem:v40+s2+$0x0], $0xffff  }
0x632: {  	v59 =	vld [tilespmem:s18+$0x19FA0]  }
0x633: {  	v26 =	vadd.s32 $0x2710, v22;
	[tilespmem:$0x1D5B0] =	vst v0;
	v0 =	vld.idx.msk [tilespmem:v20+s2+$0x0], $0xffff  }
0x634: {  	v9 =	vadd.s32 $0x2710, v58;
	[tilespmem:$0x1D6B0] =	vst v43;
	v43 =	vld.idx.msk [tilespmem:v21+s2+$0x0], $0xffff  }
0x635: {  	[tilespmem:$0x1D4E0] =	vst v57;
	v57 =	vadd.s32 $0x2710, v52;
	v21 =	vld.idx.msk [tilespmem:v54+s2+$0x0], $0xffff  }
0x636: {  	v54 =	vld [tilespmem:s18+$0x14E70]  }
0x637: {  	[tilespmem:$0x1D6D0] =	vst v53;
	v53 =	vld.idx.msk [tilespmem:v58+s2+$0x0], $0xffff;
	v10 =	vadd.s32 $0x2710, v59  }
0x638: {  	[tilespmem:$0x1D5F0] =	vst v0;
	v0 =	vld.idx.msk [tilespmem:v26+s2+$0x0], $0xffff  }
0x639: {  	v58 =	vld.idx.msk [tilespmem:v9+s2+$0x0], $0xffff  }
0x63a: {  	v8 =	vld.idx.msk [tilespmem:v57+s2+$0x0], $0xffff;
	v26 =	vadd.s32 $0x2710, v24  }
0x63b: {  	[tilespmem:$0x1D6C0] =	vst v44;
	v44 =	vld.idx.msk [tilespmem:v59+s2+$0x0], $0xffff  }
0x63c: {  	v34 =	vadd.s32 $0x2710, v28;
	v57 =	vld.idx.msk [tilespmem:v10+s2+$0x0], $0xffff  }
0x63d: {  	v52 =	vadd.s32 $0x2710, v45;
	[tilespmem:$0x1D630] =	vst v0;
	v0 =	vld.idx.msk [tilespmem:v32+s2+$0x0], $0xffff  }
0x63e: {  	v32 =	vld.idx.msk [tilespmem:v24+s2+$0x0], $0xffff  }
0x63f: {  	v33 =	vld.idx.msk [tilespmem:v26+s2+$0x0], $0xffff  }
0x640: {  	v14 =	vadd.s32 $0x2710, v12;
	v26 =	vld [tilespmem:s18+$0x1AC20]  }
0x641: {  	v24 =	vld.idx.msk [tilespmem:v34+s2+$0x0], $0xffff  }
0x642: {  	v34 =	vld.idx.msk [tilespmem:v52+s2+$0x0], $0xffff  }
0x643: {  	v10 =	vadd.s32 $0x2710, v56;
	v52 =	vld [tilespmem:s18+$0x1ADB0]  }
0x644: {  	v20 =	vld [tilespmem:s18+$0x1A450]  }
0x645: {  	v59 =	vld.idx.msk [tilespmem:v14+s2+$0x0], $0xffff;
	v45 =	vadd.s32 $0x2710, v26  }
0x646: {  	v14 =	vld.idx.msk [tilespmem:v56+s2+$0x0], $0xffff  }
0x647: {  	v56 =	vld [tilespmem:s18+$0x17D40]  }
0x648: {  	v9 =	vadd.s32 $0x2710, v55;
	v17 =	vld.idx.msk [tilespmem:v10+s2+$0x0], $0xffff;
	v55 =	vadd.s32 $0x2710, v52  }
0x649: {  	v10 =	vld.idx.msk [tilespmem:v26+s2+$0x0], $0xffff  }
0x64a: {  	v26 =	vld.idx.msk [tilespmem:v45+s2+$0x0], $0xffff  }
0x64b: {  	v45 =	vld [tilespmem:s18+$0x1B0D0]  }
0x64c: {  	v12 =	vadd.s32 $0x2710, v56;
	v29 =	vld.idx.msk [tilespmem:v20+s2+$0x0], $0xffff  }
0x64d: {  	v15 =	vadd.s32 $0x2710, v7;
	v22 =	vadd.s32 $0x2710, v20;
	v20 =	vld.idx.msk [tilespmem:v55+s2+$0x0], $0xffff  }
0x64e: {  	v55 =	vld [tilespmem:s18+$0x18070]  }
0x64f: {  	[tilespmem:$0x1D710] =	vst v8;
	v8 =	vld [tilespmem:s18+$0x17ED0]  }
0x650: {  	v6 =	vld.idx.msk [tilespmem:v56+s2+$0x0], $0xffff  }
0x651: {  	v18 =	vld.idx.msk [tilespmem:v12+s2+$0x0], $0xffff  }
0x652: {  	v12 =	vld.idx.msk [tilespmem:v15+s2+$0x0], $0xffff  }
0x653: {  	[tilespmem:$0x1D650] =	vst v2;
	v15 =	vadd.s32 $0x2710, v45;
	v2 =	vld.idx.msk [tilespmem:v45+s2+$0x0], $0xffff;
	v45 =	vadd.s32 $0x2710, v55  }
0x654: {  	v56 =	vld [tilespmem:s18+$0x15000]  }
0x655: {  	v3 =	vadd.s32 $0x2710, v1;
	v35 =	vld.idx.msk [tilespmem:v22+s2+$0x0], $0xffff  }
0x656: {  	v22 =	vld.idx.msk [tilespmem:v9+s2+$0x0], $0xffff  }
0x657: {  	v9 =	vld.idx.msk [tilespmem:v51+s2+$0x0], $0xffff  }
0x658: {  	v51 =	vadd.s32 $0x2710, v8;
	[tilespmem:$0x1D670] =	vst v0;
	v0 =	vld.idx.msk [tilespmem:v45+s2+$0x0], $0xffff  }
0x659: {  	v49 =	vld.idx.msk [tilespmem:v1+s2+$0x0], $0xffff  }
0x65a: {  	v50 =	vld.idx.msk [tilespmem:v3+s2+$0x0], $0xffff  }
0x65b: {  	[tilespmem:$0x1D610] =	vst v4;
	v4 =	vld.idx.msk [tilespmem:v7+s2+$0x0], $0xffff  }
0x65c: {  	v3 =	vld.idx.msk [tilespmem:v8+s2+$0x0], $0xffff  }
0x65d: {  	v8 =	vld.idx.msk [tilespmem:v51+s2+$0x0], $0xffff;
	[tilespmem:$0x1D760] =	vst v0;
	v0 =	vadd.s32 $0x2710, v56  }
0x65e: {  	v51 =	vld [tilespmem:s18+$0x18200]  }
0x65f: {  	v7 =	vld.idx.msk [tilespmem:v15+s2+$0x0], $0xffff  }
0x660: {  	v15 =	vld.idx.msk [tilespmem:v54+s2+$0x0], $0xffff  }
0x661: {  	v1 =	vadd.s32 $0x2710, v54;
	v54 =	vld [tilespmem:s18+$0x15190]  }
0x662: {  	v0 =	vld.idx.msk [tilespmem:v0+s2+$0x0], $0xffff  }
0x663: {  	v55 =	vld.idx.msk [tilespmem:v55+s2+$0x0], $0xffff;
	_ =	sdelay $0x1  }
0x664: {  	[tilespmem:$0x1D720] =	vst v15;
	v15 =	vadd.s32 $0x2710, v51  }
0x665: {  	v5 =	vld.idx.msk [tilespmem:v52+s2+$0x0], $0xffff  }
0x666: {  	v52 =	vld.idx.msk [tilespmem:v51+s2+$0x0], $0xffff;
	[tilespmem:$0x1D780] =	vst v0;
	v0 =	vadd.s32 $0x2710, v54  }
0x667: {  	[tilespmem:$0x1D730] =	vst v55;
	v55 =	vld [tilespmem:s18+$0x18390]  }
0x668: {  	v45 =	vld.idx.msk [tilespmem:v56+s2+$0x0], $0xffff  }
0x669: {  	v56 =	vld.idx.msk [tilespmem:v15+s2+$0x0], $0xffff  }
0x66a: {  	v51 =	vld [tilespmem:s18+$0x15320]  }
0x66b: {  	v0 =	vld.idx.msk [tilespmem:v0+s2+$0x0], $0xffff  }
0x66c: {  	v15 =	vadd.s32 $0x2710, v55  }
0x66d: {  	[tilespmem:$0x1D750] =	vst v52;
	v52 =	vld.idx.msk [tilespmem:v54+s2+$0x0], $0xffff  }
0x66e: {  	[tilespmem:$0x1D790] =	vst v56;
	v56 =	vld [tilespmem:s18+$0x18520]  }
0x66f: {  	v54 =	vld.idx.msk [tilespmem:v55+s2+$0x0], $0xffff  }
0x670: {  	[tilespmem:$0x1D7C0] =	vst v0;
	v0 =	vadd.s32 $0x2710, v51  }
0x671: {  	v55 =	vld.idx.msk [tilespmem:v15+s2+$0x0], $0xffff;
	_ =	sdelay $0x2  }
0x672: {  	[tilespmem:$0x1D7B0] =	vst v54;
	v54 =	vld [tilespmem:s18+$0x154B0]  }
0x673: {  	v0 =	vld.idx.msk [tilespmem:v0+s2+$0x0], $0xffff  }
0x674: {  	v15 =	vadd.s32 $0x2710, v56;
	[tilespmem:$0x1D7D0] =	vst v55;
	v55 =	vld [tilespmem:s18+$0x186B0]  }
0x675: {  	[tilespmem:$0x1D7A0] =	vst v52;
	v52 =	vld.idx.msk [tilespmem:v56+s2+$0x0], $0xffff  }
0x676: {  	v51 =	vld.idx.msk [tilespmem:v51+s2+$0x0], $0xffff  }
0x677: {  	[tilespmem:$0x1D740] =	vst v45  }
0x678: {  	v45 =	vld [tilespmem:$0x1D290];
	[tilespmem:$0x1D800] =	vst v0;
	v0 =	vadd.s32 $0x2710, v54  }
0x679: {  	v56 =	vld.idx.msk [tilespmem:v15+s2+$0x0], $0xffff;
	v15 =	vadd.s32 $0x2710, v55  }
0x67a: {  	[tilespmem:$0x1D7F0] =	vst v52;
	v52 =	vld.idx.msk [tilespmem:v54+s2+$0x0], $0xffff  }
0x67b: {  	[tilespmem:$0x1D7E0] =	vst v51;
	v51 =	vld [tilespmem:s18+$0x15640]  }
0x67c: {  	v54 =	vld.idx.msk [tilespmem:v55+s2+$0x0], $0xffff  }
0x67d: {  	v0 =	vld.idx.msk [tilespmem:v0+s2+$0x0], $0xffff  }
0x67e: {  	v55 =	vld.idx.msk [tilespmem:v15+s2+$0x0], $0xffff  }
0x67f: {  	v15 =	vld [tilespmem:$0x1D2A0];
	_ =	sdelay $0x1  }
0x680: {  	[tilespmem:$0x1D810] =	vst v56  }
0x681: {  	v56 =	vld [tilespmem:s18+$0x18840];
	[tilespmem:$0x1D840] =	vst v0;
	v0 =	vadd.s32 $0x2710, v51  }
0x682: {  	[tilespmem:$0x1D820] =	vst v52;
	v52 =	vsub.bf16 v48, v49;
	v48 =	vld.idx.msk [tilespmem:v51+s2+$0x0], $0xffff  }
0x683: {  	v49 =	vsub.bf16 v45, v15;
	v15 =	vld [tilespmem:$0x1D2C0]  }
0x684: {  	v51 =	vsub.bf16 v47, v50;
	v50 =	vld [tilespmem:$0x1D2B0]  }
0x685: {  	v1 =	vld.idx.msk [tilespmem:v1+s2+$0x0], $0xffff  }
0x686: {  	v0 =	vld.idx.msk [tilespmem:v0+s2+$0x0], $0xffff;
	_ =	sdelay $0x1  }
0x687: {  	v49 =	vmax.bf16 v52, v49;
	v52 =	vld [tilespmem:$0x1D2D0]  }
0x688: {  	[tilespmem:$0x1D860] =	vst v48;
	v48 =	vld.idx.msk [tilespmem:v56+s2+$0x0], $0xffff;
	v50 =	vsub.bf16 v50, v15  }
0x689: {  	[tilespmem:$0x1D770] =	vst v1;
	v1 =	vadd.s32 $0x2710, v56;
	v56 =	vld [tilespmem:$0x1D2E0]  }
0x68a: {  	[tilespmem:$0x1D880] =	vst v0;
	v0 =	vmax.bf16 v51, v50;
	v50 =	vld [tilespmem:$0x1D2F0]  }
0x68b: {  	v51 =	vld [tilespmem:$0x1D300];
	_ =	sdelay $0x3  }
0x68c: {  	[tilespmem:$0x1D870] =	vst v48;
	v48 =	vld [tilespmem:$0x1D330];
	v15 =	vsub.bf16 v52, v56  }
0x68d: {  	v56 =	vld [tilespmem:$0x1D310];
	v50 =	vsub.bf16 v50, v51  }
0x68e: {  	v49 =	vmax.bf16 v49, v15;
	v15 =	vld [tilespmem:$0x1D320]  }
0x68f: {  	v0 =	vmax.bf16 v0, v50;
	v50 =	vld [tilespmem:$0x1D340];
	_ =	sdelay $0x3  }
0x690: {  	v51 =	vsub.bf16 v56, v15;
	v15 =	vld [tilespmem:$0x1D350]  }
0x691: {  	v50 =	vsub.bf16 v48, v50;
	v48 =	vld [tilespmem:$0x1D360]  }
0x692: {  	[tilespmem:$0x1D830] =	vst v54;
	v54 =	vld [tilespmem:s18+$0x157D0];
	_ =	sdelay $0x1  }
0x693: {  	v1 =	vld.idx.msk [tilespmem:v1+s2+$0x0], $0xffff  }
0x694: {  	v45 =	vld [tilespmem:$0x1D370]  }
0x695: {  	v47 =	vsub.bf16 v15, v48;
	v15 =	vld [tilespmem:$0x1D380];
	_ =	sdelay $0x3  }
0x696: {  	[tilespmem:$0x1D890] =	vst v1;
	v1 =	vadd.s32 $0x2710, v54;
	v54 =	vld.idx.msk [tilespmem:v54+s2+$0x0], $0xffff  }
0x697: {  	v49 =	vmax.bf16 v49, v51;
	v51 =	vsub.bf16 v45, v15;
	v45 =	vld [tilespmem:$0x1D390]  }
0x698: {  	v15 =	vld [tilespmem:$0x1D3A0];
	_ =	sdelay $0x1  }
0x699: {  	[tilespmem:$0x1D850] =	vst v55;
	v55 =	vld [tilespmem:s18+$0x189D0];
	_ =	sdelay $0x1  }
0x69a: {  	[tilespmem:$0x1D8A0] =	vst v54;
	v54 =	vld [tilespmem:$0x1D3C0]  }
0x69b: {  	v45 =	vsub.bf16 v45, v15;
	v15 =	vld [tilespmem:$0x1D3B0];
	_ =	sdelay $0x4  }
0x69c: {  	v47 =	vmax.bf16 v49, v47;
	v49 =	vsub.bf16 v15, v54;
	v15 =	vld.idx.msk [tilespmem:v55+s2+$0x0], $0xffff;
	_ =	sdelay $0x1  }
0x69d: {  	v52 =	vadd.s32 $0x2710, v55  }
0x69e: {  	v1 =	vld.idx.msk [tilespmem:v1+s2+$0x0], $0xffff  }
0x69f: {  	v55 =	vld [tilespmem:$0x1D3F0]  }
0x6a0: {  	[tilespmem:$0x1D8B0] =	vst v15;
	v15 =	vld [tilespmem:$0x1D400];
	_ =	sdelay $0x1  }
0x6a1: {  	v52 =	vld.idx.msk [tilespmem:v52+s2+$0x0], $0xffff  }
0x6a2: {  	v56 =	vld [tilespmem:s18+$0x15960];
	v0 =	vmax.bf16 v0, v50  }
0x6a3: {  	v0 =	vmax.bf16 v0, v51;
	v51 =	vld [tilespmem:$0x1D3D0]  }
0x6a4: {  	[tilespmem:$0x1D8C0] =	vst v1;
	v54 =	vld [tilespmem:$0x1D3E0];
	v1 =	vsub.bf16 v55, v15  }
0x6a5: {  	v0 =	vmax.bf16 v0, v49;
	v15 =	vld [tilespmem:$0x1D440]  }
0x6a6: {  	v0 =	vmax.bf16 v0, v1;
	v1 =	vld [tilespmem:$0x1D430]  }
0x6a7: {  	[tilespmem:$0x1D8D0] =	vst v52;
	v52 =	vld [tilespmem:$0x1D460]  }
0x6a8: {  	v48 =	vld [tilespmem:s18+$0x18B60]  }
0x6a9: {  	v45 =	vmax.bf16 v47, v45;
	v47 =	vsub.bf16 v51, v54;
	v54 =	vld [tilespmem:$0x1D410]  }
0x6aa: {  	v55 =	vld [tilespmem:$0x1D420]  }
0x6ab: {  	v1 =	vsub.bf16 v1, v15;
	v15 =	vld [tilespmem:$0x1D450];
	_ =	sdelay $0x2  }
0x6ac: {  	v49 =	vadd.s32 $0x2710, v56;
	v56 =	vld.idx.msk [tilespmem:v56+s2+$0x0], $0xffff  }
0x6ad: {  	v45 =	vmax.bf16 v45, v47;
	v47 =	vsub.bf16 v54, v55;
	v55 =	vld [tilespmem:$0x1D480]  }
0x6ae: {  	v52 =	vsub.bf16 v15, v52;
	v15 =	vld [tilespmem:$0x1D470];
	_ =	sdelay $0x1  }
0x6af: {  	v50 =	vadd.s32 $0x2710, v48;
	v48 =	vld.idx.msk [tilespmem:v48+s2+$0x0], $0xffff  }
0x6b0: {  	[tilespmem:$0x1D8E0] =	vst v56;
	v56 =	vld [tilespmem:$0x1D4B0];
	v45 =	vmax.bf16 v45, v47  }
0x6b1: {  	v0 =	vmax.bf16 v0, v1;
	v1 =	vmax.bf16 v45, v52;
	v52 =	vld [tilespmem:$0x1D4C0]  }
0x6b2: {  	v47 =	vsub.bf16 v15, v55;
	v15 =	vld [tilespmem:$0x1D490]  }
0x6b3: {  	v55 =	vld [tilespmem:$0x1D4A0];
	_ =	sdelay $0x1  }
0x6b4: {  	[tilespmem:$0x1D8F0] =	vst v48;
	v48 =	vld [tilespmem:$0x1D4E0]  }
0x6b5: {  	v45 =	vsub.bf16 v56, v52;
	v56 =	vld [tilespmem:$0x1D4D0];
	_ =	sdelay $0x1  }
0x6b6: {  	v52 =	vld.idx.msk [tilespmem:v49+s2+$0x0], $0xffff;
	v55 =	vsub.bf16 v15, v55  }
0x6b7: {  	v15 =	vld.idx.msk [tilespmem:v50+s2+$0x0], $0xffff  }
0x6b8: {  	v1 =	vmax.bf16 v1, v55;
	v55 =	vld [tilespmem:$0x1D4F0]  }
0x6b9: {  	v0 =	vmax.bf16 v0, v47;
	v47 =	vsub.bf16 v56, v48;
	v56 =	vld [tilespmem:$0x1D500];
	_ =	sdelay $0x1  }
0x6ba: {  	v51 =	vld [tilespmem:s18+$0x15AF0]  }
0x6bb: {  	[tilespmem:$0x1D900] =	vst v52;
	v52 =	vld [tilespmem:$0x1D530]  }
0x6bc: {  	[tilespmem:$0x1D910] =	vst v15;
	v15 =	vld [tilespmem:$0x1D550]  }
0x6bd: {  	v0 =	vmax.bf16 v0, v45;
	v45 =	vsub.bf16 v55, v56;
	v55 =	vld [tilespmem:$0x1D540]  }
0x6be: {  	v56 =	vld [tilespmem:$0x1D560]  }
0x6bf: {  	v49 =	vld [tilespmem:$0x1D510]  }
0x6c0: {  	v50 =	vld [tilespmem:$0x1D520];
	_ =	sdelay $0x1  }
0x6c1: {  	v48 =	vadd.s32 $0x2710, v51;
	v51 =	vld.idx.msk [tilespmem:v51+s2+$0x0], $0xffff  }
0x6c2: {  	v0 =	vmax.bf16 v0, v45;
	v45 =	vsub.bf16 v52, v55;
	v52 =	vsub.bf16 v15, v56;
	v15 =	vld [tilespmem:$0x1D570]  }
0x6c3: {  	v56 =	vld [tilespmem:$0x1D580]  }
0x6c4: {  	[tilespmem:$0x1D660] =	vst v36;
	v36 =	vld.idx.msk [tilespmem:v23+s2+$0x0], $0xffff;
	v1 =	vmax.bf16 v1, v47;
	v47 =	vsub.bf16 v49, v50  }
0x6c5: {  	v54 =	vld [tilespmem:s18+$0x18CF0]  }
0x6c6: {  	v1 =	vmax.bf16 v1, v47;
	[tilespmem:$0x1D920] =	vst v51;
	v51 =	vld [tilespmem:$0x1D5B0]  }
0x6c7: {  	v1 =	vmax.bf16 v1, v52;
	v52 =	vld [tilespmem:$0x1D5C0]  }
0x6c8: {  	v47 =	vsub.bf16 v15, v56;
	v15 =	vld [tilespmem:$0x1D590]  }
0x6c9: {  	v56 =	vld [tilespmem:$0x1D5A0]  }
0x6ca: {  	v30 =	vld.idx.msk [tilespmem:v30+s2+$0x0], $0xffff  }
0x6cb: {  	v40 =	vld.idx.msk [tilespmem:v11+s2+$0x0], $0xffff  }
0x6cc: {  	v11 =	vld [tilespmem:s18+$0x17A20]  }
0x6cd: {  	v0 =	vmax.bf16 v0, v45;
	v45 =	vsub.bf16 v51, v52;
	v51 =	vld [tilespmem:$0x1D5D0]  }
0x6ce: {  	v49 =	vadd.s32 $0x2710, v54;
	v56 =	vsub.bf16 v15, v56;
	v15 =	vld.idx.msk [tilespmem:v54+s2+$0x0], $0xffff  }
0x6cf: {  	v52 =	vld [tilespmem:$0x1D5E0]  }
0x6d0: {  	v54 =	vld [tilespmem:$0x1D5F0]  }
0x6d1: {  	v1 =	vmax.bf16 v1, v56;
	v56 =	vld [tilespmem:$0x1D600]  }
0x6d2: {  	v50 =	vld [tilespmem:s18+$0x15C80]  }
0x6d3: {  	[tilespmem:$0x1D930] =	vst v15;
	v15 =	vld.idx.msk [tilespmem:v49+s2+$0x0], $0xffff  }
0x6d4: {  	v48 =	vld.idx.msk [tilespmem:v48+s2+$0x0], $0xffff  }
0x6d5: {  	v0 =	vmax.bf16 v0, v47;
	v47 =	vsub.bf16 v51, v52;
	v52 =	vld [tilespmem:$0x1D630]  }
0x6d6: {  	v0 =	vmax.bf16 v0, v45;
	v45 =	vsub.bf16 v54, v56;
	v54 =	vld [tilespmem:$0x1D640]  }
0x6d7: {  	v56 =	vld [tilespmem:$0x1D660]  }
0x6d8: {  	[tilespmem:$0x1D950] =	vst v15;
	v15 =	vld [tilespmem:$0x1D650]  }
0x6d9: {  	v51 =	vld [tilespmem:$0x1D620]  }
0x6da: {  	v49 =	vld [tilespmem:$0x1D610]  }
0x6db: {  	v23 =	vld.idx.msk [tilespmem:v28+s2+$0x0], $0xffff  }
0x6dc: {  	[tilespmem:$0x1D940] =	vst v48;
	v48 =	vadd.s32 $0x2710, v50;
	v50 =	vld.idx.msk [tilespmem:v50+s2+$0x0], $0xffff  }
0x6dd: {  	v0 =	vmax.bf16 v0, v45;
	v45 =	vsub.bf16 v52, v54;
	v52 =	vsub.bf16 v15, v56;
	v15 =	vld [tilespmem:$0x1D670]  }
0x6de: {  	v56 =	vld [tilespmem:$0x1D680]  }
0x6df: {  	v55 =	vld [tilespmem:s18+$0x18E80];
	v1 =	vmax.bf16 v1, v47;
	v47 =	vsub.bf16 v49, v51  }
0x6e0: {  	v28 =	vadd.s32 $0x2710, v11;
	v11 =	vld.idx.msk [tilespmem:v11+s2+$0x0], $0xffff  }
0x6e1: {  	[tilespmem:$0x1D960] =	vst v50;
	v50 =	vld [tilespmem:$0x1D6B0];
	v1 =	vmax.bf16 v1, v47  }
0x6e2: {  	v1 =	vmax.bf16 v1, v52;
	v52 =	vld [tilespmem:$0x1D6C0]  }
0x6e3: {  	v47 =	vsub.bf16 v15, v56;
	v15 =	vld [tilespmem:$0x1D690]  }
0x6e4: {  	v56 =	vld [tilespmem:$0x1D6A0]  }
0x6e5: {  	v28 =	vld.idx.msk [tilespmem:v28+s2+$0x0], $0xffff  }
0x6e6: {  	v51 =	vld [tilespmem:s18+$0x15E10]  }
0x6e7: {  	v49 =	vadd.s32 $0x2710, v55;
	v55 =	vld.idx.msk [tilespmem:v55+s2+$0x0], $0xffff  }
0x6e8: {  	v0 =	vmax.bf16 v0, v45;
	v45 =	vsub.bf16 v50, v52;
	v50 =	vld [tilespmem:$0x1D6D0]  }
0x6e9: {  	v54 =	vld [tilespmem:s18+$0x19010];
	v56 =	vsub.bf16 v15, v56  }
0x6ea: {  	v0 =	vmax.bf16 v0, v47;
	v47 =	vsub.bf16 v63, v60;
	v60 =	vld [tilespmem:$0x1D710]  }
0x6eb: {  	v1 =	vmax.bf16 v1, v56;
	v56 =	vld.idx.msk [tilespmem:v48+s2+$0x0], $0xffff  }
0x6ec: {  	v48 =	vld [tilespmem:$0x1D6E0]  }
0x6ed: {  	v52 =	vsub.bf16 v50, v62;
	v50 =	vld [tilespmem:$0x1D6F0]  }
0x6ee: {  	v63 =	vld [tilespmem:s18+$0x191A0]  }
0x6ef: {  	v15 =	vsub.bf16 v58, v57;
	v58 =	vld [tilespmem:s18+$0x16130]  }
0x6f0: {  	v44 =	vsub.bf16 v53, v44;
	v1 =	vmax.bf16 v1, v52;
	v52 =	vld [tilespmem:$0x1D700]  }
0x6f1: {  	v38 =	vsub.bf16 v41, v38;
	v0 =	vmax.bf16 v0, v45;
	v62 =	vld.idx.msk [tilespmem:v49+s2+$0x0], $0xffff;
	v1 =	vmax.bf16 v1, v47  }
0x6f2: {  	v1 =	vmax.bf16 v1, v44;
	v44 =	vld.idx.msk [tilespmem:v54+s2+$0x0], $0xffff;
	v45 =	vsub.bf16 v48, v50;
	v48 =	vadd.s32 $0x2710, v51  }
0x6f3: {  	v13 =	vsub.bf16 v16, v13;
	v49 =	vadd.s32 $0x2710, v54;
	v54 =	vsub.bf16 v46, v42;
	v42 =	vld [tilespmem:s18+$0x16450]  }
0x6f4: {  	v23 =	vsub.bf16 v25, v23;
	v37 =	vsub.bf16 v40, v37;
	v46 =	vld [tilespmem:s18+$0x19650]  }
0x6f5: {  	v14 =	vsub.bf16 v19, v14;
	v50 =	vld [tilespmem:s18+$0x15FA0];
	v0 =	vmax.bf16 v0, v45;
	v45 =	vsub.bf16 v52, v60  }
0x6f6: {  	v29 =	vsub.bf16 v31, v29;
	v4 =	vsub.bf16 v6, v4;
	v51 =	vld.idx.msk [tilespmem:v51+s2+$0x0], $0xffff  }
0x6f7: {  	v57 =	vadd.s32 $0x2710, v63;
	v0 =	vmax.bf16 v0, v45;
	v45 =	vld.idx.msk [tilespmem:v48+s2+$0x0], $0xffff;
	v48 =	vsub.bf16 v61, v59  }
0x6f8: {  	v35 =	vsub.bf16 v43, v35;
	v17 =	vsub.bf16 v22, v17;
	v47 =	vld.idx.msk [tilespmem:v49+s2+$0x0], $0xffff;
	v0 =	vmax.bf16 v0, v15  }
0x6f9: {  	v10 =	vsub.bf16 v11, v10;
	v1 =	vmax.bf16 v1, v37;
	v22 =	vld.idx.msk [tilespmem:v58+s2+$0x0], $0xffff;
	v0 =	vmax.bf16 v0, v48  }
0x6fa: {  	v60 =	vsub.bf16 v36, v32;
	v32 =	vld [tilespmem:s18+$0x162C0];
	v61 =	vsub.bf16 v39, v33;
	v0 =	vmax.bf16 v0, v54  }
0x6fb: {  	v1 =	vmax.bf16 v1, v38;
	v33 =	vld.idx.msk [tilespmem:v63+s2+$0x0], $0xffff;
	v63 =	vsub.bf16 v30, v24;
	v0 =	vmax.bf16 v0, v35  }
0x6fc: {  	v1 =	vmax.bf16 v1, v29;
	v29 =	vld.idx.msk [tilespmem:v57+s2+$0x0], $0xffff;
	v35 =	vsub.bf16 v34, v27;
	v0 =	vmax.bf16 v0, v61  }
0x6fd: {  	v1 =	vmax.bf16 v1, v60;
	v53 =	vadd.s32 $0x2710, v50;
	v59 =	vld [tilespmem:s18+$0x19330];
	v0 =	vmax.bf16 v0, v63  }
0x6fe: {  	v5 =	vsub.bf16 v9, v5;
	v1 =	vmax.bf16 v1, v23;
	v0 =	vmax.bf16 v0, v35;
	v35 =	vld [tilespmem:$0x1E7E0]  }
0x6ff: {  	v41 =	vsub.bf16 v28, v26;
	v39 =	vld [tilespmem:s18+$0x194C0];
	v1 =	vmax.bf16 v1, v13;
	v43 =	vadd.s32 $0x2710, v32  }
0x700: {  	v2 =	vsub.bf16 v3, v2;
	v1 =	vmax.bf16 v1, v14;
	v48 =	vsub.bf16 v21, v20;
	v20 =	vld.idx.msk [tilespmem:v42+s2+$0x0], $0xffff  }
0x701: {  	v38 =	vadd.s32 $0x2710, v58;
	v52 =	vsub.bf16 v8, v7;
	v36 =	vld.idx.msk [tilespmem:v50+s2+$0x0], $0xffff;
	v1 =	vmax.bf16 v1, v10  }
0x702: {  	v50 =	vsub.bf16 v18, v12;
	v1 =	vmax.bf16 v1, v5;
	v24 =	vld.idx.msk [tilespmem:v53+s2+$0x0], $0xffff;
	v0 =	vmax.bf16 v0, v17  }
0x703: {  	v40 =	vadd.s32 $0x2710, v59;
	v1 =	vmax.bf16 v1, v4;
	v13 =	vld.idx.msk [tilespmem:v32+s2+$0x0], $0xffff;
	v0 =	vmax.bf16 v0, v41  }
0x704: {  	v49 =	vadd.s32 $0x2710, v39;
	v1 =	vmax.bf16 v1, v2;
	v19 =	vld.idx.msk [tilespmem:v43+s2+$0x0], $0xffff;
	v0 =	vmax.bf16 v0, v48  }
0x705: {  	v53 =	vunpack.i.l.bf16.f32 v1;
	v16 =	vld.idx.msk [tilespmem:v59+s2+$0x0], $0xffff;
	v0 =	vmax.bf16 v0, v50  }
0x706: {  	v54 =	vadd.s32 $0x2710, v42;
	v1 =	vunpack.i.u.bf16.f32 v1;
	v17 =	vld.idx.msk [tilespmem:v38+s2+$0x0], $0xffff;
	v0 =	vmax.bf16 v0, v52;
	[tilespmem:v35+s18+$0x0 ss:$0x1] =	vst.idx.msk $0xffff, v53  }
0x707: {  	v14 =	vld.idx.msk [tilespmem:v39+s2+$0x0], $0xffff;
	v57 =	vunpack.i.l.bf16.f32 v0;
	[tilespmem:v35+s18+$0x2710 ss:$0x1] =	vst.idx.msk $0xffff, v1  }
0x708: {  	v18 =	vld.idx.msk [tilespmem:v40+s2+$0x0], $0xffff;
	v0 =	vunpack.i.u.bf16.f32 v0;
	[tilespmem:v35+s18+$0x4E20 ss:$0x1] =	vst.idx.msk $0xffff, v57  }
0x709: {  	v58 =	vadd.s32 $0x2710, v46;
	v23 =	vld.idx.msk [tilespmem:v49+s2+$0x0], $0xffff;
	[tilespmem:v35+s18+$0x7530 ss:$0x1] =	vst.idx.msk $0xffff, v0  }
0x70a: {  	v25 =	vld.idx.msk [tilespmem:v46+s2+$0x0], $0xffff  }
0x70b: {  	v21 =	vld.idx.msk [tilespmem:v54+s2+$0x0], $0xffff  }
0x70c: {  	v59 =	vld [tilespmem:s18+$0x165E0]  }
0x70d: {  	v60 =	vld [tilespmem:s18+$0x197E0]  }
0x70e: {  	v27 =	vld.idx.msk [tilespmem:v58+s2+$0x0], $0xffff  }
0x70f: {  	v8 =	vld [tilespmem:s18+$0x16770]  }
0x710: {  	v9 =	vld [tilespmem:s18+$0x19970]  }
0x711: {  	v12 =	vld [tilespmem:s18+$0x16900]  }
0x712: {  	v15 =	vld [tilespmem:s18+$0x19B00]  }
0x713: {  	v53 =	vld [tilespmem:s18+$0x16A90]  }
0x714: {  	v54 =	vld [tilespmem:s18+$0x19C90]  }
0x715: {  	v3 =	vld [tilespmem:s18+$0x1A460]  }
0x716: {  	v30 =	vld.idx.msk [tilespmem:v59+s2+$0x0], $0xffff  }
0x717: {  	v31 =	vld.idx.msk [tilespmem:v60+s2+$0x0], $0xffff  }
0x718: {  	v34 =	vld.idx.msk [tilespmem:v8+s2+$0x0], $0xffff  }
0x719: {  	v38 =	vld.idx.msk [tilespmem:v9+s2+$0x0], $0xffff  }
0x71a: {  	v43 =	vld.idx.msk [tilespmem:v12+s2+$0x0], $0xffff  }
0x71b: {  	v50 =	vld.idx.msk [tilespmem:v15+s2+$0x0], $0xffff  }
0x71c: {  	v61 =	vadd.s32 $0x2710, v59;
	v59 =	vld [tilespmem:s18+$0x16C20]  }
0x71d: {  	v63 =	vadd.s32 $0x2710, v60;
	v60 =	vld [tilespmem:s18+$0x19E20]  }
0x71e: {  	v10 =	vadd.s32 $0x2710, v8;
	v8 =	vld [tilespmem:s18+$0x16DB0]  }
0x71f: {  	v11 =	vadd.s32 $0x2710, v9;
	v9 =	vld [tilespmem:s18+$0x19FB0]  }
0x720: {  	v46 =	vadd.s32 $0x2710, v12;
	v12 =	vld [tilespmem:s18+$0x16F40]  }
0x721: {  	v52 =	vadd.s32 $0x2710, v15;
	v15 =	vld [tilespmem:s18+$0x1A140]  }
0x722: {  	v26 =	vld.idx.msk [tilespmem:v61+s2+$0x0], $0xffff  }
0x723: {  	v28 =	vld.idx.msk [tilespmem:v63+s2+$0x0], $0xffff  }
0x724: {  	v32 =	vld.idx.msk [tilespmem:v10+s2+$0x0], $0xffff  }
0x725: {  	v57 =	vadd.s32 $0x2710, v53;
	v37 =	vld.idx.msk [tilespmem:v11+s2+$0x0], $0xffff  }
0x726: {  	v58 =	vadd.s32 $0x2710, v54;
	v39 =	vld.idx.msk [tilespmem:v46+s2+$0x0], $0xffff  }
0x727: {  	v40 =	vld.idx.msk [tilespmem:v52+s2+$0x0], $0xffff  }
0x728: {  	v46 =	vld.idx.msk [tilespmem:v53+s2+$0x0], $0xffff  }
0x729: {  	v52 =	vld.idx.msk [tilespmem:v54+s2+$0x0], $0xffff  }
0x72a: {  	v41 =	vld.idx.msk [tilespmem:v57+s2+$0x0], $0xffff  }
0x72b: {  	v48 =	vld.idx.msk [tilespmem:v58+s2+$0x0], $0xffff  }
0x72c: {  	v53 =	vld.idx.msk [tilespmem:v59+s2+$0x0], $0xffff  }
0x72d: {  	v63 =	vadd.s32 $0x2710, v60;
	v54 =	vld.idx.msk [tilespmem:v60+s2+$0x0], $0xffff  }
0x72e: {  	v10 =	vadd.s32 $0x2710, v8;
	v58 =	vld.idx.msk [tilespmem:v8+s2+$0x0], $0xffff  }
0x72f: {  	v60 =	vld.idx.msk [tilespmem:v9+s2+$0x0], $0xffff  }
0x730: {  	v61 =	vadd.s32 $0x2710, v59;
	v11 =	vadd.s32 $0x2710, v9;
	v9 =	vld [tilespmem:s18+$0x170D0]  }
0x731: {  	v2 =	vld.idx.msk [tilespmem:v12+s2+$0x0], $0xffff  }
0x732: {  	v49 =	vld.idx.msk [tilespmem:v63+s2+$0x0], $0xffff  }
0x733: {  	v57 =	vld.idx.msk [tilespmem:v10+s2+$0x0], $0xffff  }
0x734: {  	v63 =	vadd.s32 $0x2710, v12;
	v10 =	vld [tilespmem:s18+$0x1A2D0]  }
0x735: {  	v8 =	vadd.s32 $0x2710, v15;
	v42 =	vld.idx.msk [tilespmem:v61+s2+$0x0], $0xffff  }
0x736: {  	v59 =	vld.idx.msk [tilespmem:v11+s2+$0x0], $0xffff  }
0x737: {  	v11 =	vld.idx.msk [tilespmem:v15+s2+$0x0], $0xffff  }
0x738: {  	[tilespmem:$0x1D970] =	vst v2;
	v12 =	vadd.s32 $0x2710, v9;
	v2 =	vld [tilespmem:s18+$0x17260]  }
0x739: {  	v61 =	vld.idx.msk [tilespmem:v63+s2+$0x0], $0xffff  }
0x73a: {  	v63 =	vld.idx.msk [tilespmem:v8+s2+$0x0], $0xffff;
	v15 =	vadd.s32 $0x2710, v10  }
0x73b: {  	v4 =	vld.idx.msk [tilespmem:v9+s2+$0x0], $0xffff  }
0x73c: {  	v8 =	vld.idx.msk [tilespmem:v10+s2+$0x0], $0xffff  }
0x73d: {  	v0 =	vld.idx.msk [tilespmem:v12+s2+$0x0], $0xffff  }
0x73e: {  	v12 =	vld [tilespmem:s18+$0x173F0]  }
0x73f: {  	v9 =	vld.idx.msk [tilespmem:v15+s2+$0x0], $0xffff  }
0x740: {  	v10 =	vadd.s32 $0x2710, v2;
	v15 =	vld [tilespmem:s18+$0x1A5F0]  }
0x741: {  	v2 =	vld.idx.msk [tilespmem:v2+s2+$0x0], $0xffff  }
0x742: {  	[tilespmem:$0x1D980] =	vst v11;
	v11 =	vadd.s32 $0x2710, v3  }
0x743: {  	v6 =	vld.idx.msk [tilespmem:v3+s2+$0x0], $0xffff  }
0x744: {  	v3 =	vld [tilespmem:s18+$0x1A780];
	[tilespmem:$0x1D9A0] =	vst v8  }
0x745: {  	[tilespmem:$0x1D9B0] =	vst v0;
	v0 =	vld.idx.msk [tilespmem:v10+s2+$0x0], $0xffff;
	v8 =	vadd.s32 $0x2710, v12  }
0x746: {  	[tilespmem:$0x1D9D0] =	vst v2;
	v2 =	vld [tilespmem:s18+$0x17580]  }
0x747: {  	v7 =	vld.idx.msk [tilespmem:v11+s2+$0x0], $0xffff;
	[tilespmem:$0x1D9C0] =	vst v9;
	v9 =	vadd.s32 $0x2710, v15  }
0x748: {  	[tilespmem:$0x1D990] =	vst v4;
	v4 =	vld.idx.msk [tilespmem:v12+s2+$0x0], $0xffff  }
0x749: {  	v10 =	vld.idx.msk [tilespmem:v15+s2+$0x0], $0xffff  }
0x74a: {  	[tilespmem:$0x1D9F0] =	vst v0;
	v0 =	vld.idx.msk [tilespmem:v8+s2+$0x0], $0xffff  }
0x74b: {  	v8 =	vld [tilespmem:s18+$0x17710]  }
0x74c: {  	v11 =	vld.idx.msk [tilespmem:v9+s2+$0x0], $0xffff  }
0x74d: {  	v15 =	vadd.s32 $0x2710, v3;
	v9 =	vld [tilespmem:s18+$0x1A910]  }
0x74e: {  	v12 =	vadd.s32 $0x2710, v2;
	v2 =	vld.idx.msk [tilespmem:v2+s2+$0x0], $0xffff;
	_ =	sdelay $0x1  }
0x74f: {  	[tilespmem:$0x1DA20] =	vst v10;
	v10 =	vld.idx.msk [tilespmem:v3+s2+$0x0], $0xffff  }
0x750: {  	v3 =	vld [tilespmem:s18+$0x1AAA0]  }
0x751: {  	[tilespmem:$0x1DA40] =	vst v11;
	v11 =	vld.idx.msk [tilespmem:v15+s2+$0x0], $0xffff;
	v15 =	vadd.s32 $0x2710, v9  }
0x752: {  	[tilespmem:$0x1DA50] =	vst v2;
	v2 =	vld [tilespmem:s18+$0x178A0]  }
0x753: {  	[tilespmem:$0x1DA30] =	vst v0;
	v0 =	vld.idx.msk [tilespmem:v12+s2+$0x0], $0xffff;
	v12 =	vadd.s32 $0x2710, v8  }
0x754: {  	[tilespmem:$0x1DA10] =	vst v4;
	v4 =	vld.idx.msk [tilespmem:v8+s2+$0x0], $0xffff  }
0x755: {  	v8 =	vld.idx.msk [tilespmem:v9+s2+$0x0], $0xffff  }
0x756: {  	v9 =	vld.idx.msk [tilespmem:v15+s2+$0x0], $0xffff  }
0x757: {  	v15 =	vld [tilespmem:s18+$0x1AC30]  }
0x758: {  	[tilespmem:$0x1DA70] =	vst v0;
	v0 =	vld.idx.msk [tilespmem:v12+s2+$0x0], $0xffff  }
0x759: {  	[tilespmem:$0x1DA80] =	vst v11;
	v11 =	vadd.s32 $0x2710, v3;
	v12 =	vld [tilespmem:s18+$0x17A30]  }
0x75a: {  	[tilespmem:$0x1DA60] =	vst v10;
	v10 =	vadd.s32 $0x2710, v2;
	v2 =	vld.idx.msk [tilespmem:v2+s2+$0x0], $0xffff  }
0x75b: {  	[tilespmem:$0x1D9E0] =	vst v6  }
0x75c: {  	[tilespmem:$0x1DA00] =	vst v7;
	v6 =	vld.idx.msk [tilespmem:v3+s2+$0x0], $0xffff  }
0x75d: {  	v3 =	vld [tilespmem:s18+$0x1ADC0];
	[tilespmem:$0x1DAA0] =	vst v8  }
0x75e: {  	[tilespmem:$0x1DAC0] =	vst v9;
	v7 =	vld.idx.msk [tilespmem:v11+s2+$0x0], $0xffff;
	v9 =	vadd.s32 $0x2710, v15  }
0x75f: {  	[tilespmem:$0x1DAD0] =	vst v2;
	v2 =	vld [tilespmem:s18+$0x17BC0]  }
0x760: {  	[tilespmem:$0x1DAB0] =	vst v0;
	v8 =	vadd.s32 $0x2710, v12;
	v0 =	vld.idx.msk [tilespmem:v10+s2+$0x0], $0xffff  }
0x761: {  	[tilespmem:$0x1DA90] =	vst v4;
	v4 =	vld.idx.msk [tilespmem:v12+s2+$0x0], $0xffff  }
0x762: {  	v10 =	vld.idx.msk [tilespmem:v15+s2+$0x0], $0xffff  }
0x763: {  	v11 =	vld.idx.msk [tilespmem:v9+s2+$0x0], $0xffff  }
0x764: {  	v9 =	vld [tilespmem:s18+$0x1AF50]  }
0x765: {  	[tilespmem:$0x1DAF0] =	vst v0;
	v0 =	vld.idx.msk [tilespmem:v8+s2+$0x0], $0xffff  }
0x766: {  	v15 =	vadd.s32 $0x2710, v3;
	v8 =	vld [tilespmem:s18+$0x17D50]  }
0x767: {  	v12 =	vadd.s32 $0x2710, v2;
	v2 =	vld.idx.msk [tilespmem:v2+s2+$0x0], $0xffff;
	_ =	sdelay $0x1  }
0x768: {  	[tilespmem:$0x1DB20] =	vst v10;
	v10 =	vld.idx.msk [tilespmem:v3+s2+$0x0], $0xffff  }
0x769: {  	v3 =	vld [tilespmem:s18+$0x1B0E0]  }
0x76a: {  	[tilespmem:$0x1DB40] =	vst v11;
	v11 =	vld.idx.msk [tilespmem:v15+s2+$0x0], $0xffff;
	v15 =	vadd.s32 $0x2710, v9  }
0x76b: {  	[tilespmem:$0x1DB50] =	vst v2;
	v2 =	vld [tilespmem:s18+$0x17EE0]  }
0x76c: {  	[tilespmem:$0x1DB30] =	vst v0;
	v0 =	vld.idx.msk [tilespmem:v12+s2+$0x0], $0xffff  }
0x76d: {  	[tilespmem:$0x1DB10] =	vst v4;
	v12 =	vadd.s32 $0x2710, v8;
	v4 =	vld.idx.msk [tilespmem:v8+s2+$0x0], $0xffff  }
0x76e: {  	v8 =	vld.idx.msk [tilespmem:v9+s2+$0x0], $0xffff  }
0x76f: {  	v9 =	vld.idx.msk [tilespmem:v15+s2+$0x0], $0xffff  }
0x770: {  	v15 =	vld [tilespmem:s18+$0x18080]  }
0x771: {  	[tilespmem:$0x1DB80] =	vst v11  }
0x772: {  	v11 =	vadd.s32 $0x2710, v3;
	[tilespmem:$0x1DB70] =	vst v0;
	v0 =	vld.idx.msk [tilespmem:v12+s2+$0x0], $0xffff  }
0x773: {  	[tilespmem:$0x1DB60] =	vst v10;
	v10 =	vadd.s32 $0x2710, v2;
	v2 =	vld.idx.msk [tilespmem:v2+s2+$0x0], $0xffff  }
0x774: {  	[tilespmem:$0x1DAE0] =	vst v6;
	v12 =	vld [tilespmem:s18+$0x14E80]  }
0x775: {  	v6 =	vld.idx.msk [tilespmem:v3+s2+$0x0], $0xffff;
	[tilespmem:$0x1DBC0] =	vst v9;
	v9 =	vadd.s32 $0x2710, v15  }
0x776: {  	[tilespmem:$0x1DB00] =	vst v7;
	v3 =	vld [tilespmem:s18+$0x18210]  }
0x777: {  	v7 =	vld.idx.msk [tilespmem:v11+s2+$0x0], $0xffff;
	[tilespmem:$0x1DBA0] =	vst v8  }
0x778: {  	[tilespmem:$0x1DBD0] =	vst v2;
	v2 =	vld [tilespmem:s18+$0x15010]  }
0x779: {  	[tilespmem:$0x1DBB0] =	vst v0;
	v8 =	vadd.s32 $0x2710, v12;
	v0 =	vld.idx.msk [tilespmem:v10+s2+$0x0], $0xffff  }
0x77a: {  	v11 =	vld.idx.msk [tilespmem:v9+s2+$0x0], $0xffff  }
0x77b: {  	v9 =	vld [tilespmem:s18+$0x183A0]  }
0x77c: {  	[tilespmem:$0x1DB90] =	vst v4;
	v4 =	vld.idx.msk [tilespmem:v12+s2+$0x0], $0xffff  }
0x77d: {  	v10 =	vld.idx.msk [tilespmem:v15+s2+$0x0], $0xffff  }
0x77e: {  	v15 =	vadd.s32 $0x2710, v3;
	[tilespmem:$0x1DC70] =	vst v0;
	v0 =	vld.idx.msk [tilespmem:v8+s2+$0x0], $0xffff  }
0x77f: {  	v8 =	vld [tilespmem:s18+$0x151A0]  }
0x780: {  	v12 =	vadd.s32 $0x2710, v2;
	v2 =	vld.idx.msk [tilespmem:v2+s2+$0x0], $0xffff;
	_ =	sdelay $0x1  }
0x781: {  	[tilespmem:$0x1DC00] =	vst v10;
	v10 =	vld.idx.msk [tilespmem:v3+s2+$0x0], $0xffff  }
0x782: {  	[tilespmem:$0x1DC20] =	vst v11;
	v11 =	vld.idx.msk [tilespmem:v15+s2+$0x0], $0xffff  }
0x783: {  	v15 =	vadd.s32 $0x2710, v9;
	v3 =	vld [tilespmem:s18+$0x18530]  }
0x784: {  	[tilespmem:$0x1DC30] =	vst v2;
	v2 =	vld [tilespmem:s18+$0x15330]  }
0x785: {  	[tilespmem:$0x1DC10] =	vst v0;
	v0 =	vld.idx.msk [tilespmem:v12+s2+$0x0], $0xffff  }
0x786: {  	[tilespmem:$0x1DBF0] =	vst v4;
	v12 =	vadd.s32 $0x2710, v8;
	v4 =	vld.idx.msk [tilespmem:v8+s2+$0x0], $0xffff  }
0x787: {  	v8 =	vld.idx.msk [tilespmem:v9+s2+$0x0], $0xffff  }
0x788: {  	v9 =	vld.idx.msk [tilespmem:v15+s2+$0x0], $0xffff  }
0x789: {  	v15 =	vld [tilespmem:s18+$0x186C0]  }
0x78a: {  	[tilespmem:$0x1DC60] =	vst v11  }
0x78b: {  	v11 =	vadd.s32 $0x2710, v3;
	[tilespmem:$0x1DC50] =	vst v0;
	v0 =	vld.idx.msk [tilespmem:v12+s2+$0x0], $0xffff  }
0x78c: {  	[tilespmem:$0x1DC40] =	vst v10;
	v10 =	vadd.s32 $0x2710, v2;
	v2 =	vld.idx.msk [tilespmem:v2+s2+$0x0], $0xffff  }
0x78d: {  	[tilespmem:$0x1DBE0] =	vst v6;
	v12 =	vld [tilespmem:s18+$0x154C0]  }
0x78e: {  	v6 =	vld.idx.msk [tilespmem:v3+s2+$0x0], $0xffff;
	[tilespmem:$0x1DCC0] =	vst v9;
	v9 =	vadd.s32 $0x2710, v15  }
0x78f: {  	[tilespmem:$0x1DC80] =	vst v7;
	v3 =	vld [tilespmem:s18+$0x18850]  }
0x790: {  	v7 =	vld.idx.msk [tilespmem:v11+s2+$0x0], $0xffff;
	[tilespmem:$0x1DCA0] =	vst v8  }
0x791: {  	[tilespmem:$0x1DCD0] =	vst v2;
	v2 =	vld [tilespmem:s18+$0x15650]  }
0x792: {  	[tilespmem:$0x1DCB0] =	vst v0;
	v8 =	vadd.s32 $0x2710, v12;
	v0 =	vld.idx.msk [tilespmem:v10+s2+$0x0], $0xffff  }
0x793: {  	v11 =	vld.idx.msk [tilespmem:v9+s2+$0x0], $0xffff  }
0x794: {  	v9 =	vld [tilespmem:s18+$0x189E0]  }
0x795: {  	[tilespmem:$0x1DC90] =	vst v4;
	v4 =	vld.idx.msk [tilespmem:v12+s2+$0x0], $0xffff  }
0x796: {  	v10 =	vld.idx.msk [tilespmem:v15+s2+$0x0], $0xffff  }
0x797: {  	v15 =	vadd.s32 $0x2710, v3;
	[tilespmem:$0x1DCF0] =	vst v0;
	v0 =	vld.idx.msk [tilespmem:v8+s2+$0x0], $0xffff  }
0x798: {  	v8 =	vld [tilespmem:s18+$0x157E0]  }
0x799: {  	v12 =	vadd.s32 $0x2710, v2;
	v2 =	vld.idx.msk [tilespmem:v2+s2+$0x0], $0xffff;
	_ =	sdelay $0x1  }
0x79a: {  	[tilespmem:$0x1DD20] =	vst v10;
	v10 =	vld.idx.msk [tilespmem:v3+s2+$0x0], $0xffff  }
0x79b: {  	[tilespmem:$0x1DD40] =	vst v11;
	v11 =	vld.idx.msk [tilespmem:v15+s2+$0x0], $0xffff  }
0x79c: {  	v15 =	vadd.s32 $0x2710, v9;
	v3 =	vld [tilespmem:s18+$0x18B70]  }
0x79d: {  	[tilespmem:$0x1DD50] =	vst v2;
	v2 =	vld [tilespmem:s18+$0x15970]  }
0x79e: {  	[tilespmem:$0x1DD30] =	vst v0;
	v0 =	vld.idx.msk [tilespmem:v12+s2+$0x0], $0xffff  }
0x79f: {  	[tilespmem:$0x1DD10] =	vst v4;
	v12 =	vadd.s32 $0x2710, v8;
	v4 =	vld.idx.msk [tilespmem:v8+s2+$0x0], $0xffff  }
0x7a0: {  	v8 =	vld.idx.msk [tilespmem:v9+s2+$0x0], $0xffff  }
0x7a1: {  	v9 =	vld.idx.msk [tilespmem:v15+s2+$0x0], $0xffff  }
0x7a2: {  	v15 =	vld [tilespmem:s18+$0x18D00]  }
0x7a3: {  	[tilespmem:$0x1DD80] =	vst v11  }
0x7a4: {  	v11 =	vadd.s32 $0x2710, v3;
	[tilespmem:$0x1DD70] =	vst v0;
	v0 =	vld.idx.msk [tilespmem:v12+s2+$0x0], $0xffff  }
0x7a5: {  	[tilespmem:$0x1DD60] =	vst v10;
	v10 =	vadd.s32 $0x2710, v2;
	v2 =	vld.idx.msk [tilespmem:v2+s2+$0x0], $0xffff  }
0x7a6: {  	[tilespmem:$0x1DCE0] =	vst v6;
	v12 =	vld [tilespmem:s18+$0x15B00]  }
0x7a7: {  	v6 =	vld.idx.msk [tilespmem:v3+s2+$0x0], $0xffff;
	[tilespmem:$0x1DDC0] =	vst v9;
	v9 =	vadd.s32 $0x2710, v15  }
0x7a8: {  	[tilespmem:$0x1DD00] =	vst v7;
	v3 =	vld [tilespmem:s18+$0x18E90]  }
0x7a9: {  	v7 =	vld.idx.msk [tilespmem:v11+s2+$0x0], $0xffff;
	[tilespmem:$0x1DDA0] =	vst v8  }
0x7aa: {  	[tilespmem:$0x1DDD0] =	vst v2;
	v2 =	vld [tilespmem:s18+$0x15C90]  }
0x7ab: {  	[tilespmem:$0x1DDB0] =	vst v0;
	v8 =	vadd.s32 $0x2710, v12;
	v0 =	vld.idx.msk [tilespmem:v10+s2+$0x0], $0xffff  }
0x7ac: {  	v11 =	vld.idx.msk [tilespmem:v9+s2+$0x0], $0xffff  }
0x7ad: {  	v9 =	vld [tilespmem:s18+$0x19020]  }
0x7ae: {  	[tilespmem:$0x1DD90] =	vst v4;
	v4 =	vld.idx.msk [tilespmem:v12+s2+$0x0], $0xffff  }
0x7af: {  	v10 =	vld.idx.msk [tilespmem:v15+s2+$0x0], $0xffff  }
0x7b0: {  	v15 =	vadd.s32 $0x2710, v3;
	[tilespmem:$0x1DDF0] =	vst v0;
	v0 =	vld.idx.msk [tilespmem:v8+s2+$0x0], $0xffff  }
0x7b1: {  	v8 =	vld [tilespmem:s18+$0x15E20]  }
0x7b2: {  	v12 =	vadd.s32 $0x2710, v2;
	v2 =	vld.idx.msk [tilespmem:v2+s2+$0x0], $0xffff;
	_ =	sdelay $0x1  }
0x7b3: {  	[tilespmem:$0x1DE20] =	vst v10;
	v10 =	vld.idx.msk [tilespmem:v3+s2+$0x0], $0xffff  }
0x7b4: {  	[tilespmem:$0x1DE40] =	vst v11;
	v11 =	vld.idx.msk [tilespmem:v15+s2+$0x0], $0xffff  }
0x7b5: {  	v15 =	vadd.s32 $0x2710, v9;
	v3 =	vld [tilespmem:s18+$0x191B0]  }
0x7b6: {  	[tilespmem:$0x1DE50] =	vst v2;
	v2 =	vld [tilespmem:s18+$0x15FB0]  }
0x7b7: {  	[tilespmem:$0x1DE30] =	vst v0;
	v0 =	vld.idx.msk [tilespmem:v12+s2+$0x0], $0xffff  }
0x7b8: {  	[tilespmem:$0x1DE10] =	vst v4;
	v12 =	vadd.s32 $0x2710, v8;
	v4 =	vld.idx.msk [tilespmem:v8+s2+$0x0], $0xffff  }
0x7b9: {  	v8 =	vld.idx.msk [tilespmem:v9+s2+$0x0], $0xffff  }
0x7ba: {  	v9 =	vld.idx.msk [tilespmem:v15+s2+$0x0], $0xffff  }
0x7bb: {  	v15 =	vld [tilespmem:s18+$0x19340]  }
0x7bc: {  	[tilespmem:$0x1DE80] =	vst v11  }
0x7bd: {  	v11 =	vadd.s32 $0x2710, v3;
	[tilespmem:$0x1DE70] =	vst v0;
	v0 =	vld.idx.msk [tilespmem:v12+s2+$0x0], $0xffff  }
0x7be: {  	[tilespmem:$0x1DE60] =	vst v10;
	v10 =	vadd.s32 $0x2710, v2;
	v2 =	vld.idx.msk [tilespmem:v2+s2+$0x0], $0xffff  }
0x7bf: {  	[tilespmem:$0x1DDE0] =	vst v6;
	v12 =	vld [tilespmem:s18+$0x16140]  }
0x7c0: {  	v6 =	vld.idx.msk [tilespmem:v3+s2+$0x0], $0xffff;
	[tilespmem:$0x1DEC0] =	vst v9;
	v9 =	vadd.s32 $0x2710, v15  }
0x7c1: {  	[tilespmem:$0x1DE00] =	vst v7;
	v3 =	vld [tilespmem:s18+$0x194D0]  }
0x7c2: {  	v7 =	vld.idx.msk [tilespmem:v11+s2+$0x0], $0xffff;
	[tilespmem:$0x1DEA0] =	vst v8  }
0x7c3: {  	[tilespmem:$0x1DED0] =	vst v2;
	v2 =	vld [tilespmem:s18+$0x162D0]  }
0x7c4: {  	[tilespmem:$0x1DEB0] =	vst v0;
	v8 =	vadd.s32 $0x2710, v12;
	v0 =	vld.idx.msk [tilespmem:v10+s2+$0x0], $0xffff  }
0x7c5: {  	v11 =	vld.idx.msk [tilespmem:v9+s2+$0x0], $0xffff  }
0x7c6: {  	v9 =	vld [tilespmem:s18+$0x19660]  }
0x7c7: {  	[tilespmem:$0x1DE90] =	vst v4;
	v4 =	vld.idx.msk [tilespmem:v12+s2+$0x0], $0xffff  }
0x7c8: {  	v10 =	vld.idx.msk [tilespmem:v15+s2+$0x0], $0xffff  }
0x7c9: {  	v15 =	vadd.s32 $0x2710, v3;
	[tilespmem:$0x1DEF0] =	vst v0;
	v0 =	vld.idx.msk [tilespmem:v8+s2+$0x0], $0xffff  }
0x7ca: {  	v8 =	vld [tilespmem:s18+$0x16460]  }
0x7cb: {  	v12 =	vadd.s32 $0x2710, v2;
	v2 =	vld.idx.msk [tilespmem:v2+s2+$0x0], $0xffff;
	_ =	sdelay $0x1  }
0x7cc: {  	[tilespmem:$0x1DF20] =	vst v10;
	v10 =	vld.idx.msk [tilespmem:v3+s2+$0x0], $0xffff  }
0x7cd: {  	[tilespmem:$0x1DF40] =	vst v11;
	v11 =	vld.idx.msk [tilespmem:v15+s2+$0x0], $0xffff  }
0x7ce: {  	v15 =	vadd.s32 $0x2710, v9;
	v3 =	vld [tilespmem:s18+$0x197F0]  }
0x7cf: {  	[tilespmem:$0x1DF50] =	vst v2;
	v2 =	vld [tilespmem:s18+$0x165F0]  }
0x7d0: {  	[tilespmem:$0x1DF30] =	vst v0;
	v0 =	vld.idx.msk [tilespmem:v12+s2+$0x0], $0xffff  }
0x7d1: {  	[tilespmem:$0x1DF10] =	vst v4;
	v12 =	vadd.s32 $0x2710, v8;
	v4 =	vld.idx.msk [tilespmem:v8+s2+$0x0], $0xffff  }
0x7d2: {  	v8 =	vld.idx.msk [tilespmem:v9+s2+$0x0], $0xffff  }
0x7d3: {  	v9 =	vld.idx.msk [tilespmem:v15+s2+$0x0], $0xffff  }
0x7d4: {  	v15 =	vld [tilespmem:s18+$0x19980]  }
0x7d5: {  	[tilespmem:$0x1DF80] =	vst v11  }
0x7d6: {  	v11 =	vadd.s32 $0x2710, v3;
	[tilespmem:$0x1DF70] =	vst v0;
	v0 =	vld.idx.msk [tilespmem:v12+s2+$0x0], $0xffff  }
0x7d7: {  	[tilespmem:$0x1DF60] =	vst v10;
	v10 =	vadd.s32 $0x2710, v2;
	v2 =	vld.idx.msk [tilespmem:v2+s2+$0x0], $0xffff  }
0x7d8: {  	[tilespmem:$0x1DEE0] =	vst v6;
	v12 =	vld [tilespmem:s18+$0x16780]  }
0x7d9: {  	v6 =	vld.idx.msk [tilespmem:v3+s2+$0x0], $0xffff;
	[tilespmem:$0x1DFC0] =	vst v9;
	v9 =	vadd.s32 $0x2710, v15  }
0x7da: {  	[tilespmem:$0x1DF00] =	vst v7;
	v3 =	vld [tilespmem:s18+$0x19B10]  }
0x7db: {  	v7 =	vld.idx.msk [tilespmem:v11+s2+$0x0], $0xffff;
	[tilespmem:$0x1DFA0] =	vst v8  }
0x7dc: {  	[tilespmem:$0x1DFD0] =	vst v2;
	v2 =	vld [tilespmem:s18+$0x16910]  }
0x7dd: {  	[tilespmem:$0x1DFB0] =	vst v0;
	v8 =	vadd.s32 $0x2710, v12;
	v0 =	vld.idx.msk [tilespmem:v10+s2+$0x0], $0xffff  }
0x7de: {  	v11 =	vld.idx.msk [tilespmem:v9+s2+$0x0], $0xffff  }
0x7df: {  	v9 =	vld [tilespmem:s18+$0x19CA0]  }
0x7e0: {  	[tilespmem:$0x1DF90] =	vst v4;
	v4 =	vld.idx.msk [tilespmem:v12+s2+$0x0], $0xffff  }
0x7e1: {  	v10 =	vld.idx.msk [tilespmem:v15+s2+$0x0], $0xffff  }
0x7e2: {  	v15 =	vadd.s32 $0x2710, v3;
	[tilespmem:$0x1DFF0] =	vst v0;
	v0 =	vld.idx.msk [tilespmem:v8+s2+$0x0], $0xffff  }
0x7e3: {  	v8 =	vld [tilespmem:s18+$0x16AA0]  }
0x7e4: {  	v12 =	vadd.s32 $0x2710, v2;
	v2 =	vld.idx.msk [tilespmem:v2+s2+$0x0], $0xffff;
	_ =	sdelay $0x1  }
0x7e5: {  	[tilespmem:$0x1E020] =	vst v10;
	v10 =	vld.idx.msk [tilespmem:v3+s2+$0x0], $0xffff  }
0x7e6: {  	[tilespmem:$0x1E040] =	vst v11;
	v11 =	vld.idx.msk [tilespmem:v15+s2+$0x0], $0xffff  }
0x7e7: {  	v15 =	vadd.s32 $0x2710, v9;
	v3 =	vld [tilespmem:s18+$0x19E30]  }
0x7e8: {  	[tilespmem:$0x1E050] =	vst v2;
	v2 =	vld [tilespmem:s18+$0x16C30]  }
0x7e9: {  	[tilespmem:$0x1E030] =	vst v0;
	v0 =	vld.idx.msk [tilespmem:v12+s2+$0x0], $0xffff  }
0x7ea: {  	[tilespmem:$0x1E010] =	vst v4;
	v12 =	vadd.s32 $0x2710, v8;
	v4 =	vld.idx.msk [tilespmem:v8+s2+$0x0], $0xffff  }
0x7eb: {  	v8 =	vld.idx.msk [tilespmem:v9+s2+$0x0], $0xffff  }
0x7ec: {  	v9 =	vld.idx.msk [tilespmem:v15+s2+$0x0], $0xffff  }
0x7ed: {  	v15 =	vld [tilespmem:s18+$0x19FC0]  }
0x7ee: {  	[tilespmem:$0x1E080] =	vst v11  }
0x7ef: {  	v11 =	vadd.s32 $0x2710, v3;
	[tilespmem:$0x1E070] =	vst v0;
	v0 =	vld.idx.msk [tilespmem:v12+s2+$0x0], $0xffff  }
0x7f0: {  	[tilespmem:$0x1E060] =	vst v10;
	v10 =	vadd.s32 $0x2710, v2;
	v2 =	vld.idx.msk [tilespmem:v2+s2+$0x0], $0xffff  }
0x7f1: {  	[tilespmem:$0x1DFE0] =	vst v6;
	v12 =	vld [tilespmem:s18+$0x16DC0]  }
0x7f2: {  	v6 =	vld.idx.msk [tilespmem:v3+s2+$0x0], $0xffff;
	[tilespmem:$0x1E0C0] =	vst v9;
	v9 =	vadd.s32 $0x2710, v15  }
0x7f3: {  	[tilespmem:$0x1E000] =	vst v7;
	v3 =	vld [tilespmem:s18+$0x1A150]  }
0x7f4: {  	v7 =	vld.idx.msk [tilespmem:v11+s2+$0x0], $0xffff;
	[tilespmem:$0x1E0A0] =	vst v8  }
0x7f5: {  	[tilespmem:$0x1E0D0] =	vst v2;
	v2 =	vld [tilespmem:s18+$0x16F50]  }
0x7f6: {  	[tilespmem:$0x1E0B0] =	vst v0;
	v8 =	vadd.s32 $0x2710, v12;
	v0 =	vld.idx.msk [tilespmem:v10+s2+$0x0], $0xffff  }
0x7f7: {  	v11 =	vld.idx.msk [tilespmem:v9+s2+$0x0], $0xffff  }
0x7f8: {  	v9 =	vld [tilespmem:s18+$0x1A2E0]  }
0x7f9: {  	[tilespmem:$0x1E090] =	vst v4;
	v4 =	vld.idx.msk [tilespmem:v12+s2+$0x0], $0xffff  }
0x7fa: {  	v10 =	vld.idx.msk [tilespmem:v15+s2+$0x0], $0xffff  }
0x7fb: {  	v15 =	vadd.s32 $0x2710, v3;
	[tilespmem:$0x1E0F0] =	vst v0;
	v0 =	vld.idx.msk [tilespmem:v8+s2+$0x0], $0xffff  }
0x7fc: {  	v8 =	vld [tilespmem:s18+$0x170E0]  }
0x7fd: {  	v12 =	vadd.s32 $0x2710, v2;
	v2 =	vld.idx.msk [tilespmem:v2+s2+$0x0], $0xffff;
	_ =	sdelay $0x1  }
0x7fe: {  	[tilespmem:$0x1E120] =	vst v10;
	v10 =	vld.idx.msk [tilespmem:v3+s2+$0x0], $0xffff  }
0x7ff: {  	[tilespmem:$0x1E140] =	vst v11;
	v11 =	vld.idx.msk [tilespmem:v15+s2+$0x0], $0xffff  }
0x800: {  	v15 =	vadd.s32 $0x2710, v9;
	v3 =	vld [tilespmem:s18+$0x1A470]  }
0x801: {  	[tilespmem:$0x1E150] =	vst v2;
	v2 =	vld [tilespmem:s18+$0x17270]  }
0x802: {  	[tilespmem:$0x1E130] =	vst v0;
	v0 =	vld.idx.msk [tilespmem:v12+s2+$0x0], $0xffff;
	v12 =	vadd.s32 $0x2710, v8  }
0x803: {  	[tilespmem:$0x1E110] =	vst v4;
	v4 =	vld.idx.msk [tilespmem:v8+s2+$0x0], $0xffff  }
0x804: {  	v8 =	vld.idx.msk [tilespmem:v9+s2+$0x0], $0xffff  }
0x805: {  	v9 =	vld.idx.msk [tilespmem:v15+s2+$0x0], $0xffff  }
0x806: {  	v15 =	vld [tilespmem:s18+$0x1A600]  }
0x807: {  	[tilespmem:$0x1E170] =	vst v0;
	v0 =	vld.idx.msk [tilespmem:v12+s2+$0x0], $0xffff  }
0x808: {  	[tilespmem:$0x1E160] =	vst v10;
	v12 =	vld [tilespmem:s18+$0x17400];
	v10 =	vadd.s32 $0x2710, v2  }
0x809: {  	[tilespmem:$0x1E0E0] =	vst v6;
	v2 =	vld.idx.msk [tilespmem:v2+s2+$0x0], $0xffff  }
0x80a: {  	[tilespmem:$0x1E180] =	vst v11;
	v11 =	vadd.s32 $0x2710, v3  }
0x80b: {  	v6 =	vld.idx.msk [tilespmem:v3+s2+$0x0], $0xffff;
	[tilespmem:$0x1E1C0] =	vst v9;
	v9 =	vadd.s32 $0x2710, v15  }
0x80c: {  	v3 =	vld [tilespmem:s18+$0x1A790];
	[tilespmem:$0x1E1A0] =	vst v8  }
0x80d: {  	[tilespmem:$0x1E1B0] =	vst v0;
	v0 =	vld.idx.msk [tilespmem:v10+s2+$0x0], $0xffff  }
0x80e: {  	v8 =	vadd.s32 $0x2710, v12;
	[tilespmem:$0x1E1D0] =	vst v2;
	v2 =	vld [tilespmem:s18+$0x17590]  }
0x80f: {  	[tilespmem:$0x1E100] =	vst v7;
	v7 =	vld.idx.msk [tilespmem:v11+s2+$0x0], $0xffff  }
0x810: {  	v11 =	vld.idx.msk [tilespmem:v9+s2+$0x0], $0xffff  }
0x811: {  	v9 =	vld [tilespmem:s18+$0x1A920]  }
0x812: {  	v10 =	vld.idx.msk [tilespmem:v15+s2+$0x0], $0xffff  }
0x813: {  	v15 =	vadd.s32 $0x2710, v3;
	[tilespmem:$0x1E1F0] =	vst v0;
	v0 =	vld.idx.msk [tilespmem:v8+s2+$0x0], $0xffff  }
0x814: {  	v8 =	vld [tilespmem:s18+$0x17720]  }
0x815: {  	[tilespmem:$0x1E190] =	vst v4;
	v4 =	vld.idx.msk [tilespmem:v12+s2+$0x0], $0xffff;
	v12 =	vadd.s32 $0x2710, v2  }
0x816: {  	v2 =	vld.idx.msk [tilespmem:v2+s2+$0x0], $0xffff  }
0x817: {  	[tilespmem:$0x1E220] =	vst v10;
	v10 =	vld.idx.msk [tilespmem:v3+s2+$0x0], $0xffff  }
0x818: {  	[tilespmem:$0x1E240] =	vst v11;
	v11 =	vld.idx.msk [tilespmem:v15+s2+$0x0], $0xffff  }
0x819: {  	v15 =	vadd.s32 $0x2710, v9;
	v3 =	vld [tilespmem:s18+$0x1AAB0]  }
0x81a: {  	[tilespmem:$0x1E230] =	vst v0;
	v0 =	vld.idx.msk [tilespmem:v12+s2+$0x0], $0xffff  }
0x81b: {  	v12 =	vadd.s32 $0x2710, v8;
	[tilespmem:$0x1E250] =	vst v2;
	v2 =	vld [tilespmem:s18+$0x178B0]  }
0x81c: {  	[tilespmem:$0x1E210] =	vst v4;
	v4 =	vld.idx.msk [tilespmem:v8+s2+$0x0], $0xffff  }
0x81d: {  	v8 =	vld.idx.msk [tilespmem:v9+s2+$0x0], $0xffff  }
0x81e: {  	v9 =	vld.idx.msk [tilespmem:v15+s2+$0x0], $0xffff  }
0x81f: {  	v15 =	vld [tilespmem:s18+$0x1AC40]  }
0x820: {  	[tilespmem:$0x1E270] =	vst v0;
	v0 =	vld.idx.msk [tilespmem:v12+s2+$0x0], $0xffff  }
0x821: {  	[tilespmem:$0x1E260] =	vst v10;
	v12 =	vld [tilespmem:s18+$0x17A40];
	v10 =	vadd.s32 $0x2710, v2  }
0x822: {  	[tilespmem:$0x1E280] =	vst v11;
	v11 =	vadd.s32 $0x2710, v3  }
0x823: {  	[tilespmem:$0x1E1E0] =	vst v6;
	v2 =	vld.idx.msk [tilespmem:v2+s2+$0x0], $0xffff  }
0x824: {  	v6 =	vld.idx.msk [tilespmem:v3+s2+$0x0], $0xffff;
	[tilespmem:$0x1E2C0] =	vst v9;
	v9 =	vadd.s32 $0x2710, v15  }
0x825: {  	v3 =	vld [tilespmem:s18+$0x1ADD0];
	[tilespmem:$0x1E2A0] =	vst v8  }
0x826: {  	[tilespmem:$0x1E2B0] =	vst v0;
	v8 =	vadd.s32 $0x2710, v12;
	v0 =	vld.idx.msk [tilespmem:v10+s2+$0x0], $0xffff  }
0x827: {  	[tilespmem:$0x1E200] =	vst v7;
	v7 =	vld.idx.msk [tilespmem:v11+s2+$0x0], $0xffff  }
0x828: {  	[tilespmem:$0x1E2D0] =	vst v2;
	v2 =	vld [tilespmem:s18+$0x17BD0]  }
0x829: {  	v11 =	vld.idx.msk [tilespmem:v9+s2+$0x0], $0xffff  }
0x82a: {  	v10 =	vld.idx.msk [tilespmem:v15+s2+$0x0], $0xffff  }
0x82b: {  	[tilespmem:$0x1E2F0] =	vst v0;
	v0 =	vld.idx.msk [tilespmem:v8+s2+$0x0], $0xffff  }
0x82c: {  	v15 =	vadd.s32 $0x2710, v3;
	v8 =	vld [tilespmem:s18+$0x17D60]  }
0x82d: {  	v9 =	vld [tilespmem:s18+$0x1AF60]  }
0x82e: {  	[tilespmem:$0x1E290] =	vst v4;
	v4 =	vld.idx.msk [tilespmem:v12+s2+$0x0], $0xffff;
	v12 =	vadd.s32 $0x2710, v2  }
0x82f: {  	[tilespmem:$0x1E320] =	vst v10;
	v10 =	vld.idx.msk [tilespmem:v3+s2+$0x0], $0xffff  }
0x830: {  	v2 =	vld.idx.msk [tilespmem:v2+s2+$0x0], $0xffff  }
0x831: {  	[tilespmem:$0x1E340] =	vst v11;
	v11 =	vld.idx.msk [tilespmem:v15+s2+$0x0], $0xffff  }
0x832: {  	v15 =	vadd.s32 $0x2710, v9;
	v3 =	vld [tilespmem:s18+$0x1B0F0]  }
0x833: {  	[tilespmem:$0x1E330] =	vst v0;
	v0 =	vld.idx.msk [tilespmem:v12+s2+$0x0], $0xffff;
	v12 =	vadd.s32 $0x2710, v8  }
0x834: {  	[tilespmem:$0x1E310] =	vst v4;
	v4 =	vld.idx.msk [tilespmem:v8+s2+$0x0], $0xffff  }
0x835: {  	[tilespmem:$0x1E350] =	vst v2;
	v2 =	vld [tilespmem:s18+$0x17EF0]  }
0x836: {  	v8 =	vld.idx.msk [tilespmem:v9+s2+$0x0], $0xffff  }
0x837: {  	v9 =	vld.idx.msk [tilespmem:v15+s2+$0x0], $0xffff  }
0x838: {  	[tilespmem:$0x1E370] =	vst v0;
	v0 =	vld.idx.msk [tilespmem:v12+s2+$0x0], $0xffff  }
0x839: {  	[tilespmem:$0x1E380] =	vst v11;
	v11 =	vadd.s32 $0x2710, v3;
	v12 =	vld [tilespmem:s18+$0x14E90]  }
0x83a: {  	[tilespmem:$0x1E360] =	vst v10;
	v15 =	vld [tilespmem:s18+$0x18090];
	v10 =	vadd.s32 $0x2710, v2;
	_ =	sdelay $0x2  }
0x83b: {  	[tilespmem:$0x1E300] =	vst v7;
	v2 =	vld.idx.msk [tilespmem:v2+s2+$0x0], $0xffff  }
0x83c: {  	v7 =	vld.idx.msk [tilespmem:v11+s2+$0x0], $0xffff;
	[tilespmem:$0x1E3C0] =	vst v9  }
0x83d: {  	v9 =	vadd.s32 $0x2710, v15;
	[tilespmem:$0x1E3B0] =	vst v0;
	v0 =	vld.idx.msk [tilespmem:v10+s2+$0x0], $0xffff  }
0x83e: {  	[tilespmem:$0x1E3A0] =	vst v8;
	v8 =	vadd.s32 $0x2710, v12;
	v10 =	vld [tilespmem:s18+$0x18220]  }
0x83f: {  	[tilespmem:$0x1E390] =	vst v4;
	v4 =	vld.idx.msk [tilespmem:v12+s2+$0x0], $0xffff  }
0x840: {  	[tilespmem:$0x1E770] =	vst v2;
	v2 =	vld [tilespmem:s18+$0x15020]  }
0x841: {  	v11 =	vld.idx.msk [tilespmem:v15+s2+$0x0], $0xffff  }
0x842: {  	v12 =	vld.idx.msk [tilespmem:v9+s2+$0x0], $0xffff  }
0x843: {  	[tilespmem:$0x1E790] =	vst v0;
	v0 =	vld.idx.msk [tilespmem:v8+s2+$0x0], $0xffff;
	v8 =	vadd.s32 $0x2710, v10  }
0x844: {  	[tilespmem:$0x1E3D0] =	vst v4;
	v4 =	vld [tilespmem:s18+$0x151B0]  }
0x845: {  	v9 =	vld [tilespmem:s18+$0x183B0];
	v15 =	vadd.s32 $0x2710, v2  }
0x846: {  	[tilespmem:$0x1E2E0] =	vst v6;
	v6 =	vld.idx.msk [tilespmem:v3+s2+$0x0], $0xffff  }
0x847: {  	v10 =	vld.idx.msk [tilespmem:v10+s2+$0x0], $0xffff  }
0x848: {  	[tilespmem:$0x1E3E0] =	vst v11;
	v11 =	vld.idx.msk [tilespmem:v8+s2+$0x0], $0xffff  }
0x849: {  	[tilespmem:$0x1E400] =	vst v12;
	v2 =	vld.idx.msk [tilespmem:v2+s2+$0x0], $0xffff  }
0x84a: {  	[tilespmem:$0x1E3F0] =	vst v0;
	v12 =	vadd.s32 $0x2710, v4;
	v0 =	vld.idx.msk [tilespmem:v15+s2+$0x0], $0xffff  }
0x84b: {  	v8 =	vld [tilespmem:s18+$0x18540];
	v15 =	vadd.s32 $0x2710, v9  }
0x84c: {  	[tilespmem:$0x1E780] =	vst v6;
	v4 =	vld.idx.msk [tilespmem:v4+s2+$0x0], $0xffff  }
0x84d: {  	[tilespmem:$0x1E7A0] =	vst v7;
	v9 =	vld.idx.msk [tilespmem:v9+s2+$0x0], $0xffff  }
0x84e: {  	[tilespmem:$0x1E410] =	vst v2;
	v2 =	vld [tilespmem:s18+$0x15340]  }
0x84f: {  	[tilespmem:$0x1E430] =	vst v0;
	v0 =	vld.idx.msk [tilespmem:v12+s2+$0x0], $0xffff  }
0x850: {  	[tilespmem:$0x1E420] =	vst v10;
	v10 =	vld.idx.msk [tilespmem:v15+s2+$0x0], $0xffff  }
0x851: {  	[tilespmem:$0x1E440] =	vst v11  }
0x852: {  	[tilespmem:$0x1E450] =	vst v4;
	v15 =	vld [tilespmem:s18+$0x154D0]  }
0x853: {  	[tilespmem:$0x1E460] =	vst v9;
	v12 =	vadd.s32 $0x2710, v8  }
0x854: {  	v11 =	vadd.s32 $0x2710, v2;
	[tilespmem:$0x1E470] =	vst v0  }
0x855: {  	[tilespmem:$0x1E480] =	vst v10  }
0x856: {  	v5 =	vld [tilespmem:s18+$0x186D0]  }
0x857: {  	v7 =	vld.idx.msk [tilespmem:v8+s2+$0x0], $0xffff  }
0x858: {  	v8 =	vld.idx.msk [tilespmem:v12+s2+$0x0], $0xffff  }
0x859: {  	v9 =	vadd.s32 $0x2710, v15;
	v0 =	vld.idx.msk [tilespmem:v11+s2+$0x0], $0xffff  }
0x85a: {  	v4 =	vld.idx.msk [tilespmem:v15+s2+$0x0], $0xffff  }
0x85b: {  	v11 =	vld [tilespmem:s18+$0x15660]  }
0x85c: {  	v12 =	vld [tilespmem:s18+$0x18860]  }
0x85d: {  	v2 =	vld.idx.msk [tilespmem:v2+s2+$0x0], $0xffff;
	v10 =	vadd.s32 $0x2710, v5  }
0x85e: {  	[tilespmem:$0x1E4B0] =	vst v0;
	v0 =	vld.idx.msk [tilespmem:v9+s2+$0x0], $0xffff  }
0x85f: {  	[tilespmem:$0x1E4D0] =	vst v4;
	v4 =	vld [tilespmem:s18+$0x157F0]  }
0x860: {  	[tilespmem:$0x1E4C0] =	vst v8;
	v8 =	vadd.s32 $0x2710, v11;
	v15 =	vld.idx.msk [tilespmem:v5+s2+$0x0], $0xffff  }
0x861: {  	v9 =	vadd.s32 $0x2710, v12;
	v5 =	vld [tilespmem:s18+$0x189F0]  }
0x862: {  	[tilespmem:$0x1E4A0] =	vst v7;
	v7 =	vld.idx.msk [tilespmem:v10+s2+$0x0], $0xffff  }
0x863: {  	[tilespmem:$0x1E490] =	vst v2;
	v2 =	vld.idx.msk [tilespmem:v11+s2+$0x0], $0xffff  }
0x864: {  	v10 =	vld.idx.msk [tilespmem:v12+s2+$0x0], $0xffff  }
0x865: {  	[tilespmem:$0x1E4F0] =	vst v0;
	v0 =	vld.idx.msk [tilespmem:v8+s2+$0x0], $0xffff  }
0x866: {  	v11 =	vld.idx.msk [tilespmem:v9+s2+$0x0], $0xffff  }
0x867: {  	v12 =	vadd.s32 $0x2710, v4;
	v8 =	vld [tilespmem:s18+$0x15980]  }
0x868: {  	v9 =	vld [tilespmem:s18+$0x18B80];
	[tilespmem:$0x1E4E0] =	vst v15;
	v15 =	vadd.s32 $0x2710, v5  }
0x869: {  	v4 =	vld.idx.msk [tilespmem:v4+s2+$0x0], $0xffff;
	_ =	sdelay $0x2  }
0x86a: {  	[tilespmem:$0x1E530] =	vst v0;
	v0 =	vld.idx.msk [tilespmem:v12+s2+$0x0], $0xffff;
	v12 =	vadd.s32 $0x2710, v8  }
0x86b: {  	[tilespmem:$0x1E540] =	vst v11;
	v11 =	vld.idx.msk [tilespmem:v15+s2+$0x0], $0xffff  }
0x86c: {  	v15 =	vadd.s32 $0x2710, v9;
	[tilespmem:$0x1E550] =	vst v4;
	v4 =	vld [tilespmem:s18+$0x15B10]  }
0x86d: {  	[tilespmem:$0x1E510] =	vst v2;
	v2 =	vld.idx.msk [tilespmem:v8+s2+$0x0], $0xffff  }
0x86e: {  	v8 =	vld.idx.msk [tilespmem:v9+s2+$0x0], $0xffff  }
0x86f: {  	[tilespmem:$0x1E570] =	vst v0;
	v0 =	vld.idx.msk [tilespmem:v12+s2+$0x0], $0xffff  }
0x870: {  	v12 =	vld [tilespmem:$0x1D740]  }
0x871: {  	v9 =	vld.idx.msk [tilespmem:v15+s2+$0x0], $0xffff  }
0x872: {  	v15 =	vld [tilespmem:$0x1D750];
	_ =	sdelay $0x3  }
0x873: {  	[tilespmem:$0x1E5B0] =	vst v0;
	v0 =	vadd.s32 $0x2710, v4;
	v4 =	vld.idx.msk [tilespmem:v4+s2+$0x0], $0xffff  }
0x874: {  	[tilespmem:$0x1E500] =	vst v7;
	v7 =	vsub.bf16 v12, v15;
	v12 =	vld [tilespmem:$0x1D760]  }
0x875: {  	v15 =	vld [tilespmem:$0x1D770];
	_ =	sdelay $0x4  }
0x876: {  	[tilespmem:$0x1E5D0] =	vst v4;
	v4 =	vsub.bf16 v15, v12;
	v12 =	vld [tilespmem:$0x1D780]  }
0x877: {  	v15 =	vld [tilespmem:$0x1D790];
	_ =	sdelay $0x2  }
0x878: {  	[tilespmem:$0x1E520] =	vst v10;
	v10 =	vld.idx.msk [tilespmem:v5+s2+$0x0], $0xffff  }
0x879: {  	[tilespmem:$0x1E5C0] =	vst v9;
	v9 =	vld [tilespmem:$0x1D7D0]  }
0x87a: {  	[tilespmem:$0x1E5A0] =	vst v8;
	v8 =	vsub.bf16 v12, v15;
	v15 =	vld [tilespmem:$0x1D7C0]  }
0x87b: {  	v5 =	vld [tilespmem:s18+$0x18D10]  }
0x87c: {  	v0 =	vld.idx.msk [tilespmem:v0+s2+$0x0], $0xffff;
	_ =	sdelay $0x1  }
0x87d: {  	[tilespmem:$0x1E560] =	vst v10;
	v10 =	vld [tilespmem:$0x1D720]  }
0x87e: {  	[tilespmem:$0x1E580] =	vst v11;
	v11 =	vld [tilespmem:$0x1D730];
	v12 =	vmax.bf16 v4, v8;
	v4 =	vsub.bf16 v15, v9  }
0x87f: {  	v15 =	vld [tilespmem:$0x1D810]  }
0x880: {  	[tilespmem:$0x1E5F0] =	vst v0;
	v0 =	vmax.bf16 v12, v4;
	v12 =	vld [tilespmem:$0x1D800];
	_ =	sdelay $0x1  }
0x881: {  	v1 =	vadd.s32 $0x2710, v5;
	v5 =	vld.idx.msk [tilespmem:v5+s2+$0x0], $0xffff  }
0x882: {  	v6 =	vsub.bf16 v10, v11;
	v10 =	vld [tilespmem:$0x1D7A0]  }
0x883: {  	v11 =	vld [tilespmem:$0x1D7B0]  }
0x884: {  	v4 =	vsub.bf16 v12, v15;
	v12 =	vld [tilespmem:$0x1D820]  }
0x885: {  	v15 =	vld [tilespmem:$0x1D830];
	_ =	sdelay $0x1  }
0x886: {  	[tilespmem:$0x1E590] =	vst v2;
	v2 =	vld [tilespmem:s18+$0x15CA0]  }
0x887: {  	[tilespmem:$0x1E5E0] =	vst v5;
	v5 =	vmax.bf16 v6, v7;
	v6 =	vsub.bf16 v10, v11;
	v10 =	vld [tilespmem:$0x1D7E0]  }
0x888: {  	v11 =	vld [tilespmem:$0x1D7F0]  }
0x889: {  	v9 =	vsub.bf16 v12, v15;
	v12 =	vld [tilespmem:$0x1D840]  }
0x88a: {  	v15 =	vld [tilespmem:$0x1D850];
	_ =	sdelay $0x1  }
0x88b: {  	v3 =	vld [tilespmem:s18+$0x18EA0]  }
0x88c: {  	v1 =	vld.idx.msk [tilespmem:v1+s2+$0x0], $0xffff;
	v5 =	vmax.bf16 v5, v6;
	v6 =	vsub.bf16 v10, v11  }
0x88d: {  	v11 =	vld [tilespmem:$0x1D860]  }
0x88e: {  	v5 =	vmax.bf16 v5, v6;
	v6 =	vsub.bf16 v12, v15;
	v12 =	vld [tilespmem:$0x1D870]  }
0x88f: {  	v18 =	vsub.bf16 v17, v18;
	v17 =	vsub.bf16 v41, v48;
	v41 =	vld [tilespmem:s18+$0x16600]  }
0x890: {  	v48 =	vld [tilespmem:$0x1DA40]  }
0x891: {  	[tilespmem:$0x1E600] =	vst v1;
	v1 =	vadd.s32 $0x2710, v2;
	v2 =	vld.idx.msk [tilespmem:v2+s2+$0x0], $0xffff  }
0x892: {  	v15 =	vld [tilespmem:$0x1D880]  }
0x893: {  	v11 =	vsub.bf16 v11, v12;
	v12 =	vmax.bf16 v5, v9;
	v9 =	vld [tilespmem:$0x1D890]  }
0x894: {  	v10 =	vld [tilespmem:s18+$0x19030]  }
0x895: {  	v7 =	vadd.s32 $0x2710, v3;
	v3 =	vld.idx.msk [tilespmem:v3+s2+$0x0], $0xffff  }
0x896: {  	v1 =	vld.idx.msk [tilespmem:v1+s2+$0x0], $0xffff  }
0x897: {  	[tilespmem:$0x1E610] =	vst v2;
	v2 =	vmax.bf16 v12, v11;
	v12 =	vld [tilespmem:$0x1D8A0]  }
0x898: {  	v0 =	vmax.bf16 v0, v4;
	v4 =	vsub.bf16 v15, v9;
	v15 =	vld [tilespmem:$0x1D8B0]  }
0x899: {  	v8 =	vld [tilespmem:s18+$0x15E30];
	v5 =	vadd.s32 $0x2710, v10  }
0x89a: {  	v11 =	vld [tilespmem:$0x1D8D0]  }
0x89b: {  	v9 =	vld [tilespmem:$0x1D8C0]  }
0x89c: {  	v0 =	vmax.bf16 v0, v6;
	v6 =	vld [tilespmem:s18+$0x15FC0]  }
0x89d: {  	[tilespmem:$0x1E620] =	vst v3;
	v3 =	vsub.bf16 v12, v15;
	v12 =	vld.idx.msk [tilespmem:v7+s2+$0x0], $0xffff  }
0x89e: {  	v45 =	vsub.bf16 v45, v47;
	v47 =	vld.idx.msk [tilespmem:v5+s2+$0x0], $0xffff  }
0x89f: {  	v15 =	vld [tilespmem:$0x1D8E0]  }
0x8a0: {  	[tilespmem:$0x1E630] =	vst v1;
	v0 =	vmax.bf16 v0, v4;
	v4 =	vadd.s32 $0x2710, v8;
	v1 =	vsub.bf16 v9, v11;
	v9 =	vld [tilespmem:$0x1D8F0]  }
0x8a1: {  	v11 =	vld [tilespmem:$0x1D900]  }
0x8a2: {  	[tilespmem:$0x1E640] =	vst v12;
	v12 =	vld [tilespmem:$0x1D910]  }
0x8a3: {  	[tilespmem:$0x1E670] =	vst v47;
	v47 =	vld [tilespmem:s18+$0x162E0]  }
0x8a4: {  	v44 =	vsub.bf16 v51, v44;
	v51 =	vadd.s32 $0x2710, v6;
	v6 =	vld.idx.msk [tilespmem:v6+s2+$0x0], $0xffff  }
0x8a5: {  	v4 =	vld.idx.msk [tilespmem:v4+s2+$0x0], $0xffff  }
0x8a6: {  	v2 =	vmax.bf16 v2, v3;
	v3 =	vsub.bf16 v15, v9;
	v15 =	vld [tilespmem:$0x1D920]  }
0x8a7: {  	v0 =	vmax.bf16 v0, v1;
	v1 =	vsub.bf16 v11, v12;
	v12 =	vld [tilespmem:$0x1D930]  }
0x8a8: {  	v25 =	vsub.bf16 v20, v25;
	v20 =	vsub.bf16 v53, v54;
	v54 =	vld [tilespmem:$0x1DA90]  }
0x8a9: {  	v9 =	vld [tilespmem:s18+$0x191C0]  }
0x8aa: {  	[tilespmem:$0x1E660] =	vst v4;
	v4 =	vld.idx.msk [tilespmem:v51+s2+$0x0], $0xffff  }
0x8ab: {  	[tilespmem:$0x1E680] =	vst v6;
	v6 =	vld.idx.msk [tilespmem:v47+s2+$0x0], $0xffff  }
0x8ac: {  	v7 =	vsub.bf16 v15, v12;
	v15 =	vld [tilespmem:$0x1D940]  }
0x8ad: {  	v12 =	vld [tilespmem:$0x1D950]  }
0x8ae: {  	v51 =	vsub.bf16 v26, v28;
	v28 =	vld [tilespmem:$0x1D980]  }
0x8af: {  	v26 =	vsub.bf16 v57, v59;
	v57 =	vld [tilespmem:$0x1DAB0]  }
0x8b0: {  	v23 =	vsub.bf16 v19, v23;
	v19 =	vadd.s32 $0x2710, v47;
	v47 =	vld [tilespmem:$0x1DA30]  }
0x8b1: {  	[tilespmem:$0x1E700] =	vst v6;
	v6 =	vld.idx.msk [tilespmem:v41+s2+$0x0], $0xffff  }
0x8b2: {  	v2 =	vmax.bf16 v2, v3;
	v59 =	vadd.s32 $0x2710, v41;
	v41 =	vld [tilespmem:s18+$0x16920];
	v3 =	vsub.bf16 v15, v12  }
0x8b3: {  	v0 =	vmax.bf16 v0, v1;
	v15 =	vld [tilespmem:$0x1D960];
	v12 =	vsub.bf16 v56, v62  }
0x8b4: {  	v1 =	vmax.bf16 v2, v7;
	v7 =	vld [tilespmem:s18+$0x16150];
	v0 =	vmax.bf16 v0, v3  }
0x8b5: {  	v62 =	vadd.s32 $0x2710, v9;
	v0 =	vmax.bf16 v0, v12;
	v12 =	vsub.bf16 v24, v29;
	v24 =	vld.idx.msk [tilespmem:v9+s2+$0x0], $0xffff  }
0x8b6: {  	v29 =	vsub.bf16 v21, v27;
	v27 =	vld [tilespmem:$0x1D970]  }
0x8b7: {  	v9 =	vld [tilespmem:s18+$0x16F60]  }
0x8b8: {  	v11 =	vsub.bf16 v15, v55;
	v55 =	vld.idx.msk [tilespmem:v8+s2+$0x0], $0xffff  }
0x8b9: {  	v15 =	vld.idx.msk [tilespmem:v10+s2+$0x0], $0xffff  }
0x8ba: {  	v56 =	vsub.bf16 v36, v33;
	v36 =	vadd.s32 $0x2710, v7;
	v33 =	vld.idx.msk [tilespmem:v62+s2+$0x0], $0xffff  }
0x8bb: {  	v62 =	vld [tilespmem:s18+$0x194E0]  }
0x8bc: {  	v0 =	vmax.bf16 v0, v45;
	v7 =	vld.idx.msk [tilespmem:v7+s2+$0x0], $0xffff  }
0x8bd: {  	v0 =	vmax.bf16 v0, v12;
	v12 =	vsub.bf16 v32, v37;
	v32 =	vld [tilespmem:$0x1D9A0]  }
0x8be: {  	v10 =	vld [tilespmem:s18+$0x16DD0]  }
0x8bf: {  	[tilespmem:$0x1E6A0] =	vst v4;
	v0 =	vmax.bf16 v0, v18;
	v4 =	vld.idx.msk [tilespmem:v36+s2+$0x0], $0xffff  }
0x8c0: {  	v0 =	vmax.bf16 v0, v23;
	v23 =	vsub.bf16 v42, v49;
	v42 =	vld [tilespmem:$0x1D9F0]  }
0x8c1: {  	v1 =	vmax.bf16 v1, v11;
	v49 =	vld [tilespmem:$0x1DA50]  }
0x8c2: {  	v1 =	vmax.bf16 v1, v44;
	v44 =	vsub.bf16 v30, v31;
	v31 =	vld [tilespmem:$0x1D990]  }
0x8c3: {  	[tilespmem:$0x1E690] =	vst v24;
	v24 =	vsub.bf16 v58, v60;
	v58 =	vld [tilespmem:$0x1DAC0]  }
0x8c4: {  	v60 =	vld [tilespmem:$0x1DAD0]  }
0x8c5: {  	v0 =	vmax.bf16 v0, v29;
	v29 =	vsub.bf16 v61, v63;
	v61 =	vld [tilespmem:$0x1DAE0]  }
0x8c6: {  	v63 =	vld [tilespmem:s18+$0x16790]  }
0x8c7: {  	v11 =	vsub.bf16 v27, v28;
	v27 =	vld [tilespmem:$0x1DB60]  }
0x8c8: {  	v1 =	vmax.bf16 v1, v56;
	v56 =	vsub.bf16 v34, v38;
	v34 =	vld [tilespmem:$0x1D9C0]  }
0x8c9: {  	v38 =	vld [tilespmem:$0x1D9D0]  }
0x8ca: {  	v0 =	vmax.bf16 v0, v51;
	v51 =	vld [tilespmem:$0x1DA70]  }
0x8cb: {  	[tilespmem:$0x1E650] =	vst v15;
	v15 =	vsub.bf16 v22, v16;
	v16 =	vld [tilespmem:s18+$0x19350]  }
0x8cc: {  	[tilespmem:$0x1E6B0] =	vst v33;
	v33 =	vld [tilespmem:$0x1D9B0]  }
0x8cd: {  	v22 =	vsub.bf16 v13, v14;
	v14 =	vsub.bf16 v39, v40;
	v39 =	vld [tilespmem:$0x1D9E0]  }
0x8ce: {  	v13 =	vsub.bf16 v43, v50;
	v43 =	vld [tilespmem:$0x1DA00]  }
0x8cf: {  	v50 =	vld [tilespmem:$0x1DA60]  }
0x8d0: {  	v0 =	vmax.bf16 v0, v12;
	[tilespmem:$0x1E6E0] =	vst v4;
	v4 =	vld.idx.msk [tilespmem:v19+s2+$0x0], $0xffff  }
0x8d1: {  	v0 =	vmax.bf16 v0, v14;
	v14 =	vld [tilespmem:$0x1DB00]  }
0x8d2: {  	v1 =	vmax.bf16 v1, v15;
	v19 =	vld [tilespmem:$0x1DC40]  }
0x8d3: {  	v1 =	vmax.bf16 v1, v22;
	v22 =	vld [tilespmem:s18+$0x16470]  }
0x8d4: {  	v30 =	vld.idx.msk [tilespmem:v62+s2+$0x0], $0xffff  }
0x8d5: {  	v21 =	vadd.s32 $0x2710, v62;
	v0 =	vmax.bf16 v0, v17;
	v17 =	vld [tilespmem:s18+$0x19990]  }
0x8d6: {  	v3 =	vsub.bf16 v31, v32;
	v31 =	vld [tilespmem:$0x1DB80]  }
0x8d7: {  	v32 =	vld [tilespmem:$0x1DB90]  }
0x8d8: {  	v1 =	vmax.bf16 v1, v25;
	v25 =	vld [tilespmem:s18+$0x19670]  }
0x8d9: {  	v0 =	vmax.bf16 v0, v23;
	v23 =	vld [tilespmem:$0x1DC80]  }
0x8da: {  	v36 =	vld.idx.msk [tilespmem:v21+s2+$0x0], $0xffff  }
0x8db: {  	v1 =	vmax.bf16 v1, v44;
	v44 =	vld [tilespmem:$0x1DA10]  }
0x8dc: {  	v0 =	vmax.bf16 v0, v26;
	v26 =	vld [tilespmem:$0x1DB50]  }
0x8dd: {  	v2 =	vsub.bf16 v33, v34;
	v33 =	vld [tilespmem:$0x1DBA0]  }
0x8de: {  	v21 =	vld [tilespmem:$0x1DC60]  }
0x8df: {  	v1 =	vmax.bf16 v1, v56;
	v56 =	vld [tilespmem:$0x1DAA0]  }
0x8e0: {  	v0 =	vmax.bf16 v0, v29;
	v29 =	vld.idx.msk [tilespmem:v59+s2+$0x0], $0xffff  }
0x8e1: {  	v59 =	vld [tilespmem:$0x1DD50]  }
0x8e2: {  	v1 =	vmax.bf16 v1, v13;
	v13 =	vld [tilespmem:$0x1DAF0]  }
0x8e3: {  	v0 =	vmax.bf16 v0, v2;
	v2 =	vsub.bf16 v42, v43;
	v42 =	vld [tilespmem:$0x1DBF0]  }
0x8e4: {  	v45 =	vadd.s32 $0x2710, v16;
	v43 =	vld [tilespmem:$0x1DC00]  }
0x8e5: {  	v15 =	vld.idx.msk [tilespmem:v16+s2+$0x0], $0xffff  }
0x8e6: {  	v16 =	vsub.bf16 v46, v52;
	v46 =	vld [tilespmem:s18+$0x19800]  }
0x8e7: {  	v52 =	vld [tilespmem:$0x1DA80]  }
0x8e8: {  	[tilespmem:$0x1E710] =	vst v30;
	v30 =	vld [tilespmem:$0x1DB70]  }
0x8e9: {  	v18 =	vld.idx.msk [tilespmem:v45+s2+$0x0], $0xffff  }
0x8ea: {  	v45 =	vld [tilespmem:$0x1DA20]  }
0x8eb: {  	v1 =	vmax.bf16 v1, v16;
	v16 =	vld [tilespmem:$0x1DB20]  }
0x8ec: {  	[tilespmem:$0x1E730] =	vst v36;
	v36 =	vld [tilespmem:$0x1DBB0]  }
0x8ed: {  	[tilespmem:$0x1E6C0] =	vst v7;
	v7 =	vld.idx.msk [tilespmem:v22+s2+$0x0], $0xffff  }
0x8ee: {  	v1 =	vmax.bf16 v1, v20;
	v20 =	vld [tilespmem:$0x1DC50]  }
0x8ef: {  	v37 =	vadd.s32 $0x2710, v22;
	v22 =	vld [tilespmem:$0x1DC70]  }
0x8f0: {  	[tilespmem:$0x1E7D0] =	vst v29;
	v29 =	vld [tilespmem:$0x1DCD0]  }
0x8f1: {  	v53 =	vld.idx.msk [tilespmem:v25+s2+$0x0], $0xffff  }
0x8f2: {  	v1 =	vmax.bf16 v1, v24;
	v24 =	vld [tilespmem:$0x1DB30]  }
0x8f3: {  	v40 =	vadd.s32 $0x2710, v25;
	v25 =	vld [tilespmem:$0x1DB40]  }
0x8f4: {  	v34 =	vadd.s32 $0x2710, v63;
	[tilespmem:$0x1E720] =	vst v4;
	v4 =	vld.idx.msk [tilespmem:v37+s2+$0x0], $0xffff  }
0x8f5: {  	[tilespmem:$0x1E6D0] =	vst v15;
	v15 =	vld [tilespmem:$0x1DB10]  }
0x8f6: {  	v37 =	vld [tilespmem:$0x1DBC0]  }
0x8f7: {  	v0 =	vmax.bf16 v0, v2;
	v2 =	vsub.bf16 v51, v52;
	v51 =	vld.idx.msk [tilespmem:v63+s2+$0x0], $0xffff  }
0x8f8: {  	v1 =	vmax.bf16 v1, v11;
	v11 =	vsub.bf16 v49, v50;
	v50 =	vld.idx.msk [tilespmem:v17+s2+$0x0], $0xffff  }
0x8f9: {  	v49 =	vld.idx.msk [tilespmem:v34+s2+$0x0], $0xffff  }
0x8fa: {  	v63 =	vld [tilespmem:$0x1DD80]  }
0x8fb: {  	v1 =	vmax.bf16 v1, v3;
	v3 =	vsub.bf16 v38, v39;
	v38 =	vld [tilespmem:$0x1DBD0]  }
0x8fc: {  	v39 =	vld [tilespmem:$0x1DBE0]  }
0x8fd: {  	v8 =	vsub.bf16 v44, v45;
	v44 =	vld [tilespmem:$0x1DC10]  }
0x8fe: {  	v45 =	vld [tilespmem:$0x1DC20]  }
0x8ff: {  	[tilespmem:$0x1E6F0] =	vst v18;
	v18 =	vld [tilespmem:$0x1DC30]  }
0x900: {  	v62 =	vadd.s32 $0x2710, v46;
	v28 =	vld.idx.msk [tilespmem:v46+s2+$0x0], $0xffff  }
0x901: {  	v46 =	vld [tilespmem:s18+$0x19B20]  }
0x902: {  	v1 =	vmax.bf16 v1, v3;
	v3 =	vsub.bf16 v47, v48;
	v47 =	vld [tilespmem:$0x1DD10]  }
0x903: {  	[tilespmem:$0x1E750] =	vst v53;
	v53 =	vld [tilespmem:$0x1DD20]  }
0x904: {  	v0 =	vmax.bf16 v0, v3;
	v3 =	vsub.bf16 v54, v56;
	v56 =	vld.idx.msk [tilespmem:v40+s2+$0x0], $0xffff  }
0x905: {  	v1 =	vmax.bf16 v1, v8;
	v52 =	vld.idx.msk [tilespmem:v62+s2+$0x0], $0xffff  }
0x906: {  	v1 =	vmax.bf16 v1, v11;
	v11 =	vsub.bf16 v26, v27;
	v27 =	vld [tilespmem:$0x1DCB0]  }
0x907: {  	[tilespmem:$0x1E7B0] =	vst v6;
	v6 =	vsub.bf16 v36, v37;
	v36 =	vld [tilespmem:s18+$0x16AB0]  }
0x908: {  	v54 =	vld [tilespmem:$0x1DD30]  }
0x909: {  	v62 =	vsub.bf16 v22, v23;
	v22 =	vld [tilespmem:$0x1DDC0]  }
0x90a: {  	v23 =	vld [tilespmem:$0x1DDD0]  }
0x90b: {  	v37 =	vld [tilespmem:$0x1DE50]  }
0x90c: {  	v8 =	vsub.bf16 v15, v16;
	v16 =	vld [tilespmem:$0x1DF10]  }
0x90d: {  	v40 =	vadd.s32 $0x2710, v17;
	v17 =	vld [tilespmem:$0x1DF20]  }
0x90e: {  	v15 =	vld [tilespmem:$0x1E0B0]  }
0x90f: {  	v0 =	vmax.bf16 v0, v2;
	v2 =	vsub.bf16 v57, v58;
	v57 =	vld [tilespmem:$0x1DD40]  }
0x910: {  	v58 =	vld [tilespmem:s18+$0x19CB0]  }
0x911: {  	[tilespmem:$0x1E760] =	vst v4;
	v4 =	vsub.bf16 v38, v39;
	v38 =	vld [tilespmem:$0x1DE60]  }
0x912: {  	v39 =	vld [tilespmem:$0x1DE70]  }
0x913: {  	v1 =	vmax.bf16 v1, v3;
	v3 =	vsub.bf16 v60, v61;
	v60 =	vld [tilespmem:$0x1DD60]  }
0x914: {  	v61 =	vld [tilespmem:$0x1DD70]  }
0x915: {  	[tilespmem:$0x1E7C0] =	vst v28;
	v28 =	vld [tilespmem:$0x1DCC0]  }
0x916: {  	v0 =	vmax.bf16 v0, v2;
	v2 =	vsub.bf16 v13, v14;
	v14 =	vsub.bf16 v20, v21;
	v20 =	vld [tilespmem:$0x1DDA0]  }
0x917: {  	v21 =	vld [tilespmem:$0x1DDB0]  }
0x918: {  	v13 =	vld [tilespmem:$0x1E090]  }
0x919: {  	v1 =	vmax.bf16 v1, v3;
	v3 =	vsub.bf16 v24, v25;
	v24 =	vld [tilespmem:$0x1DC90]  }
0x91a: {  	v25 =	vld [tilespmem:$0x1DCA0]  }
0x91b: {  	v0 =	vmax.bf16 v0, v2;
	v2 =	vsub.bf16 v30, v31;
	v30 =	vld [tilespmem:$0x1DCE0]  }
0x91c: {  	v12 =	vsub.bf16 v44, v45;
	v48 =	vld.idx.msk [tilespmem:v40+s2+$0x0], $0xffff  }
0x91d: {  	v40 =	vld [tilespmem:$0x1DE80]  }
0x91e: {  	v26 =	vmax.bf16 v12, v14;
	v12 =	vld [tilespmem:$0x1E1E0]  }
0x91f: {  	v0 =	vmax.bf16 v0, v3;
	v3 =	vsub.bf16 v32, v33;
	v32 =	vld [tilespmem:$0x1DCF0]  }
0x920: {  	v33 =	vld [tilespmem:$0x1DD00]  }
0x921: {  	v34 =	vadd.s32 $0x2710, v46;
	v1 =	vmax.bf16 v1, v8;
	v45 =	vld.idx.msk [tilespmem:v46+s2+$0x0], $0xffff  }
0x922: {  	v1 =	vmax.bf16 v1, v11;
	v11 =	vsub.bf16 v42, v43;
	v43 =	vld [tilespmem:$0x1DEA0]  }
0x923: {  	v46 =	vld [tilespmem:$0x1DEB0]  }
0x924: {  	v14 =	vsub.bf16 v61, v63;
	v61 =	vld [tilespmem:$0x1DF00]  }
0x925: {  	v2 =	vmax.bf16 v0, v2;
	v0 =	vmax.bf16 v1, v3;
	v3 =	vsub.bf16 v18, v19;
	v19 =	vld [tilespmem:$0x1DD90]  }
0x926: {  	v42 =	vld.idx.msk [tilespmem:v34+s2+$0x0], $0xffff  }
0x927: {  	[tilespmem:$0x1E740] =	vst v7;
	v7 =	vsub.bf16 v27, v28;
	v27 =	vld [tilespmem:$0x1DE00]  }
0x928: {  	v34 =	vld [tilespmem:s18+$0x19E40]  }
0x929: {  	v44 =	vld.idx.msk [tilespmem:v36+s2+$0x0], $0xffff  }
0x92a: {  	v1 =	vmax.bf16 v2, v6;
	v2 =	vsub.bf16 v24, v25;
	v24 =	vld [tilespmem:$0x1DDE0]  }
0x92b: {  	v25 =	vadd.s32 $0x2710, v36;
	v36 =	vld [tilespmem:$0x1E000]  }
0x92c: {  	v3 =	vmax.bf16 v11, v3;
	v11 =	vsub.bf16 v54, v57;
	v54 =	vld.idx.msk [tilespmem:v41+s2+$0x0], $0xffff  }
0x92d: {  	v6 =	vmax.bf16 v26, v7;
	v26 =	vld [tilespmem:$0x1DDF0]  }
0x92e: {  	v31 =	vadd.s32 $0x2710, v41;
	v41 =	vld [tilespmem:$0x1DE90]  }
0x92f: {  	v57 =	vld [tilespmem:$0x1DED0]  }
0x930: {  	v2 =	vmax.bf16 v3, v2;
	v3 =	vsub.bf16 v29, v30;
	v29 =	vld [tilespmem:s18+$0x16C40]  }
0x931: {  	v30 =	vld [tilespmem:$0x1DE10]  }
0x932: {  	v7 =	vsub.bf16 v32, v33;
	v32 =	vld [tilespmem:$0x1DE30]  }
0x933: {  	v33 =	vld [tilespmem:$0x1DE40]  }
0x934: {  	v2 =	vmax.bf16 v2, v3;
	v3 =	vsub.bf16 v47, v53;
	v47 =	vld.idx.msk [tilespmem:v31+s2+$0x0], $0xffff  }
0x935: {  	v31 =	vld [tilespmem:$0x1DE20]  }
0x936: {  	v53 =	vld [tilespmem:$0x1DEC0]  }
0x937: {  	v6 =	vmax.bf16 v6, v7;
	v7 =	vsub.bf16 v59, v60;
	v60 =	vld [tilespmem:$0x1DEF0]  }
0x938: {  	v18 =	vmax.bf16 v6, v11;
	v6 =	vsub.bf16 v19, v20;
	v19 =	vld [tilespmem:$0x1DF40]  }
0x939: {  	v20 =	vld [tilespmem:s18+$0x19FD0]  }
0x93a: {  	v5 =	vsub.bf16 v23, v24;
	v23 =	vld [tilespmem:$0x1DF70]  }
0x93b: {  	v24 =	vld [tilespmem:$0x1DF80]  }
0x93c: {  	v2 =	vmax.bf16 v2, v3;
	v3 =	vmax.bf16 v18, v14;
	v14 =	vsub.bf16 v39, v40;
	v40 =	vld.idx.msk [tilespmem:v25+s2+$0x0], $0xffff  }
0x93d: {  	v18 =	vld [tilespmem:$0x1DF30]  }
0x93e: {  	v25 =	vld [tilespmem:$0x1DF90]  }
0x93f: {  	v2 =	vmax.bf16 v2, v7;
	v7 =	vsub.bf16 v21, v22;
	v21 =	vld [tilespmem:$0x1DF50]  }
0x940: {  	v22 =	vld [tilespmem:$0x1DF60]  }
0x941: {  	v11 =	vsub.bf16 v32, v33;
	v32 =	vld.idx.msk [tilespmem:v34+s2+$0x0], $0xffff  }
0x942: {  	v28 =	vadd.s32 $0x2710, v58;
	v63 =	vadd.s32 $0x2710, v34;
	v34 =	vld [tilespmem:$0x1DFF0]  }
0x943: {  	v2 =	vmax.bf16 v2, v6;
	v3 =	vmax.bf16 v3, v7;
	v7 =	vsub.bf16 v26, v27;
	v26 =	vld [tilespmem:$0x1DFA0]  }
0x944: {  	v2 =	vmax.bf16 v2, v5;
	v5 =	vsub.bf16 v30, v31;
	v27 =	vld [tilespmem:$0x1DFB0]  }
0x945: {  	v30 =	vld [tilespmem:$0x1DFE0]  }
0x946: {  	v2 =	vmax.bf16 v2, v5;
	v5 =	vsub.bf16 v41, v43;
	v41 =	vld.idx.msk [tilespmem:v58+s2+$0x0], $0xffff  }
0x947: {  	v58 =	vld [tilespmem:$0x1DEE0]  }
0x948: {  	v59 =	vadd.s32 $0x2710, v29;
	v3 =	vmax.bf16 v3, v7;
	v7 =	vsub.bf16 v37, v38;
	v37 =	vld.idx.msk [tilespmem:v28+s2+$0x0], $0xffff  }
0x949: {  	v38 =	vld.idx.msk [tilespmem:v29+s2+$0x0], $0xffff  }
0x94a: {  	v33 =	vadd.s32 $0x2710, v10;
	v28 =	vld [tilespmem:$0x1DFC0]  }
0x94b: {  	v29 =	vld [tilespmem:$0x1DFD0]  }
0x94c: {  	v43 =	vld [tilespmem:$0x1E010]  }
0x94d: {  	v31 =	vld.idx.msk [tilespmem:v59+s2+$0x0], $0xffff  }
0x94e: {  	v59 =	vld [tilespmem:$0x1E060]  }
0x94f: {  	v3 =	vmax.bf16 v3, v11;
	v11 =	vsub.bf16 v18, v19;
	v19 =	vld.idx.msk [tilespmem:v33+s2+$0x0], $0xffff  }
0x950: {  	v18 =	vld [tilespmem:$0x1E0E0]  }
0x951: {  	v33 =	vld [tilespmem:$0x1E160]  }
0x952: {  	v2 =	vmax.bf16 v2, v7;
	v7 =	vsub.bf16 v46, v53;
	v46 =	vld [tilespmem:$0x1E020]  }
0x953: {  	v53 =	vld [tilespmem:$0x1E030]  }
0x954: {  	v3 =	vmax.bf16 v3, v14;
	v14 =	vsub.bf16 v23, v24;
	v23 =	vld.idx.msk [tilespmem:v20+s2+$0x0], $0xffff  }
0x955: {  	v39 =	vadd.s32 $0x2710, v20;
	v20 =	vld [tilespmem:$0x1E0F0]  }
0x956: {  	v24 =	vld [tilespmem:$0x1E110]  }
0x957: {  	v3 =	vmax.bf16 v3, v7;
	v7 =	vsub.bf16 v60, v61;
	v60 =	vld [tilespmem:$0x1E070]  }
0x958: {  	v61 =	vld [tilespmem:$0x1E080]  }
0x959: {  	v2 =	vmax.bf16 v2, v5;
	v5 =	vsub.bf16 v57, v58;
	v57 =	vld [tilespmem:$0x1E040]  }
0x95a: {  	v58 =	vld [tilespmem:$0x1E050]  }
0x95b: {  	v3 =	vmax.bf16 v3, v7;
	v7 =	vsub.bf16 v21, v22;
	v21 =	vld [tilespmem:$0x1E100]  }
0x95c: {  	v2 =	vmax.bf16 v2, v5;
	v5 =	vsub.bf16 v16, v17;
	v16 =	vld [tilespmem:$0x1E0C0]  }
0x95d: {  	v3 =	vmax.bf16 v3, v11;
	v17 =	vld [tilespmem:$0x1E0D0]  }
0x95e: {  	v3 =	vmax.bf16 v3, v14;
	v14 =	vld [tilespmem:$0x1E0A0]  }
0x95f: {  	v2 =	vmax.bf16 v2, v5;
	v5 =	vsub.bf16 v25, v26;
	v25 =	vld.idx.msk [tilespmem:v10+s2+$0x0], $0xffff  }
0x960: {  	v26 =	vld [tilespmem:$0x1E120]  }
0x961: {  	v11 =	vsub.bf16 v53, v57;
	v53 =	vld [tilespmem:s18+$0x1A160]  }
0x962: {  	v2 =	vmax.bf16 v2, v7;
	v7 =	vsub.bf16 v27, v28;
	v27 =	vld [tilespmem:$0x1E130]  }
0x963: {  	v28 =	vld [tilespmem:$0x1E140]  }
0x964: {  	v2 =	vmax.bf16 v2, v5;
	v5 =	vsub.bf16 v29, v30;
	v29 =	vld.idx.msk [tilespmem:v63+s2+$0x0], $0xffff  }
0x965: {  	v30 =	vld [tilespmem:$0x1E150]  }
0x966: {  	v63 =	vsub.bf16 v60, v61;
	v61 =	vld [tilespmem:$0x1E1B0]  }
0x967: {  	v3 =	vmax.bf16 v3, v7;
	v7 =	vsub.bf16 v34, v36;
	v34 =	vld [tilespmem:$0x1E170]  }
0x968: {  	v6 =	vadd.s32 $0x2710, v9;
	v36 =	vld [tilespmem:$0x1E180]  }
0x969: {  	v2 =	vmax.bf16 v2, v5;
	v5 =	vsub.bf16 v43, v46;
	v43 =	vld [tilespmem:$0x1E190]  }
0x96a: {  	v46 =	vld [tilespmem:$0x1E1A0]  }
0x96b: {  	v3 =	vmax.bf16 v3, v7;
	v7 =	vsub.bf16 v58, v59;
	v58 =	vld [tilespmem:s18+$0x170F0]  }
0x96c: {  	v59 =	vld [tilespmem:s18+$0x1A2F0]  }
0x96d: {  	v2 =	vmax.bf16 v2, v5;
	v5 =	vsub.bf16 v13, v14;
	v13 =	vld.idx.msk [tilespmem:v6+s2+$0x0], $0xffff  }
0x96e: {  	v3 =	vmax.bf16 v3, v11;
	v11 =	vld [tilespmem:$0x1E1D0]  }
0x96f: {  	v8 =	vsub.bf16 v27, v28;
	v27 =	vld [tilespmem:$0x1E240]  }
0x970: {  	v6 =	vld [tilespmem:$0x1E300]  }
0x971: {  	v2 =	vmax.bf16 v2, v7;
	v7 =	vsub.bf16 v15, v16;
	v16 =	vld.idx.msk [tilespmem:v9+s2+$0x0], $0xffff  }
0x972: {  	v3 =	vmax.bf16 v3, v63;
	v63 =	vld [tilespmem:$0x1E1C0]  }
0x973: {  	v15 =	vld [tilespmem:$0x1E1F0]  }
0x974: {  	v2 =	vmax.bf16 v2, v5;
	v5 =	vsub.bf16 v17, v18;
	v17 =	vld.idx.msk [tilespmem:v39+s2+$0x0], $0xffff  }
0x975: {  	v18 =	vld [tilespmem:$0x1E200]  }
0x976: {  	v39 =	vsub.bf16 v34, v36;
	v36 =	vld [tilespmem:s18+$0x17410]  }
0x977: {  	v14 =	vld.idx.msk [tilespmem:v53+s2+$0x0], $0xffff  }
0x978: {  	v3 =	vmax.bf16 v3, v7;
	v7 =	vsub.bf16 v20, v21;
	v21 =	vld [tilespmem:$0x1E210]  }
0x979: {  	v2 =	vmax.bf16 v2, v5;
	v5 =	vsub.bf16 v24, v26;
	v26 =	vld [tilespmem:$0x1E230]  }
0x97a: {  	v3 =	vmax.bf16 v3, v7;
	v7 =	vsub.bf16 v30, v33;
	v30 =	vld [tilespmem:$0x1E250]  }
0x97b: {  	v33 =	vld [tilespmem:$0x1E260]  }
0x97c: {  	v22 =	vadd.s32 $0x2710, v53;
	v10 =	vsub.bf16 v61, v63;
	v61 =	vld [tilespmem:s18+$0x17280]  }
0x97d: {  	v2 =	vmax.bf16 v2, v5;
	v5 =	vsub.bf16 v43, v46;
	v43 =	vld [tilespmem:s18+$0x1A480]  }
0x97e: {  	v3 =	vmax.bf16 v3, v8;
	v8 =	vld [tilespmem:$0x1E310]  }
0x97f: {  	v20 =	vsub.bf16 v15, v18;
	v15 =	vld [tilespmem:$0x1E270]  }
0x980: {  	v2 =	vmax.bf16 v2, v7;
	v18 =	vld [tilespmem:$0x1E280]  }
0x981: {  	v2 =	vmax.bf16 v2, v5;
	v5 =	vsub.bf16 v11, v12;
	v12 =	vld.idx.msk [tilespmem:v22+s2+$0x0], $0xffff  }
0x982: {  	v57 =	vadd.s32 $0x2710, v58;
	v22 =	vld [tilespmem:$0x1E220]  }
0x983: {  	v60 =	vadd.s32 $0x2710, v59;
	v3 =	vmax.bf16 v3, v39;
	v11 =	vld.idx.msk [tilespmem:v58+s2+$0x0], $0xffff  }
0x984: {  	v3 =	vmax.bf16 v3, v10;
	v10 =	vld.idx.msk [tilespmem:v59+s2+$0x0], $0xffff  }
0x985: {  	v28 =	vsub.bf16 v26, v27;
	v26 =	vld [tilespmem:$0x1E2B0]  }
0x986: {  	v27 =	vld [tilespmem:$0x1E2C0]  }
0x987: {  	v9 =	vld.idx.msk [tilespmem:v57+s2+$0x0], $0xffff  }
0x988: {  	v63 =	vld.idx.msk [tilespmem:v60+s2+$0x0], $0xffff  }
0x989: {  	v60 =	vld [tilespmem:$0x1E2F0]  }
0x98a: {  	v57 =	vld [tilespmem:$0x1E3D0]  }
0x98b: {  	v34 =	vsub.bf16 v30, v33;
	v30 =	vld [tilespmem:$0x1E2D0]  }
0x98c: {  	v33 =	vld [tilespmem:$0x1E2E0]  }
0x98d: {  	v2 =	vmax.bf16 v2, v5;
	v5 =	vld [tilespmem:$0x1E410]  }
0x98e: {  	v3 =	vmax.bf16 v3, v20;
	v20 =	vsub.bf16 v15, v18;
	v15 =	vld [tilespmem:$0x1E320]  }
0x98f: {  	v24 =	vsub.bf16 v21, v22;
	v21 =	vld [tilespmem:$0x1E290]  }
0x990: {  	v46 =	vmax.bf16 v3, v28;
	v59 =	vadd.s32 $0x2710, v43;
	v22 =	vld [tilespmem:$0x1E2A0]  }
0x991: {  	v39 =	vmax.bf16 v46, v20;
	v20 =	vld [tilespmem:$0x1E330]  }
0x992: {  	v28 =	vsub.bf16 v26, v27;
	v26 =	vld [tilespmem:$0x1E360]  }
0x993: {  	v46 =	vld [tilespmem:$0x1E3B0]  }
0x994: {  	v7 =	vsub.bf16 v60, v6;
	v60 =	vmax.bf16 v0, v4;
	v4 =	vld [tilespmem:$0x1E400]  }
0x995: {  	v6 =	vmax.bf16 v1, v62;
	v39 =	vmax.bf16 v39, v28;
	v62 =	vld.idx.msk [tilespmem:v59+s2+$0x0], $0xffff  }
0x996: {  	v39 =	vmax.bf16 v39, v7;
	v7 =	vld [tilespmem:$0x1E370]  }
0x997: {  	v18 =	vsub.bf16 v8, v15;
	v8 =	vld [tilespmem:$0x1E380]  }
0x998: {  	v58 =	vadd.s32 $0x2710, v61;
	v2 =	vmax.bf16 v2, v24;
	v59 =	vld [tilespmem:$0x1E3F0];
	v24 =	vsub.bf16 v21, v22  }
0x999: {  	v53 =	vmax.bf16 v2, v34;
	v34 =	vsub.bf16 v30, v33;
	v21 =	vld [tilespmem:$0x1E340]  }
0x99a: {  	v53 =	vmax.bf16 v53, v24;
	v24 =	vld [tilespmem:$0x1E350]  }
0x99b: {  	v53 =	vmax.bf16 v53, v34;
	v34 =	vld [tilespmem:s18+$0x1A610]  }
0x99c: {  	v15 =	vsub.bf16 v7, v8;
	v8 =	vld.idx.msk [tilespmem:v43+s2+$0x0], $0xffff  }
0x99d: {  	v7 =	vld.idx.msk [tilespmem:v58+s2+$0x0], $0xffff  }
0x99e: {  	v22 =	vsub.bf16 v20, v21;
	v20 =	vld [tilespmem:$0x1E390]  }
0x99f: {  	v21 =	vld [tilespmem:$0x1E3A0];
	v27 =	vsub.bf16 v24, v26  }
0x9a0: {  	v53 =	vmax.bf16 v53, v18;
	v58 =	vld [tilespmem:$0x1E3E0]  }
0x9a1: {  	v18 =	vmax.bf16 v53, v27;
	v53 =	vld [tilespmem:$0x1E3C0]  }
0x9a2: {  	v33 =	vmax.bf16 v39, v22;
	v26 =	vld [tilespmem:$0x1E450]  }
0x9a3: {  	v30 =	vmax.bf16 v33, v15;
	v15 =	vld [tilespmem:$0x1E420]  }
0x9a4: {  	v22 =	vsub.bf16 v20, v21;
	v20 =	vld [tilespmem:$0x1E430]  }
0x9a5: {  	v21 =	vld [tilespmem:$0x1E440]  }
0x9a6: {  	v43 =	vsub.bf16 v46, v53;
	v53 =	vsub.bf16 v57, v58;
	v57 =	vld [tilespmem:$0x1E470]  }
0x9a7: {  	v58 =	vsub.bf16 v59, v4;
	v4 =	vld [tilespmem:$0x1E480]  }
0x9a8: {  	v46 =	vadd.s32 $0x2710, v36;
	v30 =	vmax.bf16 v30, v43;
	v43 =	vld [tilespmem:$0x1E460];
	_ =	sdelay $0x1  }
0x9a9: {  	v33 =	vmax.bf16 v18, v22;
	v18 =	vsub.bf16 v5, v15;
	v22 =	vsub.bf16 v20, v21;
	v20 =	vld [tilespmem:$0x1E490]  }
0x9aa: {  	v21 =	vld [tilespmem:$0x1E4A0]  }
0x9ab: {  	v15 =	vmax.bf16 v53, v18;
	v18 =	vmax.bf16 v58, v22;
	v58 =	vld.idx.msk [tilespmem:v34+s2+$0x0], $0xffff;
	v5 =	vsub.bf16 v57, v4  }
0x9ac: {  	v59 =	vld.idx.msk [tilespmem:v46+s2+$0x0], $0xffff;
	v43 =	vsub.bf16 v26, v43  }
0x9ad: {  	v26 =	vmax.bf16 v18, v5;
	v5 =	vld [tilespmem:$0x1E4B0]  }
0x9ae: {  	v4 =	vmax.bf16 v15, v43;
	v15 =	vld [tilespmem:$0x1E4C0]  }
0x9af: {  	v46 =	vld [tilespmem:$0x1E500]  }
0x9b0: {  	v22 =	vsub.bf16 v20, v21;
	v20 =	vld [tilespmem:$0x1E4D0]  }
0x9b1: {  	v21 =	vld [tilespmem:$0x1E4E0]  }
0x9b2: {  	v27 =	vadd.s32 $0x2710, v34;
	v34 =	vmax.bf16 v4, v22;
	v4 =	vld [tilespmem:$0x1E510]  }
0x9b3: {  	v18 =	vsub.bf16 v5, v15;
	v5 =	vld [tilespmem:$0x1E520]  }
0x9b4: {  	v43 =	vld [tilespmem:$0x1E4F0]  }
0x9b5: {  	v15 =	vld [tilespmem:$0x1E530]  }
0x9b6: {  	v26 =	vmax.bf16 v26, v18;
	v18 =	vld [tilespmem:$0x1E540]  }
0x9b7: {  	v57 =	vld.idx.msk [tilespmem:v36+s2+$0x0], $0xffff  }
0x9b8: {  	v39 =	vsub.bf16 v4, v5;
	v4 =	vld [tilespmem:$0x1E570]  }
0x9b9: {  	v22 =	vsub.bf16 v20, v21;
	v36 =	vsub.bf16 v43, v46;
	v5 =	vld [tilespmem:$0x1E580]  }
0x9ba: {  	v20 =	vld [tilespmem:$0x1E550]  }
0x9bb: {  	v34 =	vmax.bf16 v34, v22;
	v26 =	vmax.bf16 v26, v36;
	v36 =	vld [tilespmem:$0x1E560];
	v22 =	vsub.bf16 v15, v18  }
0x9bc: {  	v34 =	vmax.bf16 v34, v39;
	v39 =	vld [tilespmem:$0x1E5A0]  }
0x9bd: {  	v22 =	vmax.bf16 v26, v22;
	v26 =	vld [tilespmem:$0x1E590]  }
0x9be: {  	v15 =	vsub.bf16 v4, v5  }
0x9bf: {  	v5 =	vld [tilespmem:$0x1E5B0]  }
0x9c0: {  	v36 =	vsub.bf16 v20, v36;
	v20 =	vmax.bf16 v22, v15;
	v15 =	vld [tilespmem:$0x1E5C0];
	_ =	sdelay $0x1  }
0x9c1: {  	v4 =	vsub.bf16 v26, v39  }
0x9c2: {  	v34 =	vmax.bf16 v34, v36  }
0x9c3: {  	v26 =	vmax.bf16 v34, v4;
	v4 =	vld [tilespmem:$0x1E5D0]  }
0x9c4: {  	v18 =	vsub.bf16 v5, v15;
	v5 =	vld [tilespmem:$0x1E5E0];
	_ =	sdelay $0x1  }
0x9c5: {  	v22 =	vld [tilespmem:$0x1E600]  }
0x9c6: {  	v20 =	vmax.bf16 v20, v18;
	v18 =	vld [tilespmem:$0x1E5F0]  }
0x9c7: {  	v34 =	vld [tilespmem:$0x1E610]  }
0x9c8: {  	v15 =	vsub.bf16 v4, v5;
	v4 =	vld [tilespmem:$0x1E620]  }
0x9c9: {  	v5 =	vld [tilespmem:$0x1E630]  }
0x9ca: {  	v26 =	vmax.bf16 v26, v15;
	v15 =	vld [tilespmem:$0x1E640]  }
0x9cb: {  	v22 =	vsub.bf16 v18, v22;
	_ =	sdelay $0x1  }
0x9cc: {  	v20 =	vmax.bf16 v20, v22;
	v22 =	vld [tilespmem:$0x1E650]  }
0x9cd: {  	v34 =	vsub.bf16 v34, v4;
	v4 =	vld [tilespmem:$0x1E660]  }
0x9ce: {  	v15 =	vsub.bf16 v5, v15;
	v5 =	vld [tilespmem:$0x1E670];
	_ =	sdelay $0x2  }
0x9cf: {  	v24 =	vld [tilespmem:s18+$0x1A7A0]  }
0x9d0: {  	v22 =	vsub.bf16 v55, v22;
	v55 =	vld [tilespmem:$0x1E680]  }
0x9d1: {  	v0 =	vsub.bf16 v4, v5;
	v4 =	vld [tilespmem:$0x1E690];
	_ =	sdelay $0x2  }
0x9d2: {  	v43 =	vadd.s32 $0x2710, v24;
	_ =	sdelay $0x1  }
0x9d3: {  	v5 =	vsub.bf16 v55, v4;
	v55 =	vld [tilespmem:$0x1E6C0]  }
0x9d4: {  	v4 =	vld [tilespmem:$0x1E6D0]  }
0x9d5: {  	v21 =	vld [tilespmem:s18+$0x1A930]  }
0x9d6: {  	v36 =	vld.idx.msk [tilespmem:v43+s2+$0x0], $0xffff;
	v26 =	vmax.bf16 v26, v34  }
0x9d7: {  	v34 =	vld [tilespmem:$0x1E6B0];
	v22 =	vmax.bf16 v26, v22  }
0x9d8: {  	v15 =	vmax.bf16 v20, v15;
	v20 =	vmax.bf16 v22, v5;
	v22 =	vld [tilespmem:$0x1E710]  }
0x9d9: {  	v5 =	vsub.bf16 v55, v4;
	v55 =	vld [tilespmem:$0x1E700]  }
0x9da: {  	v43 =	vadd.s32 $0x2710, v21;
	v26 =	vld [tilespmem:$0x1E6A0]  }
0x9db: {  	v3 =	vld [tilespmem:s18+$0x1AAC0]  }
0x9dc: {  	v1 =	vld [tilespmem:$0x1E720]  }
0x9dd: {  	v28 =	vld [tilespmem:s18+$0x175A0]  }
0x9de: {  	v22 =	vsub.bf16 v55, v22;
	v55 =	vld [tilespmem:$0x1E730]  }
0x9df: {  	v0 =	vmax.bf16 v15, v0;
	v15 =	vsub.bf16 v26, v34;
	v34 =	vld.idx.msk [tilespmem:v43+s2+$0x0], $0xffff  }
0x9e0: {  	v43 =	vld [tilespmem:$0x1E6F0]  }
0x9e1: {  	v0 =	vmax.bf16 v0, v15;
	v15 =	vld [tilespmem:$0x1E6E0]  }
0x9e2: {  	v20 =	vmax.bf16 v20, v5;
	v5 =	vld [tilespmem:$0x1E740]  }
0x9e3: {  	v1 =	vsub.bf16 v1, v55;
	v55 =	vld [tilespmem:$0x1E750]  }
0x9e4: {  	v61 =	vld.idx.msk [tilespmem:v61+s2+$0x0], $0xffff  }
0x9e5: {  	v53 =	vld.idx.msk [tilespmem:v27+s2+$0x0], $0xffff;
	v27 =	vadd.s32 $0x2710, v28  }
0x9e6: {  	v9 =	vsub.bf16 v9, v63;
	v63 =	vld [tilespmem:s18+$0x1B100];
	v15 =	vsub.bf16 v15, v43  }
0x9e7: {  	v2 =	vld [tilespmem:s18+$0x17A50]  }
0x9e8: {  	v0 =	vmax.bf16 v0, v15;
	v15 =	vsub.bf16 v5, v55;
	v55 =	vld [tilespmem:$0x1E760]  }
0x9e9: {  	v28 =	vld.idx.msk [tilespmem:v28+s2+$0x0], $0xffff  }
0x9ea: {  	v27 =	vld.idx.msk [tilespmem:v27+s2+$0x0], $0xffff  }
0x9eb: {  	v46 =	vld [tilespmem:s18+$0x17730]  }
0x9ec: {  	v5 =	vld [tilespmem:$0x1E770]  }
0x9ed: {  	v56 =	vsub.bf16 v55, v56;
	v55 =	vld [tilespmem:$0x1E780]  }
0x9ee: {  	v24 =	vld.idx.msk [tilespmem:v24+s2+$0x0], $0xffff  }
0x9ef: {  	v18 =	vld [tilespmem:s18+$0x178C0]  }
0x9f0: {  	v0 =	vmax.bf16 v0, v1;
	v1 =	vld.idx.msk [tilespmem:v3+s2+$0x0], $0xffff  }
0x9f1: {  	v43 =	vadd.s32 $0x2710, v3;
	v3 =	vld [tilespmem:$0x1E790]  }
0x9f2: {  	v5 =	vsub.bf16 v5, v55;
	v55 =	vld [tilespmem:$0x1E7A0]  }
0x9f3: {  	v39 =	vadd.s32 $0x2710, v46;
	v4 =	vld [tilespmem:s18+$0x1AC50]  }
0x9f4: {  	v21 =	vld.idx.msk [tilespmem:v21+s2+$0x0], $0xffff  }
0x9f5: {  	v46 =	vld.idx.msk [tilespmem:v46+s2+$0x0], $0xffff  }
0x9f6: {  	v0 =	vmax.bf16 v0, v56;
	v56 =	vld [tilespmem:$0x1E7B0]  }
0x9f7: {  	v3 =	vsub.bf16 v3, v55;
	v55 =	vld [tilespmem:$0x1E7C0]  }
0x9f8: {  	v50 =	vsub.bf16 v51, v50;
	v48 =	vsub.bf16 v49, v48;
	v26 =	vld.idx.msk [tilespmem:v39+s2+$0x0], $0xffff  }
0x9f9: {  	v42 =	vsub.bf16 v47, v42;
	v47 =	vsub.bf16 v44, v41;
	v39 =	vadd.s32 $0x2710, v18;
	v18 =	vld.idx.msk [tilespmem:v18+s2+$0x0], $0xffff  }
0x9fa: {  	v37 =	vsub.bf16 v40, v37;
	v32 =	vsub.bf16 v38, v32;
	v49 =	vadd.s32 $0x2710, v4;
	v43 =	vld.idx.msk [tilespmem:v43+s2+$0x0], $0xffff  }
0x9fb: {  	v23 =	vsub.bf16 v25, v23;
	v29 =	vsub.bf16 v31, v29;
	v4 =	vld.idx.msk [tilespmem:v4+s2+$0x0], $0xffff  }
0x9fc: {  	v17 =	vsub.bf16 v19, v17;
	v20 =	vmax.bf16 v20, v22;
	v22 =	vsub.bf16 v56, v55;
	v56 =	vld [tilespmem:$0x1E7D0]  }
0x9fd: {  	v14 =	vsub.bf16 v16, v14;
	v12 =	vsub.bf16 v13, v12;
	v55 =	vld [tilespmem:s18+$0x17BE0]  }
0x9fe: {  	v10 =	vsub.bf16 v11, v10;
	v8 =	vsub.bf16 v61, v8;
	v15 =	vmax.bf16 v20, v15;
	v20 =	vld.idx.msk [tilespmem:v39+s2+$0x0], $0xffff  }
0x9ff: {  	v7 =	vsub.bf16 v7, v62;
	v38 =	vsub.bf16 v59, v53;
	v15 =	vmax.bf16 v15, v22;
	v22 =	vld.idx.msk [tilespmem:v49+s2+$0x0], $0xffff  }
0xa00: {  	v40 =	vsub.bf16 v28, v24;
	v44 =	vsub.bf16 v27, v36;
	v15 =	vmax.bf16 v15, v50;
	v50 =	vld [tilespmem:s18+$0x1AF70]  }
0xa01: {  	v39 =	vsub.bf16 v56, v52;
	v52 =	vadd.s32 $0x2710, v2;
	v56 =	vsub.bf16 v54, v45;
	v45 =	vld [tilespmem:s18+$0x1ADE0]  }
0xa02: {  	v1 =	vsub.bf16 v18, v1;
	v5 =	vmax.bf16 v33, v5;
	v2 =	vld.idx.msk [tilespmem:v2+s2+$0x0], $0xffff;
	v49 =	vadd.s32 $0x2710, v55  }
0xa03: {  	v33 =	vsub.bf16 v57, v58;
	v0 =	vmax.bf16 v0, v39;
	v15 =	vmax.bf16 v15, v56;
	v56 =	vld [tilespmem:s18+$0x17F00]  }
0xa04: {  	v58 =	vunpack.i.l.bf16.f32 v5;
	v5 =	vunpack.i.u.bf16.f32 v5;
	v0 =	vmax.bf16 v0, v48;
	v48 =	vld [tilespmem:s18+$0x17D70]  }
0xa05: {  	[tilespmem:v35+s18+$0x20 ss:$0x1] =	vst.idx.msk $0xffff, v58;
	v3 =	vmax.bf16 v30, v3;
	v15 =	vmax.bf16 v15, v47;
	v13 =	vld.idx.msk [tilespmem:v55+s2+$0x0], $0xffff  }
0xa06: {  	[tilespmem:v35+s18+$0x2730 ss:$0x1] =	vst.idx.msk $0xffff, v5;
	v55 =	vunpack.i.u.bf16.f32 v60;
	v15 =	vmax.bf16 v15, v32;
	v32 =	vadd.s32 $0x2710, v50;
	v31 =	vld.idx.msk [tilespmem:v52+s2+$0x0], $0xffff  }
0xa07: {  	v47 =	vsub.bf16 v46, v21;
	v0 =	vmax.bf16 v0, v42;
	v51 =	vadd.s32 $0x2710, v45;
	v30 =	vld.idx.msk [tilespmem:v49+s2+$0x0], $0xffff  }
0xa08: {  	[tilespmem:v35+s18+$0x2720 ss:$0x1] =	vst.idx.msk $0xffff, v55;
	v0 =	vmax.bf16 v0, v37;
	v15 =	vmax.bf16 v15, v23;
	v41 =	vld.idx.msk [tilespmem:v50+s2+$0x0], $0xffff  }
0xa09: {  	v52 =	vunpack.i.l.bf16.f32 v60;
	v49 =	vsub.bf16 v20, v43;
	v2 =	vsub.bf16 v2, v4;
	v50 =	vld.idx.msk [tilespmem:v63+s2+$0x0], $0xffff  }
0xa0a: {  	v0 =	vmax.bf16 v0, v29;
	v14 =	vmax.bf16 v15, v14;
	v42 =	vadd.s32 $0x2710, v56;
	v54 =	vld.idx.msk [tilespmem:v45+s2+$0x0], $0xffff  }
0xa0b: {  	v0 =	vmax.bf16 v0, v17;
	v10 =	vmax.bf16 v14, v10;
	v60 =	vadd.s32 $0x2710, v48;
	v19 =	vld.idx.msk [tilespmem:v32+s2+$0x0], $0xffff  }
0xa0c: {  	v0 =	vmax.bf16 v0, v12;
	v8 =	vmax.bf16 v10, v8;
	v45 =	vadd.s32 $0x2710, v63;
	v37 =	vld.idx.msk [tilespmem:v51+s2+$0x0], $0xffff  }
0xa0d: {  	[tilespmem:v35+s18+$0x10 ss:$0x1] =	vst.idx.msk $0xffff, v52;
	v0 =	vmax.bf16 v0, v9;
	v8 =	vmax.bf16 v8, v33;
	v12 =	vld.idx.msk [tilespmem:v56+s2+$0x0], $0xffff  }
0xa0e: {  	v0 =	vmax.bf16 v0, v7;
	v8 =	vmax.bf16 v8, v40;
	v51 =	vsub.bf16 v31, v22;
	v39 =	vld.idx.msk [tilespmem:v48+s2+$0x0], $0xffff  }
0xa0f: {  	v0 =	vmax.bf16 v0, v38;
	v48 =	vsub.bf16 v26, v34;
	v8 =	vmax.bf16 v8, v47;
	v52 =	vld.idx.msk [tilespmem:v42+s2+$0x0], $0xffff  }
0xa10: {  	v0 =	vmax.bf16 v0, v44;
	v11 =	vld.idx.msk [tilespmem:v60+s2+$0x0], $0xffff;
	v53 =	vsub.bf16 v13, v54;
	v54 =	vunpack.i.l.bf16.f32 v6  }
0xa11: {  	v1 =	vmax.bf16 v8, v1;
	v55 =	vld.idx.msk [tilespmem:v45+s2+$0x0], $0xffff;
	v6 =	vunpack.i.u.bf16.f32 v6;
	[tilespmem:v35+s18+$0x4E30 ss:$0x1] =	vst.idx.msk $0xffff, v54  }
0xa12: {  	v0 =	vmax.bf16 v0, v48;
	v1 =	vmax.bf16 v1, v2;
	v60 =	vunpack.i.l.bf16.f32 v3;
	[tilespmem:v35+s18+$0x7540 ss:$0x1] =	vst.idx.msk $0xffff, v6  }
0xa13: {  	v3 =	vunpack.i.u.bf16.f32 v3;
	v0 =	vmax.bf16 v0, v49;
	[tilespmem:v35+s18+$0x4E40 ss:$0x1] =	vst.idx.msk $0xffff, v60;
	v57 =	vsub.bf16 v39, v41  }
0xa14: {  	v56 =	vsub.bf16 v30, v37;
	v1 =	vmax.bf16 v1, v53;
	v4 =	vsub.bf16 v12, v50  }
0xa15: {  	v0 =	vmax.bf16 v0, v51;
	v1 =	vmax.bf16 v1, v57;
	v59 =	vsub.bf16 v11, v19  }
0xa16: {  	p0 =	slt.u32 s17, $0x14;
	v0 =	vmax.bf16 v0, v56;
	v61 =	vsub.bf16 v52, v55;
	v1 =	vmax.bf16 v1, v4  }
.Ltmp7:
0xa17: {  	[tilespmem:v35+s18+$0x7550 ss:$0x1] =	vst.idx.msk $0xffff, v3;
	v0 =	vmax.bf16 v0, v59;
	v62 =	vunpack.i.l.bf16.f32 v1;
	(pc) =	sbr.rel @p0 .LBB2_7-.Ltmp7, $4  }
0xa18: {  	v1 =	vunpack.i.u.bf16.f32 v1;
	v0 =	vmax.bf16 v0, v61;
	[tilespmem:v35+s18+$0x30 ss:$0x1] =	vst.idx.msk $0xffff, v62  }
0xa19: {  	[tilespmem:v35+s18+$0x2740 ss:$0x1] =	vst.idx.msk $0xffff, v1;
	v63 =	vunpack.i.l.bf16.f32 v0  }
0xa1a: {  	v0 =	vunpack.i.u.bf16.f32 v0;
	[tilespmem:v35+s18+$0x4E50 ss:$0x1] =	vst.idx.msk $0xffff, v63  }
0xa1b: {  	s17 =	sadd.s32 $0x4, s17;
	[tilespmem:v35+s18+$0x7560 ss:$0x1] =	vst.idx.msk $0xffff, v0  }
0xa1c: {  	v0 =	vld [tilespmem:$0x14FE0]  }
0xa1d: {  	v1 =	vld [tilespmem:$0x181E0]  }
0xa1e: {  	v4 =	vld [tilespmem:$0x15170]  }
0xa1f: {  	v5 =	vld [tilespmem:$0x18370]  }
0xa20: {  	v24 =	vld [tilespmem:$0x15300]  }
0xa21: {  	v25 =	vld [tilespmem:$0x18500]  }
0xa22: {  	v28 =	vld [tilespmem:$0x15490]  }
0xa23: {  	v29 =	vld [tilespmem:$0x18690]  }
0xa24: {  	v32 =	vld [tilespmem:$0x15620]  }
0xa25: {  	v33 =	vld [tilespmem:$0x18820]  }
0xa26: {  	v38 =	vld [tilespmem:$0x157B0]  }
0xa27: {  	v39 =	vld [tilespmem:$0x189B0]  }
0xa28: {  	v44 =	vld [tilespmem:$0x15940]  }
0xa29: {  	v45 =	vld [tilespmem:$0x18B40]  }
0xa2a: {  	v50 =	vld [tilespmem:$0x15AD0]  }
0xa2b: {  	v51 =	vld [tilespmem:$0x18CD0]  }
0xa2c: {  	v56 =	vld [tilespmem:$0x15C60]  }
0xa2d: {  	v57 =	vld [tilespmem:$0x18E60]  }
0xa2e: {  	v62 =	vld [tilespmem:$0x15DF0]  }
0xa2f: {  	v63 =	vld [tilespmem:$0x18FF0]  }
0xa30: {  	v7 =	vld.idx.msk [tilespmem:v0+s2+$0x0], $0xffff  }
0xa31: {  	v11 =	vld.idx.msk [tilespmem:v1+s2+$0x0], $0xffff  }
0xa32: {  	v14 =	vld.idx.msk [tilespmem:v4+s2+$0x0], $0xffff  }
0xa33: {  	v15 =	vld.idx.msk [tilespmem:v5+s2+$0x0], $0xffff  }
0xa34: {  	v20 =	vld.idx.msk [tilespmem:v24+s2+$0x0], $0xffff  }
0xa35: {  	v21 =	vld.idx.msk [tilespmem:v25+s2+$0x0], $0xffff  }
0xa36: {  	v22 =	vadd.s32 $0x2710, v4;
	v4 =	vld.idx.msk [tilespmem:v28+s2+$0x0], $0xffff  }
0xa37: {  	v34 =	vld.idx.msk [tilespmem:v29+s2+$0x0], $0xffff  }
0xa38: {  	v40 =	vld.idx.msk [tilespmem:v33+s2+$0x0], $0xffff  }
0xa39: {  	v46 =	vld.idx.msk [tilespmem:v39+s2+$0x0], $0xffff  }
0xa3a: {  	v52 =	vld.idx.msk [tilespmem:v45+s2+$0x0], $0xffff  }
0xa3b: {  	v58 =	vld.idx.msk [tilespmem:v51+s2+$0x0], $0xffff  }
0xa3c: {  	v2 =	vadd.s32 $0x2710, v0;
	v6 =	vld.idx.msk [tilespmem:v57+s2+$0x0], $0xffff  }
0xa3d: {  	v3 =	vadd.s32 $0x2710, v1;
	v26 =	vadd.s32 $0x2710, v24;
	v24 =	vld.idx.msk [tilespmem:v63+s2+$0x0], $0xffff  }
0xa3e: {  	v30 =	vadd.s32 $0x2710, v28;
	v28 =	vld [tilespmem:$0x16110]  }
0xa3f: {  	v23 =	vadd.s32 $0x2710, v5;
	v31 =	vadd.s32 $0x2710, v29;
	v29 =	vld [tilespmem:$0x19310]  }
0xa40: {  	v55 =	vadd.s32 $0x2710, v51;
	v51 =	vld [tilespmem:$0x19950]  }
0xa41: {  	v27 =	vadd.s32 $0x2710, v25;
	v12 =	vld.idx.msk [tilespmem:v2+s2+$0x0], $0xffff  }
0xa42: {  	v13 =	vld.idx.msk [tilespmem:v3+s2+$0x0], $0xffff  }
0xa43: {  	v16 =	vld.idx.msk [tilespmem:v22+s2+$0x0], $0xffff  }
0xa44: {  	v17 =	vld.idx.msk [tilespmem:v23+s2+$0x0], $0xffff  }
0xa45: {  	v37 =	vadd.s32 $0x2710, v33;
	v18 =	vld.idx.msk [tilespmem:v26+s2+$0x0], $0xffff  }
0xa46: {  	v43 =	vadd.s32 $0x2710, v39;
	v19 =	vld.idx.msk [tilespmem:v27+s2+$0x0], $0xffff  }
0xa47: {  	v49 =	vadd.s32 $0x2710, v45;
	v0 =	vld.idx.msk [tilespmem:v30+s2+$0x0], $0xffff  }
0xa48: {  	v35 =	vld.idx.msk [tilespmem:v31+s2+$0x0], $0xffff  }
0xa49: {  	v61 =	vadd.s32 $0x2710, v57;
	v2 =	vld.idx.msk [tilespmem:v32+s2+$0x0], $0xffff  }
0xa4a: {  	v41 =	vld.idx.msk [tilespmem:v37+s2+$0x0], $0xffff  }
0xa4b: {  	v47 =	vld.idx.msk [tilespmem:v43+s2+$0x0], $0xffff  }
0xa4c: {  	v10 =	vadd.s32 $0x2710, v63;
	v53 =	vld.idx.msk [tilespmem:v49+s2+$0x0], $0xffff  }
0xa4d: {  	v59 =	vld.idx.msk [tilespmem:v55+s2+$0x0], $0xffff  }
0xa4e: {  	v8 =	vld.idx.msk [tilespmem:v61+s2+$0x0], $0xffff  }
0xa4f: {  	v22 =	vld [tilespmem:$0x15F80]  }
0xa50: {  	v23 =	vld [tilespmem:$0x19180]  }
0xa51: {  	v25 =	vld.idx.msk [tilespmem:v10+s2+$0x0], $0xffff  }
0xa52: {  	[tilespmem:$0x1CFE0] =	vst v4;
	v4 =	vld.idx.msk [tilespmem:v38+s2+$0x0], $0xffff  }
0xa53: {  	v36 =	vadd.s32 $0x2710, v32;
	[tilespmem:$0x1CFF0] =	vst v34;
	v34 =	vld [tilespmem:$0x162A0]  }
0xa54: {  	[tilespmem:$0x1D030] =	vst v40;
	v40 =	vld [tilespmem:$0x16430]  }
0xa55: {  	[tilespmem:$0x1D070] =	vst v46;
	v46 =	vld [tilespmem:$0x165C0]  }
0xa56: {  	v11 =	vsub.bf16 v7, v11;
	v7 =	vld [tilespmem:$0x1A8F0]  }
0xa57: {  	v15 =	vsub.bf16 v14, v15;
	v14 =	vld [tilespmem:$0x1CFF0]  }
0xa58: {  	[tilespmem:$0x1D000] =	vst v0;
	v0 =	vld.idx.msk [tilespmem:v36+s2+$0x0], $0xffff  }
0xa59: {  	[tilespmem:$0x1D020] =	vst v2;
	v2 =	vld.idx.msk [tilespmem:v44+s2+$0x0], $0xffff  }
0xa5a: {  	[tilespmem:$0x1D010] =	vst v35;
	v35 =	vld [tilespmem:$0x194A0]  }
0xa5b: {  	[tilespmem:$0x1D050] =	vst v41;
	v41 =	vld [tilespmem:$0x19630]  }
0xa5c: {  	[tilespmem:$0x1D090] =	vst v47;
	v47 =	vld [tilespmem:$0x197C0]  }
0xa5d: {  	v13 =	vsub.bf16 v12, v13;
	v17 =	vsub.bf16 v16, v17;
	v36 =	vld.idx.msk [tilespmem:v29+s2+$0x0], $0xffff  }
0xa5e: {  	v33 =	vadd.s32 $0x2710, v29;
	v16 =	vld [tilespmem:$0x1D000]  }
0xa5f: {  	v3 =	vmax.bf16 v13, v17;
	v13 =	vld [tilespmem:$0x1CFE0]  }
0xa60: {  	v17 =	vld [tilespmem:$0x1D010]  }
0xa61: {  	v10 =	vadd.s32 $0x2710, v51;
	[tilespmem:$0x1D060] =	vst v4;
	v4 =	vld.idx.msk [tilespmem:v50+s2+$0x0], $0xffff  }
0xa62: {  	v30 =	vld.idx.msk [tilespmem:v23+s2+$0x0], $0xffff  }
0xa63: {  	v42 =	vadd.s32 $0x2710, v38;
	v37 =	vld.idx.msk [tilespmem:v33+s2+$0x0], $0xffff  }
0xa64: {  	v54 =	vadd.s32 $0x2710, v50;
	v50 =	vld [tilespmem:$0x16750]  }
0xa65: {  	v27 =	vadd.s32 $0x2710, v23;
	v12 =	vsub.bf16 v18, v19;
	v23 =	vld [tilespmem:$0x19AE0]  }
0xa66: {  	[tilespmem:$0x1D0D0] =	vst v53;
	v53 =	vld.idx.msk [tilespmem:v10+s2+$0x0], $0xffff  }
0xa67: {  	v3 =	vmax.bf16 v3, v12;
	v12 =	vld [tilespmem:$0x1D020]  }
0xa68: {  	[tilespmem:$0x1D040] =	vst v0;
	v0 =	vld.idx.msk [tilespmem:v42+s2+$0x0], $0xffff  }
0xa69: {  	[tilespmem:$0x1D0A0] =	vst v2;
	v2 =	vld.idx.msk [tilespmem:v56+s2+$0x0], $0xffff  }
0xa6a: {  	v31 =	vld.idx.msk [tilespmem:v27+s2+$0x0], $0xffff  }
0xa6b: {  	v27 =	vld [tilespmem:$0x19C70]  }
0xa6c: {  	v11 =	vmax.bf16 v11, v15;
	v15 =	vsub.bf16 v13, v14;
	v13 =	vld [tilespmem:$0x1D030]  }
0xa6d: {  	v14 =	vld [tilespmem:$0x1D040]  }
0xa6e: {  	v48 =	vadd.s32 $0x2710, v44;
	v44 =	vadd.s32 $0x2710, v40;
	v18 =	vsub.bf16 v16, v17;
	v16 =	vld [tilespmem:$0x1D060]  }
0xa6f: {  	v17 =	vld [tilespmem:$0x1D070]  }
0xa70: {  	[tilespmem:$0x1D0E0] =	vst v4;
	v4 =	vld.idx.msk [tilespmem:v62+s2+$0x0], $0xffff  }
0xa71: {  	v42 =	vld.idx.msk [tilespmem:v35+s2+$0x0], $0xffff  }
0xa72: {  	v60 =	vadd.s32 $0x2710, v56;
	v56 =	vld.idx.msk [tilespmem:v41+s2+$0x0], $0xffff  }
0xa73: {  	v57 =	vld.idx.msk [tilespmem:v44+s2+$0x0], $0xffff  }
0xa74: {  	[tilespmem:$0x1D150] =	vst v8;
	v8 =	vld.idx.msk [tilespmem:v47+s2+$0x0], $0xffff  }
0xa75: {  	v9 =	vadd.s32 $0x2710, v62;
	v39 =	vadd.s32 $0x2710, v35;
	v62 =	vld.idx.msk [tilespmem:v51+s2+$0x0], $0xffff  }
0xa76: {  	v45 =	vadd.s32 $0x2710, v41;
	[tilespmem:$0x1D1B0] =	vst v30;
	v30 =	vld [tilespmem:$0x16C00]  }
0xa77: {  	v49 =	vadd.s32 $0x2710, v47;
	v35 =	vld [tilespmem:$0x19F90]  }
0xa78: {  	[tilespmem:$0x1D080] =	vst v0;
	v0 =	vld.idx.msk [tilespmem:v48+s2+$0x0], $0xffff  }
0xa79: {  	[tilespmem:$0x1D120] =	vst v2;
	v2 =	vld.idx.msk [tilespmem:v22+s2+$0x0], $0xffff  }
0xa7a: {  	v43 =	vld.idx.msk [tilespmem:v39+s2+$0x0], $0xffff  }
0xa7b: {  	[tilespmem:$0x1D110] =	vst v59;
	v59 =	vld.idx.msk [tilespmem:v45+s2+$0x0], $0xffff  }
0xa7c: {  	[tilespmem:$0x1D0F0] =	vst v58;
	v58 =	vld.idx.msk [tilespmem:v49+s2+$0x0], $0xffff  }
0xa7d: {  	v26 =	vadd.s32 $0x2710, v22;
	v22 =	vld [tilespmem:$0x168E0]  }
0xa7e: {  	[tilespmem:$0x1D1D0] =	vst v31;
	v31 =	vld [tilespmem:$0x19E00]  }
0xa7f: {  	v39 =	vld [tilespmem:$0x16F20]  }
0xa80: {  	[tilespmem:$0x1D190] =	vst v25;
	v3 =	vmax.bf16 v3, v18;
	v48 =	vadd.s32 $0x2710, v46;
	v18 =	vld [tilespmem:$0x1D080]  }
0xa81: {  	v25 =	vadd.s32 $0x2710, v23;
	[tilespmem:$0x1D160] =	vst v4;
	v4 =	vld.idx.msk [tilespmem:v28+s2+$0x0], $0xffff  }
0xa82: {  	[tilespmem:$0x1D280] =	vst v8;
	v8 =	vld [tilespmem:$0x1A120]  }
0xa83: {  	v29 =	vadd.s32 $0x2710, v27;
	[tilespmem:$0x1D0C0] =	vst v0;
	v0 =	vld.idx.msk [tilespmem:v54+s2+$0x0], $0xffff  }
0xa84: {  	[tilespmem:$0x1D1A0] =	vst v2;
	v2 =	vld.idx.msk [tilespmem:v34+s2+$0x0], $0xffff  }
0xa85: {  	v55 =	vld.idx.msk [tilespmem:v48+s2+$0x0], $0xffff  }
0xa86: {  	v54 =	vld.idx.msk [tilespmem:v25+s2+$0x0], $0xffff  }
0xa87: {  	v48 =	vld.idx.msk [tilespmem:v27+s2+$0x0], $0xffff  }
0xa88: {  	v47 =	vld.idx.msk [tilespmem:v29+s2+$0x0], $0xffff  }
0xa89: {  	v38 =	vadd.s32 $0x2710, v34;
	v34 =	vld [tilespmem:$0x16D90]  }
0xa8a: {  	v29 =	vld [tilespmem:$0x17240]  }
0xa8b: {  	v44 =	vld.idx.msk [tilespmem:v30+s2+$0x0], $0xffff  }
0xa8c: {  	v45 =	vld.idx.msk [tilespmem:v35+s2+$0x0], $0xffff  }
0xa8d: {  	[tilespmem:$0x1D1E0] =	vst v4;
	v4 =	vld.idx.msk [tilespmem:v40+s2+$0x0], $0xffff  }
0xa8e: {  	[tilespmem:$0x1D0B0] =	vst v52;
	v52 =	vld.idx.msk [tilespmem:v22+s2+$0x0], $0xffff  }
0xa8f: {  	[tilespmem:$0x1D170] =	vst v24;
	v24 =	vadd.s32 $0x2710, v22;
	v40 =	vld.idx.msk [tilespmem:v31+s2+$0x0], $0xffff  }
0xa90: {  	v33 =	vadd.s32 $0x2710, v31;
	v22 =	vld [tilespmem:$0x170B0]  }
0xa91: {  	[tilespmem:$0x1D100] =	vst v0;
	v0 =	vld.idx.msk [tilespmem:v60+s2+$0x0], $0xffff  }
0xa92: {  	[tilespmem:$0x1D220] =	vst v2;
	v2 =	vld.idx.msk [tilespmem:v46+s2+$0x0], $0xffff  }
0xa93: {  	v60 =	vld.idx.msk [tilespmem:v50+s2+$0x0], $0xffff  }
0xa94: {  	v61 =	vld.idx.msk [tilespmem:v24+s2+$0x0], $0xffff  }
0xa95: {  	[tilespmem:$0x1D1F0] =	vst v36;
	v36 =	vld.idx.msk [tilespmem:v33+s2+$0x0], $0xffff  }
0xa96: {  	v33 =	vld.idx.msk [tilespmem:v39+s2+$0x0], $0xffff  }
0xa97: {  	[tilespmem:$0x1D210] =	vst v37;
	v37 =	vadd.s32 $0x2710, v34;
	v31 =	vld.idx.msk [tilespmem:v8+s2+$0x0], $0xffff  }
0xa98: {  	v10 =	vadd.s32 $0x2710, v8;
	v8 =	vld [tilespmem:$0x173D0]  }
0xa99: {  	[tilespmem:$0x1D260] =	vst v4;
	v46 =	vld.idx.msk [tilespmem:v34+s2+$0x0], $0xffff;
	v4 =	vadd.s32 $0x2710, v29  }
0xa9a: {  	[tilespmem:$0x1D140] =	vst v0;
	v0 =	vld.idx.msk [tilespmem:v9+s2+$0x0], $0xffff  }
0xa9b: {  	v9 =	vadd.s32 $0x2710, v50;
	v50 =	vld.idx.msk [tilespmem:v23+s2+$0x0], $0xffff  }
0xa9c: {  	[tilespmem:$0x1D250] =	vst v43;
	v43 =	vld.idx.msk [tilespmem:v37+s2+$0x0], $0xffff  }
0xa9d: {  	v23 =	vld [tilespmem:$0x1A2B0]  }
0xa9e: {  	v25 =	vld.idx.msk [tilespmem:v4+s2+$0x0], $0xffff  }
0xa9f: {  	v4 =	vsub.bf16 v16, v17;
	v16 =	vld [tilespmem:$0x1D090]  }
0xaa0: {  	[tilespmem:$0x1D180] =	vst v0;
	v0 =	vld.idx.msk [tilespmem:v26+s2+$0x0], $0xffff  }
0xaa1: {  	v32 =	vadd.s32 $0x2710, v28;
	v26 =	vld [tilespmem:$0x16A70]  }
0xaa2: {  	v17 =	vld [tilespmem:$0x1D0A0]  }
0xaa3: {  	v63 =	vld.idx.msk [tilespmem:v9+s2+$0x0], $0xffff  }
0xaa4: {  	v9 =	vadd.s32 $0x2710, v39;
	v39 =	vld.idx.msk [tilespmem:v22+s2+$0x0], $0xffff  }
0xaa5: {  	v27 =	vadd.s32 $0x2710, v22;
	v22 =	vld [tilespmem:$0x17560]  }
0xaa6: {  	[tilespmem:$0x1D1C0] =	vst v0;
	v0 =	vld.idx.msk [tilespmem:v32+s2+$0x0], $0xffff  }
0xaa7: {  	v32 =	vadd.s32 $0x2710, v30;
	v30 =	vld [tilespmem:$0x1A440]  }
0xaa8: {  	v37 =	vld.idx.msk [tilespmem:v23+s2+$0x0], $0xffff  }
0xaa9: {  	v51 =	vld.idx.msk [tilespmem:v26+s2+$0x0], $0xffff  }
0xaaa: {  	v28 =	vadd.s32 $0x2710, v26;
	v26 =	vld.idx.msk [tilespmem:v10+s2+$0x0], $0xffff  }
0xaab: {  	[tilespmem:$0x1D200] =	vst v0;
	v0 =	vld.idx.msk [tilespmem:v38+s2+$0x0], $0xffff;
	v38 =	vadd.s32 $0x2710, v35  }
0xaac: {  	v10 =	vld [tilespmem:$0x1A5D0]  }
0xaad: {  	v41 =	vld.idx.msk [tilespmem:v32+s2+$0x0], $0xffff  }
0xaae: {  	v32 =	vld.idx.msk [tilespmem:v9+s2+$0x0], $0xffff  }
0xaaf: {  	[tilespmem:$0x1D130] =	vst v6;
	v6 =	vadd.s32 $0x2710, v8;
	v24 =	vld.idx.msk [tilespmem:v30+s2+$0x0], $0xffff  }
0xab0: {  	[tilespmem:$0x1D230] =	vst v42;
	v42 =	vld.idx.msk [tilespmem:v38+s2+$0x0], $0xffff  }
0xab1: {  	v38 =	vld.idx.msk [tilespmem:v27+s2+$0x0], $0xffff  }
0xab2: {  	v27 =	vld.idx.msk [tilespmem:v29+s2+$0x0], $0xffff  }
0xab3: {  	[tilespmem:$0x1D240] =	vst v0;
	v0 =	vld [tilespmem:$0x1A760]  }
0xab4: {  	v29 =	vld.idx.msk [tilespmem:v6+s2+$0x0], $0xffff  }
0xab5: {  	v5 =	vadd.s32 $0x2710, v30;
	v6 =	vld [tilespmem:$0x176F0]  }
0xab6: {  	v9 =	vadd.s32 $0x2710, v10;
	v30 =	vld.idx.msk [tilespmem:v10+s2+$0x0], $0xffff;
	v10 =	vsub.bf16 v20, v21  }
0xab7: {  	v49 =	vld.idx.msk [tilespmem:v28+s2+$0x0], $0xffff;
	v28 =	vadd.s32 $0x2710, v23  }
0xab8: {  	[tilespmem:$0x1D270] =	vst v2;
	v1 =	vsub.bf16 v18, v16;
	v16 =	vld.idx.msk [tilespmem:v7+s2+$0x0], $0xffff;
	v2 =	vmax.bf16 v11, v10  }
0xab9: {  	v2 =	vmax.bf16 v2, v15;
	v15 =	vld [tilespmem:$0x1D050]  }
0xaba: {  	v23 =	vld.idx.msk [tilespmem:v5+s2+$0x0], $0xffff  }
0xabb: {  	v5 =	vsub.bf16 v12, v13;
	v12 =	vld [tilespmem:$0x1D0B0];
	v10 =	vadd.s32 $0x2710, v6  }
0xabc: {  	v34 =	vld.idx.msk [tilespmem:v28+s2+$0x0], $0xffff  }
0xabd: {  	v28 =	vld.idx.msk [tilespmem:v9+s2+$0x0], $0xffff  }
0xabe: {  	v9 =	vadd.s32 $0x2710, v0;
	v21 =	vld.idx.msk [tilespmem:v0+s2+$0x0], $0xffff;
	v0 =	vsub.bf16 v14, v15  }
0xabf: {  	v15 =	vld [tilespmem:$0x1D0E0]  }
0xac0: {  	v0 =	vmax.bf16 v3, v0;
	v3 =	vsub.bf16 v17, v12;
	v17 =	vld.idx.msk [tilespmem:v10+s2+$0x0], $0xffff  }
0xac1: {  	v11 =	vadd.s32 $0x2710, v7;
	v10 =	vld [tilespmem:$0x1D0F0]  }
0xac2: {  	v35 =	vld.idx.msk [tilespmem:v8+s2+$0x0], $0xffff  }
0xac3: {  	v13 =	vld [tilespmem:$0x1D0C0]  }
0xac4: {  	v2 =	vmax.bf16 v2, v5;
	v14 =	vld [tilespmem:$0x1D0D0]  }
0xac5: {  	v2 =	vmax.bf16 v2, v4;
	v12 =	vld [tilespmem:$0x1D110]  }
0xac6: {  	v2 =	vmax.bf16 v2, v3;
	v3 =	vsub.bf16 v15, v10;
	v15 =	vld.idx.msk [tilespmem:v11+s2+$0x0], $0xffff  }
0xac7: {  	v11 =	vld [tilespmem:$0x1D100]  }
0xac8: {  	v7 =	vld [tilespmem:$0x1D140]  }
0xac9: {  	v0 =	vmax.bf16 v0, v1;
	v1 =	vsub.bf16 v13, v14;
	v13 =	vld [tilespmem:$0x1D120]  }
0xaca: {  	v14 =	vld [tilespmem:$0x1D130]  }
0xacb: {  	v19 =	vld.idx.msk [tilespmem:v9+s2+$0x0], $0xffff  }
0xacc: {  	v4 =	vmax.bf16 v0, v1;
	v1 =	vsub.bf16 v11, v12;
	v12 =	vld [tilespmem:$0x1D150]  }
0xacd: {  	v9 =	vld [tilespmem:$0x17880]  }
0xace: {  	v8 =	vadd.s32 $0x2710, v22;
	v5 =	vmax.bf16 v2, v3;
	v2 =	vld [tilespmem:$0x1D180]  }
0xacf: {  	v3 =	vsub.bf16 v13, v14;
	v13 =	vld [tilespmem:$0x1D160]  }
0xad0: {  	v14 =	vld [tilespmem:$0x1D170]  }
0xad1: {  	v0 =	vsub.bf16 v7, v12;
	v12 =	vld [tilespmem:$0x1D190];
	_ =	sdelay $0x1  }
0xad2: {  	v20 =	vld.idx.msk [tilespmem:v8+s2+$0x0], $0xffff  }
0xad3: {  	v8 =	vld [tilespmem:$0x1AA80]  }
0xad4: {  	v1 =	vmax.bf16 v4, v1;
	v4 =	vsub.bf16 v13, v14;
	v13 =	vld [tilespmem:$0x1D1B0]  }
0xad5: {  	v2 =	vsub.bf16 v2, v12;
	v12 =	vld [tilespmem:$0x1D1A0];
	_ =	sdelay $0x1  }
0xad6: {  	v18 =	vld.idx.msk [tilespmem:v6+s2+$0x0], $0xffff  }
0xad7: {  	v14 =	vld.idx.msk [tilespmem:v9+s2+$0x0], $0xffff  }
0xad8: {  	v6 =	vadd.s32 $0x2710, v9;
	v9 =	vld [tilespmem:$0x1D1C0]  }
0xad9: {  	v0 =	vmax.bf16 v1, v0;
	v1 =	vsub.bf16 v12, v13;
	v12 =	vld [tilespmem:$0x1D1D0];
	_ =	sdelay $0x1  }
0xada: {  	v10 =	vld [tilespmem:$0x17A10]  }
0xadb: {  	v13 =	vld.idx.msk [tilespmem:v8+s2+$0x0], $0xffff  }
0xadc: {  	v11 =	vadd.s32 $0x2710, v8;
	v8 =	vld [tilespmem:$0x1D1E0]  }
0xadd: {  	v0 =	vmax.bf16 v0, v2;
	v2 =	vsub.bf16 v9, v12;
	v12 =	vld.idx.msk [tilespmem:v6+s2+$0x0], $0xffff  }
0xade: {  	v9 =	vld [tilespmem:$0x1D1F0]  }
0xadf: {  	v3 =	vmax.bf16 v5, v3;
	v6 =	vld [tilespmem:$0x1D230]  }
0xae0: {  	v3 =	vmax.bf16 v3, v4;
	v4 =	vmax.bf16 v0, v2;
	v0 =	vld [tilespmem:$0x1D220]  }
0xae1: {  	v5 =	vld [tilespmem:$0x1D210]  }
0xae2: {  	v7 =	vld [tilespmem:$0x1AC10]  }
0xae3: {  	v1 =	vmax.bf16 v3, v1;
	v3 =	vsub.bf16 v8, v9;
	v9 =	vld.idx.msk [tilespmem:v11+s2+$0x0], $0xffff  }
0xae4: {  	v11 =	vld [tilespmem:$0x1D200]  }
0xae5: {  	v8 =	vadd.s32 $0x2710, v10;
	v1 =	vmax.bf16 v1, v3;
	v3 =	vsub.bf16 v0, v6;
	v0 =	vld [tilespmem:$0x1D240]  }
0xae6: {  	v6 =	vld [tilespmem:$0x1D250]  }
0xae7: {  	v22 =	vld.idx.msk [tilespmem:v22+s2+$0x0], $0xffff  }
0xae8: {  	v10 =	vld.idx.msk [tilespmem:v10+s2+$0x0], $0xffff  }
0xae9: {  	v2 =	vsub.bf16 v11, v5;
	v5 =	vld [tilespmem:$0x17BA0]  }
0xaea: {  	v1 =	vmax.bf16 v1, v3;
	v11 =	vadd.s32 $0x2710, v7;
	v3 =	vld.idx.msk [tilespmem:v8+s2+$0x0], $0xffff  }
0xaeb: {  	v0 =	vsub.bf16 v0, v6;
	v2 =	vmax.bf16 v4, v2;
	v4 =	vld [tilespmem:$0x1D260]  }
0xaec: {  	v6 =	vld [tilespmem:$0x1ADA0]  }
0xaed: {  	v0 =	vmax.bf16 v2, v0;
	v2 =	vld.idx.msk [tilespmem:v7+s2+$0x0], $0xffff  }
0xaee: {  	v7 =	vsub.bf16 v55, v58;
	v55 =	vsub.bf16 v60, v62;
	v62 =	vld [tilespmem:$0x1AF30]  }
0xaef: {  	v40 =	vsub.bf16 v44, v40;
	v8 =	vld.idx.msk [tilespmem:v11+s2+$0x0], $0xffff  }
0xaf0: {  	v11 =	vadd.s32 $0x2710, v5;
	v4 =	vsub.bf16 v4, v56;
	v56 =	vsub.bf16 v57, v59;
	v57 =	vld [tilespmem:$0x1D270]  }
0xaf1: {  	v31 =	vsub.bf16 v33, v31;
	v53 =	vsub.bf16 v63, v53;
	v59 =	vld [tilespmem:$0x1D280]  }
0xaf2: {  	v63 =	vsub.bf16 v61, v54;
	v60 =	vsub.bf16 v52, v50;
	v52 =	vld [tilespmem:$0x17EC0]  }
0xaf3: {  	v61 =	vsub.bf16 v39, v37;
	v51 =	vsub.bf16 v51, v48;
	v5 =	vld.idx.msk [tilespmem:v5+s2+$0x0], $0xffff  }
0xaf4: {  	v47 =	vsub.bf16 v49, v47;
	v0 =	vmax.bf16 v0, v56;
	v56 =	vadd.s32 $0x2710, v6;
	v6 =	vld.idx.msk [tilespmem:v6+s2+$0x0], $0xffff  }
0xaf5: {  	v36 =	vsub.bf16 v41, v36;
	v26 =	vsub.bf16 v32, v26;
	v11 =	vld.idx.msk [tilespmem:v11+s2+$0x0], $0xffff  }
0xaf6: {  	v1 =	vmax.bf16 v1, v4;
	v0 =	vmax.bf16 v0, v7;
	v4 =	vsub.bf16 v57, v59;
	v57 =	vld [tilespmem:$0x17D30]  }
0xaf7: {  	v54 =	vsub.bf16 v43, v42;
	v34 =	vsub.bf16 v38, v34;
	v0 =	vmax.bf16 v0, v53;
	v7 =	vld.idx.msk [tilespmem:v62+s2+$0x0], $0xffff  }
0xaf8: {  	v24 =	vsub.bf16 v27, v24;
	v0 =	vmax.bf16 v0, v63;
	v59 =	vadd.s32 $0x2710, v62;
	v63 =	vld [tilespmem:$0x1B250]  }
0xaf9: {  	v23 =	vsub.bf16 v25, v23;
	v62 =	vadd.s32 $0x2710, v52;
	v1 =	vmax.bf16 v1, v4;
	v4 =	vld.idx.msk [tilespmem:v56+s2+$0x0], $0xffff  }
0xafa: {  	v28 =	vsub.bf16 v29, v28;
	v21 =	vsub.bf16 v22, v21;
	v56 =	vld [tilespmem:$0x1B0C0]  }
0xafb: {  	v16 =	vsub.bf16 v18, v16;
	v19 =	vsub.bf16 v20, v19;
	v44 =	vld.idx.msk [tilespmem:v52+s2+$0x0], $0xffff;
	v1 =	vmax.bf16 v1, v55  }
0xafc: {  	v15 =	vsub.bf16 v17, v15;
	v1 =	vmax.bf16 v1, v60;
	v60 =	vld [tilespmem:$0x18050];
	v55 =	vadd.s32 $0x2710, v57  }
0xafd: {  	v53 =	vsub.bf16 v46, v45;
	v0 =	vmax.bf16 v0, v47;
	v1 =	vmax.bf16 v1, v51;
	v42 =	vld.idx.msk [tilespmem:v59+s2+$0x0], $0xffff  }
0xafe: {  	v0 =	vmax.bf16 v0, v36;
	v48 =	vld.idx.msk [tilespmem:v62+s2+$0x0], $0xffff;
	v49 =	vadd.s32 $0x2710, v63;
	v1 =	vmax.bf16 v1, v40  }
0xaff: {  	v45 =	vsub.bf16 v35, v30;
	v0 =	vmax.bf16 v0, v54;
	v1 =	vmax.bf16 v1, v53;
	v58 =	vld.idx.msk [tilespmem:v57+s2+$0x0], $0xffff  }
0xb00: {  	v0 =	vmax.bf16 v0, v26;
	v41 =	vadd.s32 $0x2710, v56;
	v1 =	vmax.bf16 v1, v31;
	v52 =	vld.idx.msk [tilespmem:v63+s2+$0x0], $0xffff  }
0xb01: {  	v0 =	vmax.bf16 v0, v34;
	v1 =	vmax.bf16 v1, v61;
	v47 =	vadd.s32 $0x2710, v60;
	v40 =	vld.idx.msk [tilespmem:v55+s2+$0x0], $0xffff  }
0xb02: {  	v13 =	vsub.bf16 v14, v13;
	v0 =	vmax.bf16 v0, v23;
	v1 =	vmax.bf16 v1, v24;
	v46 =	vld.idx.msk [tilespmem:v56+s2+$0x0], $0xffff  }
0xb03: {  	v9 =	vsub.bf16 v12, v9;
	v0 =	vmax.bf16 v0, v28;
	v54 =	vld.idx.msk [tilespmem:v49+s2+$0x0], $0xffff;
	v1 =	vmax.bf16 v1, v45  }
0xb04: {  	v2 =	vsub.bf16 v10, v2;
	v0 =	vmax.bf16 v0, v19;
	v1 =	vmax.bf16 v1, v21;
	v51 =	vld.idx.msk [tilespmem:v60+s2+$0x0], $0xffff  }
0xb05: {  	v3 =	vsub.bf16 v3, v8;
	v0 =	vmax.bf16 v0, v15;
	v50 =	vld.idx.msk [tilespmem:v41+s2+$0x0], $0xffff;
	v1 =	vmax.bf16 v1, v16  }
0xb06: {  	v5 =	vsub.bf16 v5, v6;
	v0 =	vmax.bf16 v0, v9;
	v53 =	vld.idx.msk [tilespmem:v47+s2+$0x0], $0xffff;
	v1 =	vmax.bf16 v1, v13  }
0xb07: {  	v56 =	vsub.bf16 v11, v4;
	v55 =	vsub.bf16 v58, v7;
	v1 =	vmax.bf16 v1, v2  }
0xb08: {  	v0 =	vmax.bf16 v0, v3;
	v57 =	vsub.bf16 v44, v46;
	v1 =	vmax.bf16 v1, v5  }
0xb09: {  	v58 =	vsub.bf16 v40, v42;
	v1 =	vmax.bf16 v1, v55;
	v59 =	vsub.bf16 v51, v52  }
0xb0a: {  	v0 =	vmax.bf16 v0, v56;
	v60 =	vsub.bf16 v48, v50;
	v1 =	vmax.bf16 v1, v57  }
0xb0b: {  	v0 =	vmax.bf16 v0, v58;
	v1 =	vmax.bf16 v1, v59;
	v61 =	vsub.bf16 v53, v54  }
.Ltmp8:
0xb0c: {  	v0 =	vmax.bf16 v0, v60;
	v62 =	vunpack.i.l.bf16.f32 v1;
	(pc) =	sbr.rel .LBB2_9-.Ltmp8, $4  }
0xb0d: {  	v1 =	vunpack.i.u.bf16.f32 v1;
	v0 =	vmax.bf16 v0, v61;
	[tilespmem:s16+$0x4FA0] =	vst v62  }
0xb0e: {  	[tilespmem:s16+$0x76B0] =	vst v1;
	v63 =	vunpack.i.l.bf16.f32 v0  }
0xb0f: {  	v0 =	vunpack.i.u.bf16.f32 v0;
	[tilespmem:s16+$0x9DC0] =	vst v63  }
0xb10: {  	[tilespmem:s16+$0xC4D0] =	vst v0  }
.LBB2_11:
0xb11: {  	_ =	sfence.sel $0x180000  }
0xb12: {  	[bflag:$0x0] =	sbarrier.arrive $0xFFFF  }
0xb13: {  	p0 =	sne.s32 s0, $0x0;
	_ =	strace $0x90000047  }
0xb14: {  	s0 =	sadd.s32 @!p0 $0x100000, s1;
	[bflag:$0x2] =	sbarrier.arrive $0xFFFF  }
0xb15: {  	[sflag:s0] =	ssyncadd.tile.s32 @!p0 $0x1;
	_ =	shalt  }
.Lfunc_end2:
_tile_overlayer_lowered:
.L_overlay_start_2:
0xb16: {  	(tag) =	ssettag $0x2  }
0xb17: {  	s0 =	rddreg [dreg:$0x0];
	s2 =	stileid.u32  }
0xb18: {  	s1 =	rddreg [dreg:$0x1];
	p0 =	sne.s32 s2, $0x0  }
0xb19: {  	s3 =	rddreg [dreg:$0x2];
	[bflag:$0x3] =	sbarrier.arrive $0xFFFF;
	s2 =	simm.s32 @!p0 $0x1C03  }
0xb1a: {  	[timem:s3], [sflag:s2] =	dma.local @!p0 [hbm:s0], s1  }
0xb1b: {  	s0 =	simm.s32 @!p0 $0x3  }
0xb1c: {  	_ =	swait.ge @!p0 [sflag:s0], s1  }
0xb1d: {  	s1 =	ssub.s32 @!p0 $0x0, s1;
	[sflag:s0] =	ssyncset.done @!p0 $0x0  }
0xb1e: {  	[sflag:s0] =	ssyncadd.s32 @!p0 s1  }
0xb1f: {  	[bflag:$0x3] =	sbarrier.arrive $0xFFFF  }
0xb20: {  	_ =	shalt  }

</sc_bundles>
